<compile_context>
chip_gen: v7x
topology: tpu7x:2x2x1
jax: 0.10.2.dev20260603
libtpu: 0.0.44.dev20260713+nightly
codegen_flags: <defaults>
</compile_context>

<pallas_src>
import functools

import jax
import jax.numpy as jnp
from jax import lax
from jax.experimental import pallas as pl
from jax.experimental.pallas import tpu as pltpu
from jax.experimental.pallas import tpu_sc as plsc

DIM = 64
NC = 2
NS = 16
NW = NC * NS
BLK = 128


def _make_gather(batch, hist):
    assert batch == NW * BLK and DIM == 64
    mesh = plsc.VectorSubcoreMesh(core_axis_name="c", subcore_axis_name="s")

    nbuf = 4
    scratch = (
        [pltpu.VMEM((hist, BLK), jnp.int32)]
        + [pltpu.VMEM((BLK, DIM), jnp.float32) for _ in range(nbuf)]
        + [pltpu.VMEM((DIM // 8, 8 * BLK), jnp.float32) for _ in range(nbuf)]
        + [pltpu.SemaphoreType.DMA for _ in range(2 * nbuf)]
    )

    @functools.partial(
        pl.kernel,
        out_type=jax.ShapeDtypeStruct((hist, DIM // 8, NW, 8 * BLK),
                                      jnp.float32),
        mesh=mesh,
        scratch_types=scratch,
        compiler_params=pltpu.CompilerParams(
            use_tc_tiling_on_sc=False, needs_layout_passes=False),
    )
    def gather_kernel(idx_hbm, table_hbm, out_hbm, idx_v, *bufs):
        rows = bufs[:nbuf]
        outt = bufs[nbuf:2 * nbuf]
        gsem = bufs[2 * nbuf:3 * nbuf]
        ssem = bufs[3 * nbuf:]
        wid = lax.axis_index("s") * NC + lax.axis_index("c")

        pltpu.sync_copy(idx_hbm.at[:, pl.ds(wid * BLK, BLK)], idx_v)

        iota = lax.broadcasted_iota(jnp.int32, (16,), 0)
        rowv = [iota + b16 * 16 for b16 in range(BLK // 16)]

        def start_gather(h, p):
            pltpu.make_async_copy(
                table_hbm.at[idx_v.at[h]], rows[p], gsem[p]).start()

        def wait_gather(h, p):
            pltpu.make_async_copy(
                table_hbm.at[idx_v.at[h]], rows[p], gsem[p]).wait()

        def start_store(h, p):
            pltpu.make_async_copy(
                outt[p], out_hbm.at[h, :, wid], ssem[p]).start()

        def wait_store(h, p):
            pltpu.make_async_copy(
                outt[p], out_hbm.at[h, :, wid], ssem[p]).wait()

        def transpose(p):
            @pl.loop(0, 16, unroll=4)
            def _(k):
                m = jnp.bitwise_and(iota + k, 15)
                colv = [m + e16 * 16 for e16 in range(DIM // 16)]
                trv = [jnp.right_shift(m, 3) + e16 * 2
                       for e16 in range(DIM // 16)]
                cbase = jnp.left_shift(jnp.bitwise_and(m, 7), 7) + iota
                prev = None
                for b16 in range(BLK // 16):
                    cur = (cbase + b16 * 16,
                           [plsc.load_gather(rows[p], [rowv[b16], colv[e16]])
                            for e16 in range(DIM // 16)])
                    if prev is not None:
                        pcb, prvs = prev
                        for e16 in range(DIM // 16):
                            plsc.store_scatter(outt[p], [trv[e16], pcb],
                                               prvs[e16])
                    prev = cur
                pcb, prvs = prev
                for e16 in range(DIM // 16):
                    plsc.store_scatter(outt[p], [trv[e16], pcb], prvs[e16])

        for p in range(nbuf):
            start_gather(p, p)

        @pl.loop(0, hist // nbuf)
        def _(g):
            for par in range(nbuf):
                h = g * nbuf + par

                wait_gather(h, par)

                @pl.when(g > 0)
                def _():
                    wait_store(h - nbuf, par)

                transpose(par)
                start_store(h, par)

                @pl.when(h + nbuf < hist)
                def _():
                    start_gather(h + nbuf, par)

        for p in range(nbuf):
            wait_store(hist - nbuf + p, p)

    return gather_kernel


@jax.jit
def kernel(x, action_emb_weight):
    b, h = x.shape
    xt = jnp.transpose(x, (1, 0)).astype(jnp.int32)
    out5 = _make_gather(b, h)(xt, action_emb_weight)
    out = out5.reshape(h, DIM // 8, NW, 8, BLK)
    return jnp.transpose(out, (2, 4, 0, 1, 3)).reshape(b, h, DIM)

# --- scband reference (transcript-rebuilt; emitter-appended) ---
"""Pipeline reference for scband-actionand-ro-peembedding-28415503630343 (READ-ONLY COPY).

The authoritative reference and input builder live on the scoring server;
editing this copy changes nothing except your own understanding.
"""

import jax, jax.numpy as jnp
import numpy as np

VOCAB = 1000000
EMBED_DIM = 64
BATCH = 4096
HIST = 200

def setup_inputs(seed: int = 0) -> dict:
    key = jax.random.key(seed)
    k_idx, k_w = jax.random.split(key)
    x = jax.random.randint(k_idx, (BATCH, HIST), 0, VOCAB, dtype=jnp.int64 if jax.config.read('jax_enable_x64') else jnp.int32)
    action_emb_weight = jax.random.normal(k_w, (VOCAB, EMBED_DIM), dtype=jnp.float32)
    return {"x": x, "action_emb_weight": action_emb_weight}

def reference(x, action_emb_weight):
    # forward: nn.Embedding lookup -> gather rows of the table
    return jnp.take(action_emb_weight, x, axis=0)

if __name__ == "__main__":
    import jax
    _d = setup_inputs()
    print(jax.jit(kernel)(*tuple(_d.values())))

</pallas_src>

<mosaic_0001>
#map = affine_map<(d0, d1) -> (0, 0)>
#map1 = affine_map<(d0, d1) -> (0, 0, 0, 0)>
module attributes {stable_mosaic.version = 14 : i64} {
  func.func @gather_kernel(%arg0: i32, %arg1: i32, %arg2: memref<200x4096xi32, #tpu.memory_space<hbm>>, %arg3: memref<1000000x64xf32, #tpu.memory_space<hbm>>, %arg4: memref<200x8x32x1024xf32, #tpu.memory_space<hbm>>, %arg5: memref<200x128xi32, #tpu.memory_space<vmem>>, %arg6: memref<128x64xf32, #tpu.memory_space<vmem>>, %arg7: memref<128x64xf32, #tpu.memory_space<vmem>>, %arg8: memref<128x64xf32, #tpu.memory_space<vmem>>, %arg9: memref<128x64xf32, #tpu.memory_space<vmem>>, %arg10: memref<8x1024xf32, #tpu.memory_space<vmem>>, %arg11: memref<8x1024xf32, #tpu.memory_space<vmem>>, %arg12: memref<8x1024xf32, #tpu.memory_space<vmem>>, %arg13: memref<8x1024xf32, #tpu.memory_space<vmem>>, %arg14: memref<!tpu.dma_semaphore, #tpu.memory_space<semaphore_mem>>, %arg15: memref<!tpu.dma_semaphore, #tpu.memory_space<semaphore_mem>>, %arg16: memref<!tpu.dma_semaphore, #tpu.memory_space<semaphore_mem>>, %arg17: memref<!tpu.dma_semaphore, #tpu.memory_space<semaphore_mem>>, %arg18: memref<!tpu.dma_semaphore, #tpu.memory_space<semaphore_mem>>, %arg19: memref<!tpu.dma_semaphore, #tpu.memory_space<semaphore_mem>>, %arg20: memref<!tpu.dma_semaphore, #tpu.memory_space<semaphore_mem>>, %arg21: memref<!tpu.dma_semaphore, #tpu.memory_space<semaphore_mem>>) attributes {dimension_semantics = [#tpu.dimension_semantics<core_parallel>, #tpu.dimension_semantics<subcore_parallel>], iteration_bounds = array<i64: 2, 16>, scalar_prefetch = 0 : i64, scratch_operands = 17 : i64, tpu.core_type = #tpu.core_type<sc_vector_subcore>, window_params = [{transform_indices = #map}, {transform_indices = #map}, {transform_indices = #map1}]} {
    %mul3A = arith.constant 2 : i32
    %mul3A_0 = arith.muli %arg1, %mul3A : i32
    %add3A = arith.addi %mul3A_0, %arg0 : i32
    %mul3A_1 = arith.constant 128 : i32
    %mul3A_2 = arith.muli %add3A, %mul3A_1 : i32
    "tpu.region"() ({
      %run_scoped3A = tpu.sem_alloc : memref<!tpu.dma_semaphore, #tpu.memory_space<semaphore_mem>>
      %dma_start3A_93 = arith.constant 0 : i32
      %dma_start3A_94 = tpu.memref_slice %arg2[%dma_start3A_93, %mul3A_2] : memref<200x4096xi32, #tpu.memory_space<hbm>> -> memref<200x128xi32, #tpu.memory_space<hbm>>
      %dma_start3A_95 = arith.constant 0 : i32
      %dma_start3A_96 = tpu.memref_slice %arg2[%dma_start3A_95, %mul3A_2] : memref<200x4096xi32, #tpu.memory_space<hbm>> -> memref<200x128xi32, #tpu.memory_space<hbm>>
      tpu.enqueue_dma source(%dma_start3A_96 : memref<200x128xi32, #tpu.memory_space<hbm>>) target(%arg5 : memref<200x128xi32, #tpu.memory_space<vmem>>) target_semaphore(%run_scoped3A : memref<!tpu.dma_semaphore, #tpu.memory_space<semaphore_mem>>)
      %dma_wait3A_97 = arith.constant 0 : i32
      %dma_wait3A_98 = tpu.memref_slice %arg2[%dma_wait3A_97, %mul3A_2] : memref<200x4096xi32, #tpu.memory_space<hbm>> -> memref<200x128xi32, #tpu.memory_space<hbm>>
      %dma_wait3A_99 = arith.constant 0 : i32
      %dma_wait3A_100 = tpu.memref_slice %arg2[%dma_wait3A_99, %mul3A_2] : memref<200x4096xi32, #tpu.memory_space<hbm>> -> memref<200x128xi32, #tpu.memory_space<hbm>>
      tpu.wait_dma2 semaphore(%run_scoped3A : memref<!tpu.dma_semaphore, #tpu.memory_space<semaphore_mem>>) src(%dma_wait3A_100 : memref<200x128xi32, #tpu.memory_space<hbm>>) dst(%arg5 : memref<200x128xi32, #tpu.memory_space<vmem>>)
      tpu.yield
    }) : () -> ()
    %iota3A = tpu.iota {dimensions = array<i32: 0>} : vector<16xi32>
    %add3A_3 = arith.constant 0 : i32
    %add3A_4 = vector.broadcast %add3A_3 : i32 to vector<16xi32>
    %add3A_5 = arith.addi %iota3A, %add3A_4 : vector<16xi32>
    %add3A_6 = arith.constant 16 : i32
    %add3A_7 = vector.broadcast %add3A_6 : i32 to vector<16xi32>
    %add3A_8 = arith.addi %iota3A, %add3A_7 : vector<16xi32>
    %add3A_9 = arith.constant 32 : i32
    %add3A_10 = vector.broadcast %add3A_9 : i32 to vector<16xi32>
    %add3A_11 = arith.addi %iota3A, %add3A_10 : vector<16xi32>
    %add3A_12 = arith.constant 48 : i32
    %add3A_13 = vector.broadcast %add3A_12 : i32 to vector<16xi32>
    %add3A_14 = arith.addi %iota3A, %add3A_13 : vector<16xi32>
    %add3A_15 = arith.constant 64 : i32
    %add3A_16 = vector.broadcast %add3A_15 : i32 to vector<16xi32>
    %add3A_17 = arith.addi %iota3A, %add3A_16 : vector<16xi32>
    %add3A_18 = arith.constant 80 : i32
    %add3A_19 = vector.broadcast %add3A_18 : i32 to vector<16xi32>
    %add3A_20 = arith.addi %iota3A, %add3A_19 : vector<16xi32>
    %add3A_21 = arith.constant 96 : i32
    %add3A_22 = vector.broadcast %add3A_21 : i32 to vector<16xi32>
    %add3A_23 = arith.addi %iota3A, %add3A_22 : vector<16xi32>
    %add3A_24 = arith.constant 112 : i32
    %add3A_25 = vector.broadcast %add3A_24 : i32 to vector<16xi32>
    %add3A_26 = arith.addi %iota3A, %add3A_25 : vector<16xi32>
    %dma_start3A = arith.constant 0 : i32
    %dma_start3A_27 = arith.constant 0 : i32
    %dma_start3A_28 = tpu.memref_slice %arg5[%dma_start3A, %dma_start3A_27] : memref<200x128xi32, #tpu.memory_space<vmem>> -> memref<1x128xi32, #tpu.memory_space<vmem>>
    %dma_start3A_29 = tpu.memref_squeeze %dma_start3A_28 : memref<1x128xi32, #tpu.memory_space<vmem>> -> memref<128xi32, #tpu.memory_space<vmem>>
    %dma_start3A_30 = arith.constant 0 : i32
    %dma_start3A_31 = arith.constant 0 : i32
    %dma_start3A_32 = tpu.memref_slice %arg3[%dma_start3A_30, %dma_start3A_31] : memref<1000000x64xf32, #tpu.memory_space<hbm>> -> memref<1000000x64xf32, #tpu.memory_space<hbm>>
    tpu.enqueue_indirect_dma source(%dma_start3A_32 : memref<1000000x64xf32, #tpu.memory_space<hbm>>) target(%arg6 : memref<128x64xf32, #tpu.memory_space<vmem>>) offsets(%dma_start3A_29 : memref<128xi32, #tpu.memory_space<vmem>>) semaphore(%arg14 : memref<!tpu.dma_semaphore, #tpu.memory_space<semaphore_mem>>)
    %dma_start3A_33 = arith.constant 1 : i32
    %dma_start3A_34 = arith.constant 0 : i32
    %dma_start3A_35 = tpu.memref_slice %arg5[%dma_start3A_33, %dma_start3A_34] : memref<200x128xi32, #tpu.memory_space<vmem>> -> memref<1x128xi32, #tpu.memory_space<vmem>>
    %dma_start3A_36 = tpu.memref_squeeze %dma_start3A_35 : memref<1x128xi32, #tpu.memory_space<vmem>> -> memref<128xi32, #tpu.memory_space<vmem>>
    %dma_start3A_37 = arith.constant 0 : i32
    %dma_start3A_38 = arith.constant 0 : i32
    %dma_start3A_39 = tpu.memref_slice %arg3[%dma_start3A_37, %dma_start3A_38] : memref<1000000x64xf32, #tpu.memory_space<hbm>> -> memref<1000000x64xf32, #tpu.memory_space<hbm>>
    tpu.enqueue_indirect_dma source(%dma_start3A_39 : memref<1000000x64xf32, #tpu.memory_space<hbm>>) target(%arg7 : memref<128x64xf32, #tpu.memory_space<vmem>>) offsets(%dma_start3A_36 : memref<128xi32, #tpu.memory_space<vmem>>) semaphore(%arg15 : memref<!tpu.dma_semaphore, #tpu.memory_space<semaphore_mem>>)
    %dma_start3A_40 = arith.constant 2 : i32
    %dma_start3A_41 = arith.constant 0 : i32
    %dma_start3A_42 = tpu.memref_slice %arg5[%dma_start3A_40, %dma_start3A_41] : memref<200x128xi32, #tpu.memory_space<vmem>> -> memref<1x128xi32, #tpu.memory_space<vmem>>
    %dma_start3A_43 = tpu.memref_squeeze %dma_start3A_42 : memref<1x128xi32, #tpu.memory_space<vmem>> -> memref<128xi32, #tpu.memory_space<vmem>>
    %dma_start3A_44 = arith.constant 0 : i32
    %dma_start3A_45 = arith.constant 0 : i32
    %dma_start3A_46 = tpu.memref_slice %arg3[%dma_start3A_44, %dma_start3A_45] : memref<1000000x64xf32, #tpu.memory_space<hbm>> -> memref<1000000x64xf32, #tpu.memory_space<hbm>>
    tpu.enqueue_indirect_dma source(%dma_start3A_46 : memref<1000000x64xf32, #tpu.memory_space<hbm>>) target(%arg8 : memref<128x64xf32, #tpu.memory_space<vmem>>) offsets(%dma_start3A_43 : memref<128xi32, #tpu.memory_space<vmem>>) semaphore(%arg16 : memref<!tpu.dma_semaphore, #tpu.memory_space<semaphore_mem>>)
    %dma_start3A_47 = arith.constant 3 : i32
    %dma_start3A_48 = arith.constant 0 : i32
    %dma_start3A_49 = tpu.memref_slice %arg5[%dma_start3A_47, %dma_start3A_48] : memref<200x128xi32, #tpu.memory_space<vmem>> -> memref<1x128xi32, #tpu.memory_space<vmem>>
    %dma_start3A_50 = tpu.memref_squeeze %dma_start3A_49 : memref<1x128xi32, #tpu.memory_space<vmem>> -> memref<128xi32, #tpu.memory_space<vmem>>
    %dma_start3A_51 = arith.constant 0 : i32
    %dma_start3A_52 = arith.constant 0 : i32
    %dma_start3A_53 = tpu.memref_slice %arg3[%dma_start3A_51, %dma_start3A_52] : memref<1000000x64xf32, #tpu.memory_space<hbm>> -> memref<1000000x64xf32, #tpu.memory_space<hbm>>
    tpu.enqueue_indirect_dma source(%dma_start3A_53 : memref<1000000x64xf32, #tpu.memory_space<hbm>>) target(%arg9 : memref<128x64xf32, #tpu.memory_space<vmem>>) offsets(%dma_start3A_50 : memref<128xi32, #tpu.memory_space<vmem>>) semaphore(%arg17 : memref<!tpu.dma_semaphore, #tpu.memory_space<semaphore_mem>>)
    %scan3A = arith.constant 0 : i32
    %scan3A_54 = arith.constant 50 : i32
    %scan3A_55 = arith.addi %scan3A, %scan3A_54 : i32
    %scan3A_56 = arith.constant 1 : i32
    scf.for %scan3A_93 = %scan3A to %scan3A_55 step %scan3A_56  : i32 {
      %mul3A_94 = arith.constant 1 : i32
      %mul3A_95 = arith.muli %scan3A_93, %mul3A_94 : i32
      %add3A_96 = arith.constant 0 : i32
      %add3A_97 = arith.addi %add3A_96, %mul3A_95 : i32
      %mul3A_98 = arith.constant 4 : i32
      %mul3A_99 = arith.muli %add3A_97, %mul3A_98 : i32
      %add3A_100 = arith.constant 0 : i32
      %add3A_101 = arith.addi %mul3A_99, %add3A_100 : i32
      %dma_wait3A_102 = arith.constant 0 : i32
      %dma_wait3A_103 = tpu.memref_slice %arg5[%add3A_101, %dma_wait3A_102] : memref<200x128xi32, #tpu.memory_space<vmem>> -> memref<1x128xi32, #tpu.memory_space<vmem>>
      %dma_wait3A_104 = tpu.memref_squeeze %dma_wait3A_103 : memref<1x128xi32, #tpu.memory_space<vmem>> -> memref<128xi32, #tpu.memory_space<vmem>>
      %dma_wait3A_105 = arith.constant 0 : i32
      %dma_wait3A_106 = arith.constant 0 : i32
      %dma_wait3A_107 = tpu.memref_slice %arg3[%dma_wait3A_105, %dma_wait3A_106] : memref<1000000x64xf32, #tpu.memory_space<hbm>> -> memref<1000000x64xf32, #tpu.memory_space<hbm>>
      tpu.wait_indirect_dma semaphore(%arg14 : memref<!tpu.dma_semaphore, #tpu.memory_space<semaphore_mem>>) src(%dma_wait3A_107 : memref<1000000x64xf32, #tpu.memory_space<hbm>>) dst(%arg6 : memref<128x64xf32, #tpu.memory_space<vmem>>)
      %gt3A = arith.constant 0 : i32
      %gt3A_108 = arith.cmpi sgt, %add3A_97, %gt3A : i32
      %convert_element_type3A = arith.extui %gt3A_108 : i1 to i32
      %cond3A = arith.constant 0 : i32
      %cond3A_109 = arith.cmpi ne, %convert_element_type3A, %cond3A : i32
      scf.if %cond3A_109 {
        %sub3A = arith.constant 4 : i32
        %sub3A_234 = arith.subi %add3A_101, %sub3A : i32
        %dma_wait3A_235 = arith.constant 0 : i32
        %dma_wait3A_236 = arith.constant 0 : i32
        %dma_wait3A_237 = tpu.memref_slice %arg4[%sub3A_234, %dma_wait3A_235, %add3A, %dma_wait3A_236] : memref<200x8x32x1024xf32, #tpu.memory_space<hbm>> -> memref<1x8x1x1024xf32, #tpu.memory_space<hbm>>
        %dma_wait3A_238 = tpu.memref_squeeze %dma_wait3A_237 : memref<1x8x1x1024xf32, #tpu.memory_space<hbm>> -> memref<8x1024xf32, #tpu.memory_space<hbm>>
        %dma_wait3A_239 = arith.constant 0 : i32
        %dma_wait3A_240 = arith.constant 0 : i32
        %dma_wait3A_241 = tpu.memref_slice %arg4[%sub3A_234, %dma_wait3A_239, %add3A, %dma_wait3A_240] : memref<200x8x32x1024xf32, #tpu.memory_space<hbm>> -> memref<1x8x1x1024xf32, #tpu.memory_space<hbm>>
        %dma_wait3A_242 = tpu.memref_squeeze %dma_wait3A_241 : memref<1x8x1x1024xf32, #tpu.memory_space<hbm>> -> memref<8x1024xf32, #tpu.memory_space<hbm>>
        tpu.wait_dma2 semaphore(%arg18 : memref<!tpu.dma_semaphore, #tpu.memory_space<semaphore_mem>>) src(%arg10 : memref<8x1024xf32, #tpu.memory_space<vmem>>) dst(%dma_wait3A_242 : memref<8x1024xf32, #tpu.memory_space<hbm>>)
      } else {
      }
      %scan3A_110 = arith.constant 0 : i32
      %scan3A_111 = arith.constant 16 : i32
      %scan3A_112 = arith.addi %scan3A_110, %scan3A_111 : i32
      %scan3A_113 = arith.constant 4 : i32
      scf.for %scan3A_234 = %scan3A_110 to %scan3A_112 step %scan3A_113  : i32 {
        %mul3A_235 = arith.constant 1 : i32
        %mul3A_236 = arith.muli %scan3A_234, %mul3A_235 : i32
        %add3A_237 = arith.constant 0 : i32
        %add3A_238 = arith.addi %add3A_237, %mul3A_236 : i32
        %add3A_239 = vector.broadcast %add3A_238 : i32 to vector<16xi32>
        %add3A_240 = arith.addi %iota3A, %add3A_239 : vector<16xi32>
        %and3A = arith.constant 15 : i32
        %and3A_241 = vector.broadcast %and3A : i32 to vector<16xi32>
        %and3A_242 = arith.andi %add3A_240, %and3A_241 : vector<16xi32>
        %add3A_243 = arith.constant 0 : i32
        %add3A_244 = vector.broadcast %add3A_243 : i32 to vector<16xi32>
        %add3A_245 = arith.addi %and3A_242, %add3A_244 : vector<16xi32>
        %add3A_246 = arith.constant 16 : i32
        %add3A_247 = vector.broadcast %add3A_246 : i32 to vector<16xi32>
        %add3A_248 = arith.addi %and3A_242, %add3A_247 : vector<16xi32>
        %add3A_249 = arith.constant 32 : i32
        %add3A_250 = vector.broadcast %add3A_249 : i32 to vector<16xi32>
        %add3A_251 = arith.addi %and3A_242, %add3A_250 : vector<16xi32>
        %add3A_252 = arith.constant 48 : i32
        %add3A_253 = vector.broadcast %add3A_252 : i32 to vector<16xi32>
        %add3A_254 = arith.addi %and3A_242, %add3A_253 : vector<16xi32>
        %shift_right_arithmetic3A = arith.constant 3 : i32
        %shift_right_arithmetic3A_255 = vector.broadcast %shift_right_arithmetic3A : i32 to vector<16xi32>
        %shift_right_arithmetic3A_256 = arith.shrsi %and3A_242, %shift_right_arithmetic3A_255 : vector<16xi32>
        %add3A_257 = arith.constant 0 : i32
        %add3A_258 = vector.broadcast %add3A_257 : i32 to vector<16xi32>
        %add3A_259 = arith.addi %shift_right_arithmetic3A_256, %add3A_258 : vector<16xi32>
        %shift_right_arithmetic3A_260 = arith.constant 3 : i32
        %shift_right_arithmetic3A_261 = vector.broadcast %shift_right_arithmetic3A_260 : i32 to vector<16xi32>
        %shift_right_arithmetic3A_262 = arith.shrsi %and3A_242, %shift_right_arithmetic3A_261 : vector<16xi32>
        %add3A_263 = arith.constant 2 : i32
        %add3A_264 = vector.broadcast %add3A_263 : i32 to vector<16xi32>
        %add3A_265 = arith.addi %shift_right_arithmetic3A_262, %add3A_264 : vector<16xi32>
        %shift_right_arithmetic3A_266 = arith.constant 3 : i32
        %shift_right_arithmetic3A_267 = vector.broadcast %shift_right_arithmetic3A_266 : i32 to vector<16xi32>
        %shift_right_arithmetic3A_268 = arith.shrsi %and3A_242, %shift_right_arithmetic3A_267 : vector<16xi32>
        %add3A_269 = arith.constant 4 : i32
        %add3A_270 = vector.broadcast %add3A_269 : i32 to vector<16xi32>
        %add3A_271 = arith.addi %shift_right_arithmetic3A_268, %add3A_270 : vector<16xi32>
        %shift_right_arithmetic3A_272 = arith.constant 3 : i32
        %shift_right_arithmetic3A_273 = vector.broadcast %shift_right_arithmetic3A_272 : i32 to vector<16xi32>
        %shift_right_arithmetic3A_274 = arith.shrsi %and3A_242, %shift_right_arithmetic3A_273 : vector<16xi32>
        %add3A_275 = arith.constant 6 : i32
        %add3A_276 = vector.broadcast %add3A_275 : i32 to vector<16xi32>
        %add3A_277 = arith.addi %shift_right_arithmetic3A_274, %add3A_276 : vector<16xi32>
        %and3A_278 = arith.constant 7 : i32
        %and3A_279 = vector.broadcast %and3A_278 : i32 to vector<16xi32>
        %and3A_280 = arith.andi %and3A_242, %and3A_279 : vector<16xi32>
        %shift_left3A = arith.constant 7 : i32
        %shift_left3A_281 = vector.broadcast %shift_left3A : i32 to vector<16xi32>
        %shift_left3A_282 = arith.shli %and3A_280, %shift_left3A_281 : vector<16xi32>
        %add3A_283 = arith.addi %shift_left3A_282, %iota3A : vector<16xi32>
        %add3A_284 = arith.constant 0 : i32
        %add3A_285 = vector.broadcast %add3A_284 : i32 to vector<16xi32>
        %add3A_286 = arith.addi %add3A_283, %add3A_285 : vector<16xi32>
        %gather3A = tpu.vector_load_idx %arg6[%add3A_5, %add3A_245] : memref<128x64xf32, #tpu.memory_space<vmem>>[vector<16xi32>, vector<16xi32>], vector<16xf32>,
        %gather3A_287 = tpu.vector_load_idx %arg6[%add3A_5, %add3A_248] : memref<128x64xf32, #tpu.memory_space<vmem>>[vector<16xi32>, vector<16xi32>], vector<16xf32>,
        %gather3A_288 = tpu.vector_load_idx %arg6[%add3A_5, %add3A_251] : memref<128x64xf32, #tpu.memory_space<vmem>>[vector<16xi32>, vector<16xi32>], vector<16xf32>,
        %gather3A_289 = tpu.vector_load_idx %arg6[%add3A_5, %add3A_254] : memref<128x64xf32, #tpu.memory_space<vmem>>[vector<16xi32>, vector<16xi32>], vector<16xf32>,
        %add3A_290 = arith.constant 16 : i32
        %add3A_291 = vector.broadcast %add3A_290 : i32 to vector<16xi32>
        %add3A_292 = arith.addi %add3A_283, %add3A_291 : vector<16xi32>
        %gather3A_293 = tpu.vector_load_idx %arg6[%add3A_8, %add3A_245] : memref<128x64xf32, #tpu.memory_space<vmem>>[vector<16xi32>, vector<16xi32>], vector<16xf32>,
        %gather3A_294 = tpu.vector_load_idx %arg6[%add3A_8, %add3A_248] : memref<128x64xf32, #tpu.memory_space<vmem>>[vector<16xi32>, vector<16xi32>], vector<16xf32>,
        %gather3A_295 = tpu.vector_load_idx %arg6[%add3A_8, %add3A_251] : memref<128x64xf32, #tpu.memory_space<vmem>>[vector<16xi32>, vector<16xi32>], vector<16xf32>,
        %gather3A_296 = tpu.vector_load_idx %arg6[%add3A_8, %add3A_254] : memref<128x64xf32, #tpu.memory_space<vmem>>[vector<16xi32>, vector<16xi32>], vector<16xf32>,
        tpu.vector_store_idx %arg10[%add3A_259, %add3A_286], %gather3A : memref<8x1024xf32, #tpu.memory_space<vmem>>[vector<16xi32>, vector<16xi32>], vector<16xf32>,
        tpu.vector_store_idx %arg10[%add3A_265, %add3A_286], %gather3A_287 : memref<8x1024xf32, #tpu.memory_space<vmem>>[vector<16xi32>, vector<16xi32>], vector<16xf32>,
        tpu.vector_store_idx %arg10[%add3A_271, %add3A_286], %gather3A_288 : memref<8x1024xf32, #tpu.memory_space<vmem>>[vector<16xi32>, vector<16xi32>], vector<16xf32>,
        tpu.vector_store_idx %arg10[%add3A_277, %add3A_286], %gather3A_289 : memref<8x1024xf32, #tpu.memory_space<vmem>>[vector<16xi32>, vector<16xi32>], vector<16xf32>,
        %add3A_297 = arith.constant 32 : i32
        %add3A_298 = vector.broadcast %add3A_297 : i32 to vector<16xi32>
        %add3A_299 = arith.addi %add3A_283, %add3A_298 : vector<16xi32>
        %gather3A_300 = tpu.vector_load_idx %arg6[%add3A_11, %add3A_245] : memref<128x64xf32, #tpu.memory_space<vmem>>[vector<16xi32>, vector<16xi32>], vector<16xf32>,
        %gather3A_301 = tpu.vector_load_idx %arg6[%add3A_11, %add3A_248] : memref<128x64xf32, #tpu.memory_space<vmem>>[vector<16xi32>, vector<16xi32>], vector<16xf32>,
        %gather3A_302 = tpu.vector_load_idx %arg6[%add3A_11, %add3A_251] : memref<128x64xf32, #tpu.memory_space<vmem>>[vector<16xi32>, vector<16xi32>], vector<16xf32>,
        %gather3A_303 = tpu.vector_load_idx %arg6[%add3A_11, %add3A_254] : memref<128x64xf32, #tpu.memory_space<vmem>>[vector<16xi32>, vector<16xi32>], vector<16xf32>,
        tpu.vector_store_idx %arg10[%add3A_259, %add3A_292], %gather3A_293 : memref<8x1024xf32, #tpu.memory_space<vmem>>[vector<16xi32>, vector<16xi32>], vector<16xf32>,
        tpu.vector_store_idx %arg10[%add3A_265, %add3A_292], %gather3A_294 : memref<8x1024xf32, #tpu.memory_space<vmem>>[vector<16xi32>, vector<16xi32>], vector<16xf32>,
        tpu.vector_store_idx %arg10[%add3A_271, %add3A_292], %gather3A_295 : memref<8x1024xf32, #tpu.memory_space<vmem>>[vector<16xi32>, vector<16xi32>], vector<16xf32>,
        tpu.vector_store_idx %arg10[%add3A_277, %add3A_292], %gather3A_296 : memref<8x1024xf32, #tpu.memory_space<vmem>>[vector<16xi32>, vector<16xi32>], vector<16xf32>,
        %add3A_304 = arith.constant 48 : i32
        %add3A_305 = vector.broadcast %add3A_304 : i32 to vector<16xi32>
        %add3A_306 = arith.addi %add3A_283, %add3A_305 : vector<16xi32>
        %gather3A_307 = tpu.vector_load_idx %arg6[%add3A_14, %add3A_245] : memref<128x64xf32, #tpu.memory_space<vmem>>[vector<16xi32>, vector<16xi32>], vector<16xf32>,
        %gather3A_308 = tpu.vector_load_idx %arg6[%add3A_14, %add3A_248] : memref<128x64xf32, #tpu.memory_space<vmem>>[vector<16xi32>, vector<16xi32>], vector<16xf32>,
        %gather3A_309 = tpu.vector_load_idx %arg6[%add3A_14, %add3A_251] : memref<128x64xf32, #tpu.memory_space<vmem>>[vector<16xi32>, vector<16xi32>], vector<16xf32>,
        %gather3A_310 = tpu.vector_load_idx %arg6[%add3A_14, %add3A_254] : memref<128x64xf32, #tpu.memory_space<vmem>>[vector<16xi32>, vector<16xi32>], vector<16xf32>,
        tpu.vector_store_idx %arg10[%add3A_259, %add3A_299], %gather3A_300 : memref<8x1024xf32, #tpu.memory_space<vmem>>[vector<16xi32>, vector<16xi32>], vector<16xf32>,
        tpu.vector_store_idx %arg10[%add3A_265, %add3A_299], %gather3A_301 : memref<8x1024xf32, #tpu.memory_space<vmem>>[vector<16xi32>, vector<16xi32>], vector<16xf32>,
        tpu.vector_store_idx %arg10[%add3A_271, %add3A_299], %gather3A_302 : memref<8x1024xf32, #tpu.memory_space<vmem>>[vector<16xi32>, vector<16xi32>], vector<16xf32>,
        tpu.vector_store_idx %arg10[%add3A_277, %add3A_299], %gather3A_303 : memref<8x1024xf32, #tpu.memory_space<vmem>>[vector<16xi32>, vector<16xi32>], vector<16xf32>,
        %add3A_311 = arith.constant 64 : i32
        %add3A_312 = vector.broadcast %add3A_311 : i32 to vector<16xi32>
        %add3A_313 = arith.addi %add3A_283, %add3A_312 : vector<16xi32>
        %gather3A_314 = tpu.vector_load_idx %arg6[%add3A_17, %add3A_245] : memref<128x64xf32, #tpu.memory_space<vmem>>[vector<16xi32>, vector<16xi32>], vector<16xf32>,
        %gather3A_315 = tpu.vector_load_idx %arg6[%add3A_17, %add3A_248] : memref<128x64xf32, #tpu.memory_space<vmem>>[vector<16xi32>, vector<16xi32>], vector<16xf32>,
        %gather3A_316 = tpu.vector_load_idx %arg6[%add3A_17, %add3A_251] : memref<128x64xf32, #tpu.memory_space<vmem>>[vector<16xi32>, vector<16xi32>], vector<16xf32>,
        %gather3A_317 = tpu.vector_load_idx %arg6[%add3A_17, %add3A_254] : memref<128x64xf32, #tpu.memory_space<vmem>>[vector<16xi32>, vector<16xi32>], vector<16xf32>,
        tpu.vector_store_idx %arg10[%add3A_259, %add3A_306], %gather3A_307 : memref<8x1024xf32, #tpu.memory_space<vmem>>[vector<16xi32>, vector<16xi32>], vector<16xf32>,
        tpu.vector_store_idx %arg10[%add3A_265, %add3A_306], %gather3A_308 : memref<8x1024xf32, #tpu.memory_space<vmem>>[vector<16xi32>, vector<16xi32>], vector<16xf32>,
        tpu.vector_store_idx %arg10[%add3A_271, %add3A_306], %gather3A_309 : memref<8x1024xf32, #tpu.memory_space<vmem>>[vector<16xi32>, vector<16xi32>], vector<16xf32>,
        tpu.vector_store_idx %arg10[%add3A_277, %add3A_306], %gather3A_310 : memref<8x1024xf32, #tpu.memory_space<vmem>>[vector<16xi32>, vector<16xi32>], vector<16xf32>,
        %add3A_318 = arith.constant 80 : i32
        %add3A_319 = vector.broadcast %add3A_318 : i32 to vector<16xi32>
        %add3A_320 = arith.addi %add3A_283, %add3A_319 : vector<16xi32>
        %gather3A_321 = tpu.vector_load_idx %arg6[%add3A_20, %add3A_245] : memref<128x64xf32, #tpu.memory_space<vmem>>[vector<16xi32>, vector<16xi32>], vector<16xf32>,
        %gather3A_322 = tpu.vector_load_idx %arg6[%add3A_20, %add3A_248] : memref<128x64xf32, #tpu.memory_space<vmem>>[vector<16xi32>, vector<16xi32>], vector<16xf32>,
        %gather3A_323 = tpu.vector_load_idx %arg6[%add3A_20, %add3A_251] : memref<128x64xf32, #tpu.memory_space<vmem>>[vector<16xi32>, vector<16xi32>], vector<16xf32>,
        %gather3A_324 = tpu.vector_load_idx %arg6[%add3A_20, %add3A_254] : memref<128x64xf32, #tpu.memory_space<vmem>>[vector<16xi32>, vector<16xi32>], vector<16xf32>,
        tpu.vector_store_idx %arg10[%add3A_259, %add3A_313], %gather3A_314 : memref<8x1024xf32, #tpu.memory_space<vmem>>[vector<16xi32>, vector<16xi32>], vector<16xf32>,
        tpu.vector_store_idx %arg10[%add3A_265, %add3A_313], %gather3A_315 : memref<8x1024xf32, #tpu.memory_space<vmem>>[vector<16xi32>, vector<16xi32>], vector<16xf32>,
        tpu.vector_store_idx %arg10[%add3A_271, %add3A_313], %gather3A_316 : memref<8x1024xf32, #tpu.memory_space<vmem>>[vector<16xi32>, vector<16xi32>], vector<16xf32>,
        tpu.vector_store_idx %arg10[%add3A_277, %add3A_313], %gather3A_317 : memref<8x1024xf32, #tpu.memory_space<vmem>>[vector<16xi32>, vector<16xi32>], vector<16xf32>,
        %add3A_325 = arith.constant 96 : i32
        %add3A_326 = vector.broadcast %add3A_325 : i32 to vector<16xi32>
        %add3A_327 = arith.addi %add3A_283, %add3A_326 : vector<16xi32>
        %gather3A_328 = tpu.vector_load_idx %arg6[%add3A_23, %add3A_245] : memref<128x64xf32, #tpu.memory_space<vmem>>[vector<16xi32>, vector<16xi32>], vector<16xf32>,
        %gather3A_329 = tpu.vector_load_idx %arg6[%add3A_23, %add3A_248] : memref<128x64xf32, #tpu.memory_space<vmem>>[vector<16xi32>, vector<16xi32>], vector<16xf32>,
        %gather3A_330 = tpu.vector_load_idx %arg6[%add3A_23, %add3A_251] : memref<128x64xf32, #tpu.memory_space<vmem>>[vector<16xi32>, vector<16xi32>], vector<16xf32>,
        %gather3A_331 = tpu.vector_load_idx %arg6[%add3A_23, %add3A_254] : memref<128x64xf32, #tpu.memory_space<vmem>>[vector<16xi32>, vector<16xi32>], vector<16xf32>,
        tpu.vector_store_idx %arg10[%add3A_259, %add3A_320], %gather3A_321 : memref<8x1024xf32, #tpu.memory_space<vmem>>[vector<16xi32>, vector<16xi32>], vector<16xf32>,
        tpu.vector_store_idx %arg10[%add3A_265, %add3A_320], %gather3A_322 : memref<8x1024xf32, #tpu.memory_space<vmem>>[vector<16xi32>, vector<16xi32>], vector<16xf32>,
        tpu.vector_store_idx %arg10[%add3A_271, %add3A_320], %gather3A_323 : memref<8x1024xf32, #tpu.memory_space<vmem>>[vector<16xi32>, vector<16xi32>], vector<16xf32>,
        tpu.vector_store_idx %arg10[%add3A_277, %add3A_320], %gather3A_324 : memref<8x1024xf32, #tpu.memory_space<vmem>>[vector<16xi32>, vector<16xi32>], vector<16xf32>,
        %add3A_332 = arith.constant 112 : i32
        %add3A_333 = vector.broadcast %add3A_332 : i32 to vector<16xi32>
        %add3A_334 = arith.addi %add3A_283, %add3A_333 : vector<16xi32>
        %gather3A_335 = tpu.vector_load_idx %arg6[%add3A_26, %add3A_245] : memref<128x64xf32, #tpu.memory_space<vmem>>[vector<16xi32>, vector<16xi32>], vector<16xf32>,
        %gather3A_336 = tpu.vector_load_idx %arg6[%add3A_26, %add3A_248] : memref<128x64xf32, #tpu.memory_space<vmem>>[vector<16xi32>, vector<16xi32>], vector<16xf32>,
        %gather3A_337 = tpu.vector_load_idx %arg6[%add3A_26, %add3A_251] : memref<128x64xf32, #tpu.memory_space<vmem>>[vector<16xi32>, vector<16xi32>], vector<16xf32>,
        %gather3A_338 = tpu.vector_load_idx %arg6[%add3A_26, %add3A_254] : memref<128x64xf32, #tpu.memory_space<vmem>>[vector<16xi32>, vector<16xi32>], vector<16xf32>,
        tpu.vector_store_idx %arg10[%add3A_259, %add3A_327], %gather3A_328 : memref<8x1024xf32, #tpu.memory_space<vmem>>[vector<16xi32>, vector<16xi32>], vector<16xf32>,
        tpu.vector_store_idx %arg10[%add3A_265, %add3A_327], %gather3A_329 : memref<8x1024xf32, #tpu.memory_space<vmem>>[vector<16xi32>, vector<16xi32>], vector<16xf32>,
        tpu.vector_store_idx %arg10[%add3A_271, %add3A_327], %gather3A_330 : memref<8x1024xf32, #tpu.memory_space<vmem>>[vector<16xi32>, vector<16xi32>], vector<16xf32>,
        tpu.vector_store_idx %arg10[%add3A_277, %add3A_327], %gather3A_331 : memref<8x1024xf32, #tpu.memory_space<vmem>>[vector<16xi32>, vector<16xi32>], vector<16xf32>,
        tpu.vector_store_idx %arg10[%add3A_259, %add3A_334], %gather3A_335 : memref<8x1024xf32, #tpu.memory_space<vmem>>[vector<16xi32>, vector<16xi32>], vector<16xf32>,
        tpu.vector_store_idx %arg10[%add3A_265, %add3A_334], %gather3A_336 : memref<8x1024xf32, #tpu.memory_space<vmem>>[vector<16xi32>, vector<16xi32>], vector<16xf32>,
        tpu.vector_store_idx %arg10[%add3A_271, %add3A_334], %gather3A_337 : memref<8x1024xf32, #tpu.memory_space<vmem>>[vector<16xi32>, vector<16xi32>], vector<16xf32>,
        tpu.vector_store_idx %arg10[%add3A_277, %add3A_334], %gather3A_338 : memref<8x1024xf32, #tpu.memory_space<vmem>>[vector<16xi32>, vector<16xi32>], vector<16xf32>,
        %scan3A_339 = arith.constant 1 : i32
        %scan3A_340 = arith.addi %scan3A_234, %scan3A_339 : i32
        %mul3A_341 = arith.constant 1 : i32
        %mul3A_342 = arith.muli %scan3A_340, %mul3A_341 : i32
        %add3A_343 = arith.constant 0 : i32
        %add3A_344 = arith.addi %add3A_343, %mul3A_342 : i32
        %add3A_345 = vector.broadcast %add3A_344 : i32 to vector<16xi32>
        %add3A_346 = arith.addi %iota3A, %add3A_345 : vector<16xi32>
        %and3A_347 = arith.constant 15 : i32
        %and3A_348 = vector.broadcast %and3A_347 : i32 to vector<16xi32>
        %and3A_349 = arith.andi %add3A_346, %and3A_348 : vector<16xi32>
        %add3A_350 = arith.constant 0 : i32
        %add3A_351 = vector.broadcast %add3A_350 : i32 to vector<16xi32>
        %add3A_352 = arith.addi %and3A_349, %add3A_351 : vector<16xi32>
        %add3A_353 = arith.constant 16 : i32
        %add3A_354 = vector.broadcast %add3A_353 : i32 to vector<16xi32>
        %add3A_355 = arith.addi %and3A_349, %add3A_354 : vector<16xi32>
        %add3A_356 = arith.constant 32 : i32
        %add3A_357 = vector.broadcast %add3A_356 : i32 to vector<16xi32>
        %add3A_358 = arith.addi %and3A_349, %add3A_357 : vector<16xi32>
        %add3A_359 = arith.constant 48 : i32
        %add3A_360 = vector.broadcast %add3A_359 : i32 to vector<16xi32>
        %add3A_361 = arith.addi %and3A_349, %add3A_360 : vector<16xi32>
        %shift_right_arithmetic3A_362 = arith.constant 3 : i32
        %shift_right_arithmetic3A_363 = vector.broadcast %shift_right_arithmetic3A_362 : i32 to vector<16xi32>
        %shift_right_arithmetic3A_364 = arith.shrsi %and3A_349, %shift_right_arithmetic3A_363 : vector<16xi32>
        %add3A_365 = arith.constant 0 : i32
        %add3A_366 = vector.broadcast %add3A_365 : i32 to vector<16xi32>
        %add3A_367 = arith.addi %shift_right_arithmetic3A_364, %add3A_366 : vector<16xi32>
        %shift_right_arithmetic3A_368 = arith.constant 3 : i32
        %shift_right_arithmetic3A_369 = vector.broadcast %shift_right_arithmetic3A_368 : i32 to vector<16xi32>
        %shift_right_arithmetic3A_370 = arith.shrsi %and3A_349, %shift_right_arithmetic3A_369 : vector<16xi32>
        %add3A_371 = arith.constant 2 : i32
        %add3A_372 = vector.broadcast %add3A_371 : i32 to vector<16xi32>
        %add3A_373 = arith.addi %shift_right_arithmetic3A_370, %add3A_372 : vector<16xi32>
        %shift_right_arithmetic3A_374 = arith.constant 3 : i32
        %shift_right_arithmetic3A_375 = vector.broadcast %shift_right_arithmetic3A_374 : i32 to vector<16xi32>
        %shift_right_arithmetic3A_376 = arith.shrsi %and3A_349, %shift_right_arithmetic3A_375 : vector<16xi32>
        %add3A_377 = arith.constant 4 : i32
        %add3A_378 = vector.broadcast %add3A_377 : i32 to vector<16xi32>
        %add3A_379 = arith.addi %shift_right_arithmetic3A_376, %add3A_378 : vector<16xi32>
        %shift_right_arithmetic3A_380 = arith.constant 3 : i32
        %shift_right_arithmetic3A_381 = vector.broadcast %shift_right_arithmetic3A_380 : i32 to vector<16xi32>
        %shift_right_arithmetic3A_382 = arith.shrsi %and3A_349, %shift_right_arithmetic3A_381 : vector<16xi32>
        %add3A_383 = arith.constant 6 : i32
        %add3A_384 = vector.broadcast %add3A_383 : i32 to vector<16xi32>
        %add3A_385 = arith.addi %shift_right_arithmetic3A_382, %add3A_384 : vector<16xi32>
        %and3A_386 = arith.constant 7 : i32
        %and3A_387 = vector.broadcast %and3A_386 : i32 to vector<16xi32>
        %and3A_388 = arith.andi %and3A_349, %and3A_387 : vector<16xi32>
        %shift_left3A_389 = arith.constant 7 : i32
        %shift_left3A_390 = vector.broadcast %shift_left3A_389 : i32 to vector<16xi32>
        %shift_left3A_391 = arith.shli %and3A_388, %shift_left3A_390 : vector<16xi32>
        %add3A_392 = arith.addi %shift_left3A_391, %iota3A : vector<16xi32>
        %add3A_393 = arith.constant 0 : i32
        %add3A_394 = vector.broadcast %add3A_393 : i32 to vector<16xi32>
        %add3A_395 = arith.addi %add3A_392, %add3A_394 : vector<16xi32>
        %gather3A_396 = tpu.vector_load_idx %arg6[%add3A_5, %add3A_352] : memref<128x64xf32, #tpu.memory_space<vmem>>[vector<16xi32>, vector<16xi32>], vector<16xf32>,
        %gather3A_397 = tpu.vector_load_idx %arg6[%add3A_5, %add3A_355] : memref<128x64xf32, #tpu.memory_space<vmem>>[vector<16xi32>, vector<16xi32>], vector<16xf32>,
        %gather3A_398 = tpu.vector_load_idx %arg6[%add3A_5, %add3A_358] : memref<128x64xf32, #tpu.memory_space<vmem>>[vector<16xi32>, vector<16xi32>], vector<16xf32>,
        %gather3A_399 = tpu.vector_load_idx %arg6[%add3A_5, %add3A_361] : memref<128x64xf32, #tpu.memory_space<vmem>>[vector<16xi32>, vector<16xi32>], vector<16xf32>,
        %add3A_400 = arith.constant 16 : i32
        %add3A_401 = vector.broadcast %add3A_400 : i32 to vector<16xi32>
        %add3A_402 = arith.addi %add3A_392, %add3A_401 : vector<16xi32>
        %gather3A_403 = tpu.vector_load_idx %arg6[%add3A_8, %add3A_352] : memref<128x64xf32, #tpu.memory_space<vmem>>[vector<16xi32>, vector<16xi32>], vector<16xf32>,
        %gather3A_404 = tpu.vector_load_idx %arg6[%add3A_8, %add3A_355] : memref<128x64xf32, #tpu.memory_space<vmem>>[vector<16xi32>, vector<16xi32>], vector<16xf32>,
        %gather3A_405 = tpu.vector_load_idx %arg6[%add3A_8, %add3A_358] : memref<128x64xf32, #tpu.memory_space<vmem>>[vector<16xi32>, vector<16xi32>], vector<16xf32>,
        %gather3A_406 = tpu.vector_load_idx %arg6[%add3A_8, %add3A_361] : memref<128x64xf32, #tpu.memory_space<vmem>>[vector<16xi32>, vector<16xi32>], vector<16xf32>,
        tpu.vector_store_idx %arg10[%add3A_367, %add3A_395], %gather3A_396 : memref<8x1024xf32, #tpu.memory_space<vmem>>[vector<16xi32>, vector<16xi32>], vector<16xf32>,
        tpu.vector_store_idx %arg10[%add3A_373, %add3A_395], %gather3A_397 : memref<8x1024xf32, #tpu.memory_space<vmem>>[vector<16xi32>, vector<16xi32>], vector<16xf32>,
        tpu.vector_store_idx %arg10[%add3A_379, %add3A_395], %gather3A_398 : memref<8x1024xf32, #tpu.memory_space<vmem>>[vector<16xi32>, vector<16xi32>], vector<16xf32>,
        tpu.vector_store_idx %arg10[%add3A_385, %add3A_395], %gather3A_399 : memref<8x1024xf32, #tpu.memory_space<vmem>>[vector<16xi32>, vector<16xi32>], vector<16xf32>,
        %add3A_407 = arith.constant 32 : i32
        %add3A_408 = vector.broadcast %add3A_407 : i32 to vector<16xi32>
        %add3A_409 = arith.addi %add3A_392, %add3A_408 : vector<16xi32>
        %gather3A_410 = tpu.vector_load_idx %arg6[%add3A_11, %add3A_352] : memref<128x64xf32, #tpu.memory_space<vmem>>[vector<16xi32>, vector<16xi32>], vector<16xf32>,
        %gather3A_411 = tpu.vector_load_idx %arg6[%add3A_11, %add3A_355] : memref<128x64xf32, #tpu.memory_space<vmem>>[vector<16xi32>, vector<16xi32>], vector<16xf32>,
        %gather3A_412 = tpu.vector_load_idx %arg6[%add3A_11, %add3A_358] : memref<128x64xf32, #tpu.memory_space<vmem>>[vector<16xi32>, vector<16xi32>], vector<16xf32>,
        %gather3A_413 = tpu.vector_load_idx %arg6[%add3A_11, %add3A_361] : memref<128x64xf32, #tpu.memory_space<vmem>>[vector<16xi32>, vector<16xi32>], vector<16xf32>,
        tpu.vector_store_idx %arg10[%add3A_367, %add3A_402], %gather3A_403 : memref<8x1024xf32, #tpu.memory_space<vmem>>[vector<16xi32>, vector<16xi32>], vector<16xf32>,
        tpu.vector_store_idx %arg10[%add3A_373, %add3A_402], %gather3A_404 : memref<8x1024xf32, #tpu.memory_space<vmem>>[vector<16xi32>, vector<16xi32>], vector<16xf32>,
        tpu.vector_store_idx %arg10[%add3A_379, %add3A_402], %gather3A_405 : memref<8x1024xf32, #tpu.memory_space<vmem>>[vector<16xi32>, vector<16xi32>], vector<16xf32>,
        tpu.vector_store_idx %arg10[%add3A_385, %add3A_402], %gather3A_406 : memref<8x1024xf32, #tpu.memory_space<vmem>>[vector<16xi32>, vector<16xi32>], vector<16xf32>,
        %add3A_414 = arith.constant 48 : i32
        %add3A_415 = vector.broadcast %add3A_414 : i32 to vector<16xi32>
        %add3A_416 = arith.addi %add3A_392, %add3A_415 : vector<16xi32>
        %gather3A_417 = tpu.vector_load_idx %arg6[%add3A_14, %add3A_352] : memref<128x64xf32, #tpu.memory_space<vmem>>[vector<16xi32>, vector<16xi32>], vector<16xf32>,
        %gather3A_418 = tpu.vector_load_idx %arg6[%add3A_14, %add3A_355] : memref<128x64xf32, #tpu.memory_space<vmem>>[vector<16xi32>, vector<16xi32>], vector<16xf32>,
        %gather3A_419 = tpu.vector_load_idx %arg6[%add3A_14, %add3A_358] : memref<128x64xf32, #tpu.memory_space<vmem>>[vector<16xi32>, vector<16xi32>], vector<16xf32>,
        %gather3A_420 = tpu.vector_load_idx %arg6[%add3A_14, %add3A_361] : memref<128x64xf32, #tpu.memory_space<vmem>>[vector<16xi32>, vector<16xi32>], vector<16xf32>,
        tpu.vector_store_idx %arg10[%add3A_367, %add3A_409], %gather3A_410 : memref<8x1024xf32, #tpu.memory_space<vmem>>[vector<16xi32>, vector<16xi32>], vector<16xf32>,
        tpu.vector_store_idx %arg10[%add3A_373, %add3A_409], %gather3A_411 : memref<8x1024xf32, #tpu.memory_space<vmem>>[vector<16xi32>, vector<16xi32>], vector<16xf32>,
        tpu.vector_store_idx %arg10[%add3A_379, %add3A_409], %gather3A_412 : memref<8x1024xf32, #tpu.memory_space<vmem>>[vector<16xi32>, vector<16xi32>], vector<16xf32>,
        tpu.vector_store_idx %arg10[%add3A_385, %add3A_409], %gather3A_413 : memref<8x1024xf32, #tpu.memory_space<vmem>>[vector<16xi32>, vector<16xi32>], vector<16xf32>,
        %add3A_421 = arith.constant 64 : i32
        %add3A_422 = vector.broadcast %add3A_421 : i32 to vector<16xi32>
        %add3A_423 = arith.addi %add3A_392, %add3A_422 : vector<16xi32>
        %gather3A_424 = tpu.vector_load_idx %arg6[%add3A_17, %add3A_352] : memref<128x64xf32, #tpu.memory_space<vmem>>[vector<16xi32>, vector<16xi32>], vector<16xf32>,
        %gather3A_425 = tpu.vector_load_idx %arg6[%add3A_17, %add3A_355] : memref<128x64xf32, #tpu.memory_space<vmem>>[vector<16xi32>, vector<16xi32>], vector<16xf32>,
        %gather3A_426 = tpu.vector_load_idx %arg6[%add3A_17, %add3A_358] : memref<128x64xf32, #tpu.memory_space<vmem>>[vector<16xi32>, vector<16xi32>], vector<16xf32>,
        %gather3A_427 = tpu.vector_load_idx %arg6[%add3A_17, %add3A_361] : memref<128x64xf32, #tpu.memory_space<vmem>>[vector<16xi32>, vector<16xi32>], vector<16xf32>,
        tpu.vector_store_idx %arg10[%add3A_367, %add3A_416], %gather3A_417 : memref<8x1024xf32, #tpu.memory_space<vmem>>[vector<16xi32>, vector<16xi32>], vector<16xf32>,
        tpu.vector_store_idx %arg10[%add3A_373, %add3A_416], %gather3A_418 : memref<8x1024xf32, #tpu.memory_space<vmem>>[vector<16xi32>, vector<16xi32>], vector<16xf32>,
        tpu.vector_store_idx %arg10[%add3A_379, %add3A_416], %gather3A_419 : memref<8x1024xf32, #tpu.memory_space<vmem>>[vector<16xi32>, vector<16xi32>], vector<16xf32>,
        tpu.vector_store_idx %arg10[%add3A_385, %add3A_416], %gather3A_420 : memref<8x1024xf32, #tpu.memory_space<vmem>>[vector<16xi32>, vector<16xi32>], vector<16xf32>,
        %add3A_428 = arith.constant 80 : i32
        %add3A_429 = vector.broadcast %add3A_428 : i32 to vector<16xi32>
        %add3A_430 = arith.addi %add3A_392, %add3A_429 : vector<16xi32>
        %gather3A_431 = tpu.vector_load_idx %arg6[%add3A_20, %add3A_352] : memref<128x64xf32, #tpu.memory_space<vmem>>[vector<16xi32>, vector<16xi32>], vector<16xf32>,
        %gather3A_432 = tpu.vector_load_idx %arg6[%add3A_20, %add3A_355] : memref<128x64xf32, #tpu.memory_space<vmem>>[vector<16xi32>, vector<16xi32>], vector<16xf32>,
        %gather3A_433 = tpu.vector_load_idx %arg6[%add3A_20, %add3A_358] : memref<128x64xf32, #tpu.memory_space<vmem>>[vector<16xi32>, vector<16xi32>], vector<16xf32>,
        %gather3A_434 = tpu.vector_load_idx %arg6[%add3A_20, %add3A_361] : memref<128x64xf32, #tpu.memory_space<vmem>>[vector<16xi32>, vector<16xi32>], vector<16xf32>,
        tpu.vector_store_idx %arg10[%add3A_367, %add3A_423], %gather3A_424 : memref<8x1024xf32, #tpu.memory_space<vmem>>[vector<16xi32>, vector<16xi32>], vector<16xf32>,
        tpu.vector_store_idx %arg10[%add3A_373, %add3A_423], %gather3A_425 : memref<8x1024xf32, #tpu.memory_space<vmem>>[vector<16xi32>, vector<16xi32>], vector<16xf32>,
        tpu.vector_store_idx %arg10[%add3A_379, %add3A_423], %gather3A_426 : memref<8x1024xf32, #tpu.memory_space<vmem>>[vector<16xi32>, vector<16xi32>], vector<16xf32>,
        tpu.vector_store_idx %arg10[%add3A_385, %add3A_423], %gather3A_427 : memref<8x1024xf32, #tpu.memory_space<vmem>>[vector<16xi32>, vector<16xi32>], vector<16xf32>,
        %add3A_435 = arith.constant 96 : i32
        %add3A_436 = vector.broadcast %add3A_435 : i32 to vector<16xi32>
        %add3A_437 = arith.addi %add3A_392, %add3A_436 : vector<16xi32>
        %gather3A_438 = tpu.vector_load_idx %arg6[%add3A_23, %add3A_352] : memref<128x64xf32, #tpu.memory_space<vmem>>[vector<16xi32>, vector<16xi32>], vector<16xf32>,
        %gather3A_439 = tpu.vector_load_idx %arg6[%add3A_23, %add3A_355] : memref<128x64xf32, #tpu.memory_space<vmem>>[vector<16xi32>, vector<16xi32>], vector<16xf32>,
        %gather3A_440 = tpu.vector_load_idx %arg6[%add3A_23, %add3A_358] : memref<128x64xf32, #tpu.memory_space<vmem>>[vector<16xi32>, vector<16xi32>], vector<16xf32>,
        %gather3A_441 = tpu.vector_load_idx %arg6[%add3A_23, %add3A_361] : memref<128x64xf32, #tpu.memory_space<vmem>>[vector<16xi32>, vector<16xi32>], vector<16xf32>,
        tpu.vector_store_idx %arg10[%add3A_367, %add3A_430], %gather3A_431 : memref<8x1024xf32, #tpu.memory_space<vmem>>[vector<16xi32>, vector<16xi32>], vector<16xf32>,
        tpu.vector_store_idx %arg10[%add3A_373, %add3A_430], %gather3A_432 : memref<8x1024xf32, #tpu.memory_space<vmem>>[vector<16xi32>, vector<16xi32>], vector<16xf32>,
        tpu.vector_store_idx %arg10[%add3A_379, %add3A_430], %gather3A_433 : memref<8x1024xf32, #tpu.memory_space<vmem>>[vector<16xi32>, vector<16xi32>], vector<16xf32>,
        tpu.vector_store_idx %arg10[%add3A_385, %add3A_430], %gather3A_434 : memref<8x1024xf32, #tpu.memory_space<vmem>>[vector<16xi32>, vector<16xi32>], vector<16xf32>,
        %add3A_442 = arith.constant 112 : i32
        %add3A_443 = vector.broadcast %add3A_442 : i32 to vector<16xi32>
        %add3A_444 = arith.addi %add3A_392, %add3A_443 : vector<16xi32>
        %gather3A_445 = tpu.vector_load_idx %arg6[%add3A_26, %add3A_352] : memref<128x64xf32, #tpu.memory_space<vmem>>[vector<16xi32>, vector<16xi32>], vector<16xf32>,
        %gather3A_446 = tpu.vector_load_idx %arg6[%add3A_26, %add3A_355] : memref<128x64xf32, #tpu.memory_space<vmem>>[vector<16xi32>, vector<16xi32>], vector<16xf32>,
        %gather3A_447 = tpu.vector_load_idx %arg6[%add3A_26, %add3A_358] : memref<128x64xf32, #tpu.memory_space<vmem>>[vector<16xi32>, vector<16xi32>], vector<16xf32>,
        %gather3A_448 = tpu.vector_load_idx %arg6[%add3A_26, %add3A_361] : memref<128x64xf32, #tpu.memory_space<vmem>>[vector<16xi32>, vector<16xi32>], vector<16xf32>,
        tpu.vector_store_idx %arg10[%add3A_367, %add3A_437], %gather3A_438 : memref<8x1024xf32, #tpu.memory_space<vmem>>[vector<16xi32>, vector<16xi32>], vector<16xf32>,
        tpu.vector_store_idx %arg10[%add3A_373, %add3A_437], %gather3A_439 : memref<8x1024xf32, #tpu.memory_space<vmem>>[vector<16xi32>, vector<16xi32>], vector<16xf32>,
        tpu.vector_store_idx %arg10[%add3A_379, %add3A_437], %gather3A_440 : memref<8x1024xf32, #tpu.memory_space<vmem>>[vector<16xi32>, vector<16xi32>], vector<16xf32>,
        tpu.vector_store_idx %arg10[%add3A_385, %add3A_437], %gather3A_441 : memref<8x1024xf32, #tpu.memory_space<vmem>>[vector<16xi32>, vector<16xi32>], vector<16xf32>,
        tpu.vector_store_idx %arg10[%add3A_367, %add3A_444], %gather3A_445 : memref<8x1024xf32, #tpu.memory_space<vmem>>[vector<16xi32>, vector<16xi32>], vector<16xf32>,
        tpu.vector_store_idx %arg10[%add3A_373, %add3A_444], %gather3A_446 : memref<8x1024xf32, #tpu.memory_space<vmem>>[vector<16xi32>, vector<16xi32>], vector<16xf32>,
        tpu.vector_store_idx %arg10[%add3A_379, %add3A_444], %gather3A_447 : memref<8x1024xf32, #tpu.memory_space<vmem>>[vector<16xi32>, vector<16xi32>], vector<16xf32>,
        tpu.vector_store_idx %arg10[%add3A_385, %add3A_444], %gather3A_448 : memref<8x1024xf32, #tpu.memory_space<vmem>>[vector<16xi32>, vector<16xi32>], vector<16xf32>,
        %scan3A_449 = arith.constant 2 : i32
        %scan3A_450 = arith.addi %scan3A_234, %scan3A_449 : i32
        %mul3A_451 = arith.constant 1 : i32
        %mul3A_452 = arith.muli %scan3A_450, %mul3A_451 : i32
        %add3A_453 = arith.constant 0 : i32
        %add3A_454 = arith.addi %add3A_453, %mul3A_452 : i32
        %add3A_455 = vector.broadcast %add3A_454 : i32 to vector<16xi32>
        %add3A_456 = arith.addi %iota3A, %add3A_455 : vector<16xi32>
        %and3A_457 = arith.constant 15 : i32
        %and3A_458 = vector.broadcast %and3A_457 : i32 to vector<16xi32>
        %and3A_459 = arith.andi %add3A_456, %and3A_458 : vector<16xi32>
        %add3A_460 = arith.constant 0 : i32
        %add3A_461 = vector.broadcast %add3A_460 : i32 to vector<16xi32>
        %add3A_462 = arith.addi %and3A_459, %add3A_461 : vector<16xi32>
        %add3A_463 = arith.constant 16 : i32
        %add3A_464 = vector.broadcast %add3A_463 : i32 to vector<16xi32>
        %add3A_465 = arith.addi %and3A_459, %add3A_464 : vector<16xi32>
        %add3A_466 = arith.constant 32 : i32
        %add3A_467 = vector.broadcast %add3A_466 : i32 to vector<16xi32>
        %add3A_468 = arith.addi %and3A_459, %add3A_467 : vector<16xi32>
        %add3A_469 = arith.constant 48 : i32
        %add3A_470 = vector.broadcast %add3A_469 : i32 to vector<16xi32>
        %add3A_471 = arith.addi %and3A_459, %add3A_470 : vector<16xi32>
        %shift_right_arithmetic3A_472 = arith.constant 3 : i32
        %shift_right_arithmetic3A_473 = vector.broadcast %shift_right_arithmetic3A_472 : i32 to vector<16xi32>
        %shift_right_arithmetic3A_474 = arith.shrsi %and3A_459, %shift_right_arithmetic3A_473 : vector<16xi32>
        %add3A_475 = arith.constant 0 : i32
        %add3A_476 = vector.broadcast %add3A_475 : i32 to vector<16xi32>
        %add3A_477 = arith.addi %shift_right_arithmetic3A_474, %add3A_476 : vector<16xi32>
        %shift_right_arithmetic3A_478 = arith.constant 3 : i32
        %shift_right_arithmetic3A_479 = vector.broadcast %shift_right_arithmetic3A_478 : i32 to vector<16xi32>
        %shift_right_arithmetic3A_480 = arith.shrsi %and3A_459, %shift_right_arithmetic3A_479 : vector<16xi32>
        %add3A_481 = arith.constant 2 : i32
        %add3A_482 = vector.broadcast %add3A_481 : i32 to vector<16xi32>
        %add3A_483 = arith.addi %shift_right_arithmetic3A_480, %add3A_482 : vector<16xi32>
        %shift_right_arithmetic3A_484 = arith.constant 3 : i32
        %shift_right_arithmetic3A_485 = vector.broadcast %shift_right_arithmetic3A_484 : i32 to vector<16xi32>
        %shift_right_arithmetic3A_486 = arith.shrsi %and3A_459, %shift_right_arithmetic3A_485 : vector<16xi32>
        %add3A_487 = arith.constant 4 : i32
        %add3A_488 = vector.broadcast %add3A_487 : i32 to vector<16xi32>
        %add3A_489 = arith.addi %shift_right_arithmetic3A_486, %add3A_488 : vector<16xi32>
        %shift_right_arithmetic3A_490 = arith.constant 3 : i32
        %shift_right_arithmetic3A_491 = vector.broadcast %shift_right_arithmetic3A_490 : i32 to vector<16xi32>
        %shift_right_arithmetic3A_492 = arith.shrsi %and3A_459, %shift_right_arithmetic3A_491 : vector<16xi32>
        %add3A_493 = arith.constant 6 : i32
        %add3A_494 = vector.broadcast %add3A_493 : i32 to vector<16xi32>
        %add3A_495 = arith.addi %shift_right_arithmetic3A_492, %add3A_494 : vector<16xi32>
        %and3A_496 = arith.constant 7 : i32
        %and3A_497 = vector.broadcast %and3A_496 : i32 to vector<16xi32>
        %and3A_498 = arith.andi %and3A_459, %and3A_497 : vector<16xi32>
        %shift_left3A_499 = arith.constant 7 : i32
        %shift_left3A_500 = vector.broadcast %shift_left3A_499 : i32 to vector<16xi32>
        %shift_left3A_501 = arith.shli %and3A_498, %shift_left3A_500 : vector<16xi32>
        %add3A_502 = arith.addi %shift_left3A_501, %iota3A : vector<16xi32>
        %add3A_503 = arith.constant 0 : i32
        %add3A_504 = vector.broadcast %add3A_503 : i32 to vector<16xi32>
        %add3A_505 = arith.addi %add3A_502, %add3A_504 : vector<16xi32>
        %gather3A_506 = tpu.vector_load_idx %arg6[%add3A_5, %add3A_462] : memref<128x64xf32, #tpu.memory_space<vmem>>[vector<16xi32>, vector<16xi32>], vector<16xf32>,
        %gather3A_507 = tpu.vector_load_idx %arg6[%add3A_5, %add3A_465] : memref<128x64xf32, #tpu.memory_space<vmem>>[vector<16xi32>, vector<16xi32>], vector<16xf32>,
        %gather3A_508 = tpu.vector_load_idx %arg6[%add3A_5, %add3A_468] : memref<128x64xf32, #tpu.memory_space<vmem>>[vector<16xi32>, vector<16xi32>], vector<16xf32>,
        %gather3A_509 = tpu.vector_load_idx %arg6[%add3A_5, %add3A_471] : memref<128x64xf32, #tpu.memory_space<vmem>>[vector<16xi32>, vector<16xi32>], vector<16xf32>,
        %add3A_510 = arith.constant 16 : i32
        %add3A_511 = vector.broadcast %add3A_510 : i32 to vector<16xi32>
        %add3A_512 = arith.addi %add3A_502, %add3A_511 : vector<16xi32>
        %gather3A_513 = tpu.vector_load_idx %arg6[%add3A_8, %add3A_462] : memref<128x64xf32, #tpu.memory_space<vmem>>[vector<16xi32>, vector<16xi32>], vector<16xf32>,
        %gather3A_514 = tpu.vector_load_idx %arg6[%add3A_8, %add3A_465] : memref<128x64xf32, #tpu.memory_space<vmem>>[vector<16xi32>, vector<16xi32>], vector<16xf32>,
        %gather3A_515 = tpu.vector_load_idx %arg6[%add3A_8, %add3A_468] : memref<128x64xf32, #tpu.memory_space<vmem>>[vector<16xi32>, vector<16xi32>], vector<16xf32>,
        %gather3A_516 = tpu.vector_load_idx %arg6[%add3A_8, %add3A_471] : memref<128x64xf32, #tpu.memory_space<vmem>>[vector<16xi32>, vector<16xi32>], vector<16xf32>,
        tpu.vector_store_idx %arg10[%add3A_477, %add3A_505], %gather3A_506 : memref<8x1024xf32, #tpu.memory_space<vmem>>[vector<16xi32>, vector<16xi32>], vector<16xf32>,
        tpu.vector_store_idx %arg10[%add3A_483, %add3A_505], %gather3A_507 : memref<8x1024xf32, #tpu.memory_space<vmem>>[vector<16xi32>, vector<16xi32>], vector<16xf32>,
        tpu.vector_store_idx %arg10[%add3A_489, %add3A_505], %gather3A_508 : memref<8x1024xf32, #tpu.memory_space<vmem>>[vector<16xi32>, vector<16xi32>], vector<16xf32>,
        tpu.vector_store_idx %arg10[%add3A_495, %add3A_505], %gather3A_509 : memref<8x1024xf32, #tpu.memory_space<vmem>>[vector<16xi32>, vector<16xi32>], vector<16xf32>,
        %add3A_517 = arith.constant 32 : i32
        %add3A_518 = vector.broadcast %add3A_517 : i32 to vector<16xi32>
        %add3A_519 = arith.addi %add3A_502, %add3A_518 : vector<16xi32>
        %gather3A_520 = tpu.vector_load_idx %arg6[%add3A_11, %add3A_462] : memref<128x64xf32, #tpu.memory_space<vmem>>[vector<16xi32>, vector<16xi32>], vector<16xf32>,
        %gather3A_521 = tpu.vector_load_idx %arg6[%add3A_11, %add3A_465] : memref<128x64xf32, #tpu.memory_space<vmem>>[vector<16xi32>, vector<16xi32>], vector<16xf32>,
        %gather3A_522 = tpu.vector_load_idx %arg6[%add3A_11, %add3A_468] : memref<128x64xf32, #tpu.memory_space<vmem>>[vector<16xi32>, vector<16xi32>], vector<16xf32>,
        %gather3A_523 = tpu.vector_load_idx %arg6[%add3A_11, %add3A_471] : memref<128x64xf32, #tpu.memory_space<vmem>>[vector<16xi32>, vector<16xi32>], vector<16xf32>,
        tpu.vector_store_idx %arg10[%add3A_477, %add3A_512], %gather3A_513 : memref<8x1024xf32, #tpu.memory_space<vmem>>[vector<16xi32>, vector<16xi32>], vector<16xf32>,
        tpu.vector_store_idx %arg10[%add3A_483, %add3A_512], %gather3A_514 : memref<8x1024xf32, #tpu.memory_space<vmem>>[vector<16xi32>, vector<16xi32>], vector<16xf32>,
        tpu.vector_store_idx %arg10[%add3A_489, %add3A_512], %gather3A_515 : memref<8x1024xf32, #tpu.memory_space<vmem>>[vector<16xi32>, vector<16xi32>], vector<16xf32>,
        tpu.vector_store_idx %arg10[%add3A_495, %add3A_512], %gather3A_516 : memref<8x1024xf32, #tpu.memory_space<vmem>>[vector<16xi32>, vector<16xi32>], vector<16xf32>,
        %add3A_524 = arith.constant 48 : i32
        %add3A_525 = vector.broadcast %add3A_524 : i32 to vector<16xi32>
        %add3A_526 = arith.addi %add3A_502, %add3A_525 : vector<16xi32>
        %gather3A_527 = tpu.vector_load_idx %arg6[%add3A_14, %add3A_462] : memref<128x64xf32, #tpu.memory_space<vmem>>[vector<16xi32>, vector<16xi32>], vector<16xf32>,
        %gather3A_528 = tpu.vector_load_idx %arg6[%add3A_14, %add3A_465] : memref<128x64xf32, #tpu.memory_space<vmem>>[vector<16xi32>, vector<16xi32>], vector<16xf32>,
        %gather3A_529 = tpu.vector_load_idx %arg6[%add3A_14, %add3A_468] : memref<128x64xf32, #tpu.memory_space<vmem>>[vector<16xi32>, vector<16xi32>], vector<16xf32>,
        %gather3A_530 = tpu.vector_load_idx %arg6[%add3A_14, %add3A_471] : memref<128x64xf32, #tpu.memory_space<vmem>>[vector<16xi32>, vector<16xi32>], vector<16xf32>,
        tpu.vector_store_idx %arg10[%add3A_477, %add3A_519], %gather3A_520 : memref<8x1024xf32, #tpu.memory_space<vmem>>[vector<16xi32>, vector<16xi32>], vector<16xf32>,
        tpu.vector_store_idx %arg10[%add3A_483, %add3A_519], %gather3A_521 : memref<8x1024xf32, #tpu.memory_space<vmem>>[vector<16xi32>, vector<16xi32>], vector<16xf32>,
        tpu.vector_store_idx %arg10[%add3A_489, %add3A_519], %gather3A_522 : memref<8x1024xf32, #tpu.memory_space<vmem>>[vector<16xi32>, vector<16xi32>], vector<16xf32>,
        tpu.vector_store_idx %arg10[%add3A_495, %add3A_519], %gather3A_523 : memref<8x1024xf32, #tpu.memory_space<vmem>>[vector<16xi32>, vector<16xi32>], vector<16xf32>,
        %add3A_531 = arith.constant 64 : i32
        %add3A_532 = vector.broadcast %add3A_531 : i32 to vector<16xi32>
        %add3A_533 = arith.addi %add3A_502, %add3A_532 : vector<16xi32>
        %gather3A_534 = tpu.vector_load_idx %arg6[%add3A_17, %add3A_462] : memref<128x64xf32, #tpu.memory_space<vmem>>[vector<16xi32>, vector<16xi32>], vector<16xf32>,
        %gather3A_535 = tpu.vector_load_idx %arg6[%add3A_17, %add3A_465] : memref<128x64xf32, #tpu.memory_space<vmem>>[vector<16xi32>, vector<16xi32>], vector<16xf32>,
        %gather3A_536 = tpu.vector_load_idx %arg6[%add3A_17, %add3A_468] : memref<128x64xf32, #tpu.memory_space<vmem>>[vector<16xi32>, vector<16xi32>], vector<16xf32>,
        %gather3A_537 = tpu.vector_load_idx %arg6[%add3A_17, %add3A_471] : memref<128x64xf32, #tpu.memory_space<vmem>>[vector<16xi32>, vector<16xi32>], vector<16xf32>,
        tpu.vector_store_idx %arg10[%add3A_477, %add3A_526], %gather3A_527 : memref<8x1024xf32, #tpu.memory_space<vmem>>[vector<16xi32>, vector<16xi32>], vector<16xf32>,
        tpu.vector_store_idx %arg10[%add3A_483, %add3A_526], %gather3A_528 : memref<8x1024xf32, #tpu.memory_space<vmem>>[vector<16xi32>, vector<16xi32>], vector<16xf32>,
        tpu.vector_store_idx %arg10[%add3A_489, %add3A_526], %gather3A_529 : memref<8x1024xf32, #tpu.memory_space<vmem>>[vector<16xi32>, vector<16xi32>], vector<16xf32>,
        tpu.vector_store_idx %arg10[%add3A_495, %add3A_526], %gather3A_530 : memref<8x1024xf32, #tpu.memory_space<vmem>>[vector<16xi32>, vector<16xi32>], vector<16xf32>,
        %add3A_538 = arith.constant 80 : i32
        %add3A_539 = vector.broadcast %add3A_538 : i32 to vector<16xi32>
        %add3A_540 = arith.addi %add3A_502, %add3A_539 : vector<16xi32>
        %gather3A_541 = tpu.vector_load_idx %arg6[%add3A_20, %add3A_462] : memref<128x64xf32, #tpu.memory_space<vmem>>[vector<16xi32>, vector<16xi32>], vector<16xf32>,
        %gather3A_542 = tpu.vector_load_idx %arg6[%add3A_20, %add3A_465] : memref<128x64xf32, #tpu.memory_space<vmem>>[vector<16xi32>, vector<16xi32>], vector<16xf32>,
        %gather3A_543 = tpu.vector_load_idx %arg6[%add3A_20, %add3A_468] : memref<128x64xf32, #tpu.memory_space<vmem>>[vector<16xi32>, vector<16xi32>], vector<16xf32>,
        %gather3A_544 = tpu.vector_load_idx %arg6[%add3A_20, %add3A_471] : memref<128x64xf32, #tpu.memory_space<vmem>>[vector<16xi32>, vector<16xi32>], vector<16xf32>,
        tpu.vector_store_idx %arg10[%add3A_477, %add3A_533], %gather3A_534 : memref<8x1024xf32, #tpu.memory_space<vmem>>[vector<16xi32>, vector<16xi32>], vector<16xf32>,
        tpu.vector_store_idx %arg10[%add3A_483, %add3A_533], %gather3A_535 : memref<8x1024xf32, #tpu.memory_space<vmem>>[vector<16xi32>, vector<16xi32>], vector<16xf32>,
        tpu.vector_store_idx %arg10[%add3A_489, %add3A_533], %gather3A_536 : memref<8x1024xf32, #tpu.memory_space<vmem>>[vector<16xi32>, vector<16xi32>], vector<16xf32>,
        tpu.vector_store_idx %arg10[%add3A_495, %add3A_533], %gather3A_537 : memref<8x1024xf32, #tpu.memory_space<vmem>>[vector<16xi32>, vector<16xi32>], vector<16xf32>,
        %add3A_545 = arith.constant 96 : i32
        %add3A_546 = vector.broadcast %add3A_545 : i32 to vector<16xi32>
        %add3A_547 = arith.addi %add3A_502, %add3A_546 : vector<16xi32>
        %gather3A_548 = tpu.vector_load_idx %arg6[%add3A_23, %add3A_462] : memref<128x64xf32, #tpu.memory_space<vmem>>[vector<16xi32>, vector<16xi32>], vector<16xf32>,
        %gather3A_549 = tpu.vector_load_idx %arg6[%add3A_23, %add3A_465] : memref<128x64xf32, #tpu.memory_space<vmem>>[vector<16xi32>, vector<16xi32>], vector<16xf32>,
        %gather3A_550 = tpu.vector_load_idx %arg6[%add3A_23, %add3A_468] : memref<128x64xf32, #tpu.memory_space<vmem>>[vector<16xi32>, vector<16xi32>], vector<16xf32>,
        %gather3A_551 = tpu.vector_load_idx %arg6[%add3A_23, %add3A_471] : memref<128x64xf32, #tpu.memory_space<vmem>>[vector<16xi32>, vector<16xi32>], vector<16xf32>,
        tpu.vector_store_idx %arg10[%add3A_477, %add3A_540], %gather3A_541 : memref<8x1024xf32, #tpu.memory_space<vmem>>[vector<16xi32>, vector<16xi32>], vector<16xf32>,
        tpu.vector_store_idx %arg10[%add3A_483, %add3A_540], %gather3A_542 : memref<8x1024xf32, #tpu.memory_space<vmem>>[vector<16xi32>, vector<16xi32>], vector<16xf32>,
        tpu.vector_store_idx %arg10[%add3A_489, %add3A_540], %gather3A_543 : memref<8x1024xf32, #tpu.memory_space<vmem>>[vector<16xi32>, vector<16xi32>], vector<16xf32>,
        tpu.vector_store_idx %arg10[%add3A_495, %add3A_540], %gather3A_544 : memref<8x1024xf32, #tpu.memory_space<vmem>>[vector<16xi32>, vector<16xi32>], vector<16xf32>,
        %add3A_552 = arith.constant 112 : i32
        %add3A_553 = vector.broadcast %add3A_552 : i32 to vector<16xi32>
        %add3A_554 = arith.addi %add3A_502, %add3A_553 : vector<16xi32>
        %gather3A_555 = tpu.vector_load_idx %arg6[%add3A_26, %add3A_462] : memref<128x64xf32, #tpu.memory_space<vmem>>[vector<16xi32>, vector<16xi32>], vector<16xf32>,
        %gather3A_556 = tpu.vector_load_idx %arg6[%add3A_26, %add3A_465] : memref<128x64xf32, #tpu.memory_space<vmem>>[vector<16xi32>, vector<16xi32>], vector<16xf32>,
        %gather3A_557 = tpu.vector_load_idx %arg6[%add3A_26, %add3A_468] : memref<128x64xf32, #tpu.memory_space<vmem>>[vector<16xi32>, vector<16xi32>], vector<16xf32>,
        %gather3A_558 = tpu.vector_load_idx %arg6[%add3A_26, %add3A_471] : memref<128x64xf32, #tpu.memory_space<vmem>>[vector<16xi32>, vector<16xi32>], vector<16xf32>,
        tpu.vector_store_idx %arg10[%add3A_477, %add3A_547], %gather3A_548 : memref<8x1024xf32, #tpu.memory_space<vmem>>[vector<16xi32>, vector<16xi32>], vector<16xf32>,
        tpu.vector_store_idx %arg10[%add3A_483, %add3A_547], %gather3A_549 : memref<8x1024xf32, #tpu.memory_space<vmem>>[vector<16xi32>, vector<16xi32>], vector<16xf32>,
        tpu.vector_store_idx %arg10[%add3A_489, %add3A_547], %gather3A_550 : memref<8x1024xf32, #tpu.memory_space<vmem>>[vector<16xi32>, vector<16xi32>], vector<16xf32>,
        tpu.vector_store_idx %arg10[%add3A_495, %add3A_547], %gather3A_551 : memref<8x1024xf32, #tpu.memory_space<vmem>>[vector<16xi32>, vector<16xi32>], vector<16xf32>,
        tpu.vector_store_idx %arg10[%add3A_477, %add3A_554], %gather3A_555 : memref<8x1024xf32, #tpu.memory_space<vmem>>[vector<16xi32>, vector<16xi32>], vector<16xf32>,
        tpu.vector_store_idx %arg10[%add3A_483, %add3A_554], %gather3A_556 : memref<8x1024xf32, #tpu.memory_space<vmem>>[vector<16xi32>, vector<16xi32>], vector<16xf32>,
        tpu.vector_store_idx %arg10[%add3A_489, %add3A_554], %gather3A_557 : memref<8x1024xf32, #tpu.memory_space<vmem>>[vector<16xi32>, vector<16xi32>], vector<16xf32>,
        tpu.vector_store_idx %arg10[%add3A_495, %add3A_554], %gather3A_558 : memref<8x1024xf32, #tpu.memory_space<vmem>>[vector<16xi32>, vector<16xi32>], vector<16xf32>,
        %scan3A_559 = arith.constant 3 : i32
        %scan3A_560 = arith.addi %scan3A_234, %scan3A_559 : i32
        %mul3A_561 = arith.constant 1 : i32
        %mul3A_562 = arith.muli %scan3A_560, %mul3A_561 : i32
        %add3A_563 = arith.constant 0 : i32
        %add3A_564 = arith.addi %add3A_563, %mul3A_562 : i32
        %add3A_565 = vector.broadcast %add3A_564 : i32 to vector<16xi32>
        %add3A_566 = arith.addi %iota3A, %add3A_565 : vector<16xi32>
        %and3A_567 = arith.constant 15 : i32
        %and3A_568 = vector.broadcast %and3A_567 : i32 to vector<16xi32>
        %and3A_569 = arith.andi %add3A_566, %and3A_568 : vector<16xi32>
        %add3A_570 = arith.constant 0 : i32
        %add3A_571 = vector.broadcast %add3A_570 : i32 to vector<16xi32>
        %add3A_572 = arith.addi %and3A_569, %add3A_571 : vector<16xi32>
        %add3A_573 = arith.constant 16 : i32
        %add3A_574 = vector.broadcast %add3A_573 : i32 to vector<16xi32>
        %add3A_575 = arith.addi %and3A_569, %add3A_574 : vector<16xi32>
        %add3A_576 = arith.constant 32 : i32
        %add3A_577 = vector.broadcast %add3A_576 : i32 to vector<16xi32>
        %add3A_578 = arith.addi %and3A_569, %add3A_577 : vector<16xi32>
        %add3A_579 = arith.constant 48 : i32
        %add3A_580 = vector.broadcast %add3A_579 : i32 to vector<16xi32>
        %add3A_581 = arith.addi %and3A_569, %add3A_580 : vector<16xi32>
        %shift_right_arithmetic3A_582 = arith.constant 3 : i32
        %shift_right_arithmetic3A_583 = vector.broadcast %shift_right_arithmetic3A_582 : i32 to vector<16xi32>
        %shift_right_arithmetic3A_584 = arith.shrsi %and3A_569, %shift_right_arithmetic3A_583 : vector<16xi32>
        %add3A_585 = arith.constant 0 : i32
        %add3A_586 = vector.broadcast %add3A_585 : i32 to vector<16xi32>
        %add3A_587 = arith.addi %shift_right_arithmetic3A_584, %add3A_586 : vector<16xi32>
        %shift_right_arithmetic3A_588 = arith.constant 3 : i32
        %shift_right_arithmetic3A_589 = vector.broadcast %shift_right_arithmetic3A_588 : i32 to vector<16xi32>
        %shift_right_arithmetic3A_590 = arith.shrsi %and3A_569, %shift_right_arithmetic3A_589 : vector<16xi32>
        %add3A_591 = arith.constant 2 : i32
        %add3A_592 = vector.broadcast %add3A_591 : i32 to vector<16xi32>
        %add3A_593 = arith.addi %shift_right_arithmetic3A_590, %add3A_592 : vector<16xi32>
        %shift_right_arithmetic3A_594 = arith.constant 3 : i32
        %shift_right_arithmetic3A_595 = vector.broadcast %shift_right_arithmetic3A_594 : i32 to vector<16xi32>
        %shift_right_arithmetic3A_596 = arith.shrsi %and3A_569, %shift_right_arithmetic3A_595 : vector<16xi32>
        %add3A_597 = arith.constant 4 : i32
        %add3A_598 = vector.broadcast %add3A_597 : i32 to vector<16xi32>
        %add3A_599 = arith.addi %shift_right_arithmetic3A_596, %add3A_598 : vector<16xi32>
        %shift_right_arithmetic3A_600 = arith.constant 3 : i32
        %shift_right_arithmetic3A_601 = vector.broadcast %shift_right_arithmetic3A_600 : i32 to vector<16xi32>
        %shift_right_arithmetic3A_602 = arith.shrsi %and3A_569, %shift_right_arithmetic3A_601 : vector<16xi32>
        %add3A_603 = arith.constant 6 : i32
        %add3A_604 = vector.broadcast %add3A_603 : i32 to vector<16xi32>
        %add3A_605 = arith.addi %shift_right_arithmetic3A_602, %add3A_604 : vector<16xi32>
        %and3A_606 = arith.constant 7 : i32
        %and3A_607 = vector.broadcast %and3A_606 : i32 to vector<16xi32>
        %and3A_608 = arith.andi %and3A_569, %and3A_607 : vector<16xi32>
        %shift_left3A_609 = arith.constant 7 : i32
        %shift_left3A_610 = vector.broadcast %shift_left3A_609 : i32 to vector<16xi32>
        %shift_left3A_611 = arith.shli %and3A_608, %shift_left3A_610 : vector<16xi32>
        %add3A_612 = arith.addi %shift_left3A_611, %iota3A : vector<16xi32>
        %add3A_613 = arith.constant 0 : i32
        %add3A_614 = vector.broadcast %add3A_613 : i32 to vector<16xi32>
        %add3A_615 = arith.addi %add3A_612, %add3A_614 : vector<16xi32>
        %gather3A_616 = tpu.vector_load_idx %arg6[%add3A_5, %add3A_572] : memref<128x64xf32, #tpu.memory_space<vmem>>[vector<16xi32>, vector<16xi32>], vector<16xf32>,
        %gather3A_617 = tpu.vector_load_idx %arg6[%add3A_5, %add3A_575] : memref<128x64xf32, #tpu.memory_space<vmem>>[vector<16xi32>, vector<16xi32>], vector<16xf32>,
        %gather3A_618 = tpu.vector_load_idx %arg6[%add3A_5, %add3A_578] : memref<128x64xf32, #tpu.memory_space<vmem>>[vector<16xi32>, vector<16xi32>], vector<16xf32>,
        %gather3A_619 = tpu.vector_load_idx %arg6[%add3A_5, %add3A_581] : memref<128x64xf32, #tpu.memory_space<vmem>>[vector<16xi32>, vector<16xi32>], vector<16xf32>,
        %add3A_620 = arith.constant 16 : i32
        %add3A_621 = vector.broadcast %add3A_620 : i32 to vector<16xi32>
        %add3A_622 = arith.addi %add3A_612, %add3A_621 : vector<16xi32>
        %gather3A_623 = tpu.vector_load_idx %arg6[%add3A_8, %add3A_572] : memref<128x64xf32, #tpu.memory_space<vmem>>[vector<16xi32>, vector<16xi32>], vector<16xf32>,
        %gather3A_624 = tpu.vector_load_idx %arg6[%add3A_8, %add3A_575] : memref<128x64xf32, #tpu.memory_space<vmem>>[vector<16xi32>, vector<16xi32>], vector<16xf32>,
        %gather3A_625 = tpu.vector_load_idx %arg6[%add3A_8, %add3A_578] : memref<128x64xf32, #tpu.memory_space<vmem>>[vector<16xi32>, vector<16xi32>], vector<16xf32>,
        %gather3A_626 = tpu.vector_load_idx %arg6[%add3A_8, %add3A_581] : memref<128x64xf32, #tpu.memory_space<vmem>>[vector<16xi32>, vector<16xi32>], vector<16xf32>,
        tpu.vector_store_idx %arg10[%add3A_587, %add3A_615], %gather3A_616 : memref<8x1024xf32, #tpu.memory_space<vmem>>[vector<16xi32>, vector<16xi32>], vector<16xf32>,
        tpu.vector_store_idx %arg10[%add3A_593, %add3A_615], %gather3A_617 : memref<8x1024xf32, #tpu.memory_space<vmem>>[vector<16xi32>, vector<16xi32>], vector<16xf32>,
        tpu.vector_store_idx %arg10[%add3A_599, %add3A_615], %gather3A_618 : memref<8x1024xf32, #tpu.memory_space<vmem>>[vector<16xi32>, vector<16xi32>], vector<16xf32>,
        tpu.vector_store_idx %arg10[%add3A_605, %add3A_615], %gather3A_619 : memref<8x1024xf32, #tpu.memory_space<vmem>>[vector<16xi32>, vector<16xi32>], vector<16xf32>,
        %add3A_627 = arith.constant 32 : i32
        %add3A_628 = vector.broadcast %add3A_627 : i32 to vector<16xi32>
        %add3A_629 = arith.addi %add3A_612, %add3A_628 : vector<16xi32>
        %gather3A_630 = tpu.vector_load_idx %arg6[%add3A_11, %add3A_572] : memref<128x64xf32, #tpu.memory_space<vmem>>[vector<16xi32>, vector<16xi32>], vector<16xf32>,
        %gather3A_631 = tpu.vector_load_idx %arg6[%add3A_11, %add3A_575] : memref<128x64xf32, #tpu.memory_space<vmem>>[vector<16xi32>, vector<16xi32>], vector<16xf32>,
        %gather3A_632 = tpu.vector_load_idx %arg6[%add3A_11, %add3A_578] : memref<128x64xf32, #tpu.memory_space<vmem>>[vector<16xi32>, vector<16xi32>], vector<16xf32>,
        %gather3A_633 = tpu.vector_load_idx %arg6[%add3A_11, %add3A_581] : memref<128x64xf32, #tpu.memory_space<vmem>>[vector<16xi32>, vector<16xi32>], vector<16xf32>,
        tpu.vector_store_idx %arg10[%add3A_587, %add3A_622], %gather3A_623 : memref<8x1024xf32, #tpu.memory_space<vmem>>[vector<16xi32>, vector<16xi32>], vector<16xf32>,
        tpu.vector_store_idx %arg10[%add3A_593, %add3A_622], %gather3A_624 : memref<8x1024xf32, #tpu.memory_space<vmem>>[vector<16xi32>, vector<16xi32>], vector<16xf32>,
        tpu.vector_store_idx %arg10[%add3A_599, %add3A_622], %gather3A_625 : memref<8x1024xf32, #tpu.memory_space<vmem>>[vector<16xi32>, vector<16xi32>], vector<16xf32>,
        tpu.vector_store_idx %arg10[%add3A_605, %add3A_622], %gather3A_626 : memref<8x1024xf32, #tpu.memory_space<vmem>>[vector<16xi32>, vector<16xi32>], vector<16xf32>,
        %add3A_634 = arith.constant 48 : i32
        %add3A_635 = vector.broadcast %add3A_634 : i32 to vector<16xi32>
        %add3A_636 = arith.addi %add3A_612, %add3A_635 : vector<16xi32>
        %gather3A_637 = tpu.vector_load_idx %arg6[%add3A_14, %add3A_572] : memref<128x64xf32, #tpu.memory_space<vmem>>[vector<16xi32>, vector<16xi32>], vector<16xf32>,
        %gather3A_638 = tpu.vector_load_idx %arg6[%add3A_14, %add3A_575] : memref<128x64xf32, #tpu.memory_space<vmem>>[vector<16xi32>, vector<16xi32>], vector<16xf32>,
        %gather3A_639 = tpu.vector_load_idx %arg6[%add3A_14, %add3A_578] : memref<128x64xf32, #tpu.memory_space<vmem>>[vector<16xi32>, vector<16xi32>], vector<16xf32>,
        %gather3A_640 = tpu.vector_load_idx %arg6[%add3A_14, %add3A_581] : memref<128x64xf32, #tpu.memory_space<vmem>>[vector<16xi32>, vector<16xi32>], vector<16xf32>,
        tpu.vector_store_idx %arg10[%add3A_587, %add3A_629], %gather3A_630 : memref<8x1024xf32, #tpu.memory_space<vmem>>[vector<16xi32>, vector<16xi32>], vector<16xf32>,
        tpu.vector_store_idx %arg10[%add3A_593, %add3A_629], %gather3A_631 : memref<8x1024xf32, #tpu.memory_space<vmem>>[vector<16xi32>, vector<16xi32>], vector<16xf32>,
        tpu.vector_store_idx %arg10[%add3A_599, %add3A_629], %gather3A_632 : memref<8x1024xf32, #tpu.memory_space<vmem>>[vector<16xi32>, vector<16xi32>], vector<16xf32>,
        tpu.vector_store_idx %arg10[%add3A_605, %add3A_629], %gather3A_633 : memref<8x1024xf32, #tpu.memory_space<vmem>>[vector<16xi32>, vector<16xi32>], vector<16xf32>,
        %add3A_641 = arith.constant 64 : i32
        %add3A_642 = vector.broadcast %add3A_641 : i32 to vector<16xi32>
        %add3A_643 = arith.addi %add3A_612, %add3A_642 : vector<16xi32>
        %gather3A_644 = tpu.vector_load_idx %arg6[%add3A_17, %add3A_572] : memref<128x64xf32, #tpu.memory_space<vmem>>[vector<16xi32>, vector<16xi32>], vector<16xf32>,
        %gather3A_645 = tpu.vector_load_idx %arg6[%add3A_17, %add3A_575] : memref<128x64xf32, #tpu.memory_space<vmem>>[vector<16xi32>, vector<16xi32>], vector<16xf32>,
        %gather3A_646 = tpu.vector_load_idx %arg6[%add3A_17, %add3A_578] : memref<128x64xf32, #tpu.memory_space<vmem>>[vector<16xi32>, vector<16xi32>], vector<16xf32>,
        %gather3A_647 = tpu.vector_load_idx %arg6[%add3A_17, %add3A_581] : memref<128x64xf32, #tpu.memory_space<vmem>>[vector<16xi32>, vector<16xi32>], vector<16xf32>,
        tpu.vector_store_idx %arg10[%add3A_587, %add3A_636], %gather3A_637 : memref<8x1024xf32, #tpu.memory_space<vmem>>[vector<16xi32>, vector<16xi32>], vector<16xf32>,
        tpu.vector_store_idx %arg10[%add3A_593, %add3A_636], %gather3A_638 : memref<8x1024xf32, #tpu.memory_space<vmem>>[vector<16xi32>, vector<16xi32>], vector<16xf32>,
        tpu.vector_store_idx %arg10[%add3A_599, %add3A_636], %gather3A_639 : memref<8x1024xf32, #tpu.memory_space<vmem>>[vector<16xi32>, vector<16xi32>], vector<16xf32>,
        tpu.vector_store_idx %arg10[%add3A_605, %add3A_636], %gather3A_640 : memref<8x1024xf32, #tpu.memory_space<vmem>>[vector<16xi32>, vector<16xi32>], vector<16xf32>,
        %add3A_648 = arith.constant 80 : i32
        %add3A_649 = vector.broadcast %add3A_648 : i32 to vector<16xi32>
        %add3A_650 = arith.addi %add3A_612, %add3A_649 : vector<16xi32>
        %gather3A_651 = tpu.vector_load_idx %arg6[%add3A_20, %add3A_572] : memref<128x64xf32, #tpu.memory_space<vmem>>[vector<16xi32>, vector<16xi32>], vector<16xf32>,
        %gather3A_652 = tpu.vector_load_idx %arg6[%add3A_20, %add3A_575] : memref<128x64xf32, #tpu.memory_space<vmem>>[vector<16xi32>, vector<16xi32>], vector<16xf32>,
        %gather3A_653 = tpu.vector_load_idx %arg6[%add3A_20, %add3A_578] : memref<128x64xf32, #tpu.memory_space<vmem>>[vector<16xi32>, vector<16xi32>], vector<16xf32>,
        %gather3A_654 = tpu.vector_load_idx %arg6[%add3A_20, %add3A_581] : memref<128x64xf32, #tpu.memory_space<vmem>>[vector<16xi32>, vector<16xi32>], vector<16xf32>,
        tpu.vector_store_idx %arg10[%add3A_587, %add3A_643], %gather3A_644 : memref<8x1024xf32, #tpu.memory_space<vmem>>[vector<16xi32>, vector<16xi32>], vector<16xf32>,
        tpu.vector_store_idx %arg10[%add3A_593, %add3A_643], %gather3A_645 : memref<8x1024xf32, #tpu.memory_space<vmem>>[vector<16xi32>, vector<16xi32>], vector<16xf32>,
        tpu.vector_store_idx %arg10[%add3A_599, %add3A_643], %gather3A_646 : memref<8x1024xf32, #tpu.memory_space<vmem>>[vector<16xi32>, vector<16xi32>], vector<16xf32>,
        tpu.vector_store_idx %arg10[%add3A_605, %add3A_643], %gather3A_647 : memref<8x1024xf32, #tpu.memory_space<vmem>>[vector<16xi32>, vector<16xi32>], vector<16xf32>,
        %add3A_655 = arith.constant 96 : i32
        %add3A_656 = vector.broadcast %add3A_655 : i32 to vector<16xi32>
        %add3A_657 = arith.addi %add3A_612, %add3A_656 : vector<16xi32>
        %gather3A_658 = tpu.vector_load_idx %arg6[%add3A_23, %add3A_572] : memref<128x64xf32, #tpu.memory_space<vmem>>[vector<16xi32>, vector<16xi32>], vector<16xf32>,
        %gather3A_659 = tpu.vector_load_idx %arg6[%add3A_23, %add3A_575] : memref<128x64xf32, #tpu.memory_space<vmem>>[vector<16xi32>, vector<16xi32>], vector<16xf32>,
        %gather3A_660 = tpu.vector_load_idx %arg6[%add3A_23, %add3A_578] : memref<128x64xf32, #tpu.memory_space<vmem>>[vector<16xi32>, vector<16xi32>], vector<16xf32>,
        %gather3A_661 = tpu.vector_load_idx %arg6[%add3A_23, %add3A_581] : memref<128x64xf32, #tpu.memory_space<vmem>>[vector<16xi32>, vector<16xi32>], vector<16xf32>,
        tpu.vector_store_idx %arg10[%add3A_587, %add3A_650], %gather3A_651 : memref<8x1024xf32, #tpu.memory_space<vmem>>[vector<16xi32>, vector<16xi32>], vector<16xf32>,
        tpu.vector_store_idx %arg10[%add3A_593, %add3A_650], %gather3A_652 : memref<8x1024xf32, #tpu.memory_space<vmem>>[vector<16xi32>, vector<16xi32>], vector<16xf32>,
        tpu.vector_store_idx %arg10[%add3A_599, %add3A_650], %gather3A_653 : memref<8x1024xf32, #tpu.memory_space<vmem>>[vector<16xi32>, vector<16xi32>], vector<16xf32>,
        tpu.vector_store_idx %arg10[%add3A_605, %add3A_650], %gather3A_654 : memref<8x1024xf32, #tpu.memory_space<vmem>>[vector<16xi32>, vector<16xi32>], vector<16xf32>,
        %add3A_662 = arith.constant 112 : i32
        %add3A_663 = vector.broadcast %add3A_662 : i32 to vector<16xi32>
        %add3A_664 = arith.addi %add3A_612, %add3A_663 : vector<16xi32>
        %gather3A_665 = tpu.vector_load_idx %arg6[%add3A_26, %add3A_572] : memref<128x64xf32, #tpu.memory_space<vmem>>[vector<16xi32>, vector<16xi32>], vector<16xf32>,
        %gather3A_666 = tpu.vector_load_idx %arg6[%add3A_26, %add3A_575] : memref<128x64xf32, #tpu.memory_space<vmem>>[vector<16xi32>, vector<16xi32>], vector<16xf32>,
        %gather3A_667 = tpu.vector_load_idx %arg6[%add3A_26, %add3A_578] : memref<128x64xf32, #tpu.memory_space<vmem>>[vector<16xi32>, vector<16xi32>], vector<16xf32>,
        %gather3A_668 = tpu.vector_load_idx %arg6[%add3A_26, %add3A_581] : memref<128x64xf32, #tpu.memory_space<vmem>>[vector<16xi32>, vector<16xi32>], vector<16xf32>,
        tpu.vector_store_idx %arg10[%add3A_587, %add3A_657], %gather3A_658 : memref<8x1024xf32, #tpu.memory_space<vmem>>[vector<16xi32>, vector<16xi32>], vector<16xf32>,
        tpu.vector_store_idx %arg10[%add3A_593, %add3A_657], %gather3A_659 : memref<8x1024xf32, #tpu.memory_space<vmem>>[vector<16xi32>, vector<16xi32>], vector<16xf32>,
        tpu.vector_store_idx %arg10[%add3A_599, %add3A_657], %gather3A_660 : memref<8x1024xf32, #tpu.memory_space<vmem>>[vector<16xi32>, vector<16xi32>], vector<16xf32>,
        tpu.vector_store_idx %arg10[%add3A_605, %add3A_657], %gather3A_661 : memref<8x1024xf32, #tpu.memory_space<vmem>>[vector<16xi32>, vector<16xi32>], vector<16xf32>,
        tpu.vector_store_idx %arg10[%add3A_587, %add3A_664], %gather3A_665 : memref<8x1024xf32, #tpu.memory_space<vmem>>[vector<16xi32>, vector<16xi32>], vector<16xf32>,
        tpu.vector_store_idx %arg10[%add3A_593, %add3A_664], %gather3A_666 : memref<8x1024xf32, #tpu.memory_space<vmem>>[vector<16xi32>, vector<16xi32>], vector<16xf32>,
        tpu.vector_store_idx %arg10[%add3A_599, %add3A_664], %gather3A_667 : memref<8x1024xf32, #tpu.memory_space<vmem>>[vector<16xi32>, vector<16xi32>], vector<16xf32>,
        tpu.vector_store_idx %arg10[%add3A_605, %add3A_664], %gather3A_668 : memref<8x1024xf32, #tpu.memory_space<vmem>>[vector<16xi32>, vector<16xi32>], vector<16xf32>,
      }
      %scan3A_114 = arith.constant 16 : i32
      %dma_start3A_115 = arith.constant 0 : i32
      %dma_start3A_116 = arith.constant 0 : i32
      %dma_start3A_117 = tpu.memref_slice %arg4[%add3A_101, %dma_start3A_115, %add3A, %dma_start3A_116] : memref<200x8x32x1024xf32, #tpu.memory_space<hbm>> -> memref<1x8x1x1024xf32, #tpu.memory_space<hbm>>
      %dma_start3A_118 = tpu.memref_squeeze %dma_start3A_117 : memref<1x8x1x1024xf32, #tpu.memory_space<hbm>> -> memref<8x1024xf32, #tpu.memory_space<hbm>>
      %dma_start3A_119 = arith.constant 0 : i32
      %dma_start3A_120 = arith.constant 0 : i32
      %dma_start3A_121 = tpu.memref_slice %arg4[%add3A_101, %dma_start3A_119, %add3A, %dma_start3A_120] : memref<200x8x32x1024xf32, #tpu.memory_space<hbm>> -> memref<1x8x1x1024xf32, #tpu.memory_space<hbm>>
      %dma_start3A_122 = tpu.memref_squeeze %dma_start3A_121 : memref<1x8x1x1024xf32, #tpu.memory_space<hbm>> -> memref<8x1024xf32, #tpu.memory_space<hbm>>
      tpu.enqueue_dma source(%arg10 : memref<8x1024xf32, #tpu.memory_space<vmem>>) target(%dma_start3A_122 : memref<8x1024xf32, #tpu.memory_space<hbm>>) target_semaphore(%arg18 : memref<!tpu.dma_semaphore, #tpu.memory_space<semaphore_mem>>)
      %add3A_123 = arith.constant 4 : i32
      %add3A_124 = arith.addi %add3A_101, %add3A_123 : i32
      %lt3A = arith.constant 200 : i32
      %lt3A_125 = arith.cmpi slt, %add3A_124, %lt3A : i32
      %convert_element_type3A_126 = arith.extui %lt3A_125 : i1 to i32
      %cond3A_127 = arith.constant 0 : i32
      %cond3A_128 = arith.cmpi ne, %convert_element_type3A_126, %cond3A_127 : i32
      scf.if %cond3A_128 {
        %add3A_234 = arith.constant 4 : i32
        %add3A_235 = arith.addi %add3A_101, %add3A_234 : i32
        %dma_start3A_236 = arith.constant 0 : i32
        %dma_start3A_237 = tpu.memref_slice %arg5[%add3A_235, %dma_start3A_236] : memref<200x128xi32, #tpu.memory_space<vmem>> -> memref<1x128xi32, #tpu.memory_space<vmem>>
        %dma_start3A_238 = tpu.memref_squeeze %dma_start3A_237 : memref<1x128xi32, #tpu.memory_space<vmem>> -> memref<128xi32, #tpu.memory_space<vmem>>
        %dma_start3A_239 = arith.constant 0 : i32
        %dma_start3A_240 = arith.constant 0 : i32
        %dma_start3A_241 = tpu.memref_slice %arg3[%dma_start3A_239, %dma_start3A_240] : memref<1000000x64xf32, #tpu.memory_space<hbm>> -> memref<1000000x64xf32, #tpu.memory_space<hbm>>
        tpu.enqueue_indirect_dma source(%dma_start3A_241 : memref<1000000x64xf32, #tpu.memory_space<hbm>>) target(%arg6 : memref<128x64xf32, #tpu.memory_space<vmem>>) offsets(%dma_start3A_238 : memref<128xi32, #tpu.memory_space<vmem>>) semaphore(%arg14 : memref<!tpu.dma_semaphore, #tpu.memory_space<semaphore_mem>>)
      } else {
      }
      %mul3A_129 = arith.constant 4 : i32
      %mul3A_130 = arith.muli %add3A_97, %mul3A_129 : i32
      %add3A_131 = arith.constant 1 : i32
      %add3A_132 = arith.addi %mul3A_130, %add3A_131 : i32
      %dma_wait3A_133 = arith.constant 0 : i32
      %dma_wait3A_134 = tpu.memref_slice %arg5[%add3A_132, %dma_wait3A_133] : memref<200x128xi32, #tpu.memory_space<vmem>> -> memref<1x128xi32, #tpu.memory_space<vmem>>
      %dma_wait3A_135 = tpu.memref_squeeze %dma_wait3A_134 : memref<1x128xi32, #tpu.memory_space<vmem>> -> memref<128xi32, #tpu.memory_space<vmem>>
      %dma_wait3A_136 = arith.constant 0 : i32
      %dma_wait3A_137 = arith.constant 0 : i32
      %dma_wait3A_138 = tpu.memref_slice %arg3[%dma_wait3A_136, %dma_wait3A_137] : memref<1000000x64xf32, #tpu.memory_space<hbm>> -> memref<1000000x64xf32, #tpu.memory_space<hbm>>
      tpu.wait_indirect_dma semaphore(%arg15 : memref<!tpu.dma_semaphore, #tpu.memory_space<semaphore_mem>>) src(%dma_wait3A_138 : memref<1000000x64xf32, #tpu.memory_space<hbm>>) dst(%arg7 : memref<128x64xf32, #tpu.memory_space<vmem>>)
      %gt3A_139 = arith.constant 0 : i32
      %gt3A_140 = arith.cmpi sgt, %add3A_97, %gt3A_139 : i32
      %convert_element_type3A_141 = arith.extui %gt3A_140 : i1 to i32
      %cond3A_142 = arith.constant 0 : i32
      %cond3A_143 = arith.cmpi ne, %convert_element_type3A_141, %cond3A_142 : i32
      scf.if %cond3A_143 {
        %sub3A = arith.constant 4 : i32
        %sub3A_234 = arith.subi %add3A_132, %sub3A : i32
        %dma_wait3A_235 = arith.constant 0 : i32
        %dma_wait3A_236 = arith.constant 0 : i32
        %dma_wait3A_237 = tpu.memref_slice %arg4[%sub3A_234, %dma_wait3A_235, %add3A, %dma_wait3A_236] : memref<200x8x32x1024xf32, #tpu.memory_space<hbm>> -> memref<1x8x1x1024xf32, #tpu.memory_space<hbm>>
        %dma_wait3A_238 = tpu.memref_squeeze %dma_wait3A_237 : memref<1x8x1x1024xf32, #tpu.memory_space<hbm>> -> memref<8x1024xf32, #tpu.memory_space<hbm>>
        %dma_wait3A_239 = arith.constant 0 : i32
        %dma_wait3A_240 = arith.constant 0 : i32
        %dma_wait3A_241 = tpu.memref_slice %arg4[%sub3A_234, %dma_wait3A_239, %add3A, %dma_wait3A_240] : memref<200x8x32x1024xf32, #tpu.memory_space<hbm>> -> memref<1x8x1x1024xf32, #tpu.memory_space<hbm>>
        %dma_wait3A_242 = tpu.memref_squeeze %dma_wait3A_241 : memref<1x8x1x1024xf32, #tpu.memory_space<hbm>> -> memref<8x1024xf32, #tpu.memory_space<hbm>>
        tpu.wait_dma2 semaphore(%arg19 : memref<!tpu.dma_semaphore, #tpu.memory_space<semaphore_mem>>) src(%arg11 : memref<8x1024xf32, #tpu.memory_space<vmem>>) dst(%dma_wait3A_242 : memref<8x1024xf32, #tpu.memory_space<hbm>>)
      } else {
      }
      %scan3A_144 = arith.constant 0 : i32
      %scan3A_145 = arith.constant 16 : i32
      %scan3A_146 = arith.addi %scan3A_144, %scan3A_145 : i32
      %scan3A_147 = arith.constant 4 : i32
      scf.for %scan3A_234 = %scan3A_144 to %scan3A_146 step %scan3A_147  : i32 {
        %mul3A_235 = arith.constant 1 : i32
        %mul3A_236 = arith.muli %scan3A_234, %mul3A_235 : i32
        %add3A_237 = arith.constant 0 : i32
        %add3A_238 = arith.addi %add3A_237, %mul3A_236 : i32
        %add3A_239 = vector.broadcast %add3A_238 : i32 to vector<16xi32>
        %add3A_240 = arith.addi %iota3A, %add3A_239 : vector<16xi32>
        %and3A = arith.constant 15 : i32
        %and3A_241 = vector.broadcast %and3A : i32 to vector<16xi32>
        %and3A_242 = arith.andi %add3A_240, %and3A_241 : vector<16xi32>
        %add3A_243 = arith.constant 0 : i32
        %add3A_244 = vector.broadcast %add3A_243 : i32 to vector<16xi32>
        %add3A_245 = arith.addi %and3A_242, %add3A_244 : vector<16xi32>
        %add3A_246 = arith.constant 16 : i32
        %add3A_247 = vector.broadcast %add3A_246 : i32 to vector<16xi32>
        %add3A_248 = arith.addi %and3A_242, %add3A_247 : vector<16xi32>
        %add3A_249 = arith.constant 32 : i32
        %add3A_250 = vector.broadcast %add3A_249 : i32 to vector<16xi32>
        %add3A_251 = arith.addi %and3A_242, %add3A_250 : vector<16xi32>
        %add3A_252 = arith.constant 48 : i32
        %add3A_253 = vector.broadcast %add3A_252 : i32 to vector<16xi32>
        %add3A_254 = arith.addi %and3A_242, %add3A_253 : vector<16xi32>
        %shift_right_arithmetic3A = arith.constant 3 : i32
        %shift_right_arithmetic3A_255 = vector.broadcast %shift_right_arithmetic3A : i32 to vector<16xi32>
        %shift_right_arithmetic3A_256 = arith.shrsi %and3A_242, %shift_right_arithmetic3A_255 : vector<16xi32>
        %add3A_257 = arith.constant 0 : i32
        %add3A_258 = vector.broadcast %add3A_257 : i32 to vector<16xi32>
        %add3A_259 = arith.addi %shift_right_arithmetic3A_256, %add3A_258 : vector<16xi32>
        %shift_right_arithmetic3A_260 = arith.constant 3 : i32
        %shift_right_arithmetic3A_261 = vector.broadcast %shift_right_arithmetic3A_260 : i32 to vector<16xi32>
        %shift_right_arithmetic3A_262 = arith.shrsi %and3A_242, %shift_right_arithmetic3A_261 : vector<16xi32>
        %add3A_263 = arith.constant 2 : i32
        %add3A_264 = vector.broadcast %add3A_263 : i32 to vector<16xi32>
        %add3A_265 = arith.addi %shift_right_arithmetic3A_262, %add3A_264 : vector<16xi32>
        %shift_right_arithmetic3A_266 = arith.constant 3 : i32
        %shift_right_arithmetic3A_267 = vector.broadcast %shift_right_arithmetic3A_266 : i32 to vector<16xi32>
        %shift_right_arithmetic3A_268 = arith.shrsi %and3A_242, %shift_right_arithmetic3A_267 : vector<16xi32>
        %add3A_269 = arith.constant 4 : i32
        %add3A_270 = vector.broadcast %add3A_269 : i32 to vector<16xi32>
        %add3A_271 = arith.addi %shift_right_arithmetic3A_268, %add3A_270 : vector<16xi32>
        %shift_right_arithmetic3A_272 = arith.constant 3 : i32
        %shift_right_arithmetic3A_273 = vector.broadcast %shift_right_arithmetic3A_272 : i32 to vector<16xi32>
        %shift_right_arithmetic3A_274 = arith.shrsi %and3A_242, %shift_right_arithmetic3A_273 : vector<16xi32>
        %add3A_275 = arith.constant 6 : i32
        %add3A_276 = vector.broadcast %add3A_275 : i32 to vector<16xi32>
        %add3A_277 = arith.addi %shift_right_arithmetic3A_274, %add3A_276 : vector<16xi32>
        %and3A_278 = arith.constant 7 : i32
        %and3A_279 = vector.broadcast %and3A_278 : i32 to vector<16xi32>
        %and3A_280 = arith.andi %and3A_242, %and3A_279 : vector<16xi32>
        %shift_left3A = arith.constant 7 : i32
        %shift_left3A_281 = vector.broadcast %shift_left3A : i32 to vector<16xi32>
        %shift_left3A_282 = arith.shli %and3A_280, %shift_left3A_281 : vector<16xi32>
        %add3A_283 = arith.addi %shift_left3A_282, %iota3A : vector<16xi32>
        %add3A_284 = arith.constant 0 : i32
        %add3A_285 = vector.broadcast %add3A_284 : i32 to vector<16xi32>
        %add3A_286 = arith.addi %add3A_283, %add3A_285 : vector<16xi32>
        %gather3A = tpu.vector_load_idx %arg7[%add3A_5, %add3A_245] : memref<128x64xf32, #tpu.memory_space<vmem>>[vector<16xi32>, vector<16xi32>], vector<16xf32>,
        %gather3A_287 = tpu.vector_load_idx %arg7[%add3A_5, %add3A_248] : memref<128x64xf32, #tpu.memory_space<vmem>>[vector<16xi32>, vector<16xi32>], vector<16xf32>,
        %gather3A_288 = tpu.vector_load_idx %arg7[%add3A_5, %add3A_251] : memref<128x64xf32, #tpu.memory_space<vmem>>[vector<16xi32>, vector<16xi32>], vector<16xf32>,
        %gather3A_289 = tpu.vector_load_idx %arg7[%add3A_5, %add3A_254] : memref<128x64xf32, #tpu.memory_space<vmem>>[vector<16xi32>, vector<16xi32>], vector<16xf32>,
        %add3A_290 = arith.constant 16 : i32
        %add3A_291 = vector.broadcast %add3A_290 : i32 to vector<16xi32>
        %add3A_292 = arith.addi %add3A_283, %add3A_291 : vector<16xi32>
        %gather3A_293 = tpu.vector_load_idx %arg7[%add3A_8, %add3A_245] : memref<128x64xf32, #tpu.memory_space<vmem>>[vector<16xi32>, vector<16xi32>], vector<16xf32>,
        %gather3A_294 = tpu.vector_load_idx %arg7[%add3A_8, %add3A_248] : memref<128x64xf32, #tpu.memory_space<vmem>>[vector<16xi32>, vector<16xi32>], vector<16xf32>,
        %gather3A_295 = tpu.vector_load_idx %arg7[%add3A_8, %add3A_251] : memref<128x64xf32, #tpu.memory_space<vmem>>[vector<16xi32>, vector<16xi32>], vector<16xf32>,
        %gather3A_296 = tpu.vector_load_idx %arg7[%add3A_8, %add3A_254] : memref<128x64xf32, #tpu.memory_space<vmem>>[vector<16xi32>, vector<16xi32>], vector<16xf32>,
        tpu.vector_store_idx %arg11[%add3A_259, %add3A_286], %gather3A : memref<8x1024xf32, #tpu.memory_space<vmem>>[vector<16xi32>, vector<16xi32>], vector<16xf32>,
        tpu.vector_store_idx %arg11[%add3A_265, %add3A_286], %gather3A_287 : memref<8x1024xf32, #tpu.memory_space<vmem>>[vector<16xi32>, vector<16xi32>], vector<16xf32>,
        tpu.vector_store_idx %arg11[%add3A_271, %add3A_286], %gather3A_288 : memref<8x1024xf32, #tpu.memory_space<vmem>>[vector<16xi32>, vector<16xi32>], vector<16xf32>,
        tpu.vector_store_idx %arg11[%add3A_277, %add3A_286], %gather3A_289 : memref<8x1024xf32, #tpu.memory_space<vmem>>[vector<16xi32>, vector<16xi32>], vector<16xf32>,
        %add3A_297 = arith.constant 32 : i32
        %add3A_298 = vector.broadcast %add3A_297 : i32 to vector<16xi32>
        %add3A_299 = arith.addi %add3A_283, %add3A_298 : vector<16xi32>
        %gather3A_300 = tpu.vector_load_idx %arg7[%add3A_11, %add3A_245] : memref<128x64xf32, #tpu.memory_space<vmem>>[vector<16xi32>, vector<16xi32>], vector<16xf32>,
        %gather3A_301 = tpu.vector_load_idx %arg7[%add3A_11, %add3A_248] : memref<128x64xf32, #tpu.memory_space<vmem>>[vector<16xi32>, vector<16xi32>], vector<16xf32>,
        %gather3A_302 = tpu.vector_load_idx %arg7[%add3A_11, %add3A_251] : memref<128x64xf32, #tpu.memory_space<vmem>>[vector<16xi32>, vector<16xi32>], vector<16xf32>,
        %gather3A_303 = tpu.vector_load_idx %arg7[%add3A_11, %add3A_254] : memref<128x64xf32, #tpu.memory_space<vmem>>[vector<16xi32>, vector<16xi32>], vector<16xf32>,
        tpu.vector_store_idx %arg11[%add3A_259, %add3A_292], %gather3A_293 : memref<8x1024xf32, #tpu.memory_space<vmem>>[vector<16xi32>, vector<16xi32>], vector<16xf32>,
        tpu.vector_store_idx %arg11[%add3A_265, %add3A_292], %gather3A_294 : memref<8x1024xf32, #tpu.memory_space<vmem>>[vector<16xi32>, vector<16xi32>], vector<16xf32>,
        tpu.vector_store_idx %arg11[%add3A_271, %add3A_292], %gather3A_295 : memref<8x1024xf32, #tpu.memory_space<vmem>>[vector<16xi32>, vector<16xi32>], vector<16xf32>,
        tpu.vector_store_idx %arg11[%add3A_277, %add3A_292], %gather3A_296 : memref<8x1024xf32, #tpu.memory_space<vmem>>[vector<16xi32>, vector<16xi32>], vector<16xf32>,
        %add3A_304 = arith.constant 48 : i32
        %add3A_305 = vector.broadcast %add3A_304 : i32 to vector<16xi32>
        %add3A_306 = arith.addi %add3A_283, %add3A_305 : vector<16xi32>
        %gather3A_307 = tpu.vector_load_idx %arg7[%add3A_14, %add3A_245] : memref<128x64xf32, #tpu.memory_space<vmem>>[vector<16xi32>, vector<16xi32>], vector<16xf32>,
        %gather3A_308 = tpu.vector_load_idx %arg7[%add3A_14, %add3A_248] : memref<128x64xf32, #tpu.memory_space<vmem>>[vector<16xi32>, vector<16xi32>], vector<16xf32>,
        %gather3A_309 = tpu.vector_load_idx %arg7[%add3A_14, %add3A_251] : memref<128x64xf32, #tpu.memory_space<vmem>>[vector<16xi32>, vector<16xi32>], vector<16xf32>,
        %gather3A_310 = tpu.vector_load_idx %arg7[%add3A_14, %add3A_254] : memref<128x64xf32, #tpu.memory_space<vmem>>[vector<16xi32>, vector<16xi32>], vector<16xf32>,
        tpu.vector_store_idx %arg11[%add3A_259, %add3A_299], %gather3A_300 : memref<8x1024xf32, #tpu.memory_space<vmem>>[vector<16xi32>, vector<16xi32>], vector<16xf32>,
        tpu.vector_store_idx %arg11[%add3A_265, %add3A_299], %gather3A_301 : memref<8x1024xf32, #tpu.memory_space<vmem>>[vector<16xi32>, vector<16xi32>], vector<16xf32>,
        tpu.vector_store_idx %arg11[%add3A_271, %add3A_299], %gather3A_302 : memref<8x1024xf32, #tpu.memory_space<vmem>>[vector<16xi32>, vector<16xi32>], vector<16xf32>,
        tpu.vector_store_idx %arg11[%add3A_277, %add3A_299], %gather3A_303 : memref<8x1024xf32, #tpu.memory_space<vmem>>[vector<16xi32>, vector<16xi32>], vector<16xf32>,
        %add3A_311 = arith.constant 64 : i32
        %add3A_312 = vector.broadcast %add3A_311 : i32 to vector<16xi32>
        %add3A_313 = arith.addi %add3A_283, %add3A_312 : vector<16xi32>
        %gather3A_314 = tpu.vector_load_idx %arg7[%add3A_17, %add3A_245] : memref<128x64xf32, #tpu.memory_space<vmem>>[vector<16xi32>, vector<16xi32>], vector<16xf32>,
        %gather3A_315 = tpu.vector_load_idx %arg7[%add3A_17, %add3A_248] : memref<128x64xf32, #tpu.memory_space<vmem>>[vector<16xi32>, vector<16xi32>], vector<16xf32>,
        %gather3A_316 = tpu.vector_load_idx %arg7[%add3A_17, %add3A_251] : memref<128x64xf32, #tpu.memory_space<vmem>>[vector<16xi32>, vector<16xi32>], vector<16xf32>,
        %gather3A_317 = tpu.vector_load_idx %arg7[%add3A_17, %add3A_254] : memref<128x64xf32, #tpu.memory_space<vmem>>[vector<16xi32>, vector<16xi32>], vector<16xf32>,
        tpu.vector_store_idx %arg11[%add3A_259, %add3A_306], %gather3A_307 : memref<8x1024xf32, #tpu.memory_space<vmem>>[vector<16xi32>, vector<16xi32>], vector<16xf32>,
        tpu.vector_store_idx %arg11[%add3A_265, %add3A_306], %gather3A_308 : memref<8x1024xf32, #tpu.memory_space<vmem>>[vector<16xi32>, vector<16xi32>], vector<16xf32>,
        tpu.vector_store_idx %arg11[%add3A_271, %add3A_306], %gather3A_309 : memref<8x1024xf32, #tpu.memory_space<vmem>>[vector<16xi32>, vector<16xi32>], vector<16xf32>,
        tpu.vector_store_idx %arg11[%add3A_277, %add3A_306], %gather3A_310 : memref<8x1024xf32, #tpu.memory_space<vmem>>[vector<16xi32>, vector<16xi32>], vector<16xf32>,
        %add3A_318 = arith.constant 80 : i32
        %add3A_319 = vector.broadcast %add3A_318 : i32 to vector<16xi32>
        %add3A_320 = arith.addi %add3A_283, %add3A_319 : vector<16xi32>
        %gather3A_321 = tpu.vector_load_idx %arg7[%add3A_20, %add3A_245] : memref<128x64xf32, #tpu.memory_space<vmem>>[vector<16xi32>, vector<16xi32>], vector<16xf32>,
        %gather3A_322 = tpu.vector_load_idx %arg7[%add3A_20, %add3A_248] : memref<128x64xf32, #tpu.memory_space<vmem>>[vector<16xi32>, vector<16xi32>], vector<16xf32>,
        %gather3A_323 = tpu.vector_load_idx %arg7[%add3A_20, %add3A_251] : memref<128x64xf32, #tpu.memory_space<vmem>>[vector<16xi32>, vector<16xi32>], vector<16xf32>,
        %gather3A_324 = tpu.vector_load_idx %arg7[%add3A_20, %add3A_254] : memref<128x64xf32, #tpu.memory_space<vmem>>[vector<16xi32>, vector<16xi32>], vector<16xf32>,
        tpu.vector_store_idx %arg11[%add3A_259, %add3A_313], %gather3A_314 : memref<8x1024xf32, #tpu.memory_space<vmem>>[vector<16xi32>, vector<16xi32>], vector<16xf32>,
        tpu.vector_store_idx %arg11[%add3A_265, %add3A_313], %gather3A_315 : memref<8x1024xf32, #tpu.memory_space<vmem>>[vector<16xi32>, vector<16xi32>], vector<16xf32>,
        tpu.vector_store_idx %arg11[%add3A_271, %add3A_313], %gather3A_316 : memref<8x1024xf32, #tpu.memory_space<vmem>>[vector<16xi32>, vector<16xi32>], vector<16xf32>,
        tpu.vector_store_idx %arg11[%add3A_277, %add3A_313], %gather3A_317 : memref<8x1024xf32, #tpu.memory_space<vmem>>[vector<16xi32>, vector<16xi32>], vector<16xf32>,
        %add3A_325 = arith.constant 96 : i32
        %add3A_326 = vector.broadcast %add3A_325 : i32 to vector<16xi32>
        %add3A_327 = arith.addi %add3A_283, %add3A_326 : vector<16xi32>
        %gather3A_328 = tpu.vector_load_idx %arg7[%add3A_23, %add3A_245] : memref<128x64xf32, #tpu.memory_space<vmem>>[vector<16xi32>, vector<16xi32>], vector<16xf32>,
        %gather3A_329 = tpu.vector_load_idx %arg7[%add3A_23, %add3A_248] : memref<128x64xf32, #tpu.memory_space<vmem>>[vector<16xi32>, vector<16xi32>], vector<16xf32>,
        %gather3A_330 = tpu.vector_load_idx %arg7[%add3A_23, %add3A_251] : memref<128x64xf32, #tpu.memory_space<vmem>>[vector<16xi32>, vector<16xi32>], vector<16xf32>,
        %gather3A_331 = tpu.vector_load_idx %arg7[%add3A_23, %add3A_254] : memref<128x64xf32, #tpu.memory_space<vmem>>[vector<16xi32>, vector<16xi32>], vector<16xf32>,
        tpu.vector_store_idx %arg11[%add3A_259, %add3A_320], %gather3A_321 : memref<8x1024xf32, #tpu.memory_space<vmem>>[vector<16xi32>, vector<16xi32>], vector<16xf32>,
        tpu.vector_store_idx %arg11[%add3A_265, %add3A_320], %gather3A_322 : memref<8x1024xf32, #tpu.memory_space<vmem>>[vector<16xi32>, vector<16xi32>], vector<16xf32>,
        tpu.vector_store_idx %arg11[%add3A_271, %add3A_320], %gather3A_323 : memref<8x1024xf32, #tpu.memory_space<vmem>>[vector<16xi32>, vector<16xi32>], vector<16xf32>,
        tpu.vector_store_idx %arg11[%add3A_277, %add3A_320], %gather3A_324 : memref<8x1024xf32, #tpu.memory_space<vmem>>[vector<16xi32>, vector<16xi32>], vector<16xf32>,
        %add3A_332 = arith.constant 112 : i32
        %add3A_333 = vector.broadcast %add3A_332 : i32 to vector<16xi32>
        %add3A_334 = arith.addi %add3A_283, %add3A_333 : vector<16xi32>
        %gather3A_335 = tpu.vector_load_idx %arg7[%add3A_26, %add3A_245] : memref<128x64xf32, #tpu.memory_space<vmem>>[vector<16xi32>, vector<16xi32>], vector<16xf32>,
        %gather3A_336 = tpu.vector_load_idx %arg7[%add3A_26, %add3A_248] : memref<128x64xf32, #tpu.memory_space<vmem>>[vector<16xi32>, vector<16xi32>], vector<16xf32>,
        %gather3A_337 = tpu.vector_load_idx %arg7[%add3A_26, %add3A_251] : memref<128x64xf32, #tpu.memory_space<vmem>>[vector<16xi32>, vector<16xi32>], vector<16xf32>,
        %gather3A_338 = tpu.vector_load_idx %arg7[%add3A_26, %add3A_254] : memref<128x64xf32, #tpu.memory_space<vmem>>[vector<16xi32>, vector<16xi32>], vector<16xf32>,
        tpu.vector_store_idx %arg11[%add3A_259, %add3A_327], %gather3A_328 : memref<8x1024xf32, #tpu.memory_space<vmem>>[vector<16xi32>, vector<16xi32>], vector<16xf32>,
        tpu.vector_store_idx %arg11[%add3A_265, %add3A_327], %gather3A_329 : memref<8x1024xf32, #tpu.memory_space<vmem>>[vector<16xi32>, vector<16xi32>], vector<16xf32>,
        tpu.vector_store_idx %arg11[%add3A_271, %add3A_327], %gather3A_330 : memref<8x1024xf32, #tpu.memory_space<vmem>>[vector<16xi32>, vector<16xi32>], vector<16xf32>,
        tpu.vector_store_idx %arg11[%add3A_277, %add3A_327], %gather3A_331 : memref<8x1024xf32, #tpu.memory_space<vmem>>[vector<16xi32>, vector<16xi32>], vector<16xf32>,
        tpu.vector_store_idx %arg11[%add3A_259, %add3A_334], %gather3A_335 : memref<8x1024xf32, #tpu.memory_space<vmem>>[vector<16xi32>, vector<16xi32>], vector<16xf32>,
        tpu.vector_store_idx %arg11[%add3A_265, %add3A_334], %gather3A_336 : memref<8x1024xf32, #tpu.memory_space<vmem>>[vector<16xi32>, vector<16xi32>], vector<16xf32>,
        tpu.vector_store_idx %arg11[%add3A_271, %add3A_334], %gather3A_337 : memref<8x1024xf32, #tpu.memory_space<vmem>>[vector<16xi32>, vector<16xi32>], vector<16xf32>,
        tpu.vector_store_idx %arg11[%add3A_277, %add3A_334], %gather3A_338 : memref<8x1024xf32, #tpu.memory_space<vmem>>[vector<16xi32>, vector<16xi32>], vector<16xf32>,
        %scan3A_339 = arith.constant 1 : i32
        %scan3A_340 = arith.addi %scan3A_234, %scan3A_339 : i32
        %mul3A_341 = arith.constant 1 : i32
        %mul3A_342 = arith.muli %scan3A_340, %mul3A_341 : i32
        %add3A_343 = arith.constant 0 : i32
        %add3A_344 = arith.addi %add3A_343, %mul3A_342 : i32
        %add3A_345 = vector.broadcast %add3A_344 : i32 to vector<16xi32>
        %add3A_346 = arith.addi %iota3A, %add3A_345 : vector<16xi32>
        %and3A_347 = arith.constant 15 : i32
        %and3A_348 = vector.broadcast %and3A_347 : i32 to vector<16xi32>
        %and3A_349 = arith.andi %add3A_346, %and3A_348 : vector<16xi32>
        %add3A_350 = arith.constant 0 : i32
        %add3A_351 = vector.broadcast %add3A_350 : i32 to vector<16xi32>
        %add3A_352 = arith.addi %and3A_349, %add3A_351 : vector<16xi32>
        %add3A_353 = arith.constant 16 : i32
        %add3A_354 = vector.broadcast %add3A_353 : i32 to vector<16xi32>
        %add3A_355 = arith.addi %and3A_349, %add3A_354 : vector<16xi32>
        %add3A_356 = arith.constant 32 : i32
        %add3A_357 = vector.broadcast %add3A_356 : i32 to vector<16xi32>
        %add3A_358 = arith.addi %and3A_349, %add3A_357 : vector<16xi32>
        %add3A_359 = arith.constant 48 : i32
        %add3A_360 = vector.broadcast %add3A_359 : i32 to vector<16xi32>
        %add3A_361 = arith.addi %and3A_349, %add3A_360 : vector<16xi32>
        %shift_right_arithmetic3A_362 = arith.constant 3 : i32
        %shift_right_arithmetic3A_363 = vector.broadcast %shift_right_arithmetic3A_362 : i32 to vector<16xi32>
        %shift_right_arithmetic3A_364 = arith.shrsi %and3A_349, %shift_right_arithmetic3A_363 : vector<16xi32>
        %add3A_365 = arith.constant 0 : i32
        %add3A_366 = vector.broadcast %add3A_365 : i32 to vector<16xi32>
        %add3A_367 = arith.addi %shift_right_arithmetic3A_364, %add3A_366 : vector<16xi32>
        %shift_right_arithmetic3A_368 = arith.constant 3 : i32
        %shift_right_arithmetic3A_369 = vector.broadcast %shift_right_arithmetic3A_368 : i32 to vector<16xi32>
        %shift_right_arithmetic3A_370 = arith.shrsi %and3A_349, %shift_right_arithmetic3A_369 : vector<16xi32>
        %add3A_371 = arith.constant 2 : i32
        %add3A_372 = vector.broadcast %add3A_371 : i32 to vector<16xi32>
        %add3A_373 = arith.addi %shift_right_arithmetic3A_370, %add3A_372 : vector<16xi32>
        %shift_right_arithmetic3A_374 = arith.constant 3 : i32
        %shift_right_arithmetic3A_375 = vector.broadcast %shift_right_arithmetic3A_374 : i32 to vector<16xi32>
        %shift_right_arithmetic3A_376 = arith.shrsi %and3A_349, %shift_right_arithmetic3A_375 : vector<16xi32>
        %add3A_377 = arith.constant 4 : i32
        %add3A_378 = vector.broadcast %add3A_377 : i32 to vector<16xi32>
        %add3A_379 = arith.addi %shift_right_arithmetic3A_376, %add3A_378 : vector<16xi32>
        %shift_right_arithmetic3A_380 = arith.constant 3 : i32
        %shift_right_arithmetic3A_381 = vector.broadcast %shift_right_arithmetic3A_380 : i32 to vector<16xi32>
        %shift_right_arithmetic3A_382 = arith.shrsi %and3A_349, %shift_right_arithmetic3A_381 : vector<16xi32>
        %add3A_383 = arith.constant 6 : i32
        %add3A_384 = vector.broadcast %add3A_383 : i32 to vector<16xi32>
        %add3A_385 = arith.addi %shift_right_arithmetic3A_382, %add3A_384 : vector<16xi32>
        %and3A_386 = arith.constant 7 : i32
        %and3A_387 = vector.broadcast %and3A_386 : i32 to vector<16xi32>
        %and3A_388 = arith.andi %and3A_349, %and3A_387 : vector<16xi32>
        %shift_left3A_389 = arith.constant 7 : i32
        %shift_left3A_390 = vector.broadcast %shift_left3A_389 : i32 to vector<16xi32>
        %shift_left3A_391 = arith.shli %and3A_388, %shift_left3A_390 : vector<16xi32>
        %add3A_392 = arith.addi %shift_left3A_391, %iota3A : vector<16xi32>
        %add3A_393 = arith.constant 0 : i32
        %add3A_394 = vector.broadcast %add3A_393 : i32 to vector<16xi32>
        %add3A_395 = arith.addi %add3A_392, %add3A_394 : vector<16xi32>
        %gather3A_396 = tpu.vector_load_idx %arg7[%add3A_5, %add3A_352] : memref<128x64xf32, #tpu.memory_space<vmem>>[vector<16xi32>, vector<16xi32>], vector<16xf32>,
        %gather3A_397 = tpu.vector_load_idx %arg7[%add3A_5, %add3A_355] : memref<128x64xf32, #tpu.memory_space<vmem>>[vector<16xi32>, vector<16xi32>], vector<16xf32>,
        %gather3A_398 = tpu.vector_load_idx %arg7[%add3A_5, %add3A_358] : memref<128x64xf32, #tpu.memory_space<vmem>>[vector<16xi32>, vector<16xi32>], vector<16xf32>,
        %gather3A_399 = tpu.vector_load_idx %arg7[%add3A_5, %add3A_361] : memref<128x64xf32, #tpu.memory_space<vmem>>[vector<16xi32>, vector<16xi32>], vector<16xf32>,
        %add3A_400 = arith.constant 16 : i32
        %add3A_401 = vector.broadcast %add3A_400 : i32 to vector<16xi32>
        %add3A_402 = arith.addi %add3A_392, %add3A_401 : vector<16xi32>
        %gather3A_403 = tpu.vector_load_idx %arg7[%add3A_8, %add3A_352] : memref<128x64xf32, #tpu.memory_space<vmem>>[vector<16xi32>, vector<16xi32>], vector<16xf32>,
        %gather3A_404 = tpu.vector_load_idx %arg7[%add3A_8, %add3A_355] : memref<128x64xf32, #tpu.memory_space<vmem>>[vector<16xi32>, vector<16xi32>], vector<16xf32>,
        %gather3A_405 = tpu.vector_load_idx %arg7[%add3A_8, %add3A_358] : memref<128x64xf32, #tpu.memory_space<vmem>>[vector<16xi32>, vector<16xi32>], vector<16xf32>,
        %gather3A_406 = tpu.vector_load_idx %arg7[%add3A_8, %add3A_361] : memref<128x64xf32, #tpu.memory_space<vmem>>[vector<16xi32>, vector<16xi32>], vector<16xf32>,
        tpu.vector_store_idx %arg11[%add3A_367, %add3A_395], %gather3A_396 : memref<8x1024xf32, #tpu.memory_space<vmem>>[vector<16xi32>, vector<16xi32>], vector<16xf32>,
        tpu.vector_store_idx %arg11[%add3A_373, %add3A_395], %gather3A_397 : memref<8x1024xf32, #tpu.memory_space<vmem>>[vector<16xi32>, vector<16xi32>], vector<16xf32>,
        tpu.vector_store_idx %arg11[%add3A_379, %add3A_395], %gather3A_398 : memref<8x1024xf32, #tpu.memory_space<vmem>>[vector<16xi32>, vector<16xi32>], vector<16xf32>,
        tpu.vector_store_idx %arg11[%add3A_385, %add3A_395], %gather3A_399 : memref<8x1024xf32, #tpu.memory_space<vmem>>[vector<16xi32>, vector<16xi32>], vector<16xf32>,
        %add3A_407 = arith.constant 32 : i32
        %add3A_408 = vector.broadcast %add3A_407 : i32 to vector<16xi32>
        %add3A_409 = arith.addi %add3A_392, %add3A_408 : vector<16xi32>
        %gather3A_410 = tpu.vector_load_idx %arg7[%add3A_11, %add3A_352] : memref<128x64xf32, #tpu.memory_space<vmem>>[vector<16xi32>, vector<16xi32>], vector<16xf32>,
        %gather3A_411 = tpu.vector_load_idx %arg7[%add3A_11, %add3A_355] : memref<128x64xf32, #tpu.memory_space<vmem>>[vector<16xi32>, vector<16xi32>], vector<16xf32>,
        %gather3A_412 = tpu.vector_load_idx %arg7[%add3A_11, %add3A_358] : memref<128x64xf32, #tpu.memory_space<vmem>>[vector<16xi32>, vector<16xi32>], vector<16xf32>,
        %gather3A_413 = tpu.vector_load_idx %arg7[%add3A_11, %add3A_361] : memref<128x64xf32, #tpu.memory_space<vmem>>[vector<16xi32>, vector<16xi32>], vector<16xf32>,
        tpu.vector_store_idx %arg11[%add3A_367, %add3A_402], %gather3A_403 : memref<8x1024xf32, #tpu.memory_space<vmem>>[vector<16xi32>, vector<16xi32>], vector<16xf32>,
        tpu.vector_store_idx %arg11[%add3A_373, %add3A_402], %gather3A_404 : memref<8x1024xf32, #tpu.memory_space<vmem>>[vector<16xi32>, vector<16xi32>], vector<16xf32>,
        tpu.vector_store_idx %arg11[%add3A_379, %add3A_402], %gather3A_405 : memref<8x1024xf32, #tpu.memory_space<vmem>>[vector<16xi32>, vector<16xi32>], vector<16xf32>,
        tpu.vector_store_idx %arg11[%add3A_385, %add3A_402], %gather3A_406 : memref<8x1024xf32, #tpu.memory_space<vmem>>[vector<16xi32>, vector<16xi32>], vector<16xf32>,
        %add3A_414 = arith.constant 48 : i32
        %add3A_415 = vector.broadcast %add3A_414 : i32 to vector<16xi32>
        %add3A_416 = arith.addi %add3A_392, %add3A_415 : vector<16xi32>
        %gather3A_417 = tpu.vector_load_idx %arg7[%add3A_14, %add3A_352] : memref<128x64xf32, #tpu.memory_space<vmem>>[vector<16xi32>, vector<16xi32>], vector<16xf32>,
        %gather3A_418 = tpu.vector_load_idx %arg7[%add3A_14, %add3A_355] : memref<128x64xf32, #tpu.memory_space<vmem>>[vector<16xi32>, vector<16xi32>], vector<16xf32>,
        %gather3A_419 = tpu.vector_load_idx %arg7[%add3A_14, %add3A_358] : memref<128x64xf32, #tpu.memory_space<vmem>>[vector<16xi32>, vector<16xi32>], vector<16xf32>,
        %gather3A_420 = tpu.vector_load_idx %arg7[%add3A_14, %add3A_361] : memref<128x64xf32, #tpu.memory_space<vmem>>[vector<16xi32>, vector<16xi32>], vector<16xf32>,
        tpu.vector_store_idx %arg11[%add3A_367, %add3A_409], %gather3A_410 : memref<8x1024xf32, #tpu.memory_space<vmem>>[vector<16xi32>, vector<16xi32>], vector<16xf32>,
        tpu.vector_store_idx %arg11[%add3A_373, %add3A_409], %gather3A_411 : memref<8x1024xf32, #tpu.memory_space<vmem>>[vector<16xi32>, vector<16xi32>], vector<16xf32>,
        tpu.vector_store_idx %arg11[%add3A_379, %add3A_409], %gather3A_412 : memref<8x1024xf32, #tpu.memory_space<vmem>>[vector<16xi32>, vector<16xi32>], vector<16xf32>,
        tpu.vector_store_idx %arg11[%add3A_385, %add3A_409], %gather3A_413 : memref<8x1024xf32, #tpu.memory_space<vmem>>[vector<16xi32>, vector<16xi32>], vector<16xf32>,
        %add3A_421 = arith.constant 64 : i32
        %add3A_422 = vector.broadcast %add3A_421 : i32 to vector<16xi32>
        %add3A_423 = arith.addi %add3A_392, %add3A_422 : vector<16xi32>
        %gather3A_424 = tpu.vector_load_idx %arg7[%add3A_17, %add3A_352] : memref<128x64xf32, #tpu.memory_space<vmem>>[vector<16xi32>, vector<16xi32>], vector<16xf32>,
        %gather3A_425 = tpu.vector_load_idx %arg7[%add3A_17, %add3A_355] : memref<128x64xf32, #tpu.memory_space<vmem>>[vector<16xi32>, vector<16xi32>], vector<16xf32>,
        %gather3A_426 = tpu.vector_load_idx %arg7[%add3A_17, %add3A_358] : memref<128x64xf32, #tpu.memory_space<vmem>>[vector<16xi32>, vector<16xi32>], vector<16xf32>,
        %gather3A_427 = tpu.vector_load_idx %arg7[%add3A_17, %add3A_361] : memref<128x64xf32, #tpu.memory_space<vmem>>[vector<16xi32>, vector<16xi32>], vector<16xf32>,
        tpu.vector_store_idx %arg11[%add3A_367, %add3A_416], %gather3A_417 : memref<8x1024xf32, #tpu.memory_space<vmem>>[vector<16xi32>, vector<16xi32>], vector<16xf32>,
        tpu.vector_store_idx %arg11[%add3A_373, %add3A_416], %gather3A_418 : memref<8x1024xf32, #tpu.memory_space<vmem>>[vector<16xi32>, vector<16xi32>], vector<16xf32>,
        tpu.vector_store_idx %arg11[%add3A_379, %add3A_416], %gather3A_419 : memref<8x1024xf32, #tpu.memory_space<vmem>>[vector<16xi32>, vector<16xi32>], vector<16xf32>,
        tpu.vector_store_idx %arg11[%add3A_385, %add3A_416], %gather3A_420 : memref<8x1024xf32, #tpu.memory_space<vmem>>[vector<16xi32>, vector<16xi32>], vector<16xf32>,
        %add3A_428 = arith.constant 80 : i32
        %add3A_429 = vector.broadcast %add3A_428 : i32 to vector<16xi32>
        %add3A_430 = arith.addi %add3A_392, %add3A_429 : vector<16xi32>
        %gather3A_431 = tpu.vector_load_idx %arg7[%add3A_20, %add3A_352] : memref<128x64xf32, #tpu.memory_space<vmem>>[vector<16xi32>, vector<16xi32>], vector<16xf32>,
        %gather3A_432 = tpu.vector_load_idx %arg7[%add3A_20, %add3A_355] : memref<128x64xf32, #tpu.memory_space<vmem>>[vector<16xi32>, vector<16xi32>], vector<16xf32>,
        %gather3A_433 = tpu.vector_load_idx %arg7[%add3A_20, %add3A_358] : memref<128x64xf32, #tpu.memory_space<vmem>>[vector<16xi32>, vector<16xi32>], vector<16xf32>,
        %gather3A_434 = tpu.vector_load_idx %arg7[%add3A_20, %add3A_361] : memref<128x64xf32, #tpu.memory_space<vmem>>[vector<16xi32>, vector<16xi32>], vector<16xf32>,
        tpu.vector_store_idx %arg11[%add3A_367, %add3A_423], %gather3A_424 : memref<8x1024xf32, #tpu.memory_space<vmem>>[vector<16xi32>, vector<16xi32>], vector<16xf32>,
        tpu.vector_store_idx %arg11[%add3A_373, %add3A_423], %gather3A_425 : memref<8x1024xf32, #tpu.memory_space<vmem>>[vector<16xi32>, vector<16xi32>], vector<16xf32>,
        tpu.vector_store_idx %arg11[%add3A_379, %add3A_423], %gather3A_426 : memref<8x1024xf32, #tpu.memory_space<vmem>>[vector<16xi32>, vector<16xi32>], vector<16xf32>,
        tpu.vector_store_idx %arg11[%add3A_385, %add3A_423], %gather3A_427 : memref<8x1024xf32, #tpu.memory_space<vmem>>[vector<16xi32>, vector<16xi32>], vector<16xf32>,
        %add3A_435 = arith.constant 96 : i32
        %add3A_436 = vector.broadcast %add3A_435 : i32 to vector<16xi32>
        %add3A_437 = arith.addi %add3A_392, %add3A_436 : vector<16xi32>
        %gather3A_438 = tpu.vector_load_idx %arg7[%add3A_23, %add3A_352] : memref<128x64xf32, #tpu.memory_space<vmem>>[vector<16xi32>, vector<16xi32>], vector<16xf32>,
        %gather3A_439 = tpu.vector_load_idx %arg7[%add3A_23, %add3A_355] : memref<128x64xf32, #tpu.memory_space<vmem>>[vector<16xi32>, vector<16xi32>], vector<16xf32>,
        %gather3A_440 = tpu.vector_load_idx %arg7[%add3A_23, %add3A_358] : memref<128x64xf32, #tpu.memory_space<vmem>>[vector<16xi32>, vector<16xi32>], vector<16xf32>,
        %gather3A_441 = tpu.vector_load_idx %arg7[%add3A_23, %add3A_361] : memref<128x64xf32, #tpu.memory_space<vmem>>[vector<16xi32>, vector<16xi32>], vector<16xf32>,
        tpu.vector_store_idx %arg11[%add3A_367, %add3A_430], %gather3A_431 : memref<8x1024xf32, #tpu.memory_space<vmem>>[vector<16xi32>, vector<16xi32>], vector<16xf32>,
        tpu.vector_store_idx %arg11[%add3A_373, %add3A_430], %gather3A_432 : memref<8x1024xf32, #tpu.memory_space<vmem>>[vector<16xi32>, vector<16xi32>], vector<16xf32>,
        tpu.vector_store_idx %arg11[%add3A_379, %add3A_430], %gather3A_433 : memref<8x1024xf32, #tpu.memory_space<vmem>>[vector<16xi32>, vector<16xi32>], vector<16xf32>,
        tpu.vector_store_idx %arg11[%add3A_385, %add3A_430], %gather3A_434 : memref<8x1024xf32, #tpu.memory_space<vmem>>[vector<16xi32>, vector<16xi32>], vector<16xf32>,
        %add3A_442 = arith.constant 112 : i32
        %add3A_443 = vector.broadcast %add3A_442 : i32 to vector<16xi32>
        %add3A_444 = arith.addi %add3A_392, %add3A_443 : vector<16xi32>
        %gather3A_445 = tpu.vector_load_idx %arg7[%add3A_26, %add3A_352] : memref<128x64xf32, #tpu.memory_space<vmem>>[vector<16xi32>, vector<16xi32>], vector<16xf32>,
        %gather3A_446 = tpu.vector_load_idx %arg7[%add3A_26, %add3A_355] : memref<128x64xf32, #tpu.memory_space<vmem>>[vector<16xi32>, vector<16xi32>], vector<16xf32>,
        %gather3A_447 = tpu.vector_load_idx %arg7[%add3A_26, %add3A_358] : memref<128x64xf32, #tpu.memory_space<vmem>>[vector<16xi32>, vector<16xi32>], vector<16xf32>,
        %gather3A_448 = tpu.vector_load_idx %arg7[%add3A_26, %add3A_361] : memref<128x64xf32, #tpu.memory_space<vmem>>[vector<16xi32>, vector<16xi32>], vector<16xf32>,
        tpu.vector_store_idx %arg11[%add3A_367, %add3A_437], %gather3A_438 : memref<8x1024xf32, #tpu.memory_space<vmem>>[vector<16xi32>, vector<16xi32>], vector<16xf32>,
        tpu.vector_store_idx %arg11[%add3A_373, %add3A_437], %gather3A_439 : memref<8x1024xf32, #tpu.memory_space<vmem>>[vector<16xi32>, vector<16xi32>], vector<16xf32>,
        tpu.vector_store_idx %arg11[%add3A_379, %add3A_437], %gather3A_440 : memref<8x1024xf32, #tpu.memory_space<vmem>>[vector<16xi32>, vector<16xi32>], vector<16xf32>,
        tpu.vector_store_idx %arg11[%add3A_385, %add3A_437], %gather3A_441 : memref<8x1024xf32, #tpu.memory_space<vmem>>[vector<16xi32>, vector<16xi32>], vector<16xf32>,
        tpu.vector_store_idx %arg11[%add3A_367, %add3A_444], %gather3A_445 : memref<8x1024xf32, #tpu.memory_space<vmem>>[vector<16xi32>, vector<16xi32>], vector<16xf32>,
        tpu.vector_store_idx %arg11[%add3A_373, %add3A_444], %gather3A_446 : memref<8x1024xf32, #tpu.memory_space<vmem>>[vector<16xi32>, vector<16xi32>], vector<16xf32>,
        tpu.vector_store_idx %arg11[%add3A_379, %add3A_444], %gather3A_447 : memref<8x1024xf32, #tpu.memory_space<vmem>>[vector<16xi32>, vector<16xi32>], vector<16xf32>,
        tpu.vector_store_idx %arg11[%add3A_385, %add3A_444], %gather3A_448 : memref<8x1024xf32, #tpu.memory_space<vmem>>[vector<16xi32>, vector<16xi32>], vector<16xf32>,
        %scan3A_449 = arith.constant 2 : i32
        %scan3A_450 = arith.addi %scan3A_234, %scan3A_449 : i32
        %mul3A_451 = arith.constant 1 : i32
        %mul3A_452 = arith.muli %scan3A_450, %mul3A_451 : i32
        %add3A_453 = arith.constant 0 : i32
        %add3A_454 = arith.addi %add3A_453, %mul3A_452 : i32
        %add3A_455 = vector.broadcast %add3A_454 : i32 to vector<16xi32>
        %add3A_456 = arith.addi %iota3A, %add3A_455 : vector<16xi32>
        %and3A_457 = arith.constant 15 : i32
        %and3A_458 = vector.broadcast %and3A_457 : i32 to vector<16xi32>
        %and3A_459 = arith.andi %add3A_456, %and3A_458 : vector<16xi32>
        %add3A_460 = arith.constant 0 : i32
        %add3A_461 = vector.broadcast %add3A_460 : i32 to vector<16xi32>
        %add3A_462 = arith.addi %and3A_459, %add3A_461 : vector<16xi32>
        %add3A_463 = arith.constant 16 : i32
        %add3A_464 = vector.broadcast %add3A_463 : i32 to vector<16xi32>
        %add3A_465 = arith.addi %and3A_459, %add3A_464 : vector<16xi32>
        %add3A_466 = arith.constant 32 : i32
        %add3A_467 = vector.broadcast %add3A_466 : i32 to vector<16xi32>
        %add3A_468 = arith.addi %and3A_459, %add3A_467 : vector<16xi32>
        %add3A_469 = arith.constant 48 : i32
        %add3A_470 = vector.broadcast %add3A_469 : i32 to vector<16xi32>
        %add3A_471 = arith.addi %and3A_459, %add3A_470 : vector<16xi32>
        %shift_right_arithmetic3A_472 = arith.constant 3 : i32
        %shift_right_arithmetic3A_473 = vector.broadcast %shift_right_arithmetic3A_472 : i32 to vector<16xi32>
        %shift_right_arithmetic3A_474 = arith.shrsi %and3A_459, %shift_right_arithmetic3A_473 : vector<16xi32>
        %add3A_475 = arith.constant 0 : i32
        %add3A_476 = vector.broadcast %add3A_475 : i32 to vector<16xi32>
        %add3A_477 = arith.addi %shift_right_arithmetic3A_474, %add3A_476 : vector<16xi32>
        %shift_right_arithmetic3A_478 = arith.constant 3 : i32
        %shift_right_arithmetic3A_479 = vector.broadcast %shift_right_arithmetic3A_478 : i32 to vector<16xi32>
        %shift_right_arithmetic3A_480 = arith.shrsi %and3A_459, %shift_right_arithmetic3A_479 : vector<16xi32>
        %add3A_481 = arith.constant 2 : i32
        %add3A_482 = vector.broadcast %add3A_481 : i32 to vector<16xi32>
        %add3A_483 = arith.addi %shift_right_arithmetic3A_480, %add3A_482 : vector<16xi32>
        %shift_right_arithmetic3A_484 = arith.constant 3 : i32
        %shift_right_arithmetic3A_485 = vector.broadcast %shift_right_arithmetic3A_484 : i32 to vector<16xi32>
        %shift_right_arithmetic3A_486 = arith.shrsi %and3A_459, %shift_right_arithmetic3A_485 : vector<16xi32>
        %add3A_487 = arith.constant 4 : i32
        %add3A_488 = vector.broadcast %add3A_487 : i32 to vector<16xi32>
        %add3A_489 = arith.addi %shift_right_arithmetic3A_486, %add3A_488 : vector<16xi32>
        %shift_right_arithmetic3A_490 = arith.constant 3 : i32
        %shift_right_arithmetic3A_491 = vector.broadcast %shift_right_arithmetic3A_490 : i32 to vector<16xi32>
        %shift_right_arithmetic3A_492 = arith.shrsi %and3A_459, %shift_right_arithmetic3A_491 : vector<16xi32>
        %add3A_493 = arith.constant 6 : i32
        %add3A_494 = vector.broadcast %add3A_493 : i32 to vector<16xi32>
        %add3A_495 = arith.addi %shift_right_arithmetic3A_492, %add3A_494 : vector<16xi32>
        %and3A_496 = arith.constant 7 : i32
        %and3A_497 = vector.broadcast %and3A_496 : i32 to vector<16xi32>
        %and3A_498 = arith.andi %and3A_459, %and3A_497 : vector<16xi32>
        %shift_left3A_499 = arith.constant 7 : i32
        %shift_left3A_500 = vector.broadcast %shift_left3A_499 : i32 to vector<16xi32>
        %shift_left3A_501 = arith.shli %and3A_498, %shift_left3A_500 : vector<16xi32>
        %add3A_502 = arith.addi %shift_left3A_501, %iota3A : vector<16xi32>
        %add3A_503 = arith.constant 0 : i32
        %add3A_504 = vector.broadcast %add3A_503 : i32 to vector<16xi32>
        %add3A_505 = arith.addi %add3A_502, %add3A_504 : vector<16xi32>
        %gather3A_506 = tpu.vector_load_idx %arg7[%add3A_5, %add3A_462] : memref<128x64xf32, #tpu.memory_space<vmem>>[vector<16xi32>, vector<16xi32>], vector<16xf32>,
        %gather3A_507 = tpu.vector_load_idx %arg7[%add3A_5, %add3A_465] : memref<128x64xf32, #tpu.memory_space<vmem>>[vector<16xi32>, vector<16xi32>], vector<16xf32>,
        %gather3A_508 = tpu.vector_load_idx %arg7[%add3A_5, %add3A_468] : memref<128x64xf32, #tpu.memory_space<vmem>>[vector<16xi32>, vector<16xi32>], vector<16xf32>,
        %gather3A_509 = tpu.vector_load_idx %arg7[%add3A_5, %add3A_471] : memref<128x64xf32, #tpu.memory_space<vmem>>[vector<16xi32>, vector<16xi32>], vector<16xf32>,
        %add3A_510 = arith.constant 16 : i32
        %add3A_511 = vector.broadcast %add3A_510 : i32 to vector<16xi32>
        %add3A_512 = arith.addi %add3A_502, %add3A_511 : vector<16xi32>
        %gather3A_513 = tpu.vector_load_idx %arg7[%add3A_8, %add3A_462] : memref<128x64xf32, #tpu.memory_space<vmem>>[vector<16xi32>, vector<16xi32>], vector<16xf32>,
        %gather3A_514 = tpu.vector_load_idx %arg7[%add3A_8, %add3A_465] : memref<128x64xf32, #tpu.memory_space<vmem>>[vector<16xi32>, vector<16xi32>], vector<16xf32>,
        %gather3A_515 = tpu.vector_load_idx %arg7[%add3A_8, %add3A_468] : memref<128x64xf32, #tpu.memory_space<vmem>>[vector<16xi32>, vector<16xi32>], vector<16xf32>,
        %gather3A_516 = tpu.vector_load_idx %arg7[%add3A_8, %add3A_471] : memref<128x64xf32, #tpu.memory_space<vmem>>[vector<16xi32>, vector<16xi32>], vector<16xf32>,
        tpu.vector_store_idx %arg11[%add3A_477, %add3A_505], %gather3A_506 : memref<8x1024xf32, #tpu.memory_space<vmem>>[vector<16xi32>, vector<16xi32>], vector<16xf32>,
        tpu.vector_store_idx %arg11[%add3A_483, %add3A_505], %gather3A_507 : memref<8x1024xf32, #tpu.memory_space<vmem>>[vector<16xi32>, vector<16xi32>], vector<16xf32>,
        tpu.vector_store_idx %arg11[%add3A_489, %add3A_505], %gather3A_508 : memref<8x1024xf32, #tpu.memory_space<vmem>>[vector<16xi32>, vector<16xi32>], vector<16xf32>,
        tpu.vector_store_idx %arg11[%add3A_495, %add3A_505], %gather3A_509 : memref<8x1024xf32, #tpu.memory_space<vmem>>[vector<16xi32>, vector<16xi32>], vector<16xf32>,
        %add3A_517 = arith.constant 32 : i32
        %add3A_518 = vector.broadcast %add3A_517 : i32 to vector<16xi32>
        %add3A_519 = arith.addi %add3A_502, %add3A_518 : vector<16xi32>
        %gather3A_520 = tpu.vector_load_idx %arg7[%add3A_11, %add3A_462] : memref<128x64xf32, #tpu.memory_space<vmem>>[vector<16xi32>, vector<16xi32>], vector<16xf32>,
        %gather3A_521 = tpu.vector_load_idx %arg7[%add3A_11, %add3A_465] : memref<128x64xf32, #tpu.memory_space<vmem>>[vector<16xi32>, vector<16xi32>], vector<16xf32>,
        %gather3A_522 = tpu.vector_load_idx %arg7[%add3A_11, %add3A_468] : memref<128x64xf32, #tpu.memory_space<vmem>>[vector<16xi32>, vector<16xi32>], vector<16xf32>,
        %gather3A_523 = tpu.vector_load_idx %arg7[%add3A_11, %add3A_471] : memref<128x64xf32, #tpu.memory_space<vmem>>[vector<16xi32>, vector<16xi32>], vector<16xf32>,
        tpu.vector_store_idx %arg11[%add3A_477, %add3A_512], %gather3A_513 : memref<8x1024xf32, #tpu.memory_space<vmem>>[vector<16xi32>, vector<16xi32>], vector<16xf32>,
        tpu.vector_store_idx %arg11[%add3A_483, %add3A_512], %gather3A_514 : memref<8x1024xf32, #tpu.memory_space<vmem>>[vector<16xi32>, vector<16xi32>], vector<16xf32>,
        tpu.vector_store_idx %arg11[%add3A_489, %add3A_512], %gather3A_515 : memref<8x1024xf32, #tpu.memory_space<vmem>>[vector<16xi32>, vector<16xi32>], vector<16xf32>,
        tpu.vector_store_idx %arg11[%add3A_495, %add3A_512], %gather3A_516 : memref<8x1024xf32, #tpu.memory_space<vmem>>[vector<16xi32>, vector<16xi32>], vector<16xf32>,
        %add3A_524 = arith.constant 48 : i32
        %add3A_525 = vector.broadcast %add3A_524 : i32 to vector<16xi32>
        %add3A_526 = arith.addi %add3A_502, %add3A_525 : vector<16xi32>
        %gather3A_527 = tpu.vector_load_idx %arg7[%add3A_14, %add3A_462] : memref<128x64xf32, #tpu.memory_space<vmem>>[vector<16xi32>, vector<16xi32>], vector<16xf32>,
        %gather3A_528 = tpu.vector_load_idx %arg7[%add3A_14, %add3A_465] : memref<128x64xf32, #tpu.memory_space<vmem>>[vector<16xi32>, vector<16xi32>], vector<16xf32>,
        %gather3A_529 = tpu.vector_load_idx %arg7[%add3A_14, %add3A_468] : memref<128x64xf32, #tpu.memory_space<vmem>>[vector<16xi32>, vector<16xi32>], vector<16xf32>,
        %gather3A_530 = tpu.vector_load_idx %arg7[%add3A_14, %add3A_471] : memref<128x64xf32, #tpu.memory_space<vmem>>[vector<16xi32>, vector<16xi32>], vector<16xf32>,
        tpu.vector_store_idx %arg11[%add3A_477, %add3A_519], %gather3A_520 : memref<8x1024xf32, #tpu.memory_space<vmem>>[vector<16xi32>, vector<16xi32>], vector<16xf32>,
        tpu.vector_store_idx %arg11[%add3A_483, %add3A_519], %gather3A_521 : memref<8x1024xf32, #tpu.memory_space<vmem>>[vector<16xi32>, vector<16xi32>], vector<16xf32>,
        tpu.vector_store_idx %arg11[%add3A_489, %add3A_519], %gather3A_522 : memref<8x1024xf32, #tpu.memory_space<vmem>>[vector<16xi32>, vector<16xi32>], vector<16xf32>,
        tpu.vector_store_idx %arg11[%add3A_495, %add3A_519], %gather3A_523 : memref<8x1024xf32, #tpu.memory_space<vmem>>[vector<16xi32>, vector<16xi32>], vector<16xf32>,
        %add3A_531 = arith.constant 64 : i32
        %add3A_532 = vector.broadcast %add3A_531 : i32 to vector<16xi32>
        %add3A_533 = arith.addi %add3A_502, %add3A_532 : vector<16xi32>
        %gather3A_534 = tpu.vector_load_idx %arg7[%add3A_17, %add3A_462] : memref<128x64xf32, #tpu.memory_space<vmem>>[vector<16xi32>, vector<16xi32>], vector<16xf32>,
        %gather3A_535 = tpu.vector_load_idx %arg7[%add3A_17, %add3A_465] : memref<128x64xf32, #tpu.memory_space<vmem>>[vector<16xi32>, vector<16xi32>], vector<16xf32>,
        %gather3A_536 = tpu.vector_load_idx %arg7[%add3A_17, %add3A_468] : memref<128x64xf32, #tpu.memory_space<vmem>>[vector<16xi32>, vector<16xi32>], vector<16xf32>,
        %gather3A_537 = tpu.vector_load_idx %arg7[%add3A_17, %add3A_471] : memref<128x64xf32, #tpu.memory_space<vmem>>[vector<16xi32>, vector<16xi32>], vector<16xf32>,
        tpu.vector_store_idx %arg11[%add3A_477, %add3A_526], %gather3A_527 : memref<8x1024xf32, #tpu.memory_space<vmem>>[vector<16xi32>, vector<16xi32>], vector<16xf32>,
        tpu.vector_store_idx %arg11[%add3A_483, %add3A_526], %gather3A_528 : memref<8x1024xf32, #tpu.memory_space<vmem>>[vector<16xi32>, vector<16xi32>], vector<16xf32>,
        tpu.vector_store_idx %arg11[%add3A_489, %add3A_526], %gather3A_529 : memref<8x1024xf32, #tpu.memory_space<vmem>>[vector<16xi32>, vector<16xi32>], vector<16xf32>,
        tpu.vector_store_idx %arg11[%add3A_495, %add3A_526], %gather3A_530 : memref<8x1024xf32, #tpu.memory_space<vmem>>[vector<16xi32>, vector<16xi32>], vector<16xf32>,
        %add3A_538 = arith.constant 80 : i32
        %add3A_539 = vector.broadcast %add3A_538 : i32 to vector<16xi32>
        %add3A_540 = arith.addi %add3A_502, %add3A_539 : vector<16xi32>
        %gather3A_541 = tpu.vector_load_idx %arg7[%add3A_20, %add3A_462] : memref<128x64xf32, #tpu.memory_space<vmem>>[vector<16xi32>, vector<16xi32>], vector<16xf32>,
        %gather3A_542 = tpu.vector_load_idx %arg7[%add3A_20, %add3A_465] : memref<128x64xf32, #tpu.memory_space<vmem>>[vector<16xi32>, vector<16xi32>], vector<16xf32>,
        %gather3A_543 = tpu.vector_load_idx %arg7[%add3A_20, %add3A_468] : memref<128x64xf32, #tpu.memory_space<vmem>>[vector<16xi32>, vector<16xi32>], vector<16xf32>,
        %gather3A_544 = tpu.vector_load_idx %arg7[%add3A_20, %add3A_471] : memref<128x64xf32, #tpu.memory_space<vmem>>[vector<16xi32>, vector<16xi32>], vector<16xf32>,
        tpu.vector_store_idx %arg11[%add3A_477, %add3A_533], %gather3A_534 : memref<8x1024xf32, #tpu.memory_space<vmem>>[vector<16xi32>, vector<16xi32>], vector<16xf32>,
        tpu.vector_store_idx %arg11[%add3A_483, %add3A_533], %gather3A_535 : memref<8x1024xf32, #tpu.memory_space<vmem>>[vector<16xi32>, vector<16xi32>], vector<16xf32>,
        tpu.vector_store_idx %arg11[%add3A_489, %add3A_533], %gather3A_536 : memref<8x1024xf32, #tpu.memory_space<vmem>>[vector<16xi32>, vector<16xi32>], vector<16xf32>,
        tpu.vector_store_idx %arg11[%add3A_495, %add3A_533], %gather3A_537 : memref<8x1024xf32, #tpu.memory_space<vmem>>[vector<16xi32>, vector<16xi32>], vector<16xf32>,
        %add3A_545 = arith.constant 96 : i32
        %add3A_546 = vector.broadcast %add3A_545 : i32 to vector<16xi32>
        %add3A_547 = arith.addi %add3A_502, %add3A_546 : vector<16xi32>
        %gather3A_548 = tpu.vector_load_idx %arg7[%add3A_23, %add3A_462] : memref<128x64xf32, #tpu.memory_space<vmem>>[vector<16xi32>, vector<16xi32>], vector<16xf32>,
        %gather3A_549 = tpu.vector_load_idx %arg7[%add3A_23, %add3A_465] : memref<128x64xf32, #tpu.memory_space<vmem>>[vector<16xi32>, vector<16xi32>], vector<16xf32>,
        %gather3A_550 = tpu.vector_load_idx %arg7[%add3A_23, %add3A_468] : memref<128x64xf32, #tpu.memory_space<vmem>>[vector<16xi32>, vector<16xi32>], vector<16xf32>,
        %gather3A_551 = tpu.vector_load_idx %arg7[%add3A_23, %add3A_471] : memref<128x64xf32, #tpu.memory_space<vmem>>[vector<16xi32>, vector<16xi32>], vector<16xf32>,
        tpu.vector_store_idx %arg11[%add3A_477, %add3A_540], %gather3A_541 : memref<8x1024xf32, #tpu.memory_space<vmem>>[vector<16xi32>, vector<16xi32>], vector<16xf32>,
        tpu.vector_store_idx %arg11[%add3A_483, %add3A_540], %gather3A_542 : memref<8x1024xf32, #tpu.memory_space<vmem>>[vector<16xi32>, vector<16xi32>], vector<16xf32>,
        tpu.vector_store_idx %arg11[%add3A_489, %add3A_540], %gather3A_543 : memref<8x1024xf32, #tpu.memory_space<vmem>>[vector<16xi32>, vector<16xi32>], vector<16xf32>,
        tpu.vector_store_idx %arg11[%add3A_495, %add3A_540], %gather3A_544 : memref<8x1024xf32, #tpu.memory_space<vmem>>[vector<16xi32>, vector<16xi32>], vector<16xf32>,
        %add3A_552 = arith.constant 112 : i32
        %add3A_553 = vector.broadcast %add3A_552 : i32 to vector<16xi32>
        %add3A_554 = arith.addi %add3A_502, %add3A_553 : vector<16xi32>
        %gather3A_555 = tpu.vector_load_idx %arg7[%add3A_26, %add3A_462] : memref<128x64xf32, #tpu.memory_space<vmem>>[vector<16xi32>, vector<16xi32>], vector<16xf32>,
        %gather3A_556 = tpu.vector_load_idx %arg7[%add3A_26, %add3A_465] : memref<128x64xf32, #tpu.memory_space<vmem>>[vector<16xi32>, vector<16xi32>], vector<16xf32>,
        %gather3A_557 = tpu.vector_load_idx %arg7[%add3A_26, %add3A_468] : memref<128x64xf32, #tpu.memory_space<vmem>>[vector<16xi32>, vector<16xi32>], vector<16xf32>,
        %gather3A_558 = tpu.vector_load_idx %arg7[%add3A_26, %add3A_471] : memref<128x64xf32, #tpu.memory_space<vmem>>[vector<16xi32>, vector<16xi32>], vector<16xf32>,
        tpu.vector_store_idx %arg11[%add3A_477, %add3A_547], %gather3A_548 : memref<8x1024xf32, #tpu.memory_space<vmem>>[vector<16xi32>, vector<16xi32>], vector<16xf32>,
        tpu.vector_store_idx %arg11[%add3A_483, %add3A_547], %gather3A_549 : memref<8x1024xf32, #tpu.memory_space<vmem>>[vector<16xi32>, vector<16xi32>], vector<16xf32>,
        tpu.vector_store_idx %arg11[%add3A_489, %add3A_547], %gather3A_550 : memref<8x1024xf32, #tpu.memory_space<vmem>>[vector<16xi32>, vector<16xi32>], vector<16xf32>,
        tpu.vector_store_idx %arg11[%add3A_495, %add3A_547], %gather3A_551 : memref<8x1024xf32, #tpu.memory_space<vmem>>[vector<16xi32>, vector<16xi32>], vector<16xf32>,
        tpu.vector_store_idx %arg11[%add3A_477, %add3A_554], %gather3A_555 : memref<8x1024xf32, #tpu.memory_space<vmem>>[vector<16xi32>, vector<16xi32>], vector<16xf32>,
        tpu.vector_store_idx %arg11[%add3A_483, %add3A_554], %gather3A_556 : memref<8x1024xf32, #tpu.memory_space<vmem>>[vector<16xi32>, vector<16xi32>], vector<16xf32>,
        tpu.vector_store_idx %arg11[%add3A_489, %add3A_554], %gather3A_557 : memref<8x1024xf32, #tpu.memory_space<vmem>>[vector<16xi32>, vector<16xi32>], vector<16xf32>,
        tpu.vector_store_idx %arg11[%add3A_495, %add3A_554], %gather3A_558 : memref<8x1024xf32, #tpu.memory_space<vmem>>[vector<16xi32>, vector<16xi32>], vector<16xf32>,
        %scan3A_559 = arith.constant 3 : i32
        %scan3A_560 = arith.addi %scan3A_234, %scan3A_559 : i32
        %mul3A_561 = arith.constant 1 : i32
        %mul3A_562 = arith.muli %scan3A_560, %mul3A_561 : i32
        %add3A_563 = arith.constant 0 : i32
        %add3A_564 = arith.addi %add3A_563, %mul3A_562 : i32
        %add3A_565 = vector.broadcast %add3A_564 : i32 to vector<16xi32>
        %add3A_566 = arith.addi %iota3A, %add3A_565 : vector<16xi32>
        %and3A_567 = arith.constant 15 : i32
        %and3A_568 = vector.broadcast %and3A_567 : i32 to vector<16xi32>
        %and3A_569 = arith.andi %add3A_566, %and3A_568 : vector<16xi32>
        %add3A_570 = arith.constant 0 : i32
        %add3A_571 = vector.broadcast %add3A_570 : i32 to vector<16xi32>
        %add3A_572 = arith.addi %and3A_569, %add3A_571 : vector<16xi32>
        %add3A_573 = arith.constant 16 : i32
        %add3A_574 = vector.broadcast %add3A_573 : i32 to vector<16xi32>
        %add3A_575 = arith.addi %and3A_569, %add3A_574 : vector<16xi32>
        %add3A_576 = arith.constant 32 : i32
        %add3A_577 = vector.broadcast %add3A_576 : i32 to vector<16xi32>
        %add3A_578 = arith.addi %and3A_569, %add3A_577 : vector<16xi32>
        %add3A_579 = arith.constant 48 : i32
        %add3A_580 = vector.broadcast %add3A_579 : i32 to vector<16xi32>
        %add3A_581 = arith.addi %and3A_569, %add3A_580 : vector<16xi32>
        %shift_right_arithmetic3A_582 = arith.constant 3 : i32
        %shift_right_arithmetic3A_583 = vector.broadcast %shift_right_arithmetic3A_582 : i32 to vector<16xi32>
        %shift_right_arithmetic3A_584 = arith.shrsi %and3A_569, %shift_right_arithmetic3A_583 : vector<16xi32>
        %add3A_585 = arith.constant 0 : i32
        %add3A_586 = vector.broadcast %add3A_585 : i32 to vector<16xi32>
        %add3A_587 = arith.addi %shift_right_arithmetic3A_584, %add3A_586 : vector<16xi32>
        %shift_right_arithmetic3A_588 = arith.constant 3 : i32
        %shift_right_arithmetic3A_589 = vector.broadcast %shift_right_arithmetic3A_588 : i32 to vector<16xi32>
        %shift_right_arithmetic3A_590 = arith.shrsi %and3A_569, %shift_right_arithmetic3A_589 : vector<16xi32>
        %add3A_591 = arith.constant 2 : i32
        %add3A_592 = vector.broadcast %add3A_591 : i32 to vector<16xi32>
        %add3A_593 = arith.addi %shift_right_arithmetic3A_590, %add3A_592 : vector<16xi32>
        %shift_right_arithmetic3A_594 = arith.constant 3 : i32
        %shift_right_arithmetic3A_595 = vector.broadcast %shift_right_arithmetic3A_594 : i32 to vector<16xi32>
        %shift_right_arithmetic3A_596 = arith.shrsi %and3A_569, %shift_right_arithmetic3A_595 : vector<16xi32>
        %add3A_597 = arith.constant 4 : i32
        %add3A_598 = vector.broadcast %add3A_597 : i32 to vector<16xi32>
        %add3A_599 = arith.addi %shift_right_arithmetic3A_596, %add3A_598 : vector<16xi32>
        %shift_right_arithmetic3A_600 = arith.constant 3 : i32
        %shift_right_arithmetic3A_601 = vector.broadcast %shift_right_arithmetic3A_600 : i32 to vector<16xi32>
        %shift_right_arithmetic3A_602 = arith.shrsi %and3A_569, %shift_right_arithmetic3A_601 : vector<16xi32>
        %add3A_603 = arith.constant 6 : i32
        %add3A_604 = vector.broadcast %add3A_603 : i32 to vector<16xi32>
        %add3A_605 = arith.addi %shift_right_arithmetic3A_602, %add3A_604 : vector<16xi32>
        %and3A_606 = arith.constant 7 : i32
        %and3A_607 = vector.broadcast %and3A_606 : i32 to vector<16xi32>
        %and3A_608 = arith.andi %and3A_569, %and3A_607 : vector<16xi32>
        %shift_left3A_609 = arith.constant 7 : i32
        %shift_left3A_610 = vector.broadcast %shift_left3A_609 : i32 to vector<16xi32>
        %shift_left3A_611 = arith.shli %and3A_608, %shift_left3A_610 : vector<16xi32>
        %add3A_612 = arith.addi %shift_left3A_611, %iota3A : vector<16xi32>
        %add3A_613 = arith.constant 0 : i32
        %add3A_614 = vector.broadcast %add3A_613 : i32 to vector<16xi32>
        %add3A_615 = arith.addi %add3A_612, %add3A_614 : vector<16xi32>
        %gather3A_616 = tpu.vector_load_idx %arg7[%add3A_5, %add3A_572] : memref<128x64xf32, #tpu.memory_space<vmem>>[vector<16xi32>, vector<16xi32>], vector<16xf32>,
        %gather3A_617 = tpu.vector_load_idx %arg7[%add3A_5, %add3A_575] : memref<128x64xf32, #tpu.memory_space<vmem>>[vector<16xi32>, vector<16xi32>], vector<16xf32>,
        %gather3A_618 = tpu.vector_load_idx %arg7[%add3A_5, %add3A_578] : memref<128x64xf32, #tpu.memory_space<vmem>>[vector<16xi32>, vector<16xi32>], vector<16xf32>,
        %gather3A_619 = tpu.vector_load_idx %arg7[%add3A_5, %add3A_581] : memref<128x64xf32, #tpu.memory_space<vmem>>[vector<16xi32>, vector<16xi32>], vector<16xf32>,
        %add3A_620 = arith.constant 16 : i32
        %add3A_621 = vector.broadcast %add3A_620 : i32 to vector<16xi32>
        %add3A_622 = arith.addi %add3A_612, %add3A_621 : vector<16xi32>
        %gather3A_623 = tpu.vector_load_idx %arg7[%add3A_8, %add3A_572] : memref<128x64xf32, #tpu.memory_space<vmem>>[vector<16xi32>, vector<16xi32>], vector<16xf32>,
        %gather3A_624 = tpu.vector_load_idx %arg7[%add3A_8, %add3A_575] : memref<128x64xf32, #tpu.memory_space<vmem>>[vector<16xi32>, vector<16xi32>], vector<16xf32>,
        %gather3A_625 = tpu.vector_load_idx %arg7[%add3A_8, %add3A_578] : memref<128x64xf32, #tpu.memory_space<vmem>>[vector<16xi32>, vector<16xi32>], vector<16xf32>,
        %gather3A_626 = tpu.vector_load_idx %arg7[%add3A_8, %add3A_581] : memref<128x64xf32, #tpu.memory_space<vmem>>[vector<16xi32>, vector<16xi32>], vector<16xf32>,
        tpu.vector_store_idx %arg11[%add3A_587, %add3A_615], %gather3A_616 : memref<8x1024xf32, #tpu.memory_space<vmem>>[vector<16xi32>, vector<16xi32>], vector<16xf32>,
        tpu.vector_store_idx %arg11[%add3A_593, %add3A_615], %gather3A_617 : memref<8x1024xf32, #tpu.memory_space<vmem>>[vector<16xi32>, vector<16xi32>], vector<16xf32>,
        tpu.vector_store_idx %arg11[%add3A_599, %add3A_615], %gather3A_618 : memref<8x1024xf32, #tpu.memory_space<vmem>>[vector<16xi32>, vector<16xi32>], vector<16xf32>,
        tpu.vector_store_idx %arg11[%add3A_605, %add3A_615], %gather3A_619 : memref<8x1024xf32, #tpu.memory_space<vmem>>[vector<16xi32>, vector<16xi32>], vector<16xf32>,
        %add3A_627 = arith.constant 32 : i32
        %add3A_628 = vector.broadcast %add3A_627 : i32 to vector<16xi32>
        %add3A_629 = arith.addi %add3A_612, %add3A_628 : vector<16xi32>
        %gather3A_630 = tpu.vector_load_idx %arg7[%add3A_11, %add3A_572] : memref<128x64xf32, #tpu.memory_space<vmem>>[vector<16xi32>, vector<16xi32>], vector<16xf32>,
        %gather3A_631 = tpu.vector_load_idx %arg7[%add3A_11, %add3A_575] : memref<128x64xf32, #tpu.memory_space<vmem>>[vector<16xi32>, vector<16xi32>], vector<16xf32>,
        %gather3A_632 = tpu.vector_load_idx %arg7[%add3A_11, %add3A_578] : memref<128x64xf32, #tpu.memory_space<vmem>>[vector<16xi32>, vector<16xi32>], vector<16xf32>,
        %gather3A_633 = tpu.vector_load_idx %arg7[%add3A_11, %add3A_581] : memref<128x64xf32, #tpu.memory_space<vmem>>[vector<16xi32>, vector<16xi32>], vector<16xf32>,
        tpu.vector_store_idx %arg11[%add3A_587, %add3A_622], %gather3A_623 : memref<8x1024xf32, #tpu.memory_space<vmem>>[vector<16xi32>, vector<16xi32>], vector<16xf32>,
        tpu.vector_store_idx %arg11[%add3A_593, %add3A_622], %gather3A_624 : memref<8x1024xf32, #tpu.memory_space<vmem>>[vector<16xi32>, vector<16xi32>], vector<16xf32>,
        tpu.vector_store_idx %arg11[%add3A_599, %add3A_622], %gather3A_625 : memref<8x1024xf32, #tpu.memory_space<vmem>>[vector<16xi32>, vector<16xi32>], vector<16xf32>,
        tpu.vector_store_idx %arg11[%add3A_605, %add3A_622], %gather3A_626 : memref<8x1024xf32, #tpu.memory_space<vmem>>[vector<16xi32>, vector<16xi32>], vector<16xf32>,
        %add3A_634 = arith.constant 48 : i32
        %add3A_635 = vector.broadcast %add3A_634 : i32 to vector<16xi32>
        %add3A_636 = arith.addi %add3A_612, %add3A_635 : vector<16xi32>
        %gather3A_637 = tpu.vector_load_idx %arg7[%add3A_14, %add3A_572] : memref<128x64xf32, #tpu.memory_space<vmem>>[vector<16xi32>, vector<16xi32>], vector<16xf32>,
        %gather3A_638 = tpu.vector_load_idx %arg7[%add3A_14, %add3A_575] : memref<128x64xf32, #tpu.memory_space<vmem>>[vector<16xi32>, vector<16xi32>], vector<16xf32>,
        %gather3A_639 = tpu.vector_load_idx %arg7[%add3A_14, %add3A_578] : memref<128x64xf32, #tpu.memory_space<vmem>>[vector<16xi32>, vector<16xi32>], vector<16xf32>,
        %gather3A_640 = tpu.vector_load_idx %arg7[%add3A_14, %add3A_581] : memref<128x64xf32, #tpu.memory_space<vmem>>[vector<16xi32>, vector<16xi32>], vector<16xf32>,
        tpu.vector_store_idx %arg11[%add3A_587, %add3A_629], %gather3A_630 : memref<8x1024xf32, #tpu.memory_space<vmem>>[vector<16xi32>, vector<16xi32>], vector<16xf32>,
        tpu.vector_store_idx %arg11[%add3A_593, %add3A_629], %gather3A_631 : memref<8x1024xf32, #tpu.memory_space<vmem>>[vector<16xi32>, vector<16xi32>], vector<16xf32>,
        tpu.vector_store_idx %arg11[%add3A_599, %add3A_629], %gather3A_632 : memref<8x1024xf32, #tpu.memory_space<vmem>>[vector<16xi32>, vector<16xi32>], vector<16xf32>,
        tpu.vector_store_idx %arg11[%add3A_605, %add3A_629], %gather3A_633 : memref<8x1024xf32, #tpu.memory_space<vmem>>[vector<16xi32>, vector<16xi32>], vector<16xf32>,
        %add3A_641 = arith.constant 64 : i32
        %add3A_642 = vector.broadcast %add3A_641 : i32 to vector<16xi32>
        %add3A_643 = arith.addi %add3A_612, %add3A_642 : vector<16xi32>
        %gather3A_644 = tpu.vector_load_idx %arg7[%add3A_17, %add3A_572] : memref<128x64xf32, #tpu.memory_space<vmem>>[vector<16xi32>, vector<16xi32>], vector<16xf32>,
        %gather3A_645 = tpu.vector_load_idx %arg7[%add3A_17, %add3A_575] : memref<128x64xf32, #tpu.memory_space<vmem>>[vector<16xi32>, vector<16xi32>], vector<16xf32>,
        %gather3A_646 = tpu.vector_load_idx %arg7[%add3A_17, %add3A_578] : memref<128x64xf32, #tpu.memory_space<vmem>>[vector<16xi32>, vector<16xi32>], vector<16xf32>,
        %gather3A_647 = tpu.vector_load_idx %arg7[%add3A_17, %add3A_581] : memref<128x64xf32, #tpu.memory_space<vmem>>[vector<16xi32>, vector<16xi32>], vector<16xf32>,
        tpu.vector_store_idx %arg11[%add3A_587, %add3A_636], %gather3A_637 : memref<8x1024xf32, #tpu.memory_space<vmem>>[vector<16xi32>, vector<16xi32>], vector<16xf32>,
        tpu.vector_store_idx %arg11[%add3A_593, %add3A_636], %gather3A_638 : memref<8x1024xf32, #tpu.memory_space<vmem>>[vector<16xi32>, vector<16xi32>], vector<16xf32>,
        tpu.vector_store_idx %arg11[%add3A_599, %add3A_636], %gather3A_639 : memref<8x1024xf32, #tpu.memory_space<vmem>>[vector<16xi32>, vector<16xi32>], vector<16xf32>,
        tpu.vector_store_idx %arg11[%add3A_605, %add3A_636], %gather3A_640 : memref<8x1024xf32, #tpu.memory_space<vmem>>[vector<16xi32>, vector<16xi32>], vector<16xf32>,
        %add3A_648 = arith.constant 80 : i32
        %add3A_649 = vector.broadcast %add3A_648 : i32 to vector<16xi32>
        %add3A_650 = arith.addi %add3A_612, %add3A_649 : vector<16xi32>
        %gather3A_651 = tpu.vector_load_idx %arg7[%add3A_20, %add3A_572] : memref<128x64xf32, #tpu.memory_space<vmem>>[vector<16xi32>, vector<16xi32>], vector<16xf32>,
        %gather3A_652 = tpu.vector_load_idx %arg7[%add3A_20, %add3A_575] : memref<128x64xf32, #tpu.memory_space<vmem>>[vector<16xi32>, vector<16xi32>], vector<16xf32>,
        %gather3A_653 = tpu.vector_load_idx %arg7[%add3A_20, %add3A_578] : memref<128x64xf32, #tpu.memory_space<vmem>>[vector<16xi32>, vector<16xi32>], vector<16xf32>,
        %gather3A_654 = tpu.vector_load_idx %arg7[%add3A_20, %add3A_581] : memref<128x64xf32, #tpu.memory_space<vmem>>[vector<16xi32>, vector<16xi32>], vector<16xf32>,
        tpu.vector_store_idx %arg11[%add3A_587, %add3A_643], %gather3A_644 : memref<8x1024xf32, #tpu.memory_space<vmem>>[vector<16xi32>, vector<16xi32>], vector<16xf32>,
        tpu.vector_store_idx %arg11[%add3A_593, %add3A_643], %gather3A_645 : memref<8x1024xf32, #tpu.memory_space<vmem>>[vector<16xi32>, vector<16xi32>], vector<16xf32>,
        tpu.vector_store_idx %arg11[%add3A_599, %add3A_643], %gather3A_646 : memref<8x1024xf32, #tpu.memory_space<vmem>>[vector<16xi32>, vector<16xi32>], vector<16xf32>,
        tpu.vector_store_idx %arg11[%add3A_605, %add3A_643], %gather3A_647 : memref<8x1024xf32, #tpu.memory_space<vmem>>[vector<16xi32>, vector<16xi32>], vector<16xf32>,
        %add3A_655 = arith.constant 96 : i32
        %add3A_656 = vector.broadcast %add3A_655 : i32 to vector<16xi32>
        %add3A_657 = arith.addi %add3A_612, %add3A_656 : vector<16xi32>
        %gather3A_658 = tpu.vector_load_idx %arg7[%add3A_23, %add3A_572] : memref<128x64xf32, #tpu.memory_space<vmem>>[vector<16xi32>, vector<16xi32>], vector<16xf32>,
        %gather3A_659 = tpu.vector_load_idx %arg7[%add3A_23, %add3A_575] : memref<128x64xf32, #tpu.memory_space<vmem>>[vector<16xi32>, vector<16xi32>], vector<16xf32>,
        %gather3A_660 = tpu.vector_load_idx %arg7[%add3A_23, %add3A_578] : memref<128x64xf32, #tpu.memory_space<vmem>>[vector<16xi32>, vector<16xi32>], vector<16xf32>,
        %gather3A_661 = tpu.vector_load_idx %arg7[%add3A_23, %add3A_581] : memref<128x64xf32, #tpu.memory_space<vmem>>[vector<16xi32>, vector<16xi32>], vector<16xf32>,
        tpu.vector_store_idx %arg11[%add3A_587, %add3A_650], %gather3A_651 : memref<8x1024xf32, #tpu.memory_space<vmem>>[vector<16xi32>, vector<16xi32>], vector<16xf32>,
        tpu.vector_store_idx %arg11[%add3A_593, %add3A_650], %gather3A_652 : memref<8x1024xf32, #tpu.memory_space<vmem>>[vector<16xi32>, vector<16xi32>], vector<16xf32>,
        tpu.vector_store_idx %arg11[%add3A_599, %add3A_650], %gather3A_653 : memref<8x1024xf32, #tpu.memory_space<vmem>>[vector<16xi32>, vector<16xi32>], vector<16xf32>,
        tpu.vector_store_idx %arg11[%add3A_605, %add3A_650], %gather3A_654 : memref<8x1024xf32, #tpu.memory_space<vmem>>[vector<16xi32>, vector<16xi32>], vector<16xf32>,
        %add3A_662 = arith.constant 112 : i32
        %add3A_663 = vector.broadcast %add3A_662 : i32 to vector<16xi32>
        %add3A_664 = arith.addi %add3A_612, %add3A_663 : vector<16xi32>
        %gather3A_665 = tpu.vector_load_idx %arg7[%add3A_26, %add3A_572] : memref<128x64xf32, #tpu.memory_space<vmem>>[vector<16xi32>, vector<16xi32>], vector<16xf32>,
        %gather3A_666 = tpu.vector_load_idx %arg7[%add3A_26, %add3A_575] : memref<128x64xf32, #tpu.memory_space<vmem>>[vector<16xi32>, vector<16xi32>], vector<16xf32>,
        %gather3A_667 = tpu.vector_load_idx %arg7[%add3A_26, %add3A_578] : memref<128x64xf32, #tpu.memory_space<vmem>>[vector<16xi32>, vector<16xi32>], vector<16xf32>,
        %gather3A_668 = tpu.vector_load_idx %arg7[%add3A_26, %add3A_581] : memref<128x64xf32, #tpu.memory_space<vmem>>[vector<16xi32>, vector<16xi32>], vector<16xf32>,
        tpu.vector_store_idx %arg11[%add3A_587, %add3A_657], %gather3A_658 : memref<8x1024xf32, #tpu.memory_space<vmem>>[vector<16xi32>, vector<16xi32>], vector<16xf32>,
        tpu.vector_store_idx %arg11[%add3A_593, %add3A_657], %gather3A_659 : memref<8x1024xf32, #tpu.memory_space<vmem>>[vector<16xi32>, vector<16xi32>], vector<16xf32>,
        tpu.vector_store_idx %arg11[%add3A_599, %add3A_657], %gather3A_660 : memref<8x1024xf32, #tpu.memory_space<vmem>>[vector<16xi32>, vector<16xi32>], vector<16xf32>,
        tpu.vector_store_idx %arg11[%add3A_605, %add3A_657], %gather3A_661 : memref<8x1024xf32, #tpu.memory_space<vmem>>[vector<16xi32>, vector<16xi32>], vector<16xf32>,
        tpu.vector_store_idx %arg11[%add3A_587, %add3A_664], %gather3A_665 : memref<8x1024xf32, #tpu.memory_space<vmem>>[vector<16xi32>, vector<16xi32>], vector<16xf32>,
        tpu.vector_store_idx %arg11[%add3A_593, %add3A_664], %gather3A_666 : memref<8x1024xf32, #tpu.memory_space<vmem>>[vector<16xi32>, vector<16xi32>], vector<16xf32>,
        tpu.vector_store_idx %arg11[%add3A_599, %add3A_664], %gather3A_667 : memref<8x1024xf32, #tpu.memory_space<vmem>>[vector<16xi32>, vector<16xi32>], vector<16xf32>,
        tpu.vector_store_idx %arg11[%add3A_605, %add3A_664], %gather3A_668 : memref<8x1024xf32, #tpu.memory_space<vmem>>[vector<16xi32>, vector<16xi32>], vector<16xf32>,
      }
      %scan3A_148 = arith.constant 16 : i32
      %dma_start3A_149 = arith.constant 0 : i32
      %dma_start3A_150 = arith.constant 0 : i32
      %dma_start3A_151 = tpu.memref_slice %arg4[%add3A_132, %dma_start3A_149, %add3A, %dma_start3A_150] : memref<200x8x32x1024xf32, #tpu.memory_space<hbm>> -> memref<1x8x1x1024xf32, #tpu.memory_space<hbm>>
      %dma_start3A_152 = tpu.memref_squeeze %dma_start3A_151 : memref<1x8x1x1024xf32, #tpu.memory_space<hbm>> -> memref<8x1024xf32, #tpu.memory_space<hbm>>
      %dma_start3A_153 = arith.constant 0 : i32
      %dma_start3A_154 = arith.constant 0 : i32
      %dma_start3A_155 = tpu.memref_slice %arg4[%add3A_132, %dma_start3A_153, %add3A, %dma_start3A_154] : memref<200x8x32x1024xf32, #tpu.memory_space<hbm>> -> memref<1x8x1x1024xf32, #tpu.memory_space<hbm>>
      %dma_start3A_156 = tpu.memref_squeeze %dma_start3A_155 : memref<1x8x1x1024xf32, #tpu.memory_space<hbm>> -> memref<8x1024xf32, #tpu.memory_space<hbm>>
      tpu.enqueue_dma source(%arg11 : memref<8x1024xf32, #tpu.memory_space<vmem>>) target(%dma_start3A_156 : memref<8x1024xf32, #tpu.memory_space<hbm>>) target_semaphore(%arg19 : memref<!tpu.dma_semaphore, #tpu.memory_space<semaphore_mem>>)
      %add3A_157 = arith.constant 4 : i32
      %add3A_158 = arith.addi %add3A_132, %add3A_157 : i32
      %lt3A_159 = arith.constant 200 : i32
      %lt3A_160 = arith.cmpi slt, %add3A_158, %lt3A_159 : i32
      %convert_element_type3A_161 = arith.extui %lt3A_160 : i1 to i32
      %cond3A_162 = arith.constant 0 : i32
      %cond3A_163 = arith.cmpi ne, %convert_element_type3A_161, %cond3A_162 : i32
      scf.if %cond3A_163 {
        %add3A_234 = arith.constant 4 : i32
        %add3A_235 = arith.addi %add3A_132, %add3A_234 : i32
        %dma_start3A_236 = arith.constant 0 : i32
        %dma_start3A_237 = tpu.memref_slice %arg5[%add3A_235, %dma_start3A_236] : memref<200x128xi32, #tpu.memory_space<vmem>> -> memref<1x128xi32, #tpu.memory_space<vmem>>
        %dma_start3A_238 = tpu.memref_squeeze %dma_start3A_237 : memref<1x128xi32, #tpu.memory_space<vmem>> -> memref<128xi32, #tpu.memory_space<vmem>>
        %dma_start3A_239 = arith.constant 0 : i32
        %dma_start3A_240 = arith.constant 0 : i32
        %dma_start3A_241 = tpu.memref_slice %arg3[%dma_start3A_239, %dma_start3A_240] : memref<1000000x64xf32, #tpu.memory_space<hbm>> -> memref<1000000x64xf32, #tpu.memory_space<hbm>>
        tpu.enqueue_indirect_dma source(%dma_start3A_241 : memref<1000000x64xf32, #tpu.memory_space<hbm>>) target(%arg7 : memref<128x64xf32, #tpu.memory_space<vmem>>) offsets(%dma_start3A_238 : memref<128xi32, #tpu.memory_space<vmem>>) semaphore(%arg15 : memref<!tpu.dma_semaphore, #tpu.memory_space<semaphore_mem>>)
      } else {
      }
      %mul3A_164 = arith.constant 4 : i32
      %mul3A_165 = arith.muli %add3A_97, %mul3A_164 : i32
      %add3A_166 = arith.constant 2 : i32
      %add3A_167 = arith.addi %mul3A_165, %add3A_166 : i32
      %dma_wait3A_168 = arith.constant 0 : i32
      %dma_wait3A_169 = tpu.memref_slice %arg5[%add3A_167, %dma_wait3A_168] : memref<200x128xi32, #tpu.memory_space<vmem>> -> memref<1x128xi32, #tpu.memory_space<vmem>>
      %dma_wait3A_170 = tpu.memref_squeeze %dma_wait3A_169 : memref<1x128xi32, #tpu.memory_space<vmem>> -> memref<128xi32, #tpu.memory_space<vmem>>
      %dma_wait3A_171 = arith.constant 0 : i32
      %dma_wait3A_172 = arith.constant 0 : i32
      %dma_wait3A_173 = tpu.memref_slice %arg3[%dma_wait3A_171, %dma_wait3A_172] : memref<1000000x64xf32, #tpu.memory_space<hbm>> -> memref<1000000x64xf32, #tpu.memory_space<hbm>>
      tpu.wait_indirect_dma semaphore(%arg16 : memref<!tpu.dma_semaphore, #tpu.memory_space<semaphore_mem>>) src(%dma_wait3A_173 : memref<1000000x64xf32, #tpu.memory_space<hbm>>) dst(%arg8 : memref<128x64xf32, #tpu.memory_space<vmem>>)
      %gt3A_174 = arith.constant 0 : i32
      %gt3A_175 = arith.cmpi sgt, %add3A_97, %gt3A_174 : i32
      %convert_element_type3A_176 = arith.extui %gt3A_175 : i1 to i32
      %cond3A_177 = arith.constant 0 : i32
      %cond3A_178 = arith.cmpi ne, %convert_element_type3A_176, %cond3A_177 : i32
      scf.if %cond3A_178 {
        %sub3A = arith.constant 4 : i32
        %sub3A_234 = arith.subi %add3A_167, %sub3A : i32
        %dma_wait3A_235 = arith.constant 0 : i32
        %dma_wait3A_236 = arith.constant 0 : i32
        %dma_wait3A_237 = tpu.memref_slice %arg4[%sub3A_234, %dma_wait3A_235, %add3A, %dma_wait3A_236] : memref<200x8x32x1024xf32, #tpu.memory_space<hbm>> -> memref<1x8x1x1024xf32, #tpu.memory_space<hbm>>
        %dma_wait3A_238 = tpu.memref_squeeze %dma_wait3A_237 : memref<1x8x1x1024xf32, #tpu.memory_space<hbm>> -> memref<8x1024xf32, #tpu.memory_space<hbm>>
        %dma_wait3A_239 = arith.constant 0 : i32
        %dma_wait3A_240 = arith.constant 0 : i32
        %dma_wait3A_241 = tpu.memref_slice %arg4[%sub3A_234, %dma_wait3A_239, %add3A, %dma_wait3A_240] : memref<200x8x32x1024xf32, #tpu.memory_space<hbm>> -> memref<1x8x1x1024xf32, #tpu.memory_space<hbm>>
        %dma_wait3A_242 = tpu.memref_squeeze %dma_wait3A_241 : memref<1x8x1x1024xf32, #tpu.memory_space<hbm>> -> memref<8x1024xf32, #tpu.memory_space<hbm>>
        tpu.wait_dma2 semaphore(%arg20 : memref<!tpu.dma_semaphore, #tpu.memory_space<semaphore_mem>>) src(%arg12 : memref<8x1024xf32, #tpu.memory_space<vmem>>) dst(%dma_wait3A_242 : memref<8x1024xf32, #tpu.memory_space<hbm>>)
      } else {
      }
      %scan3A_179 = arith.constant 0 : i32
      %scan3A_180 = arith.constant 16 : i32
      %scan3A_181 = arith.addi %scan3A_179, %scan3A_180 : i32
      %scan3A_182 = arith.constant 4 : i32
      scf.for %scan3A_234 = %scan3A_179 to %scan3A_181 step %scan3A_182  : i32 {
        %mul3A_235 = arith.constant 1 : i32
        %mul3A_236 = arith.muli %scan3A_234, %mul3A_235 : i32
        %add3A_237 = arith.constant 0 : i32
        %add3A_238 = arith.addi %add3A_237, %mul3A_236 : i32
        %add3A_239 = vector.broadcast %add3A_238 : i32 to vector<16xi32>
        %add3A_240 = arith.addi %iota3A, %add3A_239 : vector<16xi32>
        %and3A = arith.constant 15 : i32
        %and3A_241 = vector.broadcast %and3A : i32 to vector<16xi32>
        %and3A_242 = arith.andi %add3A_240, %and3A_241 : vector<16xi32>
        %add3A_243 = arith.constant 0 : i32
        %add3A_244 = vector.broadcast %add3A_243 : i32 to vector<16xi32>
        %add3A_245 = arith.addi %and3A_242, %add3A_244 : vector<16xi32>
        %add3A_246 = arith.constant 16 : i32
        %add3A_247 = vector.broadcast %add3A_246 : i32 to vector<16xi32>
        %add3A_248 = arith.addi %and3A_242, %add3A_247 : vector<16xi32>
        %add3A_249 = arith.constant 32 : i32
        %add3A_250 = vector.broadcast %add3A_249 : i32 to vector<16xi32>
        %add3A_251 = arith.addi %and3A_242, %add3A_250 : vector<16xi32>
        %add3A_252 = arith.constant 48 : i32
        %add3A_253 = vector.broadcast %add3A_252 : i32 to vector<16xi32>
        %add3A_254 = arith.addi %and3A_242, %add3A_253 : vector<16xi32>
        %shift_right_arithmetic3A = arith.constant 3 : i32
        %shift_right_arithmetic3A_255 = vector.broadcast %shift_right_arithmetic3A : i32 to vector<16xi32>
        %shift_right_arithmetic3A_256 = arith.shrsi %and3A_242, %shift_right_arithmetic3A_255 : vector<16xi32>
        %add3A_257 = arith.constant 0 : i32
        %add3A_258 = vector.broadcast %add3A_257 : i32 to vector<16xi32>
        %add3A_259 = arith.addi %shift_right_arithmetic3A_256, %add3A_258 : vector<16xi32>
        %shift_right_arithmetic3A_260 = arith.constant 3 : i32
        %shift_right_arithmetic3A_261 = vector.broadcast %shift_right_arithmetic3A_260 : i32 to vector<16xi32>
        %shift_right_arithmetic3A_262 = arith.shrsi %and3A_242, %shift_right_arithmetic3A_261 : vector<16xi32>
        %add3A_263 = arith.constant 2 : i32
        %add3A_264 = vector.broadcast %add3A_263 : i32 to vector<16xi32>
        %add3A_265 = arith.addi %shift_right_arithmetic3A_262, %add3A_264 : vector<16xi32>
        %shift_right_arithmetic3A_266 = arith.constant 3 : i32
        %shift_right_arithmetic3A_267 = vector.broadcast %shift_right_arithmetic3A_266 : i32 to vector<16xi32>
        %shift_right_arithmetic3A_268 = arith.shrsi %and3A_242, %shift_right_arithmetic3A_267 : vector<16xi32>
        %add3A_269 = arith.constant 4 : i32
        %add3A_270 = vector.broadcast %add3A_269 : i32 to vector<16xi32>
        %add3A_271 = arith.addi %shift_right_arithmetic3A_268, %add3A_270 : vector<16xi32>
        %shift_right_arithmetic3A_272 = arith.constant 3 : i32
        %shift_right_arithmetic3A_273 = vector.broadcast %shift_right_arithmetic3A_272 : i32 to vector<16xi32>
        %shift_right_arithmetic3A_274 = arith.shrsi %and3A_242, %shift_right_arithmetic3A_273 : vector<16xi32>
        %add3A_275 = arith.constant 6 : i32
        %add3A_276 = vector.broadcast %add3A_275 : i32 to vector<16xi32>
        %add3A_277 = arith.addi %shift_right_arithmetic3A_274, %add3A_276 : vector<16xi32>
        %and3A_278 = arith.constant 7 : i32
        %and3A_279 = vector.broadcast %and3A_278 : i32 to vector<16xi32>
        %and3A_280 = arith.andi %and3A_242, %and3A_279 : vector<16xi32>
        %shift_left3A = arith.constant 7 : i32
        %shift_left3A_281 = vector.broadcast %shift_left3A : i32 to vector<16xi32>
        %shift_left3A_282 = arith.shli %and3A_280, %shift_left3A_281 : vector<16xi32>
        %add3A_283 = arith.addi %shift_left3A_282, %iota3A : vector<16xi32>
        %add3A_284 = arith.constant 0 : i32
        %add3A_285 = vector.broadcast %add3A_284 : i32 to vector<16xi32>
        %add3A_286 = arith.addi %add3A_283, %add3A_285 : vector<16xi32>
        %gather3A = tpu.vector_load_idx %arg8[%add3A_5, %add3A_245] : memref<128x64xf32, #tpu.memory_space<vmem>>[vector<16xi32>, vector<16xi32>], vector<16xf32>,
        %gather3A_287 = tpu.vector_load_idx %arg8[%add3A_5, %add3A_248] : memref<128x64xf32, #tpu.memory_space<vmem>>[vector<16xi32>, vector<16xi32>], vector<16xf32>,
        %gather3A_288 = tpu.vector_load_idx %arg8[%add3A_5, %add3A_251] : memref<128x64xf32, #tpu.memory_space<vmem>>[vector<16xi32>, vector<16xi32>], vector<16xf32>,
        %gather3A_289 = tpu.vector_load_idx %arg8[%add3A_5, %add3A_254] : memref<128x64xf32, #tpu.memory_space<vmem>>[vector<16xi32>, vector<16xi32>], vector<16xf32>,
        %add3A_290 = arith.constant 16 : i32
        %add3A_291 = vector.broadcast %add3A_290 : i32 to vector<16xi32>
        %add3A_292 = arith.addi %add3A_283, %add3A_291 : vector<16xi32>
        %gather3A_293 = tpu.vector_load_idx %arg8[%add3A_8, %add3A_245] : memref<128x64xf32, #tpu.memory_space<vmem>>[vector<16xi32>, vector<16xi32>], vector<16xf32>,
        %gather3A_294 = tpu.vector_load_idx %arg8[%add3A_8, %add3A_248] : memref<128x64xf32, #tpu.memory_space<vmem>>[vector<16xi32>, vector<16xi32>], vector<16xf32>,
        %gather3A_295 = tpu.vector_load_idx %arg8[%add3A_8, %add3A_251] : memref<128x64xf32, #tpu.memory_space<vmem>>[vector<16xi32>, vector<16xi32>], vector<16xf32>,
        %gather3A_296 = tpu.vector_load_idx %arg8[%add3A_8, %add3A_254] : memref<128x64xf32, #tpu.memory_space<vmem>>[vector<16xi32>, vector<16xi32>], vector<16xf32>,
        tpu.vector_store_idx %arg12[%add3A_259, %add3A_286], %gather3A : memref<8x1024xf32, #tpu.memory_space<vmem>>[vector<16xi32>, vector<16xi32>], vector<16xf32>,
        tpu.vector_store_idx %arg12[%add3A_265, %add3A_286], %gather3A_287 : memref<8x1024xf32, #tpu.memory_space<vmem>>[vector<16xi32>, vector<16xi32>], vector<16xf32>,
        tpu.vector_store_idx %arg12[%add3A_271, %add3A_286], %gather3A_288 : memref<8x1024xf32, #tpu.memory_space<vmem>>[vector<16xi32>, vector<16xi32>], vector<16xf32>,
        tpu.vector_store_idx %arg12[%add3A_277, %add3A_286], %gather3A_289 : memref<8x1024xf32, #tpu.memory_space<vmem>>[vector<16xi32>, vector<16xi32>], vector<16xf32>,
        %add3A_297 = arith.constant 32 : i32
        %add3A_298 = vector.broadcast %add3A_297 : i32 to vector<16xi32>
        %add3A_299 = arith.addi %add3A_283, %add3A_298 : vector<16xi32>
        %gather3A_300 = tpu.vector_load_idx %arg8[%add3A_11, %add3A_245] : memref<128x64xf32, #tpu.memory_space<vmem>>[vector<16xi32>, vector<16xi32>], vector<16xf32>,
        %gather3A_301 = tpu.vector_load_idx %arg8[%add3A_11, %add3A_248] : memref<128x64xf32, #tpu.memory_space<vmem>>[vector<16xi32>, vector<16xi32>], vector<16xf32>,
        %gather3A_302 = tpu.vector_load_idx %arg8[%add3A_11, %add3A_251] : memref<128x64xf32, #tpu.memory_space<vmem>>[vector<16xi32>, vector<16xi32>], vector<16xf32>,
        %gather3A_303 = tpu.vector_load_idx %arg8[%add3A_11, %add3A_254] : memref<128x64xf32, #tpu.memory_space<vmem>>[vector<16xi32>, vector<16xi32>], vector<16xf32>,
        tpu.vector_store_idx %arg12[%add3A_259, %add3A_292], %gather3A_293 : memref<8x1024xf32, #tpu.memory_space<vmem>>[vector<16xi32>, vector<16xi32>], vector<16xf32>,
        tpu.vector_store_idx %arg12[%add3A_265, %add3A_292], %gather3A_294 : memref<8x1024xf32, #tpu.memory_space<vmem>>[vector<16xi32>, vector<16xi32>], vector<16xf32>,
        tpu.vector_store_idx %arg12[%add3A_271, %add3A_292], %gather3A_295 : memref<8x1024xf32, #tpu.memory_space<vmem>>[vector<16xi32>, vector<16xi32>], vector<16xf32>,
        tpu.vector_store_idx %arg12[%add3A_277, %add3A_292], %gather3A_296 : memref<8x1024xf32, #tpu.memory_space<vmem>>[vector<16xi32>, vector<16xi32>], vector<16xf32>,
        %add3A_304 = arith.constant 48 : i32
        %add3A_305 = vector.broadcast %add3A_304 : i32 to vector<16xi32>
        %add3A_306 = arith.addi %add3A_283, %add3A_305 : vector<16xi32>
        %gather3A_307 = tpu.vector_load_idx %arg8[%add3A_14, %add3A_245] : memref<128x64xf32, #tpu.memory_space<vmem>>[vector<16xi32>, vector<16xi32>], vector<16xf32>,
        %gather3A_308 = tpu.vector_load_idx %arg8[%add3A_14, %add3A_248] : memref<128x64xf32, #tpu.memory_space<vmem>>[vector<16xi32>, vector<16xi32>], vector<16xf32>,
        %gather3A_309 = tpu.vector_load_idx %arg8[%add3A_14, %add3A_251] : memref<128x64xf32, #tpu.memory_space<vmem>>[vector<16xi32>, vector<16xi32>], vector<16xf32>,
        %gather3A_310 = tpu.vector_load_idx %arg8[%add3A_14, %add3A_254] : memref<128x64xf32, #tpu.memory_space<vmem>>[vector<16xi32>, vector<16xi32>], vector<16xf32>,
        tpu.vector_store_idx %arg12[%add3A_259, %add3A_299], %gather3A_300 : memref<8x1024xf32, #tpu.memory_space<vmem>>[vector<16xi32>, vector<16xi32>], vector<16xf32>,
        tpu.vector_store_idx %arg12[%add3A_265, %add3A_299], %gather3A_301 : memref<8x1024xf32, #tpu.memory_space<vmem>>[vector<16xi32>, vector<16xi32>], vector<16xf32>,
        tpu.vector_store_idx %arg12[%add3A_271, %add3A_299], %gather3A_302 : memref<8x1024xf32, #tpu.memory_space<vmem>>[vector<16xi32>, vector<16xi32>], vector<16xf32>,
        tpu.vector_store_idx %arg12[%add3A_277, %add3A_299], %gather3A_303 : memref<8x1024xf32, #tpu.memory_space<vmem>>[vector<16xi32>, vector<16xi32>], vector<16xf32>,
        %add3A_311 = arith.constant 64 : i32
        %add3A_312 = vector.broadcast %add3A_311 : i32 to vector<16xi32>
        %add3A_313 = arith.addi %add3A_283, %add3A_312 : vector<16xi32>
        %gather3A_314 = tpu.vector_load_idx %arg8[%add3A_17, %add3A_245] : memref<128x64xf32, #tpu.memory_space<vmem>>[vector<16xi32>, vector<16xi32>], vector<16xf32>,
        %gather3A_315 = tpu.vector_load_idx %arg8[%add3A_17, %add3A_248] : memref<128x64xf32, #tpu.memory_space<vmem>>[vector<16xi32>, vector<16xi32>], vector<16xf32>,
        %gather3A_316 = tpu.vector_load_idx %arg8[%add3A_17, %add3A_251] : memref<128x64xf32, #tpu.memory_space<vmem>>[vector<16xi32>, vector<16xi32>], vector<16xf32>,
        %gather3A_317 = tpu.vector_load_idx %arg8[%add3A_17, %add3A_254] : memref<128x64xf32, #tpu.memory_space<vmem>>[vector<16xi32>, vector<16xi32>], vector<16xf32>,
        tpu.vector_store_idx %arg12[%add3A_259, %add3A_306], %gather3A_307 : memref<8x1024xf32, #tpu.memory_space<vmem>>[vector<16xi32>, vector<16xi32>], vector<16xf32>,
        tpu.vector_store_idx %arg12[%add3A_265, %add3A_306], %gather3A_308 : memref<8x1024xf32, #tpu.memory_space<vmem>>[vector<16xi32>, vector<16xi32>], vector<16xf32>,
        tpu.vector_store_idx %arg12[%add3A_271, %add3A_306], %gather3A_309 : memref<8x1024xf32, #tpu.memory_space<vmem>>[vector<16xi32>, vector<16xi32>], vector<16xf32>,
        tpu.vector_store_idx %arg12[%add3A_277, %add3A_306], %gather3A_310 : memref<8x1024xf32, #tpu.memory_space<vmem>>[vector<16xi32>, vector<16xi32>], vector<16xf32>,
        %add3A_318 = arith.constant 80 : i32
        %add3A_319 = vector.broadcast %add3A_318 : i32 to vector<16xi32>
        %add3A_320 = arith.addi %add3A_283, %add3A_319 : vector<16xi32>
        %gather3A_321 = tpu.vector_load_idx %arg8[%add3A_20, %add3A_245] : memref<128x64xf32, #tpu.memory_space<vmem>>[vector<16xi32>, vector<16xi32>], vector<16xf32>,
        %gather3A_322 = tpu.vector_load_idx %arg8[%add3A_20, %add3A_248] : memref<128x64xf32, #tpu.memory_space<vmem>>[vector<16xi32>, vector<16xi32>], vector<16xf32>,
        %gather3A_323 = tpu.vector_load_idx %arg8[%add3A_20, %add3A_251] : memref<128x64xf32, #tpu.memory_space<vmem>>[vector<16xi32>, vector<16xi32>], vector<16xf32>,
        %gather3A_324 = tpu.vector_load_idx %arg8[%add3A_20, %add3A_254] : memref<128x64xf32, #tpu.memory_space<vmem>>[vector<16xi32>, vector<16xi32>], vector<16xf32>,
        tpu.vector_store_idx %arg12[%add3A_259, %add3A_313], %gather3A_314 : memref<8x1024xf32, #tpu.memory_space<vmem>>[vector<16xi32>, vector<16xi32>], vector<16xf32>,
        tpu.vector_store_idx %arg12[%add3A_265, %add3A_313], %gather3A_315 : memref<8x1024xf32, #tpu.memory_space<vmem>>[vector<16xi32>, vector<16xi32>], vector<16xf32>,
        tpu.vector_store_idx %arg12[%add3A_271, %add3A_313], %gather3A_316 : memref<8x1024xf32, #tpu.memory_space<vmem>>[vector<16xi32>, vector<16xi32>], vector<16xf32>,
        tpu.vector_store_idx %arg12[%add3A_277, %add3A_313], %gather3A_317 : memref<8x1024xf32, #tpu.memory_space<vmem>>[vector<16xi32>, vector<16xi32>], vector<16xf32>,
        %add3A_325 = arith.constant 96 : i32
        %add3A_326 = vector.broadcast %add3A_325 : i32 to vector<16xi32>
        %add3A_327 = arith.addi %add3A_283, %add3A_326 : vector<16xi32>
        %gather3A_328 = tpu.vector_load_idx %arg8[%add3A_23, %add3A_245] : memref<128x64xf32, #tpu.memory_space<vmem>>[vector<16xi32>, vector<16xi32>], vector<16xf32>,
        %gather3A_329 = tpu.vector_load_idx %arg8[%add3A_23, %add3A_248] : memref<128x64xf32, #tpu.memory_space<vmem>>[vector<16xi32>, vector<16xi32>], vector<16xf32>,
        %gather3A_330 = tpu.vector_load_idx %arg8[%add3A_23, %add3A_251] : memref<128x64xf32, #tpu.memory_space<vmem>>[vector<16xi32>, vector<16xi32>], vector<16xf32>,
        %gather3A_331 = tpu.vector_load_idx %arg8[%add3A_23, %add3A_254] : memref<128x64xf32, #tpu.memory_space<vmem>>[vector<16xi32>, vector<16xi32>], vector<16xf32>,
        tpu.vector_store_idx %arg12[%add3A_259, %add3A_320], %gather3A_321 : memref<8x1024xf32, #tpu.memory_space<vmem>>[vector<16xi32>, vector<16xi32>], vector<16xf32>,
        tpu.vector_store_idx %arg12[%add3A_265, %add3A_320], %gather3A_322 : memref<8x1024xf32, #tpu.memory_space<vmem>>[vector<16xi32>, vector<16xi32>], vector<16xf32>,
        tpu.vector_store_idx %arg12[%add3A_271, %add3A_320], %gather3A_323 : memref<8x1024xf32, #tpu.memory_space<vmem>>[vector<16xi32>, vector<16xi32>], vector<16xf32>,
        tpu.vector_store_idx %arg12[%add3A_277, %add3A_320], %gather3A_324 : memref<8x1024xf32, #tpu.memory_space<vmem>>[vector<16xi32>, vector<16xi32>], vector<16xf32>,
        %add3A_332 = arith.constant 112 : i32
        %add3A_333 = vector.broadcast %add3A_332 : i32 to vector<16xi32>
        %add3A_334 = arith.addi %add3A_283, %add3A_333 : vector<16xi32>
        %gather3A_335 = tpu.vector_load_idx %arg8[%add3A_26, %add3A_245] : memref<128x64xf32, #tpu.memory_space<vmem>>[vector<16xi32>, vector<16xi32>], vector<16xf32>,
        %gather3A_336 = tpu.vector_load_idx %arg8[%add3A_26, %add3A_248] : memref<128x64xf32, #tpu.memory_space<vmem>>[vector<16xi32>, vector<16xi32>], vector<16xf32>,
        %gather3A_337 = tpu.vector_load_idx %arg8[%add3A_26, %add3A_251] : memref<128x64xf32, #tpu.memory_space<vmem>>[vector<16xi32>, vector<16xi32>], vector<16xf32>,
        %gather3A_338 = tpu.vector_load_idx %arg8[%add3A_26, %add3A_254] : memref<128x64xf32, #tpu.memory_space<vmem>>[vector<16xi32>, vector<16xi32>], vector<16xf32>,
        tpu.vector_store_idx %arg12[%add3A_259, %add3A_327], %gather3A_328 : memref<8x1024xf32, #tpu.memory_space<vmem>>[vector<16xi32>, vector<16xi32>], vector<16xf32>,
        tpu.vector_store_idx %arg12[%add3A_265, %add3A_327], %gather3A_329 : memref<8x1024xf32, #tpu.memory_space<vmem>>[vector<16xi32>, vector<16xi32>], vector<16xf32>,
        tpu.vector_store_idx %arg12[%add3A_271, %add3A_327], %gather3A_330 : memref<8x1024xf32, #tpu.memory_space<vmem>>[vector<16xi32>, vector<16xi32>], vector<16xf32>,
        tpu.vector_store_idx %arg12[%add3A_277, %add3A_327], %gather3A_331 : memref<8x1024xf32, #tpu.memory_space<vmem>>[vector<16xi32>, vector<16xi32>], vector<16xf32>,
        tpu.vector_store_idx %arg12[%add3A_259, %add3A_334], %gather3A_335 : memref<8x1024xf32, #tpu.memory_space<vmem>>[vector<16xi32>, vector<16xi32>], vector<16xf32>,
        tpu.vector_store_idx %arg12[%add3A_265, %add3A_334], %gather3A_336 : memref<8x1024xf32, #tpu.memory_space<vmem>>[vector<16xi32>, vector<16xi32>], vector<16xf32>,
        tpu.vector_store_idx %arg12[%add3A_271, %add3A_334], %gather3A_337 : memref<8x1024xf32, #tpu.memory_space<vmem>>[vector<16xi32>, vector<16xi32>], vector<16xf32>,
        tpu.vector_store_idx %arg12[%add3A_277, %add3A_334], %gather3A_338 : memref<8x1024xf32, #tpu.memory_space<vmem>>[vector<16xi32>, vector<16xi32>], vector<16xf32>,
        %scan3A_339 = arith.constant 1 : i32
        %scan3A_340 = arith.addi %scan3A_234, %scan3A_339 : i32
        %mul3A_341 = arith.constant 1 : i32
        %mul3A_342 = arith.muli %scan3A_340, %mul3A_341 : i32
        %add3A_343 = arith.constant 0 : i32
        %add3A_344 = arith.addi %add3A_343, %mul3A_342 : i32
        %add3A_345 = vector.broadcast %add3A_344 : i32 to vector<16xi32>
        %add3A_346 = arith.addi %iota3A, %add3A_345 : vector<16xi32>
        %and3A_347 = arith.constant 15 : i32
        %and3A_348 = vector.broadcast %and3A_347 : i32 to vector<16xi32>
        %and3A_349 = arith.andi %add3A_346, %and3A_348 : vector<16xi32>
        %add3A_350 = arith.constant 0 : i32
        %add3A_351 = vector.broadcast %add3A_350 : i32 to vector<16xi32>
        %add3A_352 = arith.addi %and3A_349, %add3A_351 : vector<16xi32>
        %add3A_353 = arith.constant 16 : i32
        %add3A_354 = vector.broadcast %add3A_353 : i32 to vector<16xi32>
        %add3A_355 = arith.addi %and3A_349, %add3A_354 : vector<16xi32>
        %add3A_356 = arith.constant 32 : i32
        %add3A_357 = vector.broadcast %add3A_356 : i32 to vector<16xi32>
        %add3A_358 = arith.addi %and3A_349, %add3A_357 : vector<16xi32>
        %add3A_359 = arith.constant 48 : i32
        %add3A_360 = vector.broadcast %add3A_359 : i32 to vector<16xi32>
        %add3A_361 = arith.addi %and3A_349, %add3A_360 : vector<16xi32>
        %shift_right_arithmetic3A_362 = arith.constant 3 : i32
        %shift_right_arithmetic3A_363 = vector.broadcast %shift_right_arithmetic3A_362 : i32 to vector<16xi32>
        %shift_right_arithmetic3A_364 = arith.shrsi %and3A_349, %shift_right_arithmetic3A_363 : vector<16xi32>
        %add3A_365 = arith.constant 0 : i32
        %add3A_366 = vector.broadcast %add3A_365 : i32 to vector<16xi32>
        %add3A_367 = arith.addi %shift_right_arithmetic3A_364, %add3A_366 : vector<16xi32>
        %shift_right_arithmetic3A_368 = arith.constant 3 : i32
        %shift_right_arithmetic3A_369 = vector.broadcast %shift_right_arithmetic3A_368 : i32 to vector<16xi32>
        %shift_right_arithmetic3A_370 = arith.shrsi %and3A_349, %shift_right_arithmetic3A_369 : vector<16xi32>
        %add3A_371 = arith.constant 2 : i32
        %add3A_372 = vector.broadcast %add3A_371 : i32 to vector<16xi32>
        %add3A_373 = arith.addi %shift_right_arithmetic3A_370, %add3A_372 : vector<16xi32>
        %shift_right_arithmetic3A_374 = arith.constant 3 : i32
        %shift_right_arithmetic3A_375 = vector.broadcast %shift_right_arithmetic3A_374 : i32 to vector<16xi32>
        %shift_right_arithmetic3A_376 = arith.shrsi %and3A_349, %shift_right_arithmetic3A_375 : vector<16xi32>
        %add3A_377 = arith.constant 4 : i32
        %add3A_378 = vector.broadcast %add3A_377 : i32 to vector<16xi32>
        %add3A_379 = arith.addi %shift_right_arithmetic3A_376, %add3A_378 : vector<16xi32>
        %shift_right_arithmetic3A_380 = arith.constant 3 : i32
        %shift_right_arithmetic3A_381 = vector.broadcast %shift_right_arithmetic3A_380 : i32 to vector<16xi32>
        %shift_right_arithmetic3A_382 = arith.shrsi %and3A_349, %shift_right_arithmetic3A_381 : vector<16xi32>
        %add3A_383 = arith.constant 6 : i32
        %add3A_384 = vector.broadcast %add3A_383 : i32 to vector<16xi32>
        %add3A_385 = arith.addi %shift_right_arithmetic3A_382, %add3A_384 : vector<16xi32>
        %and3A_386 = arith.constant 7 : i32
        %and3A_387 = vector.broadcast %and3A_386 : i32 to vector<16xi32>
        %and3A_388 = arith.andi %and3A_349, %and3A_387 : vector<16xi32>
        %shift_left3A_389 = arith.constant 7 : i32
        %shift_left3A_390 = vector.broadcast %shift_left3A_389 : i32 to vector<16xi32>
        %shift_left3A_391 = arith.shli %and3A_388, %shift_left3A_390 : vector<16xi32>
        %add3A_392 = arith.addi %shift_left3A_391, %iota3A : vector<16xi32>
        %add3A_393 = arith.constant 0 : i32
        %add3A_394 = vector.broadcast %add3A_393 : i32 to vector<16xi32>
        %add3A_395 = arith.addi %add3A_392, %add3A_394 : vector<16xi32>
        %gather3A_396 = tpu.vector_load_idx %arg8[%add3A_5, %add3A_352] : memref<128x64xf32, #tpu.memory_space<vmem>>[vector<16xi32>, vector<16xi32>], vector<16xf32>,
        %gather3A_397 = tpu.vector_load_idx %arg8[%add3A_5, %add3A_355] : memref<128x64xf32, #tpu.memory_space<vmem>>[vector<16xi32>, vector<16xi32>], vector<16xf32>,
        %gather3A_398 = tpu.vector_load_idx %arg8[%add3A_5, %add3A_358] : memref<128x64xf32, #tpu.memory_space<vmem>>[vector<16xi32>, vector<16xi32>], vector<16xf32>,
        %gather3A_399 = tpu.vector_load_idx %arg8[%add3A_5, %add3A_361] : memref<128x64xf32, #tpu.memory_space<vmem>>[vector<16xi32>, vector<16xi32>], vector<16xf32>,
        %add3A_400 = arith.constant 16 : i32
        %add3A_401 = vector.broadcast %add3A_400 : i32 to vector<16xi32>
        %add3A_402 = arith.addi %add3A_392, %add3A_401 : vector<16xi32>
        %gather3A_403 = tpu.vector_load_idx %arg8[%add3A_8, %add3A_352] : memref<128x64xf32, #tpu.memory_space<vmem>>[vector<16xi32>, vector<16xi32>], vector<16xf32>,
        %gather3A_404 = tpu.vector_load_idx %arg8[%add3A_8, %add3A_355] : memref<128x64xf32, #tpu.memory_space<vmem>>[vector<16xi32>, vector<16xi32>], vector<16xf32>,
        %gather3A_405 = tpu.vector_load_idx %arg8[%add3A_8, %add3A_358] : memref<128x64xf32, #tpu.memory_space<vmem>>[vector<16xi32>, vector<16xi32>], vector<16xf32>,
        %gather3A_406 = tpu.vector_load_idx %arg8[%add3A_8, %add3A_361] : memref<128x64xf32, #tpu.memory_space<vmem>>[vector<16xi32>, vector<16xi32>], vector<16xf32>,
        tpu.vector_store_idx %arg12[%add3A_367, %add3A_395], %gather3A_396 : memref<8x1024xf32, #tpu.memory_space<vmem>>[vector<16xi32>, vector<16xi32>], vector<16xf32>,
        tpu.vector_store_idx %arg12[%add3A_373, %add3A_395], %gather3A_397 : memref<8x1024xf32, #tpu.memory_space<vmem>>[vector<16xi32>, vector<16xi32>], vector<16xf32>,
        tpu.vector_store_idx %arg12[%add3A_379, %add3A_395], %gather3A_398 : memref<8x1024xf32, #tpu.memory_space<vmem>>[vector<16xi32>, vector<16xi32>], vector<16xf32>,
        tpu.vector_store_idx %arg12[%add3A_385, %add3A_395], %gather3A_399 : memref<8x1024xf32, #tpu.memory_space<vmem>>[vector<16xi32>, vector<16xi32>], vector<16xf32>,
        %add3A_407 = arith.constant 32 : i32
        %add3A_408 = vector.broadcast %add3A_407 : i32 to vector<16xi32>
        %add3A_409 = arith.addi %add3A_392, %add3A_408 : vector<16xi32>
        %gather3A_410 = tpu.vector_load_idx %arg8[%add3A_11, %add3A_352] : memref<128x64xf32, #tpu.memory_space<vmem>>[vector<16xi32>, vector<16xi32>], vector<16xf32>,
        %gather3A_411 = tpu.vector_load_idx %arg8[%add3A_11, %add3A_355] : memref<128x64xf32, #tpu.memory_space<vmem>>[vector<16xi32>, vector<16xi32>], vector<16xf32>,
        %gather3A_412 = tpu.vector_load_idx %arg8[%add3A_11, %add3A_358] : memref<128x64xf32, #tpu.memory_space<vmem>>[vector<16xi32>, vector<16xi32>], vector<16xf32>,
        %gather3A_413 = tpu.vector_load_idx %arg8[%add3A_11, %add3A_361] : memref<128x64xf32, #tpu.memory_space<vmem>>[vector<16xi32>, vector<16xi32>], vector<16xf32>,
        tpu.vector_store_idx %arg12[%add3A_367, %add3A_402], %gather3A_403 : memref<8x1024xf32, #tpu.memory_space<vmem>>[vector<16xi32>, vector<16xi32>], vector<16xf32>,
        tpu.vector_store_idx %arg12[%add3A_373, %add3A_402], %gather3A_404 : memref<8x1024xf32, #tpu.memory_space<vmem>>[vector<16xi32>, vector<16xi32>], vector<16xf32>,
        tpu.vector_store_idx %arg12[%add3A_379, %add3A_402], %gather3A_405 : memref<8x1024xf32, #tpu.memory_space<vmem>>[vector<16xi32>, vector<16xi32>], vector<16xf32>,
        tpu.vector_store_idx %arg12[%add3A_385, %add3A_402], %gather3A_406 : memref<8x1024xf32, #tpu.memory_space<vmem>>[vector<16xi32>, vector<16xi32>], vector<16xf32>,
        %add3A_414 = arith.constant 48 : i32
        %add3A_415 = vector.broadcast %add3A_414 : i32 to vector<16xi32>
        %add3A_416 = arith.addi %add3A_392, %add3A_415 : vector<16xi32>
        %gather3A_417 = tpu.vector_load_idx %arg8[%add3A_14, %add3A_352] : memref<128x64xf32, #tpu.memory_space<vmem>>[vector<16xi32>, vector<16xi32>], vector<16xf32>,
        %gather3A_418 = tpu.vector_load_idx %arg8[%add3A_14, %add3A_355] : memref<128x64xf32, #tpu.memory_space<vmem>>[vector<16xi32>, vector<16xi32>], vector<16xf32>,
        %gather3A_419 = tpu.vector_load_idx %arg8[%add3A_14, %add3A_358] : memref<128x64xf32, #tpu.memory_space<vmem>>[vector<16xi32>, vector<16xi32>], vector<16xf32>,
        %gather3A_420 = tpu.vector_load_idx %arg8[%add3A_14, %add3A_361] : memref<128x64xf32, #tpu.memory_space<vmem>>[vector<16xi32>, vector<16xi32>], vector<16xf32>,
        tpu.vector_store_idx %arg12[%add3A_367, %add3A_409], %gather3A_410 : memref<8x1024xf32, #tpu.memory_space<vmem>>[vector<16xi32>, vector<16xi32>], vector<16xf32>,
        tpu.vector_store_idx %arg12[%add3A_373, %add3A_409], %gather3A_411 : memref<8x1024xf32, #tpu.memory_space<vmem>>[vector<16xi32>, vector<16xi32>], vector<16xf32>,
        tpu.vector_store_idx %arg12[%add3A_379, %add3A_409], %gather3A_412 : memref<8x1024xf32, #tpu.memory_space<vmem>>[vector<16xi32>, vector<16xi32>], vector<16xf32>,
        tpu.vector_store_idx %arg12[%add3A_385, %add3A_409], %gather3A_413 : memref<8x1024xf32, #tpu.memory_space<vmem>>[vector<16xi32>, vector<16xi32>], vector<16xf32>,
        %add3A_421 = arith.constant 64 : i32
        %add3A_422 = vector.broadcast %add3A_421 : i32 to vector<16xi32>
        %add3A_423 = arith.addi %add3A_392, %add3A_422 : vector<16xi32>
        %gather3A_424 = tpu.vector_load_idx %arg8[%add3A_17, %add3A_352] : memref<128x64xf32, #tpu.memory_space<vmem>>[vector<16xi32>, vector<16xi32>], vector<16xf32>,
        %gather3A_425 = tpu.vector_load_idx %arg8[%add3A_17, %add3A_355] : memref<128x64xf32, #tpu.memory_space<vmem>>[vector<16xi32>, vector<16xi32>], vector<16xf32>,
        %gather3A_426 = tpu.vector_load_idx %arg8[%add3A_17, %add3A_358] : memref<128x64xf32, #tpu.memory_space<vmem>>[vector<16xi32>, vector<16xi32>], vector<16xf32>,
        %gather3A_427 = tpu.vector_load_idx %arg8[%add3A_17, %add3A_361] : memref<128x64xf32, #tpu.memory_space<vmem>>[vector<16xi32>, vector<16xi32>], vector<16xf32>,
        tpu.vector_store_idx %arg12[%add3A_367, %add3A_416], %gather3A_417 : memref<8x1024xf32, #tpu.memory_space<vmem>>[vector<16xi32>, vector<16xi32>], vector<16xf32>,
        tpu.vector_store_idx %arg12[%add3A_373, %add3A_416], %gather3A_418 : memref<8x1024xf32, #tpu.memory_space<vmem>>[vector<16xi32>, vector<16xi32>], vector<16xf32>,
        tpu.vector_store_idx %arg12[%add3A_379, %add3A_416], %gather3A_419 : memref<8x1024xf32, #tpu.memory_space<vmem>>[vector<16xi32>, vector<16xi32>], vector<16xf32>,
        tpu.vector_store_idx %arg12[%add3A_385, %add3A_416], %gather3A_420 : memref<8x1024xf32, #tpu.memory_space<vmem>>[vector<16xi32>, vector<16xi32>], vector<16xf32>,
        %add3A_428 = arith.constant 80 : i32
        %add3A_429 = vector.broadcast %add3A_428 : i32 to vector<16xi32>
        %add3A_430 = arith.addi %add3A_392, %add3A_429 : vector<16xi32>
        %gather3A_431 = tpu.vector_load_idx %arg8[%add3A_20, %add3A_352] : memref<128x64xf32, #tpu.memory_space<vmem>>[vector<16xi32>, vector<16xi32>], vector<16xf32>,
        %gather3A_432 = tpu.vector_load_idx %arg8[%add3A_20, %add3A_355] : memref<128x64xf32, #tpu.memory_space<vmem>>[vector<16xi32>, vector<16xi32>], vector<16xf32>,
        %gather3A_433 = tpu.vector_load_idx %arg8[%add3A_20, %add3A_358] : memref<128x64xf32, #tpu.memory_space<vmem>>[vector<16xi32>, vector<16xi32>], vector<16xf32>,
        %gather3A_434 = tpu.vector_load_idx %arg8[%add3A_20, %add3A_361] : memref<128x64xf32, #tpu.memory_space<vmem>>[vector<16xi32>, vector<16xi32>], vector<16xf32>,
        tpu.vector_store_idx %arg12[%add3A_367, %add3A_423], %gather3A_424 : memref<8x1024xf32, #tpu.memory_space<vmem>>[vector<16xi32>, vector<16xi32>], vector<16xf32>,
        tpu.vector_store_idx %arg12[%add3A_373, %add3A_423], %gather3A_425 : memref<8x1024xf32, #tpu.memory_space<vmem>>[vector<16xi32>, vector<16xi32>], vector<16xf32>,
        tpu.vector_store_idx %arg12[%add3A_379, %add3A_423], %gather3A_426 : memref<8x1024xf32, #tpu.memory_space<vmem>>[vector<16xi32>, vector<16xi32>], vector<16xf32>,
        tpu.vector_store_idx %arg12[%add3A_385, %add3A_423], %gather3A_427 : memref<8x1024xf32, #tpu.memory_space<vmem>>[vector<16xi32>, vector<16xi32>], vector<16xf32>,
        %add3A_435 = arith.constant 96 : i32
        %add3A_436 = vector.broadcast %add3A_435 : i32 to vector<16xi32>
        %add3A_437 = arith.addi %add3A_392, %add3A_436 : vector<16xi32>
        %gather3A_438 = tpu.vector_load_idx %arg8[%add3A_23, %add3A_352] : memref<128x64xf32, #tpu.memory_space<vmem>>[vector<16xi32>, vector<16xi32>], vector<16xf32>,
        %gather3A_439 = tpu.vector_load_idx %arg8[%add3A_23, %add3A_355] : memref<128x64xf32, #tpu.memory_space<vmem>>[vector<16xi32>, vector<16xi32>], vector<16xf32>,
        %gather3A_440 = tpu.vector_load_idx %arg8[%add3A_23, %add3A_358] : memref<128x64xf32, #tpu.memory_space<vmem>>[vector<16xi32>, vector<16xi32>], vector<16xf32>,
        %gather3A_441 = tpu.vector_load_idx %arg8[%add3A_23, %add3A_361] : memref<128x64xf32, #tpu.memory_space<vmem>>[vector<16xi32>, vector<16xi32>], vector<16xf32>,
        tpu.vector_store_idx %arg12[%add3A_367, %add3A_430], %gather3A_431 : memref<8x1024xf32, #tpu.memory_space<vmem>>[vector<16xi32>, vector<16xi32>], vector<16xf32>,
        tpu.vector_store_idx %arg12[%add3A_373, %add3A_430], %gather3A_432 : memref<8x1024xf32, #tpu.memory_space<vmem>>[vector<16xi32>, vector<16xi32>], vector<16xf32>,
        tpu.vector_store_idx %arg12[%add3A_379, %add3A_430], %gather3A_433 : memref<8x1024xf32, #tpu.memory_space<vmem>>[vector<16xi32>, vector<16xi32>], vector<16xf32>,
        tpu.vector_store_idx %arg12[%add3A_385, %add3A_430], %gather3A_434 : memref<8x1024xf32, #tpu.memory_space<vmem>>[vector<16xi32>, vector<16xi32>], vector<16xf32>,
        %add3A_442 = arith.constant 112 : i32
        %add3A_443 = vector.broadcast %add3A_442 : i32 to vector<16xi32>
        %add3A_444 = arith.addi %add3A_392, %add3A_443 : vector<16xi32>
        %gather3A_445 = tpu.vector_load_idx %arg8[%add3A_26, %add3A_352] : memref<128x64xf32, #tpu.memory_space<vmem>>[vector<16xi32>, vector<16xi32>], vector<16xf32>,
        %gather3A_446 = tpu.vector_load_idx %arg8[%add3A_26, %add3A_355] : memref<128x64xf32, #tpu.memory_space<vmem>>[vector<16xi32>, vector<16xi32>], vector<16xf32>,
        %gather3A_447 = tpu.vector_load_idx %arg8[%add3A_26, %add3A_358] : memref<128x64xf32, #tpu.memory_space<vmem>>[vector<16xi32>, vector<16xi32>], vector<16xf32>,
        %gather3A_448 = tpu.vector_load_idx %arg8[%add3A_26, %add3A_361] : memref<128x64xf32, #tpu.memory_space<vmem>>[vector<16xi32>, vector<16xi32>], vector<16xf32>,
        tpu.vector_store_idx %arg12[%add3A_367, %add3A_437], %gather3A_438 : memref<8x1024xf32, #tpu.memory_space<vmem>>[vector<16xi32>, vector<16xi32>], vector<16xf32>,
        tpu.vector_store_idx %arg12[%add3A_373, %add3A_437], %gather3A_439 : memref<8x1024xf32, #tpu.memory_space<vmem>>[vector<16xi32>, vector<16xi32>], vector<16xf32>,
        tpu.vector_store_idx %arg12[%add3A_379, %add3A_437], %gather3A_440 : memref<8x1024xf32, #tpu.memory_space<vmem>>[vector<16xi32>, vector<16xi32>], vector<16xf32>,
        tpu.vector_store_idx %arg12[%add3A_385, %add3A_437], %gather3A_441 : memref<8x1024xf32, #tpu.memory_space<vmem>>[vector<16xi32>, vector<16xi32>], vector<16xf32>,
        tpu.vector_store_idx %arg12[%add3A_367, %add3A_444], %gather3A_445 : memref<8x1024xf32, #tpu.memory_space<vmem>>[vector<16xi32>, vector<16xi32>], vector<16xf32>,
        tpu.vector_store_idx %arg12[%add3A_373, %add3A_444], %gather3A_446 : memref<8x1024xf32, #tpu.memory_space<vmem>>[vector<16xi32>, vector<16xi32>], vector<16xf32>,
        tpu.vector_store_idx %arg12[%add3A_379, %add3A_444], %gather3A_447 : memref<8x1024xf32, #tpu.memory_space<vmem>>[vector<16xi32>, vector<16xi32>], vector<16xf32>,
        tpu.vector_store_idx %arg12[%add3A_385, %add3A_444], %gather3A_448 : memref<8x1024xf32, #tpu.memory_space<vmem>>[vector<16xi32>, vector<16xi32>], vector<16xf32>,
        %scan3A_449 = arith.constant 2 : i32
        %scan3A_450 = arith.addi %scan3A_234, %scan3A_449 : i32
        %mul3A_451 = arith.constant 1 : i32
        %mul3A_452 = arith.muli %scan3A_450, %mul3A_451 : i32
        %add3A_453 = arith.constant 0 : i32
        %add3A_454 = arith.addi %add3A_453, %mul3A_452 : i32
        %add3A_455 = vector.broadcast %add3A_454 : i32 to vector<16xi32>
        %add3A_456 = arith.addi %iota3A, %add3A_455 : vector<16xi32>
        %and3A_457 = arith.constant 15 : i32
        %and3A_458 = vector.broadcast %and3A_457 : i32 to vector<16xi32>
        %and3A_459 = arith.andi %add3A_456, %and3A_458 : vector<16xi32>
        %add3A_460 = arith.constant 0 : i32
        %add3A_461 = vector.broadcast %add3A_460 : i32 to vector<16xi32>
        %add3A_462 = arith.addi %and3A_459, %add3A_461 : vector<16xi32>
        %add3A_463 = arith.constant 16 : i32
        %add3A_464 = vector.broadcast %add3A_463 : i32 to vector<16xi32>
        %add3A_465 = arith.addi %and3A_459, %add3A_464 : vector<16xi32>
        %add3A_466 = arith.constant 32 : i32
        %add3A_467 = vector.broadcast %add3A_466 : i32 to vector<16xi32>
        %add3A_468 = arith.addi %and3A_459, %add3A_467 : vector<16xi32>
        %add3A_469 = arith.constant 48 : i32
        %add3A_470 = vector.broadcast %add3A_469 : i32 to vector<16xi32>
        %add3A_471 = arith.addi %and3A_459, %add3A_470 : vector<16xi32>
        %shift_right_arithmetic3A_472 = arith.constant 3 : i32
        %shift_right_arithmetic3A_473 = vector.broadcast %shift_right_arithmetic3A_472 : i32 to vector<16xi32>
        %shift_right_arithmetic3A_474 = arith.shrsi %and3A_459, %shift_right_arithmetic3A_473 : vector<16xi32>
        %add3A_475 = arith.constant 0 : i32
        %add3A_476 = vector.broadcast %add3A_475 : i32 to vector<16xi32>
        %add3A_477 = arith.addi %shift_right_arithmetic3A_474, %add3A_476 : vector<16xi32>
        %shift_right_arithmetic3A_478 = arith.constant 3 : i32
        %shift_right_arithmetic3A_479 = vector.broadcast %shift_right_arithmetic3A_478 : i32 to vector<16xi32>
        %shift_right_arithmetic3A_480 = arith.shrsi %and3A_459, %shift_right_arithmetic3A_479 : vector<16xi32>
        %add3A_481 = arith.constant 2 : i32
        %add3A_482 = vector.broadcast %add3A_481 : i32 to vector<16xi32>
        %add3A_483 = arith.addi %shift_right_arithmetic3A_480, %add3A_482 : vector<16xi32>
        %shift_right_arithmetic3A_484 = arith.constant 3 : i32
        %shift_right_arithmetic3A_485 = vector.broadcast %shift_right_arithmetic3A_484 : i32 to vector<16xi32>
        %shift_right_arithmetic3A_486 = arith.shrsi %and3A_459, %shift_right_arithmetic3A_485 : vector<16xi32>
        %add3A_487 = arith.constant 4 : i32
        %add3A_488 = vector.broadcast %add3A_487 : i32 to vector<16xi32>
        %add3A_489 = arith.addi %shift_right_arithmetic3A_486, %add3A_488 : vector<16xi32>
        %shift_right_arithmetic3A_490 = arith.constant 3 : i32
        %shift_right_arithmetic3A_491 = vector.broadcast %shift_right_arithmetic3A_490 : i32 to vector<16xi32>
        %shift_right_arithmetic3A_492 = arith.shrsi %and3A_459, %shift_right_arithmetic3A_491 : vector<16xi32>
        %add3A_493 = arith.constant 6 : i32
        %add3A_494 = vector.broadcast %add3A_493 : i32 to vector<16xi32>
        %add3A_495 = arith.addi %shift_right_arithmetic3A_492, %add3A_494 : vector<16xi32>
        %and3A_496 = arith.constant 7 : i32
        %and3A_497 = vector.broadcast %and3A_496 : i32 to vector<16xi32>
        %and3A_498 = arith.andi %and3A_459, %and3A_497 : vector<16xi32>
        %shift_left3A_499 = arith.constant 7 : i32
        %shift_left3A_500 = vector.broadcast %shift_left3A_499 : i32 to vector<16xi32>
        %shift_left3A_501 = arith.shli %and3A_498, %shift_left3A_500 : vector<16xi32>
        %add3A_502 = arith.addi %shift_left3A_501, %iota3A : vector<16xi32>
        %add3A_503 = arith.constant 0 : i32
        %add3A_504 = vector.broadcast %add3A_503 : i32 to vector<16xi32>
        %add3A_505 = arith.addi %add3A_502, %add3A_504 : vector<16xi32>
        %gather3A_506 = tpu.vector_load_idx %arg8[%add3A_5, %add3A_462] : memref<128x64xf32, #tpu.memory_space<vmem>>[vector<16xi32>, vector<16xi32>], vector<16xf32>,
        %gather3A_507 = tpu.vector_load_idx %arg8[%add3A_5, %add3A_465] : memref<128x64xf32, #tpu.memory_space<vmem>>[vector<16xi32>, vector<16xi32>], vector<16xf32>,
        %gather3A_508 = tpu.vector_load_idx %arg8[%add3A_5, %add3A_468] : memref<128x64xf32, #tpu.memory_space<vmem>>[vector<16xi32>, vector<16xi32>], vector<16xf32>,
        %gather3A_509 = tpu.vector_load_idx %arg8[%add3A_5, %add3A_471] : memref<128x64xf32, #tpu.memory_space<vmem>>[vector<16xi32>, vector<16xi32>], vector<16xf32>,
        %add3A_510 = arith.constant 16 : i32
        %add3A_511 = vector.broadcast %add3A_510 : i32 to vector<16xi32>
        %add3A_512 = arith.addi %add3A_502, %add3A_511 : vector<16xi32>
        %gather3A_513 = tpu.vector_load_idx %arg8[%add3A_8, %add3A_462] : memref<128x64xf32, #tpu.memory_space<vmem>>[vector<16xi32>, vector<16xi32>], vector<16xf32>,
        %gather3A_514 = tpu.vector_load_idx %arg8[%add3A_8, %add3A_465] : memref<128x64xf32, #tpu.memory_space<vmem>>[vector<16xi32>, vector<16xi32>], vector<16xf32>,
        %gather3A_515 = tpu.vector_load_idx %arg8[%add3A_8, %add3A_468] : memref<128x64xf32, #tpu.memory_space<vmem>>[vector<16xi32>, vector<16xi32>], vector<16xf32>,
        %gather3A_516 = tpu.vector_load_idx %arg8[%add3A_8, %add3A_471] : memref<128x64xf32, #tpu.memory_space<vmem>>[vector<16xi32>, vector<16xi32>], vector<16xf32>,
        tpu.vector_store_idx %arg12[%add3A_477, %add3A_505], %gather3A_506 : memref<8x1024xf32, #tpu.memory_space<vmem>>[vector<16xi32>, vector<16xi32>], vector<16xf32>,
        tpu.vector_store_idx %arg12[%add3A_483, %add3A_505], %gather3A_507 : memref<8x1024xf32, #tpu.memory_space<vmem>>[vector<16xi32>, vector<16xi32>], vector<16xf32>,
        tpu.vector_store_idx %arg12[%add3A_489, %add3A_505], %gather3A_508 : memref<8x1024xf32, #tpu.memory_space<vmem>>[vector<16xi32>, vector<16xi32>], vector<16xf32>,
        tpu.vector_store_idx %arg12[%add3A_495, %add3A_505], %gather3A_509 : memref<8x1024xf32, #tpu.memory_space<vmem>>[vector<16xi32>, vector<16xi32>], vector<16xf32>,
        %add3A_517 = arith.constant 32 : i32
        %add3A_518 = vector.broadcast %add3A_517 : i32 to vector<16xi32>
        %add3A_519 = arith.addi %add3A_502, %add3A_518 : vector<16xi32>
        %gather3A_520 = tpu.vector_load_idx %arg8[%add3A_11, %add3A_462] : memref<128x64xf32, #tpu.memory_space<vmem>>[vector<16xi32>, vector<16xi32>], vector<16xf32>,
        %gather3A_521 = tpu.vector_load_idx %arg8[%add3A_11, %add3A_465] : memref<128x64xf32, #tpu.memory_space<vmem>>[vector<16xi32>, vector<16xi32>], vector<16xf32>,
        %gather3A_522 = tpu.vector_load_idx %arg8[%add3A_11, %add3A_468] : memref<128x64xf32, #tpu.memory_space<vmem>>[vector<16xi32>, vector<16xi32>], vector<16xf32>,
        %gather3A_523 = tpu.vector_load_idx %arg8[%add3A_11, %add3A_471] : memref<128x64xf32, #tpu.memory_space<vmem>>[vector<16xi32>, vector<16xi32>], vector<16xf32>,
        tpu.vector_store_idx %arg12[%add3A_477, %add3A_512], %gather3A_513 : memref<8x1024xf32, #tpu.memory_space<vmem>>[vector<16xi32>, vector<16xi32>], vector<16xf32>,
        tpu.vector_store_idx %arg12[%add3A_483, %add3A_512], %gather3A_514 : memref<8x1024xf32, #tpu.memory_space<vmem>>[vector<16xi32>, vector<16xi32>], vector<16xf32>,
        tpu.vector_store_idx %arg12[%add3A_489, %add3A_512], %gather3A_515 : memref<8x1024xf32, #tpu.memory_space<vmem>>[vector<16xi32>, vector<16xi32>], vector<16xf32>,
        tpu.vector_store_idx %arg12[%add3A_495, %add3A_512], %gather3A_516 : memref<8x1024xf32, #tpu.memory_space<vmem>>[vector<16xi32>, vector<16xi32>], vector<16xf32>,
        %add3A_524 = arith.constant 48 : i32
        %add3A_525 = vector.broadcast %add3A_524 : i32 to vector<16xi32>
        %add3A_526 = arith.addi %add3A_502, %add3A_525 : vector<16xi32>
        %gather3A_527 = tpu.vector_load_idx %arg8[%add3A_14, %add3A_462] : memref<128x64xf32, #tpu.memory_space<vmem>>[vector<16xi32>, vector<16xi32>], vector<16xf32>,
        %gather3A_528 = tpu.vector_load_idx %arg8[%add3A_14, %add3A_465] : memref<128x64xf32, #tpu.memory_space<vmem>>[vector<16xi32>, vector<16xi32>], vector<16xf32>,
        %gather3A_529 = tpu.vector_load_idx %arg8[%add3A_14, %add3A_468] : memref<128x64xf32, #tpu.memory_space<vmem>>[vector<16xi32>, vector<16xi32>], vector<16xf32>,
        %gather3A_530 = tpu.vector_load_idx %arg8[%add3A_14, %add3A_471] : memref<128x64xf32, #tpu.memory_space<vmem>>[vector<16xi32>, vector<16xi32>], vector<16xf32>,
        tpu.vector_store_idx %arg12[%add3A_477, %add3A_519], %gather3A_520 : memref<8x1024xf32, #tpu.memory_space<vmem>>[vector<16xi32>, vector<16xi32>], vector<16xf32>,
        tpu.vector_store_idx %arg12[%add3A_483, %add3A_519], %gather3A_521 : memref<8x1024xf32, #tpu.memory_space<vmem>>[vector<16xi32>, vector<16xi32>], vector<16xf32>,
        tpu.vector_store_idx %arg12[%add3A_489, %add3A_519], %gather3A_522 : memref<8x1024xf32, #tpu.memory_space<vmem>>[vector<16xi32>, vector<16xi32>], vector<16xf32>,
        tpu.vector_store_idx %arg12[%add3A_495, %add3A_519], %gather3A_523 : memref<8x1024xf32, #tpu.memory_space<vmem>>[vector<16xi32>, vector<16xi32>], vector<16xf32>,
        %add3A_531 = arith.constant 64 : i32
        %add3A_532 = vector.broadcast %add3A_531 : i32 to vector<16xi32>
        %add3A_533 = arith.addi %add3A_502, %add3A_532 : vector<16xi32>
        %gather3A_534 = tpu.vector_load_idx %arg8[%add3A_17, %add3A_462] : memref<128x64xf32, #tpu.memory_space<vmem>>[vector<16xi32>, vector<16xi32>], vector<16xf32>,
        %gather3A_535 = tpu.vector_load_idx %arg8[%add3A_17, %add3A_465] : memref<128x64xf32, #tpu.memory_space<vmem>>[vector<16xi32>, vector<16xi32>], vector<16xf32>,
        %gather3A_536 = tpu.vector_load_idx %arg8[%add3A_17, %add3A_468] : memref<128x64xf32, #tpu.memory_space<vmem>>[vector<16xi32>, vector<16xi32>], vector<16xf32>,
        %gather3A_537 = tpu.vector_load_idx %arg8[%add3A_17, %add3A_471] : memref<128x64xf32, #tpu.memory_space<vmem>>[vector<16xi32>, vector<16xi32>], vector<16xf32>,
        tpu.vector_store_idx %arg12[%add3A_477, %add3A_526], %gather3A_527 : memref<8x1024xf32, #tpu.memory_space<vmem>>[vector<16xi32>, vector<16xi32>], vector<16xf32>,
        tpu.vector_store_idx %arg12[%add3A_483, %add3A_526], %gather3A_528 : memref<8x1024xf32, #tpu.memory_space<vmem>>[vector<16xi32>, vector<16xi32>], vector<16xf32>,
        tpu.vector_store_idx %arg12[%add3A_489, %add3A_526], %gather3A_529 : memref<8x1024xf32, #tpu.memory_space<vmem>>[vector<16xi32>, vector<16xi32>], vector<16xf32>,
        tpu.vector_store_idx %arg12[%add3A_495, %add3A_526], %gather3A_530 : memref<8x1024xf32, #tpu.memory_space<vmem>>[vector<16xi32>, vector<16xi32>], vector<16xf32>,
        %add3A_538 = arith.constant 80 : i32
        %add3A_539 = vector.broadcast %add3A_538 : i32 to vector<16xi32>
        %add3A_540 = arith.addi %add3A_502, %add3A_539 : vector<16xi32>
        %gather3A_541 = tpu.vector_load_idx %arg8[%add3A_20, %add3A_462] : memref<128x64xf32, #tpu.memory_space<vmem>>[vector<16xi32>, vector<16xi32>], vector<16xf32>,
        %gather3A_542 = tpu.vector_load_idx %arg8[%add3A_20, %add3A_465] : memref<128x64xf32, #tpu.memory_space<vmem>>[vector<16xi32>, vector<16xi32>], vector<16xf32>,
        %gather3A_543 = tpu.vector_load_idx %arg8[%add3A_20, %add3A_468] : memref<128x64xf32, #tpu.memory_space<vmem>>[vector<16xi32>, vector<16xi32>], vector<16xf32>,
        %gather3A_544 = tpu.vector_load_idx %arg8[%add3A_20, %add3A_471] : memref<128x64xf32, #tpu.memory_space<vmem>>[vector<16xi32>, vector<16xi32>], vector<16xf32>,
        tpu.vector_store_idx %arg12[%add3A_477, %add3A_533], %gather3A_534 : memref<8x1024xf32, #tpu.memory_space<vmem>>[vector<16xi32>, vector<16xi32>], vector<16xf32>,
        tpu.vector_store_idx %arg12[%add3A_483, %add3A_533], %gather3A_535 : memref<8x1024xf32, #tpu.memory_space<vmem>>[vector<16xi32>, vector<16xi32>], vector<16xf32>,
        tpu.vector_store_idx %arg12[%add3A_489, %add3A_533], %gather3A_536 : memref<8x1024xf32, #tpu.memory_space<vmem>>[vector<16xi32>, vector<16xi32>], vector<16xf32>,
        tpu.vector_store_idx %arg12[%add3A_495, %add3A_533], %gather3A_537 : memref<8x1024xf32, #tpu.memory_space<vmem>>[vector<16xi32>, vector<16xi32>], vector<16xf32>,
        %add3A_545 = arith.constant 96 : i32
        %add3A_546 = vector.broadcast %add3A_545 : i32 to vector<16xi32>
        %add3A_547 = arith.addi %add3A_502, %add3A_546 : vector<16xi32>
        %gather3A_548 = tpu.vector_load_idx %arg8[%add3A_23, %add3A_462] : memref<128x64xf32, #tpu.memory_space<vmem>>[vector<16xi32>, vector<16xi32>], vector<16xf32>,
        %gather3A_549 = tpu.vector_load_idx %arg8[%add3A_23, %add3A_465] : memref<128x64xf32, #tpu.memory_space<vmem>>[vector<16xi32>, vector<16xi32>], vector<16xf32>,
        %gather3A_550 = tpu.vector_load_idx %arg8[%add3A_23, %add3A_468] : memref<128x64xf32, #tpu.memory_space<vmem>>[vector<16xi32>, vector<16xi32>], vector<16xf32>,
        %gather3A_551 = tpu.vector_load_idx %arg8[%add3A_23, %add3A_471] : memref<128x64xf32, #tpu.memory_space<vmem>>[vector<16xi32>, vector<16xi32>], vector<16xf32>,
        tpu.vector_store_idx %arg12[%add3A_477, %add3A_540], %gather3A_541 : memref<8x1024xf32, #tpu.memory_space<vmem>>[vector<16xi32>, vector<16xi32>], vector<16xf32>,
        tpu.vector_store_idx %arg12[%add3A_483, %add3A_540], %gather3A_542 : memref<8x1024xf32, #tpu.memory_space<vmem>>[vector<16xi32>, vector<16xi32>], vector<16xf32>,
        tpu.vector_store_idx %arg12[%add3A_489, %add3A_540], %gather3A_543 : memref<8x1024xf32, #tpu.memory_space<vmem>>[vector<16xi32>, vector<16xi32>], vector<16xf32>,
        tpu.vector_store_idx %arg12[%add3A_495, %add3A_540], %gather3A_544 : memref<8x1024xf32, #tpu.memory_space<vmem>>[vector<16xi32>, vector<16xi32>], vector<16xf32>,
        %add3A_552 = arith.constant 112 : i32
        %add3A_553 = vector.broadcast %add3A_552 : i32 to vector<16xi32>
        %add3A_554 = arith.addi %add3A_502, %add3A_553 : vector<16xi32>
        %gather3A_555 = tpu.vector_load_idx %arg8[%add3A_26, %add3A_462] : memref<128x64xf32, #tpu.memory_space<vmem>>[vector<16xi32>, vector<16xi32>], vector<16xf32>,
        %gather3A_556 = tpu.vector_load_idx %arg8[%add3A_26, %add3A_465] : memref<128x64xf32, #tpu.memory_space<vmem>>[vector<16xi32>, vector<16xi32>], vector<16xf32>,
        %gather3A_557 = tpu.vector_load_idx %arg8[%add3A_26, %add3A_468] : memref<128x64xf32, #tpu.memory_space<vmem>>[vector<16xi32>, vector<16xi32>], vector<16xf32>,
        %gather3A_558 = tpu.vector_load_idx %arg8[%add3A_26, %add3A_471] : memref<128x64xf32, #tpu.memory_space<vmem>>[vector<16xi32>, vector<16xi32>], vector<16xf32>,
        tpu.vector_store_idx %arg12[%add3A_477, %add3A_547], %gather3A_548 : memref<8x1024xf32, #tpu.memory_space<vmem>>[vector<16xi32>, vector<16xi32>], vector<16xf32>,
        tpu.vector_store_idx %arg12[%add3A_483, %add3A_547], %gather3A_549 : memref<8x1024xf32, #tpu.memory_space<vmem>>[vector<16xi32>, vector<16xi32>], vector<16xf32>,
        tpu.vector_store_idx %arg12[%add3A_489, %add3A_547], %gather3A_550 : memref<8x1024xf32, #tpu.memory_space<vmem>>[vector<16xi32>, vector<16xi32>], vector<16xf32>,
        tpu.vector_store_idx %arg12[%add3A_495, %add3A_547], %gather3A_551 : memref<8x1024xf32, #tpu.memory_space<vmem>>[vector<16xi32>, vector<16xi32>], vector<16xf32>,
        tpu.vector_store_idx %arg12[%add3A_477, %add3A_554], %gather3A_555 : memref<8x1024xf32, #tpu.memory_space<vmem>>[vector<16xi32>, vector<16xi32>], vector<16xf32>,
        tpu.vector_store_idx %arg12[%add3A_483, %add3A_554], %gather3A_556 : memref<8x1024xf32, #tpu.memory_space<vmem>>[vector<16xi32>, vector<16xi32>], vector<16xf32>,
        tpu.vector_store_idx %arg12[%add3A_489, %add3A_554], %gather3A_557 : memref<8x1024xf32, #tpu.memory_space<vmem>>[vector<16xi32>, vector<16xi32>], vector<16xf32>,
        tpu.vector_store_idx %arg12[%add3A_495, %add3A_554], %gather3A_558 : memref<8x1024xf32, #tpu.memory_space<vmem>>[vector<16xi32>, vector<16xi32>], vector<16xf32>,
        %scan3A_559 = arith.constant 3 : i32
        %scan3A_560 = arith.addi %scan3A_234, %scan3A_559 : i32
        %mul3A_561 = arith.constant 1 : i32
        %mul3A_562 = arith.muli %scan3A_560, %mul3A_561 : i32
        %add3A_563 = arith.constant 0 : i32
        %add3A_564 = arith.addi %add3A_563, %mul3A_562 : i32
        %add3A_565 = vector.broadcast %add3A_564 : i32 to vector<16xi32>
        %add3A_566 = arith.addi %iota3A, %add3A_565 : vector<16xi32>
        %and3A_567 = arith.constant 15 : i32
        %and3A_568 = vector.broadcast %and3A_567 : i32 to vector<16xi32>
        %and3A_569 = arith.andi %add3A_566, %and3A_568 : vector<16xi32>
        %add3A_570 = arith.constant 0 : i32
        %add3A_571 = vector.broadcast %add3A_570 : i32 to vector<16xi32>
        %add3A_572 = arith.addi %and3A_569, %add3A_571 : vector<16xi32>
        %add3A_573 = arith.constant 16 : i32
        %add3A_574 = vector.broadcast %add3A_573 : i32 to vector<16xi32>
        %add3A_575 = arith.addi %and3A_569, %add3A_574 : vector<16xi32>
        %add3A_576 = arith.constant 32 : i32
        %add3A_577 = vector.broadcast %add3A_576 : i32 to vector<16xi32>
        %add3A_578 = arith.addi %and3A_569, %add3A_577 : vector<16xi32>
        %add3A_579 = arith.constant 48 : i32
        %add3A_580 = vector.broadcast %add3A_579 : i32 to vector<16xi32>
        %add3A_581 = arith.addi %and3A_569, %add3A_580 : vector<16xi32>
        %shift_right_arithmetic3A_582 = arith.constant 3 : i32
        %shift_right_arithmetic3A_583 = vector.broadcast %shift_right_arithmetic3A_582 : i32 to vector<16xi32>
        %shift_right_arithmetic3A_584 = arith.shrsi %and3A_569, %shift_right_arithmetic3A_583 : vector<16xi32>
        %add3A_585 = arith.constant 0 : i32
        %add3A_586 = vector.broadcast %add3A_585 : i32 to vector<16xi32>
        %add3A_587 = arith.addi %shift_right_arithmetic3A_584, %add3A_586 : vector<16xi32>
        %shift_right_arithmetic3A_588 = arith.constant 3 : i32
        %shift_right_arithmetic3A_589 = vector.broadcast %shift_right_arithmetic3A_588 : i32 to vector<16xi32>
        %shift_right_arithmetic3A_590 = arith.shrsi %and3A_569, %shift_right_arithmetic3A_589 : vector<16xi32>
        %add3A_591 = arith.constant 2 : i32
        %add3A_592 = vector.broadcast %add3A_591 : i32 to vector<16xi32>
        %add3A_593 = arith.addi %shift_right_arithmetic3A_590, %add3A_592 : vector<16xi32>
        %shift_right_arithmetic3A_594 = arith.constant 3 : i32
        %shift_right_arithmetic3A_595 = vector.broadcast %shift_right_arithmetic3A_594 : i32 to vector<16xi32>
        %shift_right_arithmetic3A_596 = arith.shrsi %and3A_569, %shift_right_arithmetic3A_595 : vector<16xi32>
        %add3A_597 = arith.constant 4 : i32
        %add3A_598 = vector.broadcast %add3A_597 : i32 to vector<16xi32>
        %add3A_599 = arith.addi %shift_right_arithmetic3A_596, %add3A_598 : vector<16xi32>
        %shift_right_arithmetic3A_600 = arith.constant 3 : i32
        %shift_right_arithmetic3A_601 = vector.broadcast %shift_right_arithmetic3A_600 : i32 to vector<16xi32>
        %shift_right_arithmetic3A_602 = arith.shrsi %and3A_569, %shift_right_arithmetic3A_601 : vector<16xi32>
        %add3A_603 = arith.constant 6 : i32
        %add3A_604 = vector.broadcast %add3A_603 : i32 to vector<16xi32>
        %add3A_605 = arith.addi %shift_right_arithmetic3A_602, %add3A_604 : vector<16xi32>
        %and3A_606 = arith.constant 7 : i32
        %and3A_607 = vector.broadcast %and3A_606 : i32 to vector<16xi32>
        %and3A_608 = arith.andi %and3A_569, %and3A_607 : vector<16xi32>
        %shift_left3A_609 = arith.constant 7 : i32
        %shift_left3A_610 = vector.broadcast %shift_left3A_609 : i32 to vector<16xi32>
        %shift_left3A_611 = arith.shli %and3A_608, %shift_left3A_610 : vector<16xi32>
        %add3A_612 = arith.addi %shift_left3A_611, %iota3A : vector<16xi32>
        %add3A_613 = arith.constant 0 : i32
        %add3A_614 = vector.broadcast %add3A_613 : i32 to vector<16xi32>
        %add3A_615 = arith.addi %add3A_612, %add3A_614 : vector<16xi32>
        %gather3A_616 = tpu.vector_load_idx %arg8[%add3A_5, %add3A_572] : memref<128x64xf32, #tpu.memory_space<vmem>>[vector<16xi32>, vector<16xi32>], vector<16xf32>,
        %gather3A_617 = tpu.vector_load_idx %arg8[%add3A_5, %add3A_575] : memref<128x64xf32, #tpu.memory_space<vmem>>[vector<16xi32>, vector<16xi32>], vector<16xf32>,
        %gather3A_618 = tpu.vector_load_idx %arg8[%add3A_5, %add3A_578] : memref<128x64xf32, #tpu.memory_space<vmem>>[vector<16xi32>, vector<16xi32>], vector<16xf32>,
        %gather3A_619 = tpu.vector_load_idx %arg8[%add3A_5, %add3A_581] : memref<128x64xf32, #tpu.memory_space<vmem>>[vector<16xi32>, vector<16xi32>], vector<16xf32>,
        %add3A_620 = arith.constant 16 : i32
        %add3A_621 = vector.broadcast %add3A_620 : i32 to vector<16xi32>
        %add3A_622 = arith.addi %add3A_612, %add3A_621 : vector<16xi32>
        %gather3A_623 = tpu.vector_load_idx %arg8[%add3A_8, %add3A_572] : memref<128x64xf32, #tpu.memory_space<vmem>>[vector<16xi32>, vector<16xi32>], vector<16xf32>,
        %gather3A_624 = tpu.vector_load_idx %arg8[%add3A_8, %add3A_575] : memref<128x64xf32, #tpu.memory_space<vmem>>[vector<16xi32>, vector<16xi32>], vector<16xf32>,
        %gather3A_625 = tpu.vector_load_idx %arg8[%add3A_8, %add3A_578] : memref<128x64xf32, #tpu.memory_space<vmem>>[vector<16xi32>, vector<16xi32>], vector<16xf32>,
        %gather3A_626 = tpu.vector_load_idx %arg8[%add3A_8, %add3A_581] : memref<128x64xf32, #tpu.memory_space<vmem>>[vector<16xi32>, vector<16xi32>], vector<16xf32>,
        tpu.vector_store_idx %arg12[%add3A_587, %add3A_615], %gather3A_616 : memref<8x1024xf32, #tpu.memory_space<vmem>>[vector<16xi32>, vector<16xi32>], vector<16xf32>,
        tpu.vector_store_idx %arg12[%add3A_593, %add3A_615], %gather3A_617 : memref<8x1024xf32, #tpu.memory_space<vmem>>[vector<16xi32>, vector<16xi32>], vector<16xf32>,
        tpu.vector_store_idx %arg12[%add3A_599, %add3A_615], %gather3A_618 : memref<8x1024xf32, #tpu.memory_space<vmem>>[vector<16xi32>, vector<16xi32>], vector<16xf32>,
        tpu.vector_store_idx %arg12[%add3A_605, %add3A_615], %gather3A_619 : memref<8x1024xf32, #tpu.memory_space<vmem>>[vector<16xi32>, vector<16xi32>], vector<16xf32>,
        %add3A_627 = arith.constant 32 : i32
        %add3A_628 = vector.broadcast %add3A_627 : i32 to vector<16xi32>
        %add3A_629 = arith.addi %add3A_612, %add3A_628 : vector<16xi32>
        %gather3A_630 = tpu.vector_load_idx %arg8[%add3A_11, %add3A_572] : memref<128x64xf32, #tpu.memory_space<vmem>>[vector<16xi32>, vector<16xi32>], vector<16xf32>,
        %gather3A_631 = tpu.vector_load_idx %arg8[%add3A_11, %add3A_575] : memref<128x64xf32, #tpu.memory_space<vmem>>[vector<16xi32>, vector<16xi32>], vector<16xf32>,
        %gather3A_632 = tpu.vector_load_idx %arg8[%add3A_11, %add3A_578] : memref<128x64xf32, #tpu.memory_space<vmem>>[vector<16xi32>, vector<16xi32>], vector<16xf32>,
        %gather3A_633 = tpu.vector_load_idx %arg8[%add3A_11, %add3A_581] : memref<128x64xf32, #tpu.memory_space<vmem>>[vector<16xi32>, vector<16xi32>], vector<16xf32>,
        tpu.vector_store_idx %arg12[%add3A_587, %add3A_622], %gather3A_623 : memref<8x1024xf32, #tpu.memory_space<vmem>>[vector<16xi32>, vector<16xi32>], vector<16xf32>,
        tpu.vector_store_idx %arg12[%add3A_593, %add3A_622], %gather3A_624 : memref<8x1024xf32, #tpu.memory_space<vmem>>[vector<16xi32>, vector<16xi32>], vector<16xf32>,
        tpu.vector_store_idx %arg12[%add3A_599, %add3A_622], %gather3A_625 : memref<8x1024xf32, #tpu.memory_space<vmem>>[vector<16xi32>, vector<16xi32>], vector<16xf32>,
        tpu.vector_store_idx %arg12[%add3A_605, %add3A_622], %gather3A_626 : memref<8x1024xf32, #tpu.memory_space<vmem>>[vector<16xi32>, vector<16xi32>], vector<16xf32>,
        %add3A_634 = arith.constant 48 : i32
        %add3A_635 = vector.broadcast %add3A_634 : i32 to vector<16xi32>
        %add3A_636 = arith.addi %add3A_612, %add3A_635 : vector<16xi32>
        %gather3A_637 = tpu.vector_load_idx %arg8[%add3A_14, %add3A_572] : memref<128x64xf32, #tpu.memory_space<vmem>>[vector<16xi32>, vector<16xi32>], vector<16xf32>,
        %gather3A_638 = tpu.vector_load_idx %arg8[%add3A_14, %add3A_575] : memref<128x64xf32, #tpu.memory_space<vmem>>[vector<16xi32>, vector<16xi32>], vector<16xf32>,
        %gather3A_639 = tpu.vector_load_idx %arg8[%add3A_14, %add3A_578] : memref<128x64xf32, #tpu.memory_space<vmem>>[vector<16xi32>, vector<16xi32>], vector<16xf32>,
        %gather3A_640 = tpu.vector_load_idx %arg8[%add3A_14, %add3A_581] : memref<128x64xf32, #tpu.memory_space<vmem>>[vector<16xi32>, vector<16xi32>], vector<16xf32>,
        tpu.vector_store_idx %arg12[%add3A_587, %add3A_629], %gather3A_630 : memref<8x1024xf32, #tpu.memory_space<vmem>>[vector<16xi32>, vector<16xi32>], vector<16xf32>,
        tpu.vector_store_idx %arg12[%add3A_593, %add3A_629], %gather3A_631 : memref<8x1024xf32, #tpu.memory_space<vmem>>[vector<16xi32>, vector<16xi32>], vector<16xf32>,
        tpu.vector_store_idx %arg12[%add3A_599, %add3A_629], %gather3A_632 : memref<8x1024xf32, #tpu.memory_space<vmem>>[vector<16xi32>, vector<16xi32>], vector<16xf32>,
        tpu.vector_store_idx %arg12[%add3A_605, %add3A_629], %gather3A_633 : memref<8x1024xf32, #tpu.memory_space<vmem>>[vector<16xi32>, vector<16xi32>], vector<16xf32>,
        %add3A_641 = arith.constant 64 : i32
        %add3A_642 = vector.broadcast %add3A_641 : i32 to vector<16xi32>
        %add3A_643 = arith.addi %add3A_612, %add3A_642 : vector<16xi32>
        %gather3A_644 = tpu.vector_load_idx %arg8[%add3A_17, %add3A_572] : memref<128x64xf32, #tpu.memory_space<vmem>>[vector<16xi32>, vector<16xi32>], vector<16xf32>,
        %gather3A_645 = tpu.vector_load_idx %arg8[%add3A_17, %add3A_575] : memref<128x64xf32, #tpu.memory_space<vmem>>[vector<16xi32>, vector<16xi32>], vector<16xf32>,
        %gather3A_646 = tpu.vector_load_idx %arg8[%add3A_17, %add3A_578] : memref<128x64xf32, #tpu.memory_space<vmem>>[vector<16xi32>, vector<16xi32>], vector<16xf32>,
        %gather3A_647 = tpu.vector_load_idx %arg8[%add3A_17, %add3A_581] : memref<128x64xf32, #tpu.memory_space<vmem>>[vector<16xi32>, vector<16xi32>], vector<16xf32>,
        tpu.vector_store_idx %arg12[%add3A_587, %add3A_636], %gather3A_637 : memref<8x1024xf32, #tpu.memory_space<vmem>>[vector<16xi32>, vector<16xi32>], vector<16xf32>,
        tpu.vector_store_idx %arg12[%add3A_593, %add3A_636], %gather3A_638 : memref<8x1024xf32, #tpu.memory_space<vmem>>[vector<16xi32>, vector<16xi32>], vector<16xf32>,
        tpu.vector_store_idx %arg12[%add3A_599, %add3A_636], %gather3A_639 : memref<8x1024xf32, #tpu.memory_space<vmem>>[vector<16xi32>, vector<16xi32>], vector<16xf32>,
        tpu.vector_store_idx %arg12[%add3A_605, %add3A_636], %gather3A_640 : memref<8x1024xf32, #tpu.memory_space<vmem>>[vector<16xi32>, vector<16xi32>], vector<16xf32>,
        %add3A_648 = arith.constant 80 : i32
        %add3A_649 = vector.broadcast %add3A_648 : i32 to vector<16xi32>
        %add3A_650 = arith.addi %add3A_612, %add3A_649 : vector<16xi32>
        %gather3A_651 = tpu.vector_load_idx %arg8[%add3A_20, %add3A_572] : memref<128x64xf32, #tpu.memory_space<vmem>>[vector<16xi32>, vector<16xi32>], vector<16xf32>,
        %gather3A_652 = tpu.vector_load_idx %arg8[%add3A_20, %add3A_575] : memref<128x64xf32, #tpu.memory_space<vmem>>[vector<16xi32>, vector<16xi32>], vector<16xf32>,
        %gather3A_653 = tpu.vector_load_idx %arg8[%add3A_20, %add3A_578] : memref<128x64xf32, #tpu.memory_space<vmem>>[vector<16xi32>, vector<16xi32>], vector<16xf32>,
        %gather3A_654 = tpu.vector_load_idx %arg8[%add3A_20, %add3A_581] : memref<128x64xf32, #tpu.memory_space<vmem>>[vector<16xi32>, vector<16xi32>], vector<16xf32>,
        tpu.vector_store_idx %arg12[%add3A_587, %add3A_643], %gather3A_644 : memref<8x1024xf32, #tpu.memory_space<vmem>>[vector<16xi32>, vector<16xi32>], vector<16xf32>,
        tpu.vector_store_idx %arg12[%add3A_593, %add3A_643], %gather3A_645 : memref<8x1024xf32, #tpu.memory_space<vmem>>[vector<16xi32>, vector<16xi32>], vector<16xf32>,
        tpu.vector_store_idx %arg12[%add3A_599, %add3A_643], %gather3A_646 : memref<8x1024xf32, #tpu.memory_space<vmem>>[vector<16xi32>, vector<16xi32>], vector<16xf32>,
        tpu.vector_store_idx %arg12[%add3A_605, %add3A_643], %gather3A_647 : memref<8x1024xf32, #tpu.memory_space<vmem>>[vector<16xi32>, vector<16xi32>], vector<16xf32>,
        %add3A_655 = arith.constant 96 : i32
        %add3A_656 = vector.broadcast %add3A_655 : i32 to vector<16xi32>
        %add3A_657 = arith.addi %add3A_612, %add3A_656 : vector<16xi32>
        %gather3A_658 = tpu.vector_load_idx %arg8[%add3A_23, %add3A_572] : memref<128x64xf32, #tpu.memory_space<vmem>>[vector<16xi32>, vector<16xi32>], vector<16xf32>,
        %gather3A_659 = tpu.vector_load_idx %arg8[%add3A_23, %add3A_575] : memref<128x64xf32, #tpu.memory_space<vmem>>[vector<16xi32>, vector<16xi32>], vector<16xf32>,
        %gather3A_660 = tpu.vector_load_idx %arg8[%add3A_23, %add3A_578] : memref<128x64xf32, #tpu.memory_space<vmem>>[vector<16xi32>, vector<16xi32>], vector<16xf32>,
        %gather3A_661 = tpu.vector_load_idx %arg8[%add3A_23, %add3A_581] : memref<128x64xf32, #tpu.memory_space<vmem>>[vector<16xi32>, vector<16xi32>], vector<16xf32>,
        tpu.vector_store_idx %arg12[%add3A_587, %add3A_650], %gather3A_651 : memref<8x1024xf32, #tpu.memory_space<vmem>>[vector<16xi32>, vector<16xi32>], vector<16xf32>,
        tpu.vector_store_idx %arg12[%add3A_593, %add3A_650], %gather3A_652 : memref<8x1024xf32, #tpu.memory_space<vmem>>[vector<16xi32>, vector<16xi32>], vector<16xf32>,
        tpu.vector_store_idx %arg12[%add3A_599, %add3A_650], %gather3A_653 : memref<8x1024xf32, #tpu.memory_space<vmem>>[vector<16xi32>, vector<16xi32>], vector<16xf32>,
        tpu.vector_store_idx %arg12[%add3A_605, %add3A_650], %gather3A_654 : memref<8x1024xf32, #tpu.memory_space<vmem>>[vector<16xi32>, vector<16xi32>], vector<16xf32>,
        %add3A_662 = arith.constant 112 : i32
        %add3A_663 = vector.broadcast %add3A_662 : i32 to vector<16xi32>
        %add3A_664 = arith.addi %add3A_612, %add3A_663 : vector<16xi32>
        %gather3A_665 = tpu.vector_load_idx %arg8[%add3A_26, %add3A_572] : memref<128x64xf32, #tpu.memory_space<vmem>>[vector<16xi32>, vector<16xi32>], vector<16xf32>,
        %gather3A_666 = tpu.vector_load_idx %arg8[%add3A_26, %add3A_575] : memref<128x64xf32, #tpu.memory_space<vmem>>[vector<16xi32>, vector<16xi32>], vector<16xf32>,
        %gather3A_667 = tpu.vector_load_idx %arg8[%add3A_26, %add3A_578] : memref<128x64xf32, #tpu.memory_space<vmem>>[vector<16xi32>, vector<16xi32>], vector<16xf32>,
        %gather3A_668 = tpu.vector_load_idx %arg8[%add3A_26, %add3A_581] : memref<128x64xf32, #tpu.memory_space<vmem>>[vector<16xi32>, vector<16xi32>], vector<16xf32>,
        tpu.vector_store_idx %arg12[%add3A_587, %add3A_657], %gather3A_658 : memref<8x1024xf32, #tpu.memory_space<vmem>>[vector<16xi32>, vector<16xi32>], vector<16xf32>,
        tpu.vector_store_idx %arg12[%add3A_593, %add3A_657], %gather3A_659 : memref<8x1024xf32, #tpu.memory_space<vmem>>[vector<16xi32>, vector<16xi32>], vector<16xf32>,
        tpu.vector_store_idx %arg12[%add3A_599, %add3A_657], %gather3A_660 : memref<8x1024xf32, #tpu.memory_space<vmem>>[vector<16xi32>, vector<16xi32>], vector<16xf32>,
        tpu.vector_store_idx %arg12[%add3A_605, %add3A_657], %gather3A_661 : memref<8x1024xf32, #tpu.memory_space<vmem>>[vector<16xi32>, vector<16xi32>], vector<16xf32>,
        tpu.vector_store_idx %arg12[%add3A_587, %add3A_664], %gather3A_665 : memref<8x1024xf32, #tpu.memory_space<vmem>>[vector<16xi32>, vector<16xi32>], vector<16xf32>,
        tpu.vector_store_idx %arg12[%add3A_593, %add3A_664], %gather3A_666 : memref<8x1024xf32, #tpu.memory_space<vmem>>[vector<16xi32>, vector<16xi32>], vector<16xf32>,
        tpu.vector_store_idx %arg12[%add3A_599, %add3A_664], %gather3A_667 : memref<8x1024xf32, #tpu.memory_space<vmem>>[vector<16xi32>, vector<16xi32>], vector<16xf32>,
        tpu.vector_store_idx %arg12[%add3A_605, %add3A_664], %gather3A_668 : memref<8x1024xf32, #tpu.memory_space<vmem>>[vector<16xi32>, vector<16xi32>], vector<16xf32>,
      }
      %scan3A_183 = arith.constant 16 : i32
      %dma_start3A_184 = arith.constant 0 : i32
      %dma_start3A_185 = arith.constant 0 : i32
      %dma_start3A_186 = tpu.memref_slice %arg4[%add3A_167, %dma_start3A_184, %add3A, %dma_start3A_185] : memref<200x8x32x1024xf32, #tpu.memory_space<hbm>> -> memref<1x8x1x1024xf32, #tpu.memory_space<hbm>>
      %dma_start3A_187 = tpu.memref_squeeze %dma_start3A_186 : memref<1x8x1x1024xf32, #tpu.memory_space<hbm>> -> memref<8x1024xf32, #tpu.memory_space<hbm>>
      %dma_start3A_188 = arith.constant 0 : i32
      %dma_start3A_189 = arith.constant 0 : i32
      %dma_start3A_190 = tpu.memref_slice %arg4[%add3A_167, %dma_start3A_188, %add3A, %dma_start3A_189] : memref<200x8x32x1024xf32, #tpu.memory_space<hbm>> -> memref<1x8x1x1024xf32, #tpu.memory_space<hbm>>
      %dma_start3A_191 = tpu.memref_squeeze %dma_start3A_190 : memref<1x8x1x1024xf32, #tpu.memory_space<hbm>> -> memref<8x1024xf32, #tpu.memory_space<hbm>>
      tpu.enqueue_dma source(%arg12 : memref<8x1024xf32, #tpu.memory_space<vmem>>) target(%dma_start3A_191 : memref<8x1024xf32, #tpu.memory_space<hbm>>) target_semaphore(%arg20 : memref<!tpu.dma_semaphore, #tpu.memory_space<semaphore_mem>>)
      %add3A_192 = arith.constant 4 : i32
      %add3A_193 = arith.addi %add3A_167, %add3A_192 : i32
      %lt3A_194 = arith.constant 200 : i32
      %lt3A_195 = arith.cmpi slt, %add3A_193, %lt3A_194 : i32
      %convert_element_type3A_196 = arith.extui %lt3A_195 : i1 to i32
      %cond3A_197 = arith.constant 0 : i32
      %cond3A_198 = arith.cmpi ne, %convert_element_type3A_196, %cond3A_197 : i32
      scf.if %cond3A_198 {
        %add3A_234 = arith.constant 4 : i32
        %add3A_235 = arith.addi %add3A_167, %add3A_234 : i32
        %dma_start3A_236 = arith.constant 0 : i32
        %dma_start3A_237 = tpu.memref_slice %arg5[%add3A_235, %dma_start3A_236] : memref<200x128xi32, #tpu.memory_space<vmem>> -> memref<1x128xi32, #tpu.memory_space<vmem>>
        %dma_start3A_238 = tpu.memref_squeeze %dma_start3A_237 : memref<1x128xi32, #tpu.memory_space<vmem>> -> memref<128xi32, #tpu.memory_space<vmem>>
        %dma_start3A_239 = arith.constant 0 : i32
        %dma_start3A_240 = arith.constant 0 : i32
        %dma_start3A_241 = tpu.memref_slice %arg3[%dma_start3A_239, %dma_start3A_240] : memref<1000000x64xf32, #tpu.memory_space<hbm>> -> memref<1000000x64xf32, #tpu.memory_space<hbm>>
        tpu.enqueue_indirect_dma source(%dma_start3A_241 : memref<1000000x64xf32, #tpu.memory_space<hbm>>) target(%arg8 : memref<128x64xf32, #tpu.memory_space<vmem>>) offsets(%dma_start3A_238 : memref<128xi32, #tpu.memory_space<vmem>>) semaphore(%arg16 : memref<!tpu.dma_semaphore, #tpu.memory_space<semaphore_mem>>)
      } else {
      }
      %mul3A_199 = arith.constant 4 : i32
      %mul3A_200 = arith.muli %add3A_97, %mul3A_199 : i32
      %add3A_201 = arith.constant 3 : i32
      %add3A_202 = arith.addi %mul3A_200, %add3A_201 : i32
      %dma_wait3A_203 = arith.constant 0 : i32
      %dma_wait3A_204 = tpu.memref_slice %arg5[%add3A_202, %dma_wait3A_203] : memref<200x128xi32, #tpu.memory_space<vmem>> -> memref<1x128xi32, #tpu.memory_space<vmem>>
      %dma_wait3A_205 = tpu.memref_squeeze %dma_wait3A_204 : memref<1x128xi32, #tpu.memory_space<vmem>> -> memref<128xi32, #tpu.memory_space<vmem>>
      %dma_wait3A_206 = arith.constant 0 : i32
      %dma_wait3A_207 = arith.constant 0 : i32
      %dma_wait3A_208 = tpu.memref_slice %arg3[%dma_wait3A_206, %dma_wait3A_207] : memref<1000000x64xf32, #tpu.memory_space<hbm>> -> memref<1000000x64xf32, #tpu.memory_space<hbm>>
      tpu.wait_indirect_dma semaphore(%arg17 : memref<!tpu.dma_semaphore, #tpu.memory_space<semaphore_mem>>) src(%dma_wait3A_208 : memref<1000000x64xf32, #tpu.memory_space<hbm>>) dst(%arg9 : memref<128x64xf32, #tpu.memory_space<vmem>>)
      %gt3A_209 = arith.constant 0 : i32
      %gt3A_210 = arith.cmpi sgt, %add3A_97, %gt3A_209 : i32
      %convert_element_type3A_211 = arith.extui %gt3A_210 : i1 to i32
      %cond3A_212 = arith.constant 0 : i32
      %cond3A_213 = arith.cmpi ne, %convert_element_type3A_211, %cond3A_212 : i32
      scf.if %cond3A_213 {
        %sub3A = arith.constant 4 : i32
        %sub3A_234 = arith.subi %add3A_202, %sub3A : i32
        %dma_wait3A_235 = arith.constant 0 : i32
        %dma_wait3A_236 = arith.constant 0 : i32
        %dma_wait3A_237 = tpu.memref_slice %arg4[%sub3A_234, %dma_wait3A_235, %add3A, %dma_wait3A_236] : memref<200x8x32x1024xf32, #tpu.memory_space<hbm>> -> memref<1x8x1x1024xf32, #tpu.memory_space<hbm>>
        %dma_wait3A_238 = tpu.memref_squeeze %dma_wait3A_237 : memref<1x8x1x1024xf32, #tpu.memory_space<hbm>> -> memref<8x1024xf32, #tpu.memory_space<hbm>>
        %dma_wait3A_239 = arith.constant 0 : i32
        %dma_wait3A_240 = arith.constant 0 : i32
        %dma_wait3A_241 = tpu.memref_slice %arg4[%sub3A_234, %dma_wait3A_239, %add3A, %dma_wait3A_240] : memref<200x8x32x1024xf32, #tpu.memory_space<hbm>> -> memref<1x8x1x1024xf32, #tpu.memory_space<hbm>>
        %dma_wait3A_242 = tpu.memref_squeeze %dma_wait3A_241 : memref<1x8x1x1024xf32, #tpu.memory_space<hbm>> -> memref<8x1024xf32, #tpu.memory_space<hbm>>
        tpu.wait_dma2 semaphore(%arg21 : memref<!tpu.dma_semaphore, #tpu.memory_space<semaphore_mem>>) src(%arg13 : memref<8x1024xf32, #tpu.memory_space<vmem>>) dst(%dma_wait3A_242 : memref<8x1024xf32, #tpu.memory_space<hbm>>)
      } else {
      }
      %scan3A_214 = arith.constant 0 : i32
      %scan3A_215 = arith.constant 16 : i32
      %scan3A_216 = arith.addi %scan3A_214, %scan3A_215 : i32
      %scan3A_217 = arith.constant 4 : i32
      scf.for %scan3A_234 = %scan3A_214 to %scan3A_216 step %scan3A_217  : i32 {
        %mul3A_235 = arith.constant 1 : i32
        %mul3A_236 = arith.muli %scan3A_234, %mul3A_235 : i32
        %add3A_237 = arith.constant 0 : i32
        %add3A_238 = arith.addi %add3A_237, %mul3A_236 : i32
        %add3A_239 = vector.broadcast %add3A_238 : i32 to vector<16xi32>
        %add3A_240 = arith.addi %iota3A, %add3A_239 : vector<16xi32>
        %and3A = arith.constant 15 : i32
        %and3A_241 = vector.broadcast %and3A : i32 to vector<16xi32>
        %and3A_242 = arith.andi %add3A_240, %and3A_241 : vector<16xi32>
        %add3A_243 = arith.constant 0 : i32
        %add3A_244 = vector.broadcast %add3A_243 : i32 to vector<16xi32>
        %add3A_245 = arith.addi %and3A_242, %add3A_244 : vector<16xi32>
        %add3A_246 = arith.constant 16 : i32
        %add3A_247 = vector.broadcast %add3A_246 : i32 to vector<16xi32>
        %add3A_248 = arith.addi %and3A_242, %add3A_247 : vector<16xi32>
        %add3A_249 = arith.constant 32 : i32
        %add3A_250 = vector.broadcast %add3A_249 : i32 to vector<16xi32>
        %add3A_251 = arith.addi %and3A_242, %add3A_250 : vector<16xi32>
        %add3A_252 = arith.constant 48 : i32
        %add3A_253 = vector.broadcast %add3A_252 : i32 to vector<16xi32>
        %add3A_254 = arith.addi %and3A_242, %add3A_253 : vector<16xi32>
        %shift_right_arithmetic3A = arith.constant 3 : i32
        %shift_right_arithmetic3A_255 = vector.broadcast %shift_right_arithmetic3A : i32 to vector<16xi32>
        %shift_right_arithmetic3A_256 = arith.shrsi %and3A_242, %shift_right_arithmetic3A_255 : vector<16xi32>
        %add3A_257 = arith.constant 0 : i32
        %add3A_258 = vector.broadcast %add3A_257 : i32 to vector<16xi32>
        %add3A_259 = arith.addi %shift_right_arithmetic3A_256, %add3A_258 : vector<16xi32>
        %shift_right_arithmetic3A_260 = arith.constant 3 : i32
        %shift_right_arithmetic3A_261 = vector.broadcast %shift_right_arithmetic3A_260 : i32 to vector<16xi32>
        %shift_right_arithmetic3A_262 = arith.shrsi %and3A_242, %shift_right_arithmetic3A_261 : vector<16xi32>
        %add3A_263 = arith.constant 2 : i32
        %add3A_264 = vector.broadcast %add3A_263 : i32 to vector<16xi32>
        %add3A_265 = arith.addi %shift_right_arithmetic3A_262, %add3A_264 : vector<16xi32>
        %shift_right_arithmetic3A_266 = arith.constant 3 : i32
        %shift_right_arithmetic3A_267 = vector.broadcast %shift_right_arithmetic3A_266 : i32 to vector<16xi32>
        %shift_right_arithmetic3A_268 = arith.shrsi %and3A_242, %shift_right_arithmetic3A_267 : vector<16xi32>
        %add3A_269 = arith.constant 4 : i32
        %add3A_270 = vector.broadcast %add3A_269 : i32 to vector<16xi32>
        %add3A_271 = arith.addi %shift_right_arithmetic3A_268, %add3A_270 : vector<16xi32>
        %shift_right_arithmetic3A_272 = arith.constant 3 : i32
        %shift_right_arithmetic3A_273 = vector.broadcast %shift_right_arithmetic3A_272 : i32 to vector<16xi32>
        %shift_right_arithmetic3A_274 = arith.shrsi %and3A_242, %shift_right_arithmetic3A_273 : vector<16xi32>
        %add3A_275 = arith.constant 6 : i32
        %add3A_276 = vector.broadcast %add3A_275 : i32 to vector<16xi32>
        %add3A_277 = arith.addi %shift_right_arithmetic3A_274, %add3A_276 : vector<16xi32>
        %and3A_278 = arith.constant 7 : i32
        %and3A_279 = vector.broadcast %and3A_278 : i32 to vector<16xi32>
        %and3A_280 = arith.andi %and3A_242, %and3A_279 : vector<16xi32>
        %shift_left3A = arith.constant 7 : i32
        %shift_left3A_281 = vector.broadcast %shift_left3A : i32 to vector<16xi32>
        %shift_left3A_282 = arith.shli %and3A_280, %shift_left3A_281 : vector<16xi32>
        %add3A_283 = arith.addi %shift_left3A_282, %iota3A : vector<16xi32>
        %add3A_284 = arith.constant 0 : i32
        %add3A_285 = vector.broadcast %add3A_284 : i32 to vector<16xi32>
        %add3A_286 = arith.addi %add3A_283, %add3A_285 : vector<16xi32>
        %gather3A = tpu.vector_load_idx %arg9[%add3A_5, %add3A_245] : memref<128x64xf32, #tpu.memory_space<vmem>>[vector<16xi32>, vector<16xi32>], vector<16xf32>,
        %gather3A_287 = tpu.vector_load_idx %arg9[%add3A_5, %add3A_248] : memref<128x64xf32, #tpu.memory_space<vmem>>[vector<16xi32>, vector<16xi32>], vector<16xf32>,
        %gather3A_288 = tpu.vector_load_idx %arg9[%add3A_5, %add3A_251] : memref<128x64xf32, #tpu.memory_space<vmem>>[vector<16xi32>, vector<16xi32>], vector<16xf32>,
        %gather3A_289 = tpu.vector_load_idx %arg9[%add3A_5, %add3A_254] : memref<128x64xf32, #tpu.memory_space<vmem>>[vector<16xi32>, vector<16xi32>], vector<16xf32>,
        %add3A_290 = arith.constant 16 : i32
        %add3A_291 = vector.broadcast %add3A_290 : i32 to vector<16xi32>
        %add3A_292 = arith.addi %add3A_283, %add3A_291 : vector<16xi32>
        %gather3A_293 = tpu.vector_load_idx %arg9[%add3A_8, %add3A_245] : memref<128x64xf32, #tpu.memory_space<vmem>>[vector<16xi32>, vector<16xi32>], vector<16xf32>,
        %gather3A_294 = tpu.vector_load_idx %arg9[%add3A_8, %add3A_248] : memref<128x64xf32, #tpu.memory_space<vmem>>[vector<16xi32>, vector<16xi32>], vector<16xf32>,
        %gather3A_295 = tpu.vector_load_idx %arg9[%add3A_8, %add3A_251] : memref<128x64xf32, #tpu.memory_space<vmem>>[vector<16xi32>, vector<16xi32>], vector<16xf32>,
        %gather3A_296 = tpu.vector_load_idx %arg9[%add3A_8, %add3A_254] : memref<128x64xf32, #tpu.memory_space<vmem>>[vector<16xi32>, vector<16xi32>], vector<16xf32>,
        tpu.vector_store_idx %arg13[%add3A_259, %add3A_286], %gather3A : memref<8x1024xf32, #tpu.memory_space<vmem>>[vector<16xi32>, vector<16xi32>], vector<16xf32>,
        tpu.vector_store_idx %arg13[%add3A_265, %add3A_286], %gather3A_287 : memref<8x1024xf32, #tpu.memory_space<vmem>>[vector<16xi32>, vector<16xi32>], vector<16xf32>,
        tpu.vector_store_idx %arg13[%add3A_271, %add3A_286], %gather3A_288 : memref<8x1024xf32, #tpu.memory_space<vmem>>[vector<16xi32>, vector<16xi32>], vector<16xf32>,
        tpu.vector_store_idx %arg13[%add3A_277, %add3A_286], %gather3A_289 : memref<8x1024xf32, #tpu.memory_space<vmem>>[vector<16xi32>, vector<16xi32>], vector<16xf32>,
        %add3A_297 = arith.constant 32 : i32
        %add3A_298 = vector.broadcast %add3A_297 : i32 to vector<16xi32>
        %add3A_299 = arith.addi %add3A_283, %add3A_298 : vector<16xi32>
        %gather3A_300 = tpu.vector_load_idx %arg9[%add3A_11, %add3A_245] : memref<128x64xf32, #tpu.memory_space<vmem>>[vector<16xi32>, vector<16xi32>], vector<16xf32>,
        %gather3A_301 = tpu.vector_load_idx %arg9[%add3A_11, %add3A_248] : memref<128x64xf32, #tpu.memory_space<vmem>>[vector<16xi32>, vector<16xi32>], vector<16xf32>,
        %gather3A_302 = tpu.vector_load_idx %arg9[%add3A_11, %add3A_251] : memref<128x64xf32, #tpu.memory_space<vmem>>[vector<16xi32>, vector<16xi32>], vector<16xf32>,
        %gather3A_303 = tpu.vector_load_idx %arg9[%add3A_11, %add3A_254] : memref<128x64xf32, #tpu.memory_space<vmem>>[vector<16xi32>, vector<16xi32>], vector<16xf32>,
        tpu.vector_store_idx %arg13[%add3A_259, %add3A_292], %gather3A_293 : memref<8x1024xf32, #tpu.memory_space<vmem>>[vector<16xi32>, vector<16xi32>], vector<16xf32>,
        tpu.vector_store_idx %arg13[%add3A_265, %add3A_292], %gather3A_294 : memref<8x1024xf32, #tpu.memory_space<vmem>>[vector<16xi32>, vector<16xi32>], vector<16xf32>,
        tpu.vector_store_idx %arg13[%add3A_271, %add3A_292], %gather3A_295 : memref<8x1024xf32, #tpu.memory_space<vmem>>[vector<16xi32>, vector<16xi32>], vector<16xf32>,
        tpu.vector_store_idx %arg13[%add3A_277, %add3A_292], %gather3A_296 : memref<8x1024xf32, #tpu.memory_space<vmem>>[vector<16xi32>, vector<16xi32>], vector<16xf32>,
        %add3A_304 = arith.constant 48 : i32
        %add3A_305 = vector.broadcast %add3A_304 : i32 to vector<16xi32>
        %add3A_306 = arith.addi %add3A_283, %add3A_305 : vector<16xi32>
        %gather3A_307 = tpu.vector_load_idx %arg9[%add3A_14, %add3A_245] : memref<128x64xf32, #tpu.memory_space<vmem>>[vector<16xi32>, vector<16xi32>], vector<16xf32>,
        %gather3A_308 = tpu.vector_load_idx %arg9[%add3A_14, %add3A_248] : memref<128x64xf32, #tpu.memory_space<vmem>>[vector<16xi32>, vector<16xi32>], vector<16xf32>,
        %gather3A_309 = tpu.vector_load_idx %arg9[%add3A_14, %add3A_251] : memref<128x64xf32, #tpu.memory_space<vmem>>[vector<16xi32>, vector<16xi32>], vector<16xf32>,
        %gather3A_310 = tpu.vector_load_idx %arg9[%add3A_14, %add3A_254] : memref<128x64xf32, #tpu.memory_space<vmem>>[vector<16xi32>, vector<16xi32>], vector<16xf32>,
        tpu.vector_store_idx %arg13[%add3A_259, %add3A_299], %gather3A_300 : memref<8x1024xf32, #tpu.memory_space<vmem>>[vector<16xi32>, vector<16xi32>], vector<16xf32>,
        tpu.vector_store_idx %arg13[%add3A_265, %add3A_299], %gather3A_301 : memref<8x1024xf32, #tpu.memory_space<vmem>>[vector<16xi32>, vector<16xi32>], vector<16xf32>,
        tpu.vector_store_idx %arg13[%add3A_271, %add3A_299], %gather3A_302 : memref<8x1024xf32, #tpu.memory_space<vmem>>[vector<16xi32>, vector<16xi32>], vector<16xf32>,
        tpu.vector_store_idx %arg13[%add3A_277, %add3A_299], %gather3A_303 : memref<8x1024xf32, #tpu.memory_space<vmem>>[vector<16xi32>, vector<16xi32>], vector<16xf32>,
        %add3A_311 = arith.constant 64 : i32
        %add3A_312 = vector.broadcast %add3A_311 : i32 to vector<16xi32>
        %add3A_313 = arith.addi %add3A_283, %add3A_312 : vector<16xi32>
        %gather3A_314 = tpu.vector_load_idx %arg9[%add3A_17, %add3A_245] : memref<128x64xf32, #tpu.memory_space<vmem>>[vector<16xi32>, vector<16xi32>], vector<16xf32>,
        %gather3A_315 = tpu.vector_load_idx %arg9[%add3A_17, %add3A_248] : memref<128x64xf32, #tpu.memory_space<vmem>>[vector<16xi32>, vector<16xi32>], vector<16xf32>,
        %gather3A_316 = tpu.vector_load_idx %arg9[%add3A_17, %add3A_251] : memref<128x64xf32, #tpu.memory_space<vmem>>[vector<16xi32>, vector<16xi32>], vector<16xf32>,
        %gather3A_317 = tpu.vector_load_idx %arg9[%add3A_17, %add3A_254] : memref<128x64xf32, #tpu.memory_space<vmem>>[vector<16xi32>, vector<16xi32>], vector<16xf32>,
        tpu.vector_store_idx %arg13[%add3A_259, %add3A_306], %gather3A_307 : memref<8x1024xf32, #tpu.memory_space<vmem>>[vector<16xi32>, vector<16xi32>], vector<16xf32>,
        tpu.vector_store_idx %arg13[%add3A_265, %add3A_306], %gather3A_308 : memref<8x1024xf32, #tpu.memory_space<vmem>>[vector<16xi32>, vector<16xi32>], vector<16xf32>,
        tpu.vector_store_idx %arg13[%add3A_271, %add3A_306], %gather3A_309 : memref<8x1024xf32, #tpu.memory_space<vmem>>[vector<16xi32>, vector<16xi32>], vector<16xf32>,
        tpu.vector_store_idx %arg13[%add3A_277, %add3A_306], %gather3A_310 : memref<8x1024xf32, #tpu.memory_space<vmem>>[vector<16xi32>, vector<16xi32>], vector<16xf32>,
        %add3A_318 = arith.constant 80 : i32
        %add3A_319 = vector.broadcast %add3A_318 : i32 to vector<16xi32>
        %add3A_320 = arith.addi %add3A_283, %add3A_319 : vector<16xi32>
        %gather3A_321 = tpu.vector_load_idx %arg9[%add3A_20, %add3A_245] : memref<128x64xf32, #tpu.memory_space<vmem>>[vector<16xi32>, vector<16xi32>], vector<16xf32>,
        %gather3A_322 = tpu.vector_load_idx %arg9[%add3A_20, %add3A_248] : memref<128x64xf32, #tpu.memory_space<vmem>>[vector<16xi32>, vector<16xi32>], vector<16xf32>,
        %gather3A_323 = tpu.vector_load_idx %arg9[%add3A_20, %add3A_251] : memref<128x64xf32, #tpu.memory_space<vmem>>[vector<16xi32>, vector<16xi32>], vector<16xf32>,
        %gather3A_324 = tpu.vector_load_idx %arg9[%add3A_20, %add3A_254] : memref<128x64xf32, #tpu.memory_space<vmem>>[vector<16xi32>, vector<16xi32>], vector<16xf32>,
        tpu.vector_store_idx %arg13[%add3A_259, %add3A_313], %gather3A_314 : memref<8x1024xf32, #tpu.memory_space<vmem>>[vector<16xi32>, vector<16xi32>], vector<16xf32>,
        tpu.vector_store_idx %arg13[%add3A_265, %add3A_313], %gather3A_315 : memref<8x1024xf32, #tpu.memory_space<vmem>>[vector<16xi32>, vector<16xi32>], vector<16xf32>,
        tpu.vector_store_idx %arg13[%add3A_271, %add3A_313], %gather3A_316 : memref<8x1024xf32, #tpu.memory_space<vmem>>[vector<16xi32>, vector<16xi32>], vector<16xf32>,
        tpu.vector_store_idx %arg13[%add3A_277, %add3A_313], %gather3A_317 : memref<8x1024xf32, #tpu.memory_space<vmem>>[vector<16xi32>, vector<16xi32>], vector<16xf32>,
        %add3A_325 = arith.constant 96 : i32
        %add3A_326 = vector.broadcast %add3A_325 : i32 to vector<16xi32>
        %add3A_327 = arith.addi %add3A_283, %add3A_326 : vector<16xi32>
        %gather3A_328 = tpu.vector_load_idx %arg9[%add3A_23, %add3A_245] : memref<128x64xf32, #tpu.memory_space<vmem>>[vector<16xi32>, vector<16xi32>], vector<16xf32>,
        %gather3A_329 = tpu.vector_load_idx %arg9[%add3A_23, %add3A_248] : memref<128x64xf32, #tpu.memory_space<vmem>>[vector<16xi32>, vector<16xi32>], vector<16xf32>,
        %gather3A_330 = tpu.vector_load_idx %arg9[%add3A_23, %add3A_251] : memref<128x64xf32, #tpu.memory_space<vmem>>[vector<16xi32>, vector<16xi32>], vector<16xf32>,
        %gather3A_331 = tpu.vector_load_idx %arg9[%add3A_23, %add3A_254] : memref<128x64xf32, #tpu.memory_space<vmem>>[vector<16xi32>, vector<16xi32>], vector<16xf32>,
        tpu.vector_store_idx %arg13[%add3A_259, %add3A_320], %gather3A_321 : memref<8x1024xf32, #tpu.memory_space<vmem>>[vector<16xi32>, vector<16xi32>], vector<16xf32>,
        tpu.vector_store_idx %arg13[%add3A_265, %add3A_320], %gather3A_322 : memref<8x1024xf32, #tpu.memory_space<vmem>>[vector<16xi32>, vector<16xi32>], vector<16xf32>,
        tpu.vector_store_idx %arg13[%add3A_271, %add3A_320], %gather3A_323 : memref<8x1024xf32, #tpu.memory_space<vmem>>[vector<16xi32>, vector<16xi32>], vector<16xf32>,
        tpu.vector_store_idx %arg13[%add3A_277, %add3A_320], %gather3A_324 : memref<8x1024xf32, #tpu.memory_space<vmem>>[vector<16xi32>, vector<16xi32>], vector<16xf32>,
        %add3A_332 = arith.constant 112 : i32
        %add3A_333 = vector.broadcast %add3A_332 : i32 to vector<16xi32>
        %add3A_334 = arith.addi %add3A_283, %add3A_333 : vector<16xi32>
        %gather3A_335 = tpu.vector_load_idx %arg9[%add3A_26, %add3A_245] : memref<128x64xf32, #tpu.memory_space<vmem>>[vector<16xi32>, vector<16xi32>], vector<16xf32>,
        %gather3A_336 = tpu.vector_load_idx %arg9[%add3A_26, %add3A_248] : memref<128x64xf32, #tpu.memory_space<vmem>>[vector<16xi32>, vector<16xi32>], vector<16xf32>,
        %gather3A_337 = tpu.vector_load_idx %arg9[%add3A_26, %add3A_251] : memref<128x64xf32, #tpu.memory_space<vmem>>[vector<16xi32>, vector<16xi32>], vector<16xf32>,
        %gather3A_338 = tpu.vector_load_idx %arg9[%add3A_26, %add3A_254] : memref<128x64xf32, #tpu.memory_space<vmem>>[vector<16xi32>, vector<16xi32>], vector<16xf32>,
        tpu.vector_store_idx %arg13[%add3A_259, %add3A_327], %gather3A_328 : memref<8x1024xf32, #tpu.memory_space<vmem>>[vector<16xi32>, vector<16xi32>], vector<16xf32>,
        tpu.vector_store_idx %arg13[%add3A_265, %add3A_327], %gather3A_329 : memref<8x1024xf32, #tpu.memory_space<vmem>>[vector<16xi32>, vector<16xi32>], vector<16xf32>,
        tpu.vector_store_idx %arg13[%add3A_271, %add3A_327], %gather3A_330 : memref<8x1024xf32, #tpu.memory_space<vmem>>[vector<16xi32>, vector<16xi32>], vector<16xf32>,
        tpu.vector_store_idx %arg13[%add3A_277, %add3A_327], %gather3A_331 : memref<8x1024xf32, #tpu.memory_space<vmem>>[vector<16xi32>, vector<16xi32>], vector<16xf32>,
        tpu.vector_store_idx %arg13[%add3A_259, %add3A_334], %gather3A_335 : memref<8x1024xf32, #tpu.memory_space<vmem>>[vector<16xi32>, vector<16xi32>], vector<16xf32>,
        tpu.vector_store_idx %arg13[%add3A_265, %add3A_334], %gather3A_336 : memref<8x1024xf32, #tpu.memory_space<vmem>>[vector<16xi32>, vector<16xi32>], vector<16xf32>,
        tpu.vector_store_idx %arg13[%add3A_271, %add3A_334], %gather3A_337 : memref<8x1024xf32, #tpu.memory_space<vmem>>[vector<16xi32>, vector<16xi32>], vector<16xf32>,
        tpu.vector_store_idx %arg13[%add3A_277, %add3A_334], %gather3A_338 : memref<8x1024xf32, #tpu.memory_space<vmem>>[vector<16xi32>, vector<16xi32>], vector<16xf32>,
        %scan3A_339 = arith.constant 1 : i32
        %scan3A_340 = arith.addi %scan3A_234, %scan3A_339 : i32
        %mul3A_341 = arith.constant 1 : i32
        %mul3A_342 = arith.muli %scan3A_340, %mul3A_341 : i32
        %add3A_343 = arith.constant 0 : i32
        %add3A_344 = arith.addi %add3A_343, %mul3A_342 : i32
        %add3A_345 = vector.broadcast %add3A_344 : i32 to vector<16xi32>
        %add3A_346 = arith.addi %iota3A, %add3A_345 : vector<16xi32>
        %and3A_347 = arith.constant 15 : i32
        %and3A_348 = vector.broadcast %and3A_347 : i32 to vector<16xi32>
        %and3A_349 = arith.andi %add3A_346, %and3A_348 : vector<16xi32>
        %add3A_350 = arith.constant 0 : i32
        %add3A_351 = vector.broadcast %add3A_350 : i32 to vector<16xi32>
        %add3A_352 = arith.addi %and3A_349, %add3A_351 : vector<16xi32>
        %add3A_353 = arith.constant 16 : i32
        %add3A_354 = vector.broadcast %add3A_353 : i32 to vector<16xi32>
        %add3A_355 = arith.addi %and3A_349, %add3A_354 : vector<16xi32>
        %add3A_356 = arith.constant 32 : i32
        %add3A_357 = vector.broadcast %add3A_356 : i32 to vector<16xi32>
        %add3A_358 = arith.addi %and3A_349, %add3A_357 : vector<16xi32>
        %add3A_359 = arith.constant 48 : i32
        %add3A_360 = vector.broadcast %add3A_359 : i32 to vector<16xi32>
        %add3A_361 = arith.addi %and3A_349, %add3A_360 : vector<16xi32>
        %shift_right_arithmetic3A_362 = arith.constant 3 : i32
        %shift_right_arithmetic3A_363 = vector.broadcast %shift_right_arithmetic3A_362 : i32 to vector<16xi32>
        %shift_right_arithmetic3A_364 = arith.shrsi %and3A_349, %shift_right_arithmetic3A_363 : vector<16xi32>
        %add3A_365 = arith.constant 0 : i32
        %add3A_366 = vector.broadcast %add3A_365 : i32 to vector<16xi32>
        %add3A_367 = arith.addi %shift_right_arithmetic3A_364, %add3A_366 : vector<16xi32>
        %shift_right_arithmetic3A_368 = arith.constant 3 : i32
        %shift_right_arithmetic3A_369 = vector.broadcast %shift_right_arithmetic3A_368 : i32 to vector<16xi32>
        %shift_right_arithmetic3A_370 = arith.shrsi %and3A_349, %shift_right_arithmetic3A_369 : vector<16xi32>
        %add3A_371 = arith.constant 2 : i32
        %add3A_372 = vector.broadcast %add3A_371 : i32 to vector<16xi32>
        %add3A_373 = arith.addi %shift_right_arithmetic3A_370, %add3A_372 : vector<16xi32>
        %shift_right_arithmetic3A_374 = arith.constant 3 : i32
        %shift_right_arithmetic3A_375 = vector.broadcast %shift_right_arithmetic3A_374 : i32 to vector<16xi32>
        %shift_right_arithmetic3A_376 = arith.shrsi %and3A_349, %shift_right_arithmetic3A_375 : vector<16xi32>
        %add3A_377 = arith.constant 4 : i32
        %add3A_378 = vector.broadcast %add3A_377 : i32 to vector<16xi32>
        %add3A_379 = arith.addi %shift_right_arithmetic3A_376, %add3A_378 : vector<16xi32>
        %shift_right_arithmetic3A_380 = arith.constant 3 : i32
        %shift_right_arithmetic3A_381 = vector.broadcast %shift_right_arithmetic3A_380 : i32 to vector<16xi32>
        %shift_right_arithmetic3A_382 = arith.shrsi %and3A_349, %shift_right_arithmetic3A_381 : vector<16xi32>
        %add3A_383 = arith.constant 6 : i32
        %add3A_384 = vector.broadcast %add3A_383 : i32 to vector<16xi32>
        %add3A_385 = arith.addi %shift_right_arithmetic3A_382, %add3A_384 : vector<16xi32>
        %and3A_386 = arith.constant 7 : i32
        %and3A_387 = vector.broadcast %and3A_386 : i32 to vector<16xi32>
        %and3A_388 = arith.andi %and3A_349, %and3A_387 : vector<16xi32>
        %shift_left3A_389 = arith.constant 7 : i32
        %shift_left3A_390 = vector.broadcast %shift_left3A_389 : i32 to vector<16xi32>
        %shift_left3A_391 = arith.shli %and3A_388, %shift_left3A_390 : vector<16xi32>
        %add3A_392 = arith.addi %shift_left3A_391, %iota3A : vector<16xi32>
        %add3A_393 = arith.constant 0 : i32
        %add3A_394 = vector.broadcast %add3A_393 : i32 to vector<16xi32>
        %add3A_395 = arith.addi %add3A_392, %add3A_394 : vector<16xi32>
        %gather3A_396 = tpu.vector_load_idx %arg9[%add3A_5, %add3A_352] : memref<128x64xf32, #tpu.memory_space<vmem>>[vector<16xi32>, vector<16xi32>], vector<16xf32>,
        %gather3A_397 = tpu.vector_load_idx %arg9[%add3A_5, %add3A_355] : memref<128x64xf32, #tpu.memory_space<vmem>>[vector<16xi32>, vector<16xi32>], vector<16xf32>,
        %gather3A_398 = tpu.vector_load_idx %arg9[%add3A_5, %add3A_358] : memref<128x64xf32, #tpu.memory_space<vmem>>[vector<16xi32>, vector<16xi32>], vector<16xf32>,
        %gather3A_399 = tpu.vector_load_idx %arg9[%add3A_5, %add3A_361] : memref<128x64xf32, #tpu.memory_space<vmem>>[vector<16xi32>, vector<16xi32>], vector<16xf32>,
        %add3A_400 = arith.constant 16 : i32
        %add3A_401 = vector.broadcast %add3A_400 : i32 to vector<16xi32>
        %add3A_402 = arith.addi %add3A_392, %add3A_401 : vector<16xi32>
        %gather3A_403 = tpu.vector_load_idx %arg9[%add3A_8, %add3A_352] : memref<128x64xf32, #tpu.memory_space<vmem>>[vector<16xi32>, vector<16xi32>], vector<16xf32>,
        %gather3A_404 = tpu.vector_load_idx %arg9[%add3A_8, %add3A_355] : memref<128x64xf32, #tpu.memory_space<vmem>>[vector<16xi32>, vector<16xi32>], vector<16xf32>,
        %gather3A_405 = tpu.vector_load_idx %arg9[%add3A_8, %add3A_358] : memref<128x64xf32, #tpu.memory_space<vmem>>[vector<16xi32>, vector<16xi32>], vector<16xf32>,
        %gather3A_406 = tpu.vector_load_idx %arg9[%add3A_8, %add3A_361] : memref<128x64xf32, #tpu.memory_space<vmem>>[vector<16xi32>, vector<16xi32>], vector<16xf32>,
        tpu.vector_store_idx %arg13[%add3A_367, %add3A_395], %gather3A_396 : memref<8x1024xf32, #tpu.memory_space<vmem>>[vector<16xi32>, vector<16xi32>], vector<16xf32>,
        tpu.vector_store_idx %arg13[%add3A_373, %add3A_395], %gather3A_397 : memref<8x1024xf32, #tpu.memory_space<vmem>>[vector<16xi32>, vector<16xi32>], vector<16xf32>,
        tpu.vector_store_idx %arg13[%add3A_379, %add3A_395], %gather3A_398 : memref<8x1024xf32, #tpu.memory_space<vmem>>[vector<16xi32>, vector<16xi32>], vector<16xf32>,
        tpu.vector_store_idx %arg13[%add3A_385, %add3A_395], %gather3A_399 : memref<8x1024xf32, #tpu.memory_space<vmem>>[vector<16xi32>, vector<16xi32>], vector<16xf32>,
        %add3A_407 = arith.constant 32 : i32
        %add3A_408 = vector.broadcast %add3A_407 : i32 to vector<16xi32>
        %add3A_409 = arith.addi %add3A_392, %add3A_408 : vector<16xi32>
        %gather3A_410 = tpu.vector_load_idx %arg9[%add3A_11, %add3A_352] : memref<128x64xf32, #tpu.memory_space<vmem>>[vector<16xi32>, vector<16xi32>], vector<16xf32>,
        %gather3A_411 = tpu.vector_load_idx %arg9[%add3A_11, %add3A_355] : memref<128x64xf32, #tpu.memory_space<vmem>>[vector<16xi32>, vector<16xi32>], vector<16xf32>,
        %gather3A_412 = tpu.vector_load_idx %arg9[%add3A_11, %add3A_358] : memref<128x64xf32, #tpu.memory_space<vmem>>[vector<16xi32>, vector<16xi32>], vector<16xf32>,
        %gather3A_413 = tpu.vector_load_idx %arg9[%add3A_11, %add3A_361] : memref<128x64xf32, #tpu.memory_space<vmem>>[vector<16xi32>, vector<16xi32>], vector<16xf32>,
        tpu.vector_store_idx %arg13[%add3A_367, %add3A_402], %gather3A_403 : memref<8x1024xf32, #tpu.memory_space<vmem>>[vector<16xi32>, vector<16xi32>], vector<16xf32>,
        tpu.vector_store_idx %arg13[%add3A_373, %add3A_402], %gather3A_404 : memref<8x1024xf32, #tpu.memory_space<vmem>>[vector<16xi32>, vector<16xi32>], vector<16xf32>,
        tpu.vector_store_idx %arg13[%add3A_379, %add3A_402], %gather3A_405 : memref<8x1024xf32, #tpu.memory_space<vmem>>[vector<16xi32>, vector<16xi32>], vector<16xf32>,
        tpu.vector_store_idx %arg13[%add3A_385, %add3A_402], %gather3A_406 : memref<8x1024xf32, #tpu.memory_space<vmem>>[vector<16xi32>, vector<16xi32>], vector<16xf32>,
        %add3A_414 = arith.constant 48 : i32
        %add3A_415 = vector.broadcast %add3A_414 : i32 to vector<16xi32>
        %add3A_416 = arith.addi %add3A_392, %add3A_415 : vector<16xi32>
        %gather3A_417 = tpu.vector_load_idx %arg9[%add3A_14, %add3A_352] : memref<128x64xf32, #tpu.memory_space<vmem>>[vector<16xi32>, vector<16xi32>], vector<16xf32>,
        %gather3A_418 = tpu.vector_load_idx %arg9[%add3A_14, %add3A_355] : memref<128x64xf32, #tpu.memory_space<vmem>>[vector<16xi32>, vector<16xi32>], vector<16xf32>,
        %gather3A_419 = tpu.vector_load_idx %arg9[%add3A_14, %add3A_358] : memref<128x64xf32, #tpu.memory_space<vmem>>[vector<16xi32>, vector<16xi32>], vector<16xf32>,
        %gather3A_420 = tpu.vector_load_idx %arg9[%add3A_14, %add3A_361] : memref<128x64xf32, #tpu.memory_space<vmem>>[vector<16xi32>, vector<16xi32>], vector<16xf32>,
        tpu.vector_store_idx %arg13[%add3A_367, %add3A_409], %gather3A_410 : memref<8x1024xf32, #tpu.memory_space<vmem>>[vector<16xi32>, vector<16xi32>], vector<16xf32>,
        tpu.vector_store_idx %arg13[%add3A_373, %add3A_409], %gather3A_411 : memref<8x1024xf32, #tpu.memory_space<vmem>>[vector<16xi32>, vector<16xi32>], vector<16xf32>,
        tpu.vector_store_idx %arg13[%add3A_379, %add3A_409], %gather3A_412 : memref<8x1024xf32, #tpu.memory_space<vmem>>[vector<16xi32>, vector<16xi32>], vector<16xf32>,
        tpu.vector_store_idx %arg13[%add3A_385, %add3A_409], %gather3A_413 : memref<8x1024xf32, #tpu.memory_space<vmem>>[vector<16xi32>, vector<16xi32>], vector<16xf32>,
        %add3A_421 = arith.constant 64 : i32
        %add3A_422 = vector.broadcast %add3A_421 : i32 to vector<16xi32>
        %add3A_423 = arith.addi %add3A_392, %add3A_422 : vector<16xi32>
        %gather3A_424 = tpu.vector_load_idx %arg9[%add3A_17, %add3A_352] : memref<128x64xf32, #tpu.memory_space<vmem>>[vector<16xi32>, vector<16xi32>], vector<16xf32>,
        %gather3A_425 = tpu.vector_load_idx %arg9[%add3A_17, %add3A_355] : memref<128x64xf32, #tpu.memory_space<vmem>>[vector<16xi32>, vector<16xi32>], vector<16xf32>,
        %gather3A_426 = tpu.vector_load_idx %arg9[%add3A_17, %add3A_358] : memref<128x64xf32, #tpu.memory_space<vmem>>[vector<16xi32>, vector<16xi32>], vector<16xf32>,
        %gather3A_427 = tpu.vector_load_idx %arg9[%add3A_17, %add3A_361] : memref<128x64xf32, #tpu.memory_space<vmem>>[vector<16xi32>, vector<16xi32>], vector<16xf32>,
        tpu.vector_store_idx %arg13[%add3A_367, %add3A_416], %gather3A_417 : memref<8x1024xf32, #tpu.memory_space<vmem>>[vector<16xi32>, vector<16xi32>], vector<16xf32>,
        tpu.vector_store_idx %arg13[%add3A_373, %add3A_416], %gather3A_418 : memref<8x1024xf32, #tpu.memory_space<vmem>>[vector<16xi32>, vector<16xi32>], vector<16xf32>,
        tpu.vector_store_idx %arg13[%add3A_379, %add3A_416], %gather3A_419 : memref<8x1024xf32, #tpu.memory_space<vmem>>[vector<16xi32>, vector<16xi32>], vector<16xf32>,
        tpu.vector_store_idx %arg13[%add3A_385, %add3A_416], %gather3A_420 : memref<8x1024xf32, #tpu.memory_space<vmem>>[vector<16xi32>, vector<16xi32>], vector<16xf32>,
        %add3A_428 = arith.constant 80 : i32
        %add3A_429 = vector.broadcast %add3A_428 : i32 to vector<16xi32>
        %add3A_430 = arith.addi %add3A_392, %add3A_429 : vector<16xi32>
        %gather3A_431 = tpu.vector_load_idx %arg9[%add3A_20, %add3A_352] : memref<128x64xf32, #tpu.memory_space<vmem>>[vector<16xi32>, vector<16xi32>], vector<16xf32>,
        %gather3A_432 = tpu.vector_load_idx %arg9[%add3A_20, %add3A_355] : memref<128x64xf32, #tpu.memory_space<vmem>>[vector<16xi32>, vector<16xi32>], vector<16xf32>,
        %gather3A_433 = tpu.vector_load_idx %arg9[%add3A_20, %add3A_358] : memref<128x64xf32, #tpu.memory_space<vmem>>[vector<16xi32>, vector<16xi32>], vector<16xf32>,
        %gather3A_434 = tpu.vector_load_idx %arg9[%add3A_20, %add3A_361] : memref<128x64xf32, #tpu.memory_space<vmem>>[vector<16xi32>, vector<16xi32>], vector<16xf32>,
        tpu.vector_store_idx %arg13[%add3A_367, %add3A_423], %gather3A_424 : memref<8x1024xf32, #tpu.memory_space<vmem>>[vector<16xi32>, vector<16xi32>], vector<16xf32>,
        tpu.vector_store_idx %arg13[%add3A_373, %add3A_423], %gather3A_425 : memref<8x1024xf32, #tpu.memory_space<vmem>>[vector<16xi32>, vector<16xi32>], vector<16xf32>,
        tpu.vector_store_idx %arg13[%add3A_379, %add3A_423], %gather3A_426 : memref<8x1024xf32, #tpu.memory_space<vmem>>[vector<16xi32>, vector<16xi32>], vector<16xf32>,
        tpu.vector_store_idx %arg13[%add3A_385, %add3A_423], %gather3A_427 : memref<8x1024xf32, #tpu.memory_space<vmem>>[vector<16xi32>, vector<16xi32>], vector<16xf32>,
        %add3A_435 = arith.constant 96 : i32
        %add3A_436 = vector.broadcast %add3A_435 : i32 to vector<16xi32>
        %add3A_437 = arith.addi %add3A_392, %add3A_436 : vector<16xi32>
        %gather3A_438 = tpu.vector_load_idx %arg9[%add3A_23, %add3A_352] : memref<128x64xf32, #tpu.memory_space<vmem>>[vector<16xi32>, vector<16xi32>], vector<16xf32>,
        %gather3A_439 = tpu.vector_load_idx %arg9[%add3A_23, %add3A_355] : memref<128x64xf32, #tpu.memory_space<vmem>>[vector<16xi32>, vector<16xi32>], vector<16xf32>,
        %gather3A_440 = tpu.vector_load_idx %arg9[%add3A_23, %add3A_358] : memref<128x64xf32, #tpu.memory_space<vmem>>[vector<16xi32>, vector<16xi32>], vector<16xf32>,
        %gather3A_441 = tpu.vector_load_idx %arg9[%add3A_23, %add3A_361] : memref<128x64xf32, #tpu.memory_space<vmem>>[vector<16xi32>, vector<16xi32>], vector<16xf32>,
        tpu.vector_store_idx %arg13[%add3A_367, %add3A_430], %gather3A_431 : memref<8x1024xf32, #tpu.memory_space<vmem>>[vector<16xi32>, vector<16xi32>], vector<16xf32>,
        tpu.vector_store_idx %arg13[%add3A_373, %add3A_430], %gather3A_432 : memref<8x1024xf32, #tpu.memory_space<vmem>>[vector<16xi32>, vector<16xi32>], vector<16xf32>,
        tpu.vector_store_idx %arg13[%add3A_379, %add3A_430], %gather3A_433 : memref<8x1024xf32, #tpu.memory_space<vmem>>[vector<16xi32>, vector<16xi32>], vector<16xf32>,
        tpu.vector_store_idx %arg13[%add3A_385, %add3A_430], %gather3A_434 : memref<8x1024xf32, #tpu.memory_space<vmem>>[vector<16xi32>, vector<16xi32>], vector<16xf32>,
        %add3A_442 = arith.constant 112 : i32
        %add3A_443 = vector.broadcast %add3A_442 : i32 to vector<16xi32>
        %add3A_444 = arith.addi %add3A_392, %add3A_443 : vector<16xi32>
        %gather3A_445 = tpu.vector_load_idx %arg9[%add3A_26, %add3A_352] : memref<128x64xf32, #tpu.memory_space<vmem>>[vector<16xi32>, vector<16xi32>], vector<16xf32>,
        %gather3A_446 = tpu.vector_load_idx %arg9[%add3A_26, %add3A_355] : memref<128x64xf32, #tpu.memory_space<vmem>>[vector<16xi32>, vector<16xi32>], vector<16xf32>,
        %gather3A_447 = tpu.vector_load_idx %arg9[%add3A_26, %add3A_358] : memref<128x64xf32, #tpu.memory_space<vmem>>[vector<16xi32>, vector<16xi32>], vector<16xf32>,
        %gather3A_448 = tpu.vector_load_idx %arg9[%add3A_26, %add3A_361] : memref<128x64xf32, #tpu.memory_space<vmem>>[vector<16xi32>, vector<16xi32>], vector<16xf32>,
        tpu.vector_store_idx %arg13[%add3A_367, %add3A_437], %gather3A_438 : memref<8x1024xf32, #tpu.memory_space<vmem>>[vector<16xi32>, vector<16xi32>], vector<16xf32>,
        tpu.vector_store_idx %arg13[%add3A_373, %add3A_437], %gather3A_439 : memref<8x1024xf32, #tpu.memory_space<vmem>>[vector<16xi32>, vector<16xi32>], vector<16xf32>,
        tpu.vector_store_idx %arg13[%add3A_379, %add3A_437], %gather3A_440 : memref<8x1024xf32, #tpu.memory_space<vmem>>[vector<16xi32>, vector<16xi32>], vector<16xf32>,
        tpu.vector_store_idx %arg13[%add3A_385, %add3A_437], %gather3A_441 : memref<8x1024xf32, #tpu.memory_space<vmem>>[vector<16xi32>, vector<16xi32>], vector<16xf32>,
        tpu.vector_store_idx %arg13[%add3A_367, %add3A_444], %gather3A_445 : memref<8x1024xf32, #tpu.memory_space<vmem>>[vector<16xi32>, vector<16xi32>], vector<16xf32>,
        tpu.vector_store_idx %arg13[%add3A_373, %add3A_444], %gather3A_446 : memref<8x1024xf32, #tpu.memory_space<vmem>>[vector<16xi32>, vector<16xi32>], vector<16xf32>,
        tpu.vector_store_idx %arg13[%add3A_379, %add3A_444], %gather3A_447 : memref<8x1024xf32, #tpu.memory_space<vmem>>[vector<16xi32>, vector<16xi32>], vector<16xf32>,
        tpu.vector_store_idx %arg13[%add3A_385, %add3A_444], %gather3A_448 : memref<8x1024xf32, #tpu.memory_space<vmem>>[vector<16xi32>, vector<16xi32>], vector<16xf32>,
        %scan3A_449 = arith.constant 2 : i32
        %scan3A_450 = arith.addi %scan3A_234, %scan3A_449 : i32
        %mul3A_451 = arith.constant 1 : i32
        %mul3A_452 = arith.muli %scan3A_450, %mul3A_451 : i32
        %add3A_453 = arith.constant 0 : i32
        %add3A_454 = arith.addi %add3A_453, %mul3A_452 : i32
        %add3A_455 = vector.broadcast %add3A_454 : i32 to vector<16xi32>
        %add3A_456 = arith.addi %iota3A, %add3A_455 : vector<16xi32>
        %and3A_457 = arith.constant 15 : i32
        %and3A_458 = vector.broadcast %and3A_457 : i32 to vector<16xi32>
        %and3A_459 = arith.andi %add3A_456, %and3A_458 : vector<16xi32>
        %add3A_460 = arith.constant 0 : i32
        %add3A_461 = vector.broadcast %add3A_460 : i32 to vector<16xi32>
        %add3A_462 = arith.addi %and3A_459, %add3A_461 : vector<16xi32>
        %add3A_463 = arith.constant 16 : i32
        %add3A_464 = vector.broadcast %add3A_463 : i32 to vector<16xi32>
        %add3A_465 = arith.addi %and3A_459, %add3A_464 : vector<16xi32>
        %add3A_466 = arith.constant 32 : i32
        %add3A_467 = vector.broadcast %add3A_466 : i32 to vector<16xi32>
        %add3A_468 = arith.addi %and3A_459, %add3A_467 : vector<16xi32>
        %add3A_469 = arith.constant 48 : i32
        %add3A_470 = vector.broadcast %add3A_469 : i32 to vector<16xi32>
        %add3A_471 = arith.addi %and3A_459, %add3A_470 : vector<16xi32>
        %shift_right_arithmetic3A_472 = arith.constant 3 : i32
        %shift_right_arithmetic3A_473 = vector.broadcast %shift_right_arithmetic3A_472 : i32 to vector<16xi32>
        %shift_right_arithmetic3A_474 = arith.shrsi %and3A_459, %shift_right_arithmetic3A_473 : vector<16xi32>
        %add3A_475 = arith.constant 0 : i32
        %add3A_476 = vector.broadcast %add3A_475 : i32 to vector<16xi32>
        %add3A_477 = arith.addi %shift_right_arithmetic3A_474, %add3A_476 : vector<16xi32>
        %shift_right_arithmetic3A_478 = arith.constant 3 : i32
        %shift_right_arithmetic3A_479 = vector.broadcast %shift_right_arithmetic3A_478 : i32 to vector<16xi32>
        %shift_right_arithmetic3A_480 = arith.shrsi %and3A_459, %shift_right_arithmetic3A_479 : vector<16xi32>
        %add3A_481 = arith.constant 2 : i32
        %add3A_482 = vector.broadcast %add3A_481 : i32 to vector<16xi32>
        %add3A_483 = arith.addi %shift_right_arithmetic3A_480, %add3A_482 : vector<16xi32>
        %shift_right_arithmetic3A_484 = arith.constant 3 : i32
        %shift_right_arithmetic3A_485 = vector.broadcast %shift_right_arithmetic3A_484 : i32 to vector<16xi32>
        %shift_right_arithmetic3A_486 = arith.shrsi %and3A_459, %shift_right_arithmetic3A_485 : vector<16xi32>
        %add3A_487 = arith.constant 4 : i32
        %add3A_488 = vector.broadcast %add3A_487 : i32 to vector<16xi32>
        %add3A_489 = arith.addi %shift_right_arithmetic3A_486, %add3A_488 : vector<16xi32>
        %shift_right_arithmetic3A_490 = arith.constant 3 : i32
        %shift_right_arithmetic3A_491 = vector.broadcast %shift_right_arithmetic3A_490 : i32 to vector<16xi32>
        %shift_right_arithmetic3A_492 = arith.shrsi %and3A_459, %shift_right_arithmetic3A_491 : vector<16xi32>
        %add3A_493 = arith.constant 6 : i32
        %add3A_494 = vector.broadcast %add3A_493 : i32 to vector<16xi32>
        %add3A_495 = arith.addi %shift_right_arithmetic3A_492, %add3A_494 : vector<16xi32>
        %and3A_496 = arith.constant 7 : i32
        %and3A_497 = vector.broadcast %and3A_496 : i32 to vector<16xi32>
        %and3A_498 = arith.andi %and3A_459, %and3A_497 : vector<16xi32>
        %shift_left3A_499 = arith.constant 7 : i32
        %shift_left3A_500 = vector.broadcast %shift_left3A_499 : i32 to vector<16xi32>
        %shift_left3A_501 = arith.shli %and3A_498, %shift_left3A_500 : vector<16xi32>
        %add3A_502 = arith.addi %shift_left3A_501, %iota3A : vector<16xi32>
        %add3A_503 = arith.constant 0 : i32
        %add3A_504 = vector.broadcast %add3A_503 : i32 to vector<16xi32>
        %add3A_505 = arith.addi %add3A_502, %add3A_504 : vector<16xi32>
        %gather3A_506 = tpu.vector_load_idx %arg9[%add3A_5, %add3A_462] : memref<128x64xf32, #tpu.memory_space<vmem>>[vector<16xi32>, vector<16xi32>], vector<16xf32>,
        %gather3A_507 = tpu.vector_load_idx %arg9[%add3A_5, %add3A_465] : memref<128x64xf32, #tpu.memory_space<vmem>>[vector<16xi32>, vector<16xi32>], vector<16xf32>,
        %gather3A_508 = tpu.vector_load_idx %arg9[%add3A_5, %add3A_468] : memref<128x64xf32, #tpu.memory_space<vmem>>[vector<16xi32>, vector<16xi32>], vector<16xf32>,
        %gather3A_509 = tpu.vector_load_idx %arg9[%add3A_5, %add3A_471] : memref<128x64xf32, #tpu.memory_space<vmem>>[vector<16xi32>, vector<16xi32>], vector<16xf32>,
        %add3A_510 = arith.constant 16 : i32
        %add3A_511 = vector.broadcast %add3A_510 : i32 to vector<16xi32>
        %add3A_512 = arith.addi %add3A_502, %add3A_511 : vector<16xi32>
        %gather3A_513 = tpu.vector_load_idx %arg9[%add3A_8, %add3A_462] : memref<128x64xf32, #tpu.memory_space<vmem>>[vector<16xi32>, vector<16xi32>], vector<16xf32>,
        %gather3A_514 = tpu.vector_load_idx %arg9[%add3A_8, %add3A_465] : memref<128x64xf32, #tpu.memory_space<vmem>>[vector<16xi32>, vector<16xi32>], vector<16xf32>,
        %gather3A_515 = tpu.vector_load_idx %arg9[%add3A_8, %add3A_468] : memref<128x64xf32, #tpu.memory_space<vmem>>[vector<16xi32>, vector<16xi32>], vector<16xf32>,
        %gather3A_516 = tpu.vector_load_idx %arg9[%add3A_8, %add3A_471] : memref<128x64xf32, #tpu.memory_space<vmem>>[vector<16xi32>, vector<16xi32>], vector<16xf32>,
        tpu.vector_store_idx %arg13[%add3A_477, %add3A_505], %gather3A_506 : memref<8x1024xf32, #tpu.memory_space<vmem>>[vector<16xi32>, vector<16xi32>], vector<16xf32>,
        tpu.vector_store_idx %arg13[%add3A_483, %add3A_505], %gather3A_507 : memref<8x1024xf32, #tpu.memory_space<vmem>>[vector<16xi32>, vector<16xi32>], vector<16xf32>,
        tpu.vector_store_idx %arg13[%add3A_489, %add3A_505], %gather3A_508 : memref<8x1024xf32, #tpu.memory_space<vmem>>[vector<16xi32>, vector<16xi32>], vector<16xf32>,
        tpu.vector_store_idx %arg13[%add3A_495, %add3A_505], %gather3A_509 : memref<8x1024xf32, #tpu.memory_space<vmem>>[vector<16xi32>, vector<16xi32>], vector<16xf32>,
        %add3A_517 = arith.constant 32 : i32
        %add3A_518 = vector.broadcast %add3A_517 : i32 to vector<16xi32>
        %add3A_519 = arith.addi %add3A_502, %add3A_518 : vector<16xi32>
        %gather3A_520 = tpu.vector_load_idx %arg9[%add3A_11, %add3A_462] : memref<128x64xf32, #tpu.memory_space<vmem>>[vector<16xi32>, vector<16xi32>], vector<16xf32>,
        %gather3A_521 = tpu.vector_load_idx %arg9[%add3A_11, %add3A_465] : memref<128x64xf32, #tpu.memory_space<vmem>>[vector<16xi32>, vector<16xi32>], vector<16xf32>,
        %gather3A_522 = tpu.vector_load_idx %arg9[%add3A_11, %add3A_468] : memref<128x64xf32, #tpu.memory_space<vmem>>[vector<16xi32>, vector<16xi32>], vector<16xf32>,
        %gather3A_523 = tpu.vector_load_idx %arg9[%add3A_11, %add3A_471] : memref<128x64xf32, #tpu.memory_space<vmem>>[vector<16xi32>, vector<16xi32>], vector<16xf32>,
        tpu.vector_store_idx %arg13[%add3A_477, %add3A_512], %gather3A_513 : memref<8x1024xf32, #tpu.memory_space<vmem>>[vector<16xi32>, vector<16xi32>], vector<16xf32>,
        tpu.vector_store_idx %arg13[%add3A_483, %add3A_512], %gather3A_514 : memref<8x1024xf32, #tpu.memory_space<vmem>>[vector<16xi32>, vector<16xi32>], vector<16xf32>,
        tpu.vector_store_idx %arg13[%add3A_489, %add3A_512], %gather3A_515 : memref<8x1024xf32, #tpu.memory_space<vmem>>[vector<16xi32>, vector<16xi32>], vector<16xf32>,
        tpu.vector_store_idx %arg13[%add3A_495, %add3A_512], %gather3A_516 : memref<8x1024xf32, #tpu.memory_space<vmem>>[vector<16xi32>, vector<16xi32>], vector<16xf32>,
        %add3A_524 = arith.constant 48 : i32
        %add3A_525 = vector.broadcast %add3A_524 : i32 to vector<16xi32>
        %add3A_526 = arith.addi %add3A_502, %add3A_525 : vector<16xi32>
        %gather3A_527 = tpu.vector_load_idx %arg9[%add3A_14, %add3A_462] : memref<128x64xf32, #tpu.memory_space<vmem>>[vector<16xi32>, vector<16xi32>], vector<16xf32>,
        %gather3A_528 = tpu.vector_load_idx %arg9[%add3A_14, %add3A_465] : memref<128x64xf32, #tpu.memory_space<vmem>>[vector<16xi32>, vector<16xi32>], vector<16xf32>,
        %gather3A_529 = tpu.vector_load_idx %arg9[%add3A_14, %add3A_468] : memref<128x64xf32, #tpu.memory_space<vmem>>[vector<16xi32>, vector<16xi32>], vector<16xf32>,
        %gather3A_530 = tpu.vector_load_idx %arg9[%add3A_14, %add3A_471] : memref<128x64xf32, #tpu.memory_space<vmem>>[vector<16xi32>, vector<16xi32>], vector<16xf32>,
        tpu.vector_store_idx %arg13[%add3A_477, %add3A_519], %gather3A_520 : memref<8x1024xf32, #tpu.memory_space<vmem>>[vector<16xi32>, vector<16xi32>], vector<16xf32>,
        tpu.vector_store_idx %arg13[%add3A_483, %add3A_519], %gather3A_521 : memref<8x1024xf32, #tpu.memory_space<vmem>>[vector<16xi32>, vector<16xi32>], vector<16xf32>,
        tpu.vector_store_idx %arg13[%add3A_489, %add3A_519], %gather3A_522 : memref<8x1024xf32, #tpu.memory_space<vmem>>[vector<16xi32>, vector<16xi32>], vector<16xf32>,
        tpu.vector_store_idx %arg13[%add3A_495, %add3A_519], %gather3A_523 : memref<8x1024xf32, #tpu.memory_space<vmem>>[vector<16xi32>, vector<16xi32>], vector<16xf32>,
        %add3A_531 = arith.constant 64 : i32
        %add3A_532 = vector.broadcast %add3A_531 : i32 to vector<16xi32>
        %add3A_533 = arith.addi %add3A_502, %add3A_532 : vector<16xi32>
        %gather3A_534 = tpu.vector_load_idx %arg9[%add3A_17, %add3A_462] : memref<128x64xf32, #tpu.memory_space<vmem>>[vector<16xi32>, vector<16xi32>], vector<16xf32>,
        %gather3A_535 = tpu.vector_load_idx %arg9[%add3A_17, %add3A_465] : memref<128x64xf32, #tpu.memory_space<vmem>>[vector<16xi32>, vector<16xi32>], vector<16xf32>,
        %gather3A_536 = tpu.vector_load_idx %arg9[%add3A_17, %add3A_468] : memref<128x64xf32, #tpu.memory_space<vmem>>[vector<16xi32>, vector<16xi32>], vector<16xf32>,
        %gather3A_537 = tpu.vector_load_idx %arg9[%add3A_17, %add3A_471] : memref<128x64xf32, #tpu.memory_space<vmem>>[vector<16xi32>, vector<16xi32>], vector<16xf32>,
        tpu.vector_store_idx %arg13[%add3A_477, %add3A_526], %gather3A_527 : memref<8x1024xf32, #tpu.memory_space<vmem>>[vector<16xi32>, vector<16xi32>], vector<16xf32>,
        tpu.vector_store_idx %arg13[%add3A_483, %add3A_526], %gather3A_528 : memref<8x1024xf32, #tpu.memory_space<vmem>>[vector<16xi32>, vector<16xi32>], vector<16xf32>,
        tpu.vector_store_idx %arg13[%add3A_489, %add3A_526], %gather3A_529 : memref<8x1024xf32, #tpu.memory_space<vmem>>[vector<16xi32>, vector<16xi32>], vector<16xf32>,
        tpu.vector_store_idx %arg13[%add3A_495, %add3A_526], %gather3A_530 : memref<8x1024xf32, #tpu.memory_space<vmem>>[vector<16xi32>, vector<16xi32>], vector<16xf32>,
        %add3A_538 = arith.constant 80 : i32
        %add3A_539 = vector.broadcast %add3A_538 : i32 to vector<16xi32>
        %add3A_540 = arith.addi %add3A_502, %add3A_539 : vector<16xi32>
        %gather3A_541 = tpu.vector_load_idx %arg9[%add3A_20, %add3A_462] : memref<128x64xf32, #tpu.memory_space<vmem>>[vector<16xi32>, vector<16xi32>], vector<16xf32>,
        %gather3A_542 = tpu.vector_load_idx %arg9[%add3A_20, %add3A_465] : memref<128x64xf32, #tpu.memory_space<vmem>>[vector<16xi32>, vector<16xi32>], vector<16xf32>,
        %gather3A_543 = tpu.vector_load_idx %arg9[%add3A_20, %add3A_468] : memref<128x64xf32, #tpu.memory_space<vmem>>[vector<16xi32>, vector<16xi32>], vector<16xf32>,
        %gather3A_544 = tpu.vector_load_idx %arg9[%add3A_20, %add3A_471] : memref<128x64xf32, #tpu.memory_space<vmem>>[vector<16xi32>, vector<16xi32>], vector<16xf32>,
        tpu.vector_store_idx %arg13[%add3A_477, %add3A_533], %gather3A_534 : memref<8x1024xf32, #tpu.memory_space<vmem>>[vector<16xi32>, vector<16xi32>], vector<16xf32>,
        tpu.vector_store_idx %arg13[%add3A_483, %add3A_533], %gather3A_535 : memref<8x1024xf32, #tpu.memory_space<vmem>>[vector<16xi32>, vector<16xi32>], vector<16xf32>,
        tpu.vector_store_idx %arg13[%add3A_489, %add3A_533], %gather3A_536 : memref<8x1024xf32, #tpu.memory_space<vmem>>[vector<16xi32>, vector<16xi32>], vector<16xf32>,
        tpu.vector_store_idx %arg13[%add3A_495, %add3A_533], %gather3A_537 : memref<8x1024xf32, #tpu.memory_space<vmem>>[vector<16xi32>, vector<16xi32>], vector<16xf32>,
        %add3A_545 = arith.constant 96 : i32
        %add3A_546 = vector.broadcast %add3A_545 : i32 to vector<16xi32>
        %add3A_547 = arith.addi %add3A_502, %add3A_546 : vector<16xi32>
        %gather3A_548 = tpu.vector_load_idx %arg9[%add3A_23, %add3A_462] : memref<128x64xf32, #tpu.memory_space<vmem>>[vector<16xi32>, vector<16xi32>], vector<16xf32>,
        %gather3A_549 = tpu.vector_load_idx %arg9[%add3A_23, %add3A_465] : memref<128x64xf32, #tpu.memory_space<vmem>>[vector<16xi32>, vector<16xi32>], vector<16xf32>,
        %gather3A_550 = tpu.vector_load_idx %arg9[%add3A_23, %add3A_468] : memref<128x64xf32, #tpu.memory_space<vmem>>[vector<16xi32>, vector<16xi32>], vector<16xf32>,
        %gather3A_551 = tpu.vector_load_idx %arg9[%add3A_23, %add3A_471] : memref<128x64xf32, #tpu.memory_space<vmem>>[vector<16xi32>, vector<16xi32>], vector<16xf32>,
        tpu.vector_store_idx %arg13[%add3A_477, %add3A_540], %gather3A_541 : memref<8x1024xf32, #tpu.memory_space<vmem>>[vector<16xi32>, vector<16xi32>], vector<16xf32>,
        tpu.vector_store_idx %arg13[%add3A_483, %add3A_540], %gather3A_542 : memref<8x1024xf32, #tpu.memory_space<vmem>>[vector<16xi32>, vector<16xi32>], vector<16xf32>,
        tpu.vector_store_idx %arg13[%add3A_489, %add3A_540], %gather3A_543 : memref<8x1024xf32, #tpu.memory_space<vmem>>[vector<16xi32>, vector<16xi32>], vector<16xf32>,
        tpu.vector_store_idx %arg13[%add3A_495, %add3A_540], %gather3A_544 : memref<8x1024xf32, #tpu.memory_space<vmem>>[vector<16xi32>, vector<16xi32>], vector<16xf32>,
        %add3A_552 = arith.constant 112 : i32
        %add3A_553 = vector.broadcast %add3A_552 : i32 to vector<16xi32>
        %add3A_554 = arith.addi %add3A_502, %add3A_553 : vector<16xi32>
        %gather3A_555 = tpu.vector_load_idx %arg9[%add3A_26, %add3A_462] : memref<128x64xf32, #tpu.memory_space<vmem>>[vector<16xi32>, vector<16xi32>], vector<16xf32>,
        %gather3A_556 = tpu.vector_load_idx %arg9[%add3A_26, %add3A_465] : memref<128x64xf32, #tpu.memory_space<vmem>>[vector<16xi32>, vector<16xi32>], vector<16xf32>,
        %gather3A_557 = tpu.vector_load_idx %arg9[%add3A_26, %add3A_468] : memref<128x64xf32, #tpu.memory_space<vmem>>[vector<16xi32>, vector<16xi32>], vector<16xf32>,
        %gather3A_558 = tpu.vector_load_idx %arg9[%add3A_26, %add3A_471] : memref<128x64xf32, #tpu.memory_space<vmem>>[vector<16xi32>, vector<16xi32>], vector<16xf32>,
        tpu.vector_store_idx %arg13[%add3A_477, %add3A_547], %gather3A_548 : memref<8x1024xf32, #tpu.memory_space<vmem>>[vector<16xi32>, vector<16xi32>], vector<16xf32>,
        tpu.vector_store_idx %arg13[%add3A_483, %add3A_547], %gather3A_549 : memref<8x1024xf32, #tpu.memory_space<vmem>>[vector<16xi32>, vector<16xi32>], vector<16xf32>,
        tpu.vector_store_idx %arg13[%add3A_489, %add3A_547], %gather3A_550 : memref<8x1024xf32, #tpu.memory_space<vmem>>[vector<16xi32>, vector<16xi32>], vector<16xf32>,
        tpu.vector_store_idx %arg13[%add3A_495, %add3A_547], %gather3A_551 : memref<8x1024xf32, #tpu.memory_space<vmem>>[vector<16xi32>, vector<16xi32>], vector<16xf32>,
        tpu.vector_store_idx %arg13[%add3A_477, %add3A_554], %gather3A_555 : memref<8x1024xf32, #tpu.memory_space<vmem>>[vector<16xi32>, vector<16xi32>], vector<16xf32>,
        tpu.vector_store_idx %arg13[%add3A_483, %add3A_554], %gather3A_556 : memref<8x1024xf32, #tpu.memory_space<vmem>>[vector<16xi32>, vector<16xi32>], vector<16xf32>,
        tpu.vector_store_idx %arg13[%add3A_489, %add3A_554], %gather3A_557 : memref<8x1024xf32, #tpu.memory_space<vmem>>[vector<16xi32>, vector<16xi32>], vector<16xf32>,
        tpu.vector_store_idx %arg13[%add3A_495, %add3A_554], %gather3A_558 : memref<8x1024xf32, #tpu.memory_space<vmem>>[vector<16xi32>, vector<16xi32>], vector<16xf32>,
        %scan3A_559 = arith.constant 3 : i32
        %scan3A_560 = arith.addi %scan3A_234, %scan3A_559 : i32
        %mul3A_561 = arith.constant 1 : i32
        %mul3A_562 = arith.muli %scan3A_560, %mul3A_561 : i32
        %add3A_563 = arith.constant 0 : i32
        %add3A_564 = arith.addi %add3A_563, %mul3A_562 : i32
        %add3A_565 = vector.broadcast %add3A_564 : i32 to vector<16xi32>
        %add3A_566 = arith.addi %iota3A, %add3A_565 : vector<16xi32>
        %and3A_567 = arith.constant 15 : i32
        %and3A_568 = vector.broadcast %and3A_567 : i32 to vector<16xi32>
        %and3A_569 = arith.andi %add3A_566, %and3A_568 : vector<16xi32>
        %add3A_570 = arith.constant 0 : i32
        %add3A_571 = vector.broadcast %add3A_570 : i32 to vector<16xi32>
        %add3A_572 = arith.addi %and3A_569, %add3A_571 : vector<16xi32>
        %add3A_573 = arith.constant 16 : i32
        %add3A_574 = vector.broadcast %add3A_573 : i32 to vector<16xi32>
        %add3A_575 = arith.addi %and3A_569, %add3A_574 : vector<16xi32>
        %add3A_576 = arith.constant 32 : i32
        %add3A_577 = vector.broadcast %add3A_576 : i32 to vector<16xi32>
        %add3A_578 = arith.addi %and3A_569, %add3A_577 : vector<16xi32>
        %add3A_579 = arith.constant 48 : i32
        %add3A_580 = vector.broadcast %add3A_579 : i32 to vector<16xi32>
        %add3A_581 = arith.addi %and3A_569, %add3A_580 : vector<16xi32>
        %shift_right_arithmetic3A_582 = arith.constant 3 : i32
        %shift_right_arithmetic3A_583 = vector.broadcast %shift_right_arithmetic3A_582 : i32 to vector<16xi32>
        %shift_right_arithmetic3A_584 = arith.shrsi %and3A_569, %shift_right_arithmetic3A_583 : vector<16xi32>
        %add3A_585 = arith.constant 0 : i32
        %add3A_586 = vector.broadcast %add3A_585 : i32 to vector<16xi32>
        %add3A_587 = arith.addi %shift_right_arithmetic3A_584, %add3A_586 : vector<16xi32>
        %shift_right_arithmetic3A_588 = arith.constant 3 : i32
        %shift_right_arithmetic3A_589 = vector.broadcast %shift_right_arithmetic3A_588 : i32 to vector<16xi32>
        %shift_right_arithmetic3A_590 = arith.shrsi %and3A_569, %shift_right_arithmetic3A_589 : vector<16xi32>
        %add3A_591 = arith.constant 2 : i32
        %add3A_592 = vector.broadcast %add3A_591 : i32 to vector<16xi32>
        %add3A_593 = arith.addi %shift_right_arithmetic3A_590, %add3A_592 : vector<16xi32>
        %shift_right_arithmetic3A_594 = arith.constant 3 : i32
        %shift_right_arithmetic3A_595 = vector.broadcast %shift_right_arithmetic3A_594 : i32 to vector<16xi32>
        %shift_right_arithmetic3A_596 = arith.shrsi %and3A_569, %shift_right_arithmetic3A_595 : vector<16xi32>
        %add3A_597 = arith.constant 4 : i32
        %add3A_598 = vector.broadcast %add3A_597 : i32 to vector<16xi32>
        %add3A_599 = arith.addi %shift_right_arithmetic3A_596, %add3A_598 : vector<16xi32>
        %shift_right_arithmetic3A_600 = arith.constant 3 : i32
        %shift_right_arithmetic3A_601 = vector.broadcast %shift_right_arithmetic3A_600 : i32 to vector<16xi32>
        %shift_right_arithmetic3A_602 = arith.shrsi %and3A_569, %shift_right_arithmetic3A_601 : vector<16xi32>
        %add3A_603 = arith.constant 6 : i32
        %add3A_604 = vector.broadcast %add3A_603 : i32 to vector<16xi32>
        %add3A_605 = arith.addi %shift_right_arithmetic3A_602, %add3A_604 : vector<16xi32>
        %and3A_606 = arith.constant 7 : i32
        %and3A_607 = vector.broadcast %and3A_606 : i32 to vector<16xi32>
        %and3A_608 = arith.andi %and3A_569, %and3A_607 : vector<16xi32>
        %shift_left3A_609 = arith.constant 7 : i32
        %shift_left3A_610 = vector.broadcast %shift_left3A_609 : i32 to vector<16xi32>
        %shift_left3A_611 = arith.shli %and3A_608, %shift_left3A_610 : vector<16xi32>
        %add3A_612 = arith.addi %shift_left3A_611, %iota3A : vector<16xi32>
        %add3A_613 = arith.constant 0 : i32
        %add3A_614 = vector.broadcast %add3A_613 : i32 to vector<16xi32>
        %add3A_615 = arith.addi %add3A_612, %add3A_614 : vector<16xi32>
        %gather3A_616 = tpu.vector_load_idx %arg9[%add3A_5, %add3A_572] : memref<128x64xf32, #tpu.memory_space<vmem>>[vector<16xi32>, vector<16xi32>], vector<16xf32>,
        %gather3A_617 = tpu.vector_load_idx %arg9[%add3A_5, %add3A_575] : memref<128x64xf32, #tpu.memory_space<vmem>>[vector<16xi32>, vector<16xi32>], vector<16xf32>,
        %gather3A_618 = tpu.vector_load_idx %arg9[%add3A_5, %add3A_578] : memref<128x64xf32, #tpu.memory_space<vmem>>[vector<16xi32>, vector<16xi32>], vector<16xf32>,
        %gather3A_619 = tpu.vector_load_idx %arg9[%add3A_5, %add3A_581] : memref<128x64xf32, #tpu.memory_space<vmem>>[vector<16xi32>, vector<16xi32>], vector<16xf32>,
        %add3A_620 = arith.constant 16 : i32
        %add3A_621 = vector.broadcast %add3A_620 : i32 to vector<16xi32>
        %add3A_622 = arith.addi %add3A_612, %add3A_621 : vector<16xi32>
        %gather3A_623 = tpu.vector_load_idx %arg9[%add3A_8, %add3A_572] : memref<128x64xf32, #tpu.memory_space<vmem>>[vector<16xi32>, vector<16xi32>], vector<16xf32>,
        %gather3A_624 = tpu.vector_load_idx %arg9[%add3A_8, %add3A_575] : memref<128x64xf32, #tpu.memory_space<vmem>>[vector<16xi32>, vector<16xi32>], vector<16xf32>,
        %gather3A_625 = tpu.vector_load_idx %arg9[%add3A_8, %add3A_578] : memref<128x64xf32, #tpu.memory_space<vmem>>[vector<16xi32>, vector<16xi32>], vector<16xf32>,
        %gather3A_626 = tpu.vector_load_idx %arg9[%add3A_8, %add3A_581] : memref<128x64xf32, #tpu.memory_space<vmem>>[vector<16xi32>, vector<16xi32>], vector<16xf32>,
        tpu.vector_store_idx %arg13[%add3A_587, %add3A_615], %gather3A_616 : memref<8x1024xf32, #tpu.memory_space<vmem>>[vector<16xi32>, vector<16xi32>], vector<16xf32>,
        tpu.vector_store_idx %arg13[%add3A_593, %add3A_615], %gather3A_617 : memref<8x1024xf32, #tpu.memory_space<vmem>>[vector<16xi32>, vector<16xi32>], vector<16xf32>,
        tpu.vector_store_idx %arg13[%add3A_599, %add3A_615], %gather3A_618 : memref<8x1024xf32, #tpu.memory_space<vmem>>[vector<16xi32>, vector<16xi32>], vector<16xf32>,
        tpu.vector_store_idx %arg13[%add3A_605, %add3A_615], %gather3A_619 : memref<8x1024xf32, #tpu.memory_space<vmem>>[vector<16xi32>, vector<16xi32>], vector<16xf32>,
        %add3A_627 = arith.constant 32 : i32
        %add3A_628 = vector.broadcast %add3A_627 : i32 to vector<16xi32>
        %add3A_629 = arith.addi %add3A_612, %add3A_628 : vector<16xi32>
        %gather3A_630 = tpu.vector_load_idx %arg9[%add3A_11, %add3A_572] : memref<128x64xf32, #tpu.memory_space<vmem>>[vector<16xi32>, vector<16xi32>], vector<16xf32>,
        %gather3A_631 = tpu.vector_load_idx %arg9[%add3A_11, %add3A_575] : memref<128x64xf32, #tpu.memory_space<vmem>>[vector<16xi32>, vector<16xi32>], vector<16xf32>,
        %gather3A_632 = tpu.vector_load_idx %arg9[%add3A_11, %add3A_578] : memref<128x64xf32, #tpu.memory_space<vmem>>[vector<16xi32>, vector<16xi32>], vector<16xf32>,
        %gather3A_633 = tpu.vector_load_idx %arg9[%add3A_11, %add3A_581] : memref<128x64xf32, #tpu.memory_space<vmem>>[vector<16xi32>, vector<16xi32>], vector<16xf32>,
        tpu.vector_store_idx %arg13[%add3A_587, %add3A_622], %gather3A_623 : memref<8x1024xf32, #tpu.memory_space<vmem>>[vector<16xi32>, vector<16xi32>], vector<16xf32>,
        tpu.vector_store_idx %arg13[%add3A_593, %add3A_622], %gather3A_624 : memref<8x1024xf32, #tpu.memory_space<vmem>>[vector<16xi32>, vector<16xi32>], vector<16xf32>,
        tpu.vector_store_idx %arg13[%add3A_599, %add3A_622], %gather3A_625 : memref<8x1024xf32, #tpu.memory_space<vmem>>[vector<16xi32>, vector<16xi32>], vector<16xf32>,
        tpu.vector_store_idx %arg13[%add3A_605, %add3A_622], %gather3A_626 : memref<8x1024xf32, #tpu.memory_space<vmem>>[vector<16xi32>, vector<16xi32>], vector<16xf32>,
        %add3A_634 = arith.constant 48 : i32
        %add3A_635 = vector.broadcast %add3A_634 : i32 to vector<16xi32>
        %add3A_636 = arith.addi %add3A_612, %add3A_635 : vector<16xi32>
        %gather3A_637 = tpu.vector_load_idx %arg9[%add3A_14, %add3A_572] : memref<128x64xf32, #tpu.memory_space<vmem>>[vector<16xi32>, vector<16xi32>], vector<16xf32>,
        %gather3A_638 = tpu.vector_load_idx %arg9[%add3A_14, %add3A_575] : memref<128x64xf32, #tpu.memory_space<vmem>>[vector<16xi32>, vector<16xi32>], vector<16xf32>,
        %gather3A_639 = tpu.vector_load_idx %arg9[%add3A_14, %add3A_578] : memref<128x64xf32, #tpu.memory_space<vmem>>[vector<16xi32>, vector<16xi32>], vector<16xf32>,
        %gather3A_640 = tpu.vector_load_idx %arg9[%add3A_14, %add3A_581] : memref<128x64xf32, #tpu.memory_space<vmem>>[vector<16xi32>, vector<16xi32>], vector<16xf32>,
        tpu.vector_store_idx %arg13[%add3A_587, %add3A_629], %gather3A_630 : memref<8x1024xf32, #tpu.memory_space<vmem>>[vector<16xi32>, vector<16xi32>], vector<16xf32>,
        tpu.vector_store_idx %arg13[%add3A_593, %add3A_629], %gather3A_631 : memref<8x1024xf32, #tpu.memory_space<vmem>>[vector<16xi32>, vector<16xi32>], vector<16xf32>,
        tpu.vector_store_idx %arg13[%add3A_599, %add3A_629], %gather3A_632 : memref<8x1024xf32, #tpu.memory_space<vmem>>[vector<16xi32>, vector<16xi32>], vector<16xf32>,
        tpu.vector_store_idx %arg13[%add3A_605, %add3A_629], %gather3A_633 : memref<8x1024xf32, #tpu.memory_space<vmem>>[vector<16xi32>, vector<16xi32>], vector<16xf32>,
        %add3A_641 = arith.constant 64 : i32
        %add3A_642 = vector.broadcast %add3A_641 : i32 to vector<16xi32>
        %add3A_643 = arith.addi %add3A_612, %add3A_642 : vector<16xi32>
        %gather3A_644 = tpu.vector_load_idx %arg9[%add3A_17, %add3A_572] : memref<128x64xf32, #tpu.memory_space<vmem>>[vector<16xi32>, vector<16xi32>], vector<16xf32>,
        %gather3A_645 = tpu.vector_load_idx %arg9[%add3A_17, %add3A_575] : memref<128x64xf32, #tpu.memory_space<vmem>>[vector<16xi32>, vector<16xi32>], vector<16xf32>,
        %gather3A_646 = tpu.vector_load_idx %arg9[%add3A_17, %add3A_578] : memref<128x64xf32, #tpu.memory_space<vmem>>[vector<16xi32>, vector<16xi32>], vector<16xf32>,
        %gather3A_647 = tpu.vector_load_idx %arg9[%add3A_17, %add3A_581] : memref<128x64xf32, #tpu.memory_space<vmem>>[vector<16xi32>, vector<16xi32>], vector<16xf32>,
        tpu.vector_store_idx %arg13[%add3A_587, %add3A_636], %gather3A_637 : memref<8x1024xf32, #tpu.memory_space<vmem>>[vector<16xi32>, vector<16xi32>], vector<16xf32>,
        tpu.vector_store_idx %arg13[%add3A_593, %add3A_636], %gather3A_638 : memref<8x1024xf32, #tpu.memory_space<vmem>>[vector<16xi32>, vector<16xi32>], vector<16xf32>,
        tpu.vector_store_idx %arg13[%add3A_599, %add3A_636], %gather3A_639 : memref<8x1024xf32, #tpu.memory_space<vmem>>[vector<16xi32>, vector<16xi32>], vector<16xf32>,
        tpu.vector_store_idx %arg13[%add3A_605, %add3A_636], %gather3A_640 : memref<8x1024xf32, #tpu.memory_space<vmem>>[vector<16xi32>, vector<16xi32>], vector<16xf32>,
        %add3A_648 = arith.constant 80 : i32
        %add3A_649 = vector.broadcast %add3A_648 : i32 to vector<16xi32>
        %add3A_650 = arith.addi %add3A_612, %add3A_649 : vector<16xi32>
        %gather3A_651 = tpu.vector_load_idx %arg9[%add3A_20, %add3A_572] : memref<128x64xf32, #tpu.memory_space<vmem>>[vector<16xi32>, vector<16xi32>], vector<16xf32>,
        %gather3A_652 = tpu.vector_load_idx %arg9[%add3A_20, %add3A_575] : memref<128x64xf32, #tpu.memory_space<vmem>>[vector<16xi32>, vector<16xi32>], vector<16xf32>,
        %gather3A_653 = tpu.vector_load_idx %arg9[%add3A_20, %add3A_578] : memref<128x64xf32, #tpu.memory_space<vmem>>[vector<16xi32>, vector<16xi32>], vector<16xf32>,
        %gather3A_654 = tpu.vector_load_idx %arg9[%add3A_20, %add3A_581] : memref<128x64xf32, #tpu.memory_space<vmem>>[vector<16xi32>, vector<16xi32>], vector<16xf32>,
        tpu.vector_store_idx %arg13[%add3A_587, %add3A_643], %gather3A_644 : memref<8x1024xf32, #tpu.memory_space<vmem>>[vector<16xi32>, vector<16xi32>], vector<16xf32>,
        tpu.vector_store_idx %arg13[%add3A_593, %add3A_643], %gather3A_645 : memref<8x1024xf32, #tpu.memory_space<vmem>>[vector<16xi32>, vector<16xi32>], vector<16xf32>,
        tpu.vector_store_idx %arg13[%add3A_599, %add3A_643], %gather3A_646 : memref<8x1024xf32, #tpu.memory_space<vmem>>[vector<16xi32>, vector<16xi32>], vector<16xf32>,
        tpu.vector_store_idx %arg13[%add3A_605, %add3A_643], %gather3A_647 : memref<8x1024xf32, #tpu.memory_space<vmem>>[vector<16xi32>, vector<16xi32>], vector<16xf32>,
        %add3A_655 = arith.constant 96 : i32
        %add3A_656 = vector.broadcast %add3A_655 : i32 to vector<16xi32>
        %add3A_657 = arith.addi %add3A_612, %add3A_656 : vector<16xi32>
        %gather3A_658 = tpu.vector_load_idx %arg9[%add3A_23, %add3A_572] : memref<128x64xf32, #tpu.memory_space<vmem>>[vector<16xi32>, vector<16xi32>], vector<16xf32>,
        %gather3A_659 = tpu.vector_load_idx %arg9[%add3A_23, %add3A_575] : memref<128x64xf32, #tpu.memory_space<vmem>>[vector<16xi32>, vector<16xi32>], vector<16xf32>,
        %gather3A_660 = tpu.vector_load_idx %arg9[%add3A_23, %add3A_578] : memref<128x64xf32, #tpu.memory_space<vmem>>[vector<16xi32>, vector<16xi32>], vector<16xf32>,
        %gather3A_661 = tpu.vector_load_idx %arg9[%add3A_23, %add3A_581] : memref<128x64xf32, #tpu.memory_space<vmem>>[vector<16xi32>, vector<16xi32>], vector<16xf32>,
        tpu.vector_store_idx %arg13[%add3A_587, %add3A_650], %gather3A_651 : memref<8x1024xf32, #tpu.memory_space<vmem>>[vector<16xi32>, vector<16xi32>], vector<16xf32>,
        tpu.vector_store_idx %arg13[%add3A_593, %add3A_650], %gather3A_652 : memref<8x1024xf32, #tpu.memory_space<vmem>>[vector<16xi32>, vector<16xi32>], vector<16xf32>,
        tpu.vector_store_idx %arg13[%add3A_599, %add3A_650], %gather3A_653 : memref<8x1024xf32, #tpu.memory_space<vmem>>[vector<16xi32>, vector<16xi32>], vector<16xf32>,
        tpu.vector_store_idx %arg13[%add3A_605, %add3A_650], %gather3A_654 : memref<8x1024xf32, #tpu.memory_space<vmem>>[vector<16xi32>, vector<16xi32>], vector<16xf32>,
        %add3A_662 = arith.constant 112 : i32
        %add3A_663 = vector.broadcast %add3A_662 : i32 to vector<16xi32>
        %add3A_664 = arith.addi %add3A_612, %add3A_663 : vector<16xi32>
        %gather3A_665 = tpu.vector_load_idx %arg9[%add3A_26, %add3A_572] : memref<128x64xf32, #tpu.memory_space<vmem>>[vector<16xi32>, vector<16xi32>], vector<16xf32>,
        %gather3A_666 = tpu.vector_load_idx %arg9[%add3A_26, %add3A_575] : memref<128x64xf32, #tpu.memory_space<vmem>>[vector<16xi32>, vector<16xi32>], vector<16xf32>,
        %gather3A_667 = tpu.vector_load_idx %arg9[%add3A_26, %add3A_578] : memref<128x64xf32, #tpu.memory_space<vmem>>[vector<16xi32>, vector<16xi32>], vector<16xf32>,
        %gather3A_668 = tpu.vector_load_idx %arg9[%add3A_26, %add3A_581] : memref<128x64xf32, #tpu.memory_space<vmem>>[vector<16xi32>, vector<16xi32>], vector<16xf32>,
        tpu.vector_store_idx %arg13[%add3A_587, %add3A_657], %gather3A_658 : memref<8x1024xf32, #tpu.memory_space<vmem>>[vector<16xi32>, vector<16xi32>], vector<16xf32>,
        tpu.vector_store_idx %arg13[%add3A_593, %add3A_657], %gather3A_659 : memref<8x1024xf32, #tpu.memory_space<vmem>>[vector<16xi32>, vector<16xi32>], vector<16xf32>,
        tpu.vector_store_idx %arg13[%add3A_599, %add3A_657], %gather3A_660 : memref<8x1024xf32, #tpu.memory_space<vmem>>[vector<16xi32>, vector<16xi32>], vector<16xf32>,
        tpu.vector_store_idx %arg13[%add3A_605, %add3A_657], %gather3A_661 : memref<8x1024xf32, #tpu.memory_space<vmem>>[vector<16xi32>, vector<16xi32>], vector<16xf32>,
        tpu.vector_store_idx %arg13[%add3A_587, %add3A_664], %gather3A_665 : memref<8x1024xf32, #tpu.memory_space<vmem>>[vector<16xi32>, vector<16xi32>], vector<16xf32>,
        tpu.vector_store_idx %arg13[%add3A_593, %add3A_664], %gather3A_666 : memref<8x1024xf32, #tpu.memory_space<vmem>>[vector<16xi32>, vector<16xi32>], vector<16xf32>,
        tpu.vector_store_idx %arg13[%add3A_599, %add3A_664], %gather3A_667 : memref<8x1024xf32, #tpu.memory_space<vmem>>[vector<16xi32>, vector<16xi32>], vector<16xf32>,
        tpu.vector_store_idx %arg13[%add3A_605, %add3A_664], %gather3A_668 : memref<8x1024xf32, #tpu.memory_space<vmem>>[vector<16xi32>, vector<16xi32>], vector<16xf32>,
      }
      %scan3A_218 = arith.constant 16 : i32
      %dma_start3A_219 = arith.constant 0 : i32
      %dma_start3A_220 = arith.constant 0 : i32
      %dma_start3A_221 = tpu.memref_slice %arg4[%add3A_202, %dma_start3A_219, %add3A, %dma_start3A_220] : memref<200x8x32x1024xf32, #tpu.memory_space<hbm>> -> memref<1x8x1x1024xf32, #tpu.memory_space<hbm>>
      %dma_start3A_222 = tpu.memref_squeeze %dma_start3A_221 : memref<1x8x1x1024xf32, #tpu.memory_space<hbm>> -> memref<8x1024xf32, #tpu.memory_space<hbm>>
      %dma_start3A_223 = arith.constant 0 : i32
      %dma_start3A_224 = arith.constant 0 : i32
      %dma_start3A_225 = tpu.memref_slice %arg4[%add3A_202, %dma_start3A_223, %add3A, %dma_start3A_224] : memref<200x8x32x1024xf32, #tpu.memory_space<hbm>> -> memref<1x8x1x1024xf32, #tpu.memory_space<hbm>>
      %dma_start3A_226 = tpu.memref_squeeze %dma_start3A_225 : memref<1x8x1x1024xf32, #tpu.memory_space<hbm>> -> memref<8x1024xf32, #tpu.memory_space<hbm>>
      tpu.enqueue_dma source(%arg13 : memref<8x1024xf32, #tpu.memory_space<vmem>>) target(%dma_start3A_226 : memref<8x1024xf32, #tpu.memory_space<hbm>>) target_semaphore(%arg21 : memref<!tpu.dma_semaphore, #tpu.memory_space<semaphore_mem>>)
      %add3A_227 = arith.constant 4 : i32
      %add3A_228 = arith.addi %add3A_202, %add3A_227 : i32
      %lt3A_229 = arith.constant 200 : i32
      %lt3A_230 = arith.cmpi slt, %add3A_228, %lt3A_229 : i32
      %convert_element_type3A_231 = arith.extui %lt3A_230 : i1 to i32
      %cond3A_232 = arith.constant 0 : i32
      %cond3A_233 = arith.cmpi ne, %convert_element_type3A_231, %cond3A_232 : i32
      scf.if %cond3A_233 {
        %add3A_234 = arith.constant 4 : i32
        %add3A_235 = arith.addi %add3A_202, %add3A_234 : i32
        %dma_start3A_236 = arith.constant 0 : i32
        %dma_start3A_237 = tpu.memref_slice %arg5[%add3A_235, %dma_start3A_236] : memref<200x128xi32, #tpu.memory_space<vmem>> -> memref<1x128xi32, #tpu.memory_space<vmem>>
        %dma_start3A_238 = tpu.memref_squeeze %dma_start3A_237 : memref<1x128xi32, #tpu.memory_space<vmem>> -> memref<128xi32, #tpu.memory_space<vmem>>
        %dma_start3A_239 = arith.constant 0 : i32
        %dma_start3A_240 = arith.constant 0 : i32
        %dma_start3A_241 = tpu.memref_slice %arg3[%dma_start3A_239, %dma_start3A_240] : memref<1000000x64xf32, #tpu.memory_space<hbm>> -> memref<1000000x64xf32, #tpu.memory_space<hbm>>
        tpu.enqueue_indirect_dma source(%dma_start3A_241 : memref<1000000x64xf32, #tpu.memory_space<hbm>>) target(%arg9 : memref<128x64xf32, #tpu.memory_space<vmem>>) offsets(%dma_start3A_238 : memref<128xi32, #tpu.memory_space<vmem>>) semaphore(%arg17 : memref<!tpu.dma_semaphore, #tpu.memory_space<semaphore_mem>>)
      } else {
      }
    }
    %scan3A_57 = arith.constant 50 : i32
    %dma_wait3A = arith.constant 196 : i32
    %dma_wait3A_58 = arith.constant 0 : i32
    %dma_wait3A_59 = arith.constant 0 : i32
    %dma_wait3A_60 = tpu.memref_slice %arg4[%dma_wait3A, %dma_wait3A_58, %add3A, %dma_wait3A_59] : memref<200x8x32x1024xf32, #tpu.memory_space<hbm>> -> memref<1x8x1x1024xf32, #tpu.memory_space<hbm>>
    %dma_wait3A_61 = tpu.memref_squeeze %dma_wait3A_60 : memref<1x8x1x1024xf32, #tpu.memory_space<hbm>> -> memref<8x1024xf32, #tpu.memory_space<hbm>>
    %dma_wait3A_62 = arith.constant 0 : i32
    %dma_wait3A_63 = arith.constant 0 : i32
    %dma_wait3A_64 = tpu.memref_slice %arg4[%dma_wait3A, %dma_wait3A_62, %add3A, %dma_wait3A_63] : memref<200x8x32x1024xf32, #tpu.memory_space<hbm>> -> memref<1x8x1x1024xf32, #tpu.memory_space<hbm>>
    %dma_wait3A_65 = tpu.memref_squeeze %dma_wait3A_64 : memref<1x8x1x1024xf32, #tpu.memory_space<hbm>> -> memref<8x1024xf32, #tpu.memory_space<hbm>>
    tpu.wait_dma2 semaphore(%arg18 : memref<!tpu.dma_semaphore, #tpu.memory_space<semaphore_mem>>) src(%arg10 : memref<8x1024xf32, #tpu.memory_space<vmem>>) dst(%dma_wait3A_65 : memref<8x1024xf32, #tpu.memory_space<hbm>>)
    %dma_wait3A_66 = arith.constant 197 : i32
    %dma_wait3A_67 = arith.constant 0 : i32
    %dma_wait3A_68 = arith.constant 0 : i32
    %dma_wait3A_69 = tpu.memref_slice %arg4[%dma_wait3A_66, %dma_wait3A_67, %add3A, %dma_wait3A_68] : memref<200x8x32x1024xf32, #tpu.memory_space<hbm>> -> memref<1x8x1x1024xf32, #tpu.memory_space<hbm>>
    %dma_wait3A_70 = tpu.memref_squeeze %dma_wait3A_69 : memref<1x8x1x1024xf32, #tpu.memory_space<hbm>> -> memref<8x1024xf32, #tpu.memory_space<hbm>>
    %dma_wait3A_71 = arith.constant 0 : i32
    %dma_wait3A_72 = arith.constant 0 : i32
    %dma_wait3A_73 = tpu.memref_slice %arg4[%dma_wait3A_66, %dma_wait3A_71, %add3A, %dma_wait3A_72] : memref<200x8x32x1024xf32, #tpu.memory_space<hbm>> -> memref<1x8x1x1024xf32, #tpu.memory_space<hbm>>
    %dma_wait3A_74 = tpu.memref_squeeze %dma_wait3A_73 : memref<1x8x1x1024xf32, #tpu.memory_space<hbm>> -> memref<8x1024xf32, #tpu.memory_space<hbm>>
    tpu.wait_dma2 semaphore(%arg19 : memref<!tpu.dma_semaphore, #tpu.memory_space<semaphore_mem>>) src(%arg11 : memref<8x1024xf32, #tpu.memory_space<vmem>>) dst(%dma_wait3A_74 : memref<8x1024xf32, #tpu.memory_space<hbm>>)
    %dma_wait3A_75 = arith.constant 198 : i32
    %dma_wait3A_76 = arith.constant 0 : i32
    %dma_wait3A_77 = arith.constant 0 : i32
    %dma_wait3A_78 = tpu.memref_slice %arg4[%dma_wait3A_75, %dma_wait3A_76, %add3A, %dma_wait3A_77] : memref<200x8x32x1024xf32, #tpu.memory_space<hbm>> -> memref<1x8x1x1024xf32, #tpu.memory_space<hbm>>
    %dma_wait3A_79 = tpu.memref_squeeze %dma_wait3A_78 : memref<1x8x1x1024xf32, #tpu.memory_space<hbm>> -> memref<8x1024xf32, #tpu.memory_space<hbm>>
    %dma_wait3A_80 = arith.constant 0 : i32
    %dma_wait3A_81 = arith.constant 0 : i32
    %dma_wait3A_82 = tpu.memref_slice %arg4[%dma_wait3A_75, %dma_wait3A_80, %add3A, %dma_wait3A_81] : memref<200x8x32x1024xf32, #tpu.memory_space<hbm>> -> memref<1x8x1x1024xf32, #tpu.memory_space<hbm>>
    %dma_wait3A_83 = tpu.memref_squeeze %dma_wait3A_82 : memref<1x8x1x1024xf32, #tpu.memory_space<hbm>> -> memref<8x1024xf32, #tpu.memory_space<hbm>>
    tpu.wait_dma2 semaphore(%arg20 : memref<!tpu.dma_semaphore, #tpu.memory_space<semaphore_mem>>) src(%arg12 : memref<8x1024xf32, #tpu.memory_space<vmem>>) dst(%dma_wait3A_83 : memref<8x1024xf32, #tpu.memory_space<hbm>>)
    %dma_wait3A_84 = arith.constant 199 : i32
    %dma_wait3A_85 = arith.constant 0 : i32
    %dma_wait3A_86 = arith.constant 0 : i32
    %dma_wait3A_87 = tpu.memref_slice %arg4[%dma_wait3A_84, %dma_wait3A_85, %add3A, %dma_wait3A_86] : memref<200x8x32x1024xf32, #tpu.memory_space<hbm>> -> memref<1x8x1x1024xf32, #tpu.memory_space<hbm>>
    %dma_wait3A_88 = tpu.memref_squeeze %dma_wait3A_87 : memref<1x8x1x1024xf32, #tpu.memory_space<hbm>> -> memref<8x1024xf32, #tpu.memory_space<hbm>>
    %dma_wait3A_89 = arith.constant 0 : i32
    %dma_wait3A_90 = arith.constant 0 : i32
    %dma_wait3A_91 = tpu.memref_slice %arg4[%dma_wait3A_84, %dma_wait3A_89, %add3A, %dma_wait3A_90] : memref<200x8x32x1024xf32, #tpu.memory_space<hbm>> -> memref<1x8x1x1024xf32, #tpu.memory_space<hbm>>
    %dma_wait3A_92 = tpu.memref_squeeze %dma_wait3A_91 : memref<1x8x1x1024xf32, #tpu.memory_space<hbm>> -> memref<8x1024xf32, #tpu.memory_space<hbm>>
    tpu.wait_dma2 semaphore(%arg21 : memref<!tpu.dma_semaphore, #tpu.memory_space<semaphore_mem>>) src(%arg13 : memref<8x1024xf32, #tpu.memory_space<vmem>>) dst(%dma_wait3A_92 : memref<8x1024xf32, #tpu.memory_space<hbm>>)
    return
  }
}

</mosaic_0001>

<sc_bundles>
// kernel: kernel.3.cloned.1.call-start
scs
__scs_entry_jumppad:
0x0: {  	(pc) =	sbr.rel $0x88, $3  }
0x1: {  	(tag) =	ssettag $0x0;
	lr =	simm.s32 $0x1  }
0x2: {  	[smem:$0x3F9F] =	sst lr;
	_ =	strace $0xD0000000  }
0x3: {  	_ = 	snop  }
0x4: {  	_ = 	snop  }
0x5: {  	_ = 	snop  }
0x6: {  	_ = 	snop  }
0x7: {  	_ = 	snop  }
__scs_overlays_trampoline_lowered:
0x8: {  	[smem:$0x3FAE] =	sst s0  }
0x9: {  	[smem:$0x3FAF] =	sst s1  }
0xa: {  	[smem:$0x3FB0] =	sst s2  }
0xb: {  	[smem:$0x3FB1] =	sst s3  }
0xc: {  	[smem:$0x3FB2] =	sst s4  }
0xd: {  	[smem:$0x3FB3] =	sst s5  }
0xe: {  	[smem:$0x3FB4] =	sst s6  }
0xf: {  	[smem:$0x3FB5] =	sst s7  }
0x10: {  	[smem:$0x3FB6] =	sst s8  }
0x11: {  	[smem:$0x3FB7] =	sst s9;
	s0 =	simm.s32 @!p0 $0x0  }
0x12: {  	s1 =	sld [smem:$0x3F9D];
	s0 =	simm.s32 @p0 $0x1  }
0x13: {  	[smem:$0x3FB8] =	sst s0;
	s0 =	simm.s32 @!p1 $0x0  }
0x14: {  	s2 =	sld [smem:$0x3F9C];
	s0 =	simm.s32 @p1 $0x1  }
0x15: {  	[smem:$0x3FB9] =	sst s0;
	s0 =	simm.s32 @!p2 $0x0  }
0x16: {  	s3 =	sld [smem:$0x3FDB];
	s0 =	simm.s32 @p2 $0x1  }
0x17: {  	s4 =	simm.s32 $0x1BF5;
	[smem:$0x3FBB] =	sst s0  }
0x18: {  	s0 =	sld [smem:$0x3F9E];
	_ =	swait.ge [sflag:s4], $0x0  }
0x19: {  	s7 =	sld [smem:$0x3F9F]  }
0x1a: {  	s8 =	sadd.s32 $0xFFFFE003, lr  }
0x1b: {  	s9 =	sadd.s32 $0xFFFFFEF7, lr;
	s5 =	simm.s32 $0xFFFFFFFF;
	p2 =	slt.u32 s8, $0xFFFFF086  }
0x1c: {  	p1 =	slt.u32 s9, $0xF7A;
	s5 =	simm.s32 @!p2 $0x0  }
0x1d: {  	s5 =	simm.s32 @p1 $0x1;
	p0 =	seq.s32 s7, s2  }
0x1e: {  	s7 =	smul.u32 @!p0 $0xF7A, s2;
	p2 =	seq.s32 @!p0 s5, $0x0  }
0x1f: {  	s9 =	smul.u32 $0xF7A, s1;
	s8 =	simm.s32 @!p0 $0x1BF5;
	p2 =	por !p2, p0  }
0x20: {  	[sflag:s8] =	ssyncset.s32 @!p0 $0xFFFFF086;
	s6 =	sadd.s32 @!p0 s3, s7;
	s7 =	simm.s32 @!p0 $0x108  }
0x21: {  	s3 =	sadd.s32 s3, s9;
	s6 =	sadd.s32 @!p0 $0x88, s6;
	s7 =	simm.s32 @p2 $0x1082  }
0x22: {  	[simem:s7], [sflag:s8] =	dma.local @!p0 [hbm:s6], $0xF7A  }
0x23: {  	s9 =	sor.u32 $0xD0000000, s2;
	s6 =	simm.s32 $0x108;
	_ =	swait.ge @!p0 [sflag:s8], $0x0  }
0x24: {  	s3 =	sadd.s32 $0x88, s3;
	s6 =	simm.s32 @!p1 $0x1082;
	[sflag:s4] =	ssyncset.s32 $0xFFFFF086  }
0x25: {  	[simem:s6], [sflag:s4] =	dma.local [hbm:s3], $0xF7A  }
0x26: {  	[smem:$0x3F9F] =	sst s1;
	(tag) =	ssettag s2;
	_ =	strace s9  }
0x27: {  	s1 =	sld [smem:$0x3FAF]  }
0x28: {  	s2 =	sld [smem:$0x3FB0]  }
0x29: {  	s4 =	sld [smem:$0x3FB2]  }
0x2a: {  	p0 =	seq.s32 s5, $0x0;
	s5 =	sld [smem:$0x3FB3]  }
0x2b: {  	s6 =	sld [smem:$0x3FB4]  }
0x2c: {  	s7 =	sld [smem:$0x3FB5]  }
0x2d: {  	s3 =	simm.s32 $0x108;
	s8 =	sld [smem:$0x3FB6]  }
0x2e: {  	s3 =	simm.s32 @!p0 $0x1082;
	s9 =	sld [smem:$0x3FB7]  }
0x2f: {  	lr =	sadd.s32 s0, s3;
	s0 =	sld [smem:$0x3FAE]  }
0x30: {  	s3 =	sld [smem:$0x3FB1]  }
0x31: {  	[smem:$0x3FBA] =	sst s10  }
0x32: {  	s10 =	sld [smem:$0x3FB8];
	_ =	sdelay $0x3  }
0x33: {  	p0 =	seq.s32 s10, $0x1;
	s10 =	sld [smem:$0x3FBA];
	_ =	sdelay $0x3  }
0x34: {  	[smem:$0x3FBA] =	sst s10  }
0x35: {  	s10 =	sld [smem:$0x3FB9];
	_ =	sdelay $0x3  }
0x36: {  	p1 =	seq.s32 s10, $0x1;
	s10 =	sld [smem:$0x3FBA];
	_ =	sdelay $0x3  }
0x37: {  	[smem:$0x3FBA] =	sst s10  }
0x38: {  	s10 =	sld [smem:$0x3FBB]  }
0x39: {  	_ = 	snop;
	(pc) =	sbr.ind lr, $3  }
0x3a: {  	_ = 	snop  }
0x3b: {  	_ = 	snop  }
0x3c: {  	p2 =	seq.s32 s10, $0x1;
	s10 =	sld [smem:$0x3FBA]  }
0x3d: {  	_ =	shalt  }
0x3e: {  	_ =	shalt  }
0x3f: {  	_ =	shalt  }
0x40: {  	_ =	shalt  }
0x41: {  	_ =	shalt  }
0x42: {  	_ =	shalt  }
0x43: {  	_ =	shalt  }
0x44: {  	_ =	shalt  }
0x45: {  	_ =	shalt  }
0x46: {  	_ =	shalt  }
0x47: {  	_ =	shalt  }
0x48: {  	_ =	shalt  }
0x49: {  	_ =	shalt  }
0x4a: {  	_ =	shalt  }
0x4b: {  	_ =	shalt  }
0x4c: {  	_ =	shalt  }
0x4d: {  	_ =	shalt  }
0x4e: {  	_ =	shalt  }
0x4f: {  	_ =	shalt  }
0x50: {  	_ =	shalt  }
0x51: {  	_ =	shalt  }
0x52: {  	_ =	shalt  }
0x53: {  	_ =	shalt  }
0x54: {  	_ =	shalt  }
0x55: {  	_ =	shalt  }
0x56: {  	_ =	shalt  }
0x57: {  	_ =	shalt  }
0x58: {  	_ =	shalt  }
0x59: {  	_ =	shalt  }
0x5a: {  	_ =	shalt  }
0x5b: {  	_ =	shalt  }
0x5c: {  	_ =	shalt  }
0x5d: {  	_ =	shalt  }
0x5e: {  	_ =	shalt  }
0x5f: {  	_ =	shalt  }
0x60: {  	_ =	shalt  }
0x61: {  	_ =	shalt  }
0x62: {  	_ =	shalt  }
0x63: {  	_ =	shalt  }
0x64: {  	_ =	shalt  }
0x65: {  	_ =	shalt  }
0x66: {  	_ =	shalt  }
0x67: {  	_ =	shalt  }
0x68: {  	_ =	shalt  }
0x69: {  	_ =	shalt  }
0x6a: {  	_ =	shalt  }
0x6b: {  	_ =	shalt  }
0x6c: {  	_ =	shalt  }
0x6d: {  	_ =	shalt  }
0x6e: {  	_ =	shalt  }
0x6f: {  	_ =	shalt  }
0x70: {  	_ =	shalt  }
0x71: {  	_ =	shalt  }
0x72: {  	_ =	shalt  }
0x73: {  	_ =	shalt  }
0x74: {  	_ =	shalt  }
0x75: {  	_ =	shalt  }
0x76: {  	_ =	shalt  }
0x77: {  	_ =	shalt  }
0x78: {  	_ =	shalt  }
0x79: {  	_ =	shalt  }
0x7a: {  	_ =	shalt  }
0x7b: {  	_ =	shalt  }
0x7c: {  	_ =	shalt  }
0x7d: {  	_ =	shalt  }
0x7e: {  	_ =	shalt  }
0x7f: {  	_ =	shalt  }
0x80: {  	_ =	shalt  }
0x81: {  	_ =	shalt  }
0x82: {  	_ =	shalt  }
0x83: {  	_ =	shalt  }
0x84: {  	_ =	shalt  }
0x85: {  	_ =	shalt  }
0x86: {  	_ =	shalt  }
0x87: {  	_ =	shalt  }
.Lfunc_end0:
.L_simem_size_0:
called_computation_lowered:
.L_overlay_start_0:
0x88: {  	s2 =	sld [smem:$0x3FD9]  }
0x89: {  	s3 =	sld [smem:$0x3FFE];
	_ =	sdelay $0x1  }
0x8a: {  	s1 =	srdreg.scid  }
0x8b: {  	s0 =	sand.u32 $0x1, s1  }
0x8c: {  	s17 =	sshll.u32 s0, $0xA;
	s2 =	sadd.s32 s3, s2  }
0x8d: {  	s2 =	sadd.s32 s2, s17  }
0x8e: {  	[smem:$0x3FC6] =	sst s2  }
0x8f: {  	_ = 	snop  }
0x90: {  	s2 =	sld [smem:$0x3FD0];
	(tm) =	ssettm $0x1  }
0x91: {  	s18 =	sld [smem:$0x3FFB];
	_ =	sdelay $0x3  }
0x92: {  	_ =	strace s18  }
0x93: {  	s3 =	sld [smem:$0x3FFC];
	_ =	sdelay $0x3  }
0x94: {  	_ =	strace s3  }
0x95: {  	s3 =	sld [smem:$0x3FFD];
	_ =	sdelay $0x3  }
0x96: {  	_ =	strace s3  }
0x97: {  	_ =	strace $0x8FFFFFFF  }
0x98: {  	s19 =	sld [smem:$0x3FDB];
	_ =	sdelay $0x1  }
0x99: {  	s4 =	simm.s32 $_scs_section_size  }
0x9a: {  	s5 =	simm.s32 $_size__tile_overlayer_lowered;
	s6 =	simm.s32 $_tile_overlayer_lowered  }
0x9b: {  	s22 =	simm.s32 $0x1BFF;
	s21 =	sshll.u32 s6, $0x1;
	s3 =	sadd.s32 s4, s19  }
0x9c: {  	s7 =	simm.s32 $0x0;
	s20 =	sshll.u32 s5, $0x1;
	s5 =	sadd.s32 s21, s3  }
0x9d: {  	[timem:s7], [sflag:s22] =	dma.local [hbm:s5], s20  }
0x9e: {  	_ =	swait.ge [sflag:s22], s20  }
0x9f: {  	s4 =	ssub.s32 $0x0, s20;
	[sflag:s22] =	ssyncset.done $0x0  }
0xa0: {  	[sflag:s22] =	ssyncadd.s32 s4;
	_ =	sdelay $0x1  }
0xa1: {  	s23 =	simm.s32 $0x1B8B  }
0xa2: {  	_ =	swait.ge [sflag:s23], $0x1  }
0xa3: {  	[sflag:s23] =	ssyncset.done $0x0  }
0xa4: {  	s25 =	simm.s32 $0x1B8E;
	s24 =	sld [smem:$0x3FFE];
	[sflag:s23] =	ssyncadd.s32 $0xFFFFFFFF  }
0xa5: {  	s26 =	simm.s32 $execute0_lowered;
	[smem:$0x3FD2] =	sst s25  }
0xa6: {  	s5 =	sshll.u32 s26, $0x1;
	_ =	strace $0x80000046;
	[dreg:$0x1] =	wrdreg $0xFFFFFFFF  }
0xa7: {  	s28 =	simm.s32 $_size_execute0_lowered;
	s3 =	sadd.s32 s3, s5;
	[dreg:$0x0] =	wrdreg $0x0  }
0xa8: {  	s5 =	sshll.u32 s28, $0x1;
	[dreg:$0x2] =	wrdreg s3  }
0xa9: {  	[dreg:$0x3] =	wrdreg s5  }
0xaa: {  	[dreg:$0x4] =	wrdreg $0xC0  }
0xab: {  	_ =	task [dreg:s7], $0x5FFFF  }
0xac: {  	[dreg:$0x1] =	wrdreg $0xFFFFFFFF  }
0xad: {  	[dreg:$0x0] =	wrdreg $0x60  }
0xae: {  	[dreg:$0x2] =	wrdreg s24  }
0xaf: {  	[dreg:$0x3] =	wrdreg s2  }
0xb0: {  	[dreg:$0x4] =	wrdreg $0x9  }
0xb1: {  	_ =	task.clear_ibuf [dreg:s7], $0x5FFFF;
	_ =	strace $0x90000046  }
0xb2: {  	s29 =	simm.s32 $0x9;
	_ =	strace $0x80000048  }
0xb3: {  	_ =	swait.ge [sflag:s29], $0x1  }
0xb4: {  	[sflag:s29] =	ssyncadd.s32 $0xFFFFFFFF  }
0xb5: {  	_ =	strace $0x90000048  }
0xb6: {  	_ =	sfence  }
0xb7: {  	s30 =	sld [smem:$0x0];
	_ =	sdelay $0x2  }
0xb8: {  	s31 =	sshll.u32 s1, $0xD;
	s1 =	sshrl.u32 s1, $0x2  }
0xb9: {  	s3 =	sand.u32 $0x4000, s31;
	s1 =	sadd.s32 s1, s30  }
0xba: {  	s0 =	sor.u32 s3, s0;
	s1 =	sshll.u32 s1, $0x11  }
0xbb: {  	s0 =	sor.u32 s1, s0  }
0xbc: {  	s0 =	sadd.s32 $0x8F2B, s0  }
0xbd: {  	[sflag:s0] =	ssyncadd.remote.s32 $0x1  }
0xbe: {  	_ =	sfence.sel $0xFFFF  }
0xbf: {  	[dreg:$0x0] =	wrdreg $0xFFFFFFFF;
	(pc) =	sbr.abs _section_cstart, $3  }
0xc0: {  	[dreg:$0x1] =	wrdreg $0xFFFFFFFF  }
0xc1: {  	_ =	task.clear_ibuf [dreg:s7], $0x2FFFF;
	_ =	strace $0x9FFFFFFF  }
0xc2: {  	(tm) =	ssettm $0x7FFFFFFF  }
0xc3: {  	_ =	shalt  }
tec
execute0_lowered:
.L_overlay_start_1:
0x0: {  	(tag) =	ssettag $0x1  }
0x1: {  	s0 =	rddreg [dreg:$0x0];
	v0 =	vlaneseq.u32  }
0x2: {  	s2 =	rddreg [dreg:$0x1];
	s1 =	srdreg.scid;
	v1 =	vmul.u32 $0x40, v0;
	v5 =	vor.u32 $0x10, v0;
	v10 =	vshrl.u32 v0, $0x3  }
0x3: {  	s3 =	stileid.u32;
	s4 =	simm.s32 $0x0;
	s11 =	simm.s32 $0x80;
	v11 =	vand.u32 $0x7, v0;
	v15 =	vor.u32 $0x20, v0;
	v20 =	vor.u32 $0x30, v0  }
0x4: {  	s14 =	simm.s32 $0x6400;
	s15 =	simm.s32 $0x8400;
	s17 =	simm.s32 $0xA400;
	v25 =	vor.u32 $0x40, v0;
	v30 =	vor.u32 $0x50, v0;
	v35 =	vor.u32 $0x60, v0  }
0x5: {  	s19 =	simm.s32 $0xC400;
	s20 =	simm.s32 $0x1;
	s21 =	simm.s32 $0xE400;
	v40 =	vor.u32 $0x70, v0;
	v10 =	vmul.u32 $0x8, v10;
	v12 =	vor.u32 $0x800, v11  }
0x6: {  	s22 =	simm.s32 $0x400;
	s23 =	simm.s32 $0x8000;
	s28 =	simm.s32 $0x3;
	v13 =	vor.u32 $0x1000, v11;
	v14 =	vor.u32 $0x1800, v11;
	v2 =	vor.u32 $0x10, v1  }
0x7: {  	s29 =	simm.s32 $0x7;
	s30 =	simm.s32 $0x12400;
	s31 =	simm.s32 $0x4;
	v3 =	vor.u32 $0x20, v1;
	v4 =	vor.u32 $0x30, v1;
	v6 =	vor.u32 $0x400, v1  }
0x8: {  	s12 =	simm.s32 $0x5;
	s16 =	simm.s32 $0x0;
	s1 =	sand.u32 $0x1, s1;
	v7 =	vor.u32 $0x410, v1;
	v8 =	vor.u32 $0x420, v1;
	v9 =	vor.u32 $0x430, v1  }
0x9: {  	s3 =	sshll.u32 s3, $0x1;
	[smem:$0x7FF] =	sst s4;
	s4 =	sadd.s32 $0xF42A00, s0;
	v16 =	vor.u32 $0x800, v1;
	v17 =	vor.u32 $0x810, v1;
	v18 =	vor.u32 $0x820, v1  }
0xa: {  	s7 =	sadd.s32 $0x8000, s2;
	s8 =	sadd.s32 $0x10000, s2;
	s9 =	sadd.s32 $0x18000, s2;
	v19 =	vor.u32 $0x830, v1;
	v21 =	vor.u32 $0xC00, v1;
	v22 =	vor.u32 $0xC10, v1  }
0xb: {  	s3 =	sor.u32 s1, s3;
	s1 =	ssub.s32 $0x2, s1;
	_ =	strace $0x80000047;
	v23 =	vor.u32 $0xC20, v1;
	v24 =	vor.u32 $0xC30, v1;
	v26 =	vor.u32 $0x1000, v1  }
.Ltmp0:
0xc: {  	s24 =	sshll.u32 s3, $0x4;
	s5 =	sshrl.u32 s1, $0x1;
	v27 =	vor.u32 $0x1010, v1;
	v28 =	vor.u32 $0x1020, v1;
	v29 =	vor.u32 $0x1030, v1;
	(pc) =	sbr.rel .LBB2_1-.Ltmp0, $4  }
0xd: {  	v31 =	vor.u32 $0x1400, v1;
	v32 =	vor.u32 $0x1410, v1;
	v33 =	vor.u32 $0x1420, v1;
	s6 =	sadd.s32 s24, s0;
	s25 =	ssub.s32 s1, s5;
	s24 =	simm.s32 $0x2  }
0xe: {  	v34 =	vor.u32 $0x1430, v1;
	v36 =	vor.u32 $0x1800, v1;
	v37 =	vor.u32 $0x1810, v1;
	s1 =	simm.s32 $0x14400;
	s26 =	sadd.s32 $0x600, s6;
	s6 =	sshll.u32 s3, $0x7  }
0xf: {  	v38 =	vor.u32 $0x1820, v1;
	v39 =	vor.u32 $0x1830, v1;
	v41 =	vor.u32 $0x1C00, v1;
	s0 =	smax.u32 s25, $0x1;
	s25 =	simm.s32 $0x6;
	[dreg:$0x3] =	wrdreg s26  }
0x10: {  	v42 =	vor.u32 $0x1C10, v1;
	v43 =	vor.u32 $0x1C20, v1;
	v44 =	vor.u32 $0x1C30, v1;
	[dreg:$0x4] =	wrdreg s0;
	s26 =	simm.s32 $0x10400;
	s0 =	simm.s32 $0x8  }
.LBB2_24:
0x11: {  	_ =	swait.ge [sflag:s12], $0x2000  }
0x12: {  	[sflag:s12] =	ssyncset.done $0x0  }
0x13: {  	[sflag:s12] =	ssyncadd.s32 $0xFFFFE000  }
0x14: {  	_ =	swait.ge [sflag:s25], $0x2000  }
0x15: {  	[sflag:s25] =	ssyncset.done $0x0  }
0x16: {  	[sflag:s25] =	ssyncadd.s32 $0xFFFFE000  }
0x17: {  	_ =	swait.ge [sflag:s29], $0x2000  }
0x18: {  	[sflag:s29] =	ssyncset.done $0x0  }
0x19: {  	[sflag:s29] =	ssyncadd.s32 $0xFFFFE000  }
0x1a: {  	_ =	swait.ge [sflag:s0], $0x2000  }
0x1b: {  	s16 =	sadd.s32 $0x1, s16;
	s3 =	rddreg [dreg:$0x4]  }
0x1c: {  	p0 =	sne.s32 s16, s3  }
.Ltmp1:
0x1d: {  	_ = 	snop;
	(pc) =	sbr.rel @!p0 .LBB2_25-.Ltmp1, $3  }
0x1e: {  	_ =	sdelay $0x1  }
0x1f: {  	[sflag:s0] =	ssyncset.done $0x0  }
0x20: {  	[sflag:s0] =	ssyncadd.s32 $0xFFFFE000  }
.LBB2_1:
0x21: {  	s3 =	simm.s32 $0x0;
	s5 =	rddreg [dreg:$0x3];
	s10 =	simm.s32 $0x1000  }
0x22: {  	[tilespmem:s3], [sflag:$0x9] =	stream.strided.gather [hbm4b:s5+s11], $0x6400, s10, s11, $0x38;
	[tilespmem:$0x16400] =	vst v63  }
0x23: {  	s10 =	simm.s32 $0x9  }
0x24: {  	_ =	swait.ge [sflag:s10], $0x6400  }
0x25: {  	[sflag:s10] =	ssyncset.done $0x0  }
0x26: {  	[sflag:s10] =	ssyncadd.s32 $0xFFFF9C00  }
0x27: {  	[tilespmem:s14], [sflag:$0x1] =	stream.indirect.gather [hbm4b:s4+s11], $0x40, s3, s11, $0xb8;
	[tilespmem:$0x16400] =	vst v63  }
0x28: {  	_ = 	snop  }
0x29: {  	[tilespmem:s15], [sflag:$0x2] =	stream.indirect.gather [hbm4b:s4+s11], $0x40, s11, s11, $0xb8;
	[tilespmem:$0x16400] =	vst v63  }
0x2a: {  	s13 =	simm.s32 $0x100  }
0x2b: {  	[tilespmem:s17], [sflag:$0x3] =	stream.indirect.gather [hbm4b:s4+s11], $0x40, s13, s11, $0xb8;
	[tilespmem:$0x16400] =	vst v63  }
0x2c: {  	s18 =	simm.s32 $0x180  }
0x2d: {  	[tilespmem:s19], [sflag:$0x4] =	stream.indirect.gather [hbm4b:s4+s11], $0x40, s18, s11, $0xb8;
	[tilespmem:$0x16400] =	vst v63  }
0x2e: {  	s18 =	simm.s32 $0x0  }
.LBB2_2:
0x2f: {  	_ =	swait.ge [sflag:s20], $0x2000  }
0x30: {  	p0 =	seq.s32 s18, $0x0;
	[sflag:s20] =	ssyncset.done $0x0  }
0x31: {  	s5 =	simm.s32 @!p0 $0x5;
	[sflag:s20] =	ssyncadd.s32 $0xFFFFE000  }
0x32: {  	_ =	swait.ge @!p0 [sflag:s5], $0x2000  }
0x33: {  	[sflag:s5] =	ssyncset.done @!p0 $0x0  }
0x34: {  	s3 =	sshll.u32 s18, $0xB;
	[sflag:s5] =	ssyncadd.s32 @!p0 $0xFFFFE000;
	s5 =	simm.s32 $0x0  }
.LBB2_3:
0x35: {  	v45 =	vadd.s32 s5, v0  }
0x36: {  	v46 =	vand.u32 $0xF, v45  }
0x37: {  	v47 =	vor.u32 v1, v46  }
0x38: {  	v48 =	vor.u32 v2, v46  }
0x39: {  	v49 =	vor.u32 v3, v46  }
0x3a: {  	v50 =	vor.u32 v4, v46  }
0x3b: {  	v45 =	vshll.u32 v45, $0x7;
	v51 =	vor.u32 v6, v46  }
0x3c: {  	v52 =	vor.u32 v7, v46;
	v53 =	vand.u32 $0x380, v45;
	v55 =	vand.u32 $0x400, v45;
	v47 =	vld.idx.msk [tilespmem:v47+s14+$0x0], $0xffff  }
0x3d: {  	v54 =	vor.u32 v8, v46;
	v53 =	vor.u32 v10, v53;
	v57 =	vor.u32 v11, v55;
	v48 =	vld.idx.msk [tilespmem:v48+s14+$0x0], $0xffff  }
0x3e: {  	v56 =	vor.u32 v9, v46;
	v59 =	vor.u32 v12, v55;
	v58 =	vor.u32 v53, v57;
	v49 =	vld.idx.msk [tilespmem:v49+s14+$0x0], $0xffff  }
0x3f: {  	v61 =	vor.u32 v13, v55;
	v60 =	vor.u32 v53, v59;
	v50 =	vld.idx.msk [tilespmem:v50+s14+$0x0], $0xffff  }
0x40: {  	v55 =	vor.u32 v14, v55;
	v62 =	vor.u32 v53, v61;
	v51 =	vld.idx.msk [tilespmem:v51+s14+$0x0], $0xffff  }
0x41: {  	v53 =	vor.u32 v53, v55;
	v52 =	vld.idx.msk [tilespmem:v52+s14+$0x0], $0xffff  }
0x42: {  	v54 =	vld.idx.msk [tilespmem:v54+s14+$0x0], $0xffff  }
0x43: {  	v63 =	vor.u32 v16, v46;
	v56 =	vld.idx.msk [tilespmem:v56+s14+$0x0], $0xffff;
	[tilespmem:v58+s21+$0x0] =	vst.idx.msk $0xffff, v47  }
0x44: {  	v47 =	vor.u32 v17, v46;
	v58 =	vor.u32 v5, v45;
	[tilespmem:v60+s21+$0x0] =	vst.idx.msk $0xffff, v48  }
0x45: {  	v48 =	vor.u32 v18, v46;
	v58 =	vand.u32 $0x398, v58;
	[tilespmem:v62+s21+$0x0] =	vst.idx.msk $0xffff, v49  }
0x46: {  	v49 =	vor.u32 v19, v46;
	[tilespmem:v53+s21+$0x0] =	vst.idx.msk $0xffff, v50;
	v50 =	vor.u32 v58, v57  }
0x47: {  	v60 =	vor.u32 v58, v59  }
0x48: {  	v62 =	vor.u32 v58, v61;
	v53 =	vld.idx.msk [tilespmem:v63+s14+$0x0], $0xffff  }
0x49: {  	v58 =	vor.u32 v58, v55;
	v47 =	vld.idx.msk [tilespmem:v47+s14+$0x0], $0xffff  }
0x4a: {  	v48 =	vld.idx.msk [tilespmem:v48+s14+$0x0], $0xffff  }
0x4b: {  	v63 =	vor.u32 v21, v46;
	v49 =	vld.idx.msk [tilespmem:v49+s14+$0x0], $0xffff;
	[tilespmem:v50+s21+$0x0] =	vst.idx.msk $0xffff, v51  }
0x4c: {  	v50 =	vor.u32 v22, v46;
	v51 =	vor.u32 v15, v45;
	[tilespmem:v60+s21+$0x0] =	vst.idx.msk $0xffff, v52  }
0x4d: {  	v52 =	vor.u32 v23, v46;
	v51 =	vand.u32 $0x3A8, v51;
	[tilespmem:v62+s21+$0x0] =	vst.idx.msk $0xffff, v54  }
0x4e: {  	v54 =	vor.u32 v24, v46;
	[tilespmem:v58+s21+$0x0] =	vst.idx.msk $0xffff, v56;
	v56 =	vor.u32 v51, v57  }
0x4f: {  	v60 =	vor.u32 v51, v59  }
0x50: {  	v62 =	vor.u32 v51, v61;
	v58 =	vld.idx.msk [tilespmem:v63+s14+$0x0], $0xffff  }
0x51: {  	v51 =	vor.u32 v51, v55;
	v50 =	vld.idx.msk [tilespmem:v50+s14+$0x0], $0xffff  }
0x52: {  	v52 =	vld.idx.msk [tilespmem:v52+s14+$0x0], $0xffff  }
0x53: {  	v63 =	vor.u32 v26, v46;
	v54 =	vld.idx.msk [tilespmem:v54+s14+$0x0], $0xffff;
	[tilespmem:v56+s21+$0x0] =	vst.idx.msk $0xffff, v53  }
0x54: {  	v53 =	vor.u32 v27, v46;
	v56 =	vor.u32 v20, v45;
	[tilespmem:v60+s21+$0x0] =	vst.idx.msk $0xffff, v47  }
0x55: {  	v47 =	vor.u32 v28, v46;
	v56 =	vand.u32 $0x3B8, v56;
	[tilespmem:v62+s21+$0x0] =	vst.idx.msk $0xffff, v48  }
0x56: {  	v48 =	vor.u32 v29, v46;
	[tilespmem:v51+s21+$0x0] =	vst.idx.msk $0xffff, v49;
	v49 =	vor.u32 v56, v57  }
0x57: {  	v60 =	vor.u32 v56, v59  }
0x58: {  	v62 =	vor.u32 v56, v61;
	v51 =	vld.idx.msk [tilespmem:v63+s14+$0x0], $0xffff  }
0x59: {  	v56 =	vor.u32 v56, v55;
	v53 =	vld.idx.msk [tilespmem:v53+s14+$0x0], $0xffff  }
0x5a: {  	v47 =	vld.idx.msk [tilespmem:v47+s14+$0x0], $0xffff  }
0x5b: {  	v63 =	vor.u32 v31, v46;
	v48 =	vld.idx.msk [tilespmem:v48+s14+$0x0], $0xffff;
	[tilespmem:v49+s21+$0x0] =	vst.idx.msk $0xffff, v58  }
0x5c: {  	v49 =	vor.u32 v32, v46;
	v58 =	vor.u32 v25, v45;
	[tilespmem:v60+s21+$0x0] =	vst.idx.msk $0xffff, v50  }
0x5d: {  	v50 =	vor.u32 v33, v46;
	v58 =	vand.u32 $0x3C8, v58;
	[tilespmem:v62+s21+$0x0] =	vst.idx.msk $0xffff, v52  }
0x5e: {  	v52 =	vor.u32 v34, v46;
	[tilespmem:v56+s21+$0x0] =	vst.idx.msk $0xffff, v54;
	v54 =	vor.u32 v58, v57  }
0x5f: {  	v60 =	vor.u32 v58, v59  }
0x60: {  	v62 =	vor.u32 v58, v61;
	v56 =	vld.idx.msk [tilespmem:v63+s14+$0x0], $0xffff  }
0x61: {  	v58 =	vor.u32 v58, v55;
	v49 =	vld.idx.msk [tilespmem:v49+s14+$0x0], $0xffff  }
0x62: {  	v50 =	vld.idx.msk [tilespmem:v50+s14+$0x0], $0xffff  }
0x63: {  	v63 =	vor.u32 v36, v46;
	v52 =	vld.idx.msk [tilespmem:v52+s14+$0x0], $0xffff;
	[tilespmem:v54+s21+$0x0] =	vst.idx.msk $0xffff, v51  }
0x64: {  	v51 =	vor.u32 v37, v46;
	v54 =	vor.u32 v30, v45;
	[tilespmem:v60+s21+$0x0] =	vst.idx.msk $0xffff, v53  }
0x65: {  	v53 =	vor.u32 v38, v46;
	v54 =	vand.u32 $0x3D8, v54;
	[tilespmem:v62+s21+$0x0] =	vst.idx.msk $0xffff, v47  }
0x66: {  	v47 =	vor.u32 v39, v46;
	[tilespmem:v58+s21+$0x0] =	vst.idx.msk $0xffff, v48;
	v48 =	vor.u32 v54, v57  }
0x67: {  	v60 =	vor.u32 v54, v59  }
0x68: {  	v62 =	vor.u32 v54, v61;
	v58 =	vld.idx.msk [tilespmem:v63+s14+$0x0], $0xffff  }
0x69: {  	v54 =	vor.u32 v54, v55;
	v51 =	vld.idx.msk [tilespmem:v51+s14+$0x0], $0xffff  }
0x6a: {  	v53 =	vld.idx.msk [tilespmem:v53+s14+$0x0], $0xffff  }
0x6b: {  	v63 =	vor.u32 v41, v46;
	v47 =	vld.idx.msk [tilespmem:v47+s14+$0x0], $0xffff;
	[tilespmem:v48+s21+$0x0] =	vst.idx.msk $0xffff, v56  }
0x6c: {  	v48 =	vor.u32 v42, v46;
	v56 =	vor.u32 v35, v45;
	[tilespmem:v60+s21+$0x0] =	vst.idx.msk $0xffff, v49  }
0x6d: {  	v49 =	vor.u32 v43, v46;
	[tilespmem:v62+s21+$0x0] =	vst.idx.msk $0xffff, v50;
	v50 =	vand.u32 $0x3E8, v56  }
0x6e: {  	v46 =	vor.u32 v44, v46;
	[tilespmem:v54+s21+$0x0] =	vst.idx.msk $0xffff, v52;
	v52 =	vor.u32 v50, v57  }
0x6f: {  	v56 =	vor.u32 v50, v59  }
0x70: {  	v45 =	vor.u32 v40, v45;
	v60 =	vor.u32 v50, v61;
	v54 =	vld.idx.msk [tilespmem:v63+s14+$0x0], $0xffff  }
0x71: {  	v45 =	vand.u32 $0x3F8, v45;
	v50 =	vor.u32 v50, v55;
	v48 =	vld.idx.msk [tilespmem:v48+s14+$0x0], $0xffff  }
0x72: {  	v57 =	vor.u32 v45, v57;
	v49 =	vld.idx.msk [tilespmem:v49+s14+$0x0], $0xffff  }
0x73: {  	s10 =	sadd.s32 $0x1, s5;
	v46 =	vld.idx.msk [tilespmem:v46+s14+$0x0], $0xffff;
	[tilespmem:v52+s21+$0x0] =	vst.idx.msk $0xffff, v58;
	v52 =	vor.u32 v45, v59  }
0x74: {  	v62 =	vadd.s32 s10, v0;
	v61 =	vor.u32 v45, v61;
	[tilespmem:v56+s21+$0x0] =	vst.idx.msk $0xffff, v51  }
0x75: {  	v63 =	vor.u32 v45, v55;
	v45 =	vand.u32 $0xF, v62;
	[tilespmem:v60+s21+$0x0] =	vst.idx.msk $0xffff, v53  }
0x76: {  	v55 =	vor.u32 v1, v45;
	[tilespmem:v50+s21+$0x0] =	vst.idx.msk $0xffff, v47  }
0x77: {  	v58 =	vor.u32 v2, v45;
	[tilespmem:v57+s21+$0x0] =	vst.idx.msk $0xffff, v54  }
0x78: {  	v59 =	vor.u32 v3, v45;
	[tilespmem:v52+s21+$0x0] =	vst.idx.msk $0xffff, v48  }
0x79: {  	v60 =	vor.u32 v4, v45;
	[tilespmem:v61+s21+$0x0] =	vst.idx.msk $0xffff, v49  }
0x7a: {  	v61 =	vor.u32 v6, v45;
	[tilespmem:v63+s21+$0x0] =	vst.idx.msk $0xffff, v46  }
0x7b: {  	v51 =	vshll.u32 v62, $0x7;
	v47 =	vld.idx.msk [tilespmem:v55+s14+$0x0], $0xffff  }
0x7c: {  	v56 =	vor.u32 v9, v45;
	v62 =	vand.u32 $0x380, v51;
	v50 =	vld.idx.msk [tilespmem:v58+s14+$0x0], $0xffff;
	v55 =	vand.u32 $0x400, v51  }
0x7d: {  	v53 =	vor.u32 v10, v62;
	v54 =	vor.u32 v8, v45;
	v48 =	vld.idx.msk [tilespmem:v59+s14+$0x0], $0xffff;
	v57 =	vor.u32 v11, v55  }
0x7e: {  	v52 =	vor.u32 v7, v45;
	v49 =	vld.idx.msk [tilespmem:v60+s14+$0x0], $0xffff;
	v59 =	vor.u32 v12, v55;
	v58 =	vor.u32 v53, v57  }
0x7f: {  	v60 =	vor.u32 v53, v59;
	v46 =	vld.idx.msk [tilespmem:v61+s14+$0x0], $0xffff;
	v61 =	vor.u32 v13, v55  }
0x80: {  	v55 =	vor.u32 v14, v55;
	v62 =	vor.u32 v53, v61  }
0x81: {  	v56 =	vld.idx.msk [tilespmem:v56+s14+$0x0], $0xffff;
	v53 =	vor.u32 v53, v55  }
0x82: {  	v54 =	vld.idx.msk [tilespmem:v54+s14+$0x0], $0xffff  }
0x83: {  	v63 =	vor.u32 v16, v45;
	v52 =	vld.idx.msk [tilespmem:v52+s14+$0x0], $0xffff;
	[tilespmem:v58+s21+$0x0] =	vst.idx.msk $0xffff, v47  }
0x84: {  	v47 =	vor.u32 v17, v45;
	v58 =	vor.u32 v5, v51;
	[tilespmem:v60+s21+$0x0] =	vst.idx.msk $0xffff, v50  }
0x85: {  	v50 =	vor.u32 v18, v45;
	v58 =	vand.u32 $0x398, v58;
	[tilespmem:v62+s21+$0x0] =	vst.idx.msk $0xffff, v48  }
0x86: {  	v48 =	vor.u32 v19, v45;
	[tilespmem:v53+s21+$0x0] =	vst.idx.msk $0xffff, v49;
	v49 =	vor.u32 v58, v57  }
0x87: {  	v60 =	vor.u32 v58, v59  }
0x88: {  	v62 =	vor.u32 v58, v61;
	v53 =	vld.idx.msk [tilespmem:v63+s14+$0x0], $0xffff  }
0x89: {  	v58 =	vor.u32 v58, v55;
	v47 =	vld.idx.msk [tilespmem:v47+s14+$0x0], $0xffff  }
0x8a: {  	v50 =	vld.idx.msk [tilespmem:v50+s14+$0x0], $0xffff  }
0x8b: {  	v63 =	vor.u32 v21, v45;
	v48 =	vld.idx.msk [tilespmem:v48+s14+$0x0], $0xffff;
	[tilespmem:v49+s21+$0x0] =	vst.idx.msk $0xffff, v46  }
0x8c: {  	v46 =	vor.u32 v22, v45;
	v49 =	vor.u32 v15, v51;
	[tilespmem:v60+s21+$0x0] =	vst.idx.msk $0xffff, v52  }
0x8d: {  	v52 =	vor.u32 v23, v45;
	v49 =	vand.u32 $0x3A8, v49;
	[tilespmem:v62+s21+$0x0] =	vst.idx.msk $0xffff, v54  }
0x8e: {  	v54 =	vor.u32 v24, v45;
	[tilespmem:v58+s21+$0x0] =	vst.idx.msk $0xffff, v56;
	v56 =	vor.u32 v49, v57  }
0x8f: {  	v60 =	vor.u32 v49, v59  }
0x90: {  	v62 =	vor.u32 v49, v61;
	v58 =	vld.idx.msk [tilespmem:v63+s14+$0x0], $0xffff  }
0x91: {  	v49 =	vor.u32 v49, v55;
	v46 =	vld.idx.msk [tilespmem:v46+s14+$0x0], $0xffff  }
0x92: {  	v52 =	vld.idx.msk [tilespmem:v52+s14+$0x0], $0xffff  }
0x93: {  	v63 =	vor.u32 v26, v45;
	v54 =	vld.idx.msk [tilespmem:v54+s14+$0x0], $0xffff;
	[tilespmem:v56+s21+$0x0] =	vst.idx.msk $0xffff, v53  }
0x94: {  	v53 =	vor.u32 v27, v45;
	v56 =	vor.u32 v20, v51;
	[tilespmem:v60+s21+$0x0] =	vst.idx.msk $0xffff, v47  }
0x95: {  	v47 =	vor.u32 v28, v45;
	v56 =	vand.u32 $0x3B8, v56;
	[tilespmem:v62+s21+$0x0] =	vst.idx.msk $0xffff, v50  }
0x96: {  	v50 =	vor.u32 v29, v45;
	[tilespmem:v49+s21+$0x0] =	vst.idx.msk $0xffff, v48;
	v48 =	vor.u32 v56, v57  }
0x97: {  	v60 =	vor.u32 v56, v59  }
0x98: {  	v62 =	vor.u32 v56, v61;
	v49 =	vld.idx.msk [tilespmem:v63+s14+$0x0], $0xffff  }
0x99: {  	v56 =	vor.u32 v56, v55;
	v53 =	vld.idx.msk [tilespmem:v53+s14+$0x0], $0xffff  }
0x9a: {  	v47 =	vld.idx.msk [tilespmem:v47+s14+$0x0], $0xffff  }
0x9b: {  	v63 =	vor.u32 v31, v45;
	v50 =	vld.idx.msk [tilespmem:v50+s14+$0x0], $0xffff;
	[tilespmem:v48+s21+$0x0] =	vst.idx.msk $0xffff, v58  }
0x9c: {  	v48 =	vor.u32 v32, v45;
	v58 =	vor.u32 v25, v51;
	[tilespmem:v60+s21+$0x0] =	vst.idx.msk $0xffff, v46  }
0x9d: {  	v46 =	vor.u32 v33, v45;
	v58 =	vand.u32 $0x3C8, v58;
	[tilespmem:v62+s21+$0x0] =	vst.idx.msk $0xffff, v52  }
0x9e: {  	v52 =	vor.u32 v34, v45;
	[tilespmem:v56+s21+$0x0] =	vst.idx.msk $0xffff, v54;
	v54 =	vor.u32 v58, v57  }
0x9f: {  	v60 =	vor.u32 v58, v59  }
0xa0: {  	v62 =	vor.u32 v58, v61;
	v56 =	vld.idx.msk [tilespmem:v63+s14+$0x0], $0xffff  }
0xa1: {  	v58 =	vor.u32 v58, v55;
	v48 =	vld.idx.msk [tilespmem:v48+s14+$0x0], $0xffff  }
0xa2: {  	v46 =	vld.idx.msk [tilespmem:v46+s14+$0x0], $0xffff  }
0xa3: {  	v63 =	vor.u32 v36, v45;
	v52 =	vld.idx.msk [tilespmem:v52+s14+$0x0], $0xffff;
	[tilespmem:v54+s21+$0x0] =	vst.idx.msk $0xffff, v49  }
0xa4: {  	v49 =	vor.u32 v37, v45;
	v54 =	vor.u32 v30, v51;
	[tilespmem:v60+s21+$0x0] =	vst.idx.msk $0xffff, v53  }
0xa5: {  	v53 =	vor.u32 v38, v45;
	v54 =	vand.u32 $0x3D8, v54;
	[tilespmem:v62+s21+$0x0] =	vst.idx.msk $0xffff, v47  }
0xa6: {  	v47 =	vor.u32 v39, v45;
	[tilespmem:v58+s21+$0x0] =	vst.idx.msk $0xffff, v50;
	v50 =	vor.u32 v54, v57  }
0xa7: {  	v60 =	vor.u32 v54, v59  }
0xa8: {  	v62 =	vor.u32 v54, v61;
	v58 =	vld.idx.msk [tilespmem:v63+s14+$0x0], $0xffff  }
0xa9: {  	v54 =	vor.u32 v54, v55;
	v49 =	vld.idx.msk [tilespmem:v49+s14+$0x0], $0xffff  }
0xaa: {  	v53 =	vld.idx.msk [tilespmem:v53+s14+$0x0], $0xffff  }
0xab: {  	v63 =	vor.u32 v41, v45;
	v47 =	vld.idx.msk [tilespmem:v47+s14+$0x0], $0xffff;
	[tilespmem:v50+s21+$0x0] =	vst.idx.msk $0xffff, v56  }
0xac: {  	v50 =	vor.u32 v42, v45;
	v56 =	vor.u32 v35, v51;
	[tilespmem:v60+s21+$0x0] =	vst.idx.msk $0xffff, v48  }
0xad: {  	v48 =	vor.u32 v43, v45;
	[tilespmem:v62+s21+$0x0] =	vst.idx.msk $0xffff, v46;
	v46 =	vand.u32 $0x3E8, v56  }
0xae: {  	v45 =	vor.u32 v44, v45;
	[tilespmem:v54+s21+$0x0] =	vst.idx.msk $0xffff, v52;
	v52 =	vor.u32 v46, v57  }
0xaf: {  	v56 =	vor.u32 v46, v59  }
0xb0: {  	v51 =	vor.u32 v40, v51;
	v60 =	vor.u32 v46, v61;
	v54 =	vld.idx.msk [tilespmem:v63+s14+$0x0], $0xffff  }
0xb1: {  	v51 =	vand.u32 $0x3F8, v51;
	v46 =	vor.u32 v46, v55;
	v50 =	vld.idx.msk [tilespmem:v50+s14+$0x0], $0xffff  }
0xb2: {  	v57 =	vor.u32 v51, v57;
	v48 =	vld.idx.msk [tilespmem:v48+s14+$0x0], $0xffff  }
0xb3: {  	s13 =	sadd.s32 $0x2, s5;
	v62 =	vld.idx.msk [tilespmem:v45+s14+$0x0], $0xffff;
	[tilespmem:v52+s21+$0x0] =	vst.idx.msk $0xffff, v58;
	v52 =	vor.u32 v51, v59  }
0xb4: {  	v63 =	vor.u32 v51, v61;
	[tilespmem:v56+s21+$0x0] =	vst.idx.msk $0xffff, v49;
	v56 =	vadd.s32 s13, v0  }
0xb5: {  	v51 =	vor.u32 v51, v55;
	[tilespmem:v60+s21+$0x0] =	vst.idx.msk $0xffff, v53;
	v45 =	vand.u32 $0xF, v56  }
0xb6: {  	[tilespmem:v46+s21+$0x0] =	vst.idx.msk $0xffff, v47;
	v55 =	vor.u32 v1, v45  }
0xb7: {  	v58 =	vor.u32 v2, v45;
	[tilespmem:v57+s21+$0x0] =	vst.idx.msk $0xffff, v54  }
0xb8: {  	v59 =	vor.u32 v3, v45;
	[tilespmem:v52+s21+$0x0] =	vst.idx.msk $0xffff, v50  }
0xb9: {  	v61 =	vor.u32 v4, v45;
	[tilespmem:v63+s21+$0x0] =	vst.idx.msk $0xffff, v48  }
0xba: {  	v54 =	vor.u32 v8, v45;
	[tilespmem:v51+s21+$0x0] =	vst.idx.msk $0xffff, v62;
	v51 =	vshll.u32 v56, $0x7  }
0xbb: {  	v52 =	vor.u32 v7, v45;
	v46 =	vld.idx.msk [tilespmem:v55+s14+$0x0], $0xffff;
	v60 =	vand.u32 $0x380, v51;
	v55 =	vand.u32 $0x400, v51  }
0xbc: {  	v63 =	vor.u32 v6, v45;
	v47 =	vld.idx.msk [tilespmem:v58+s14+$0x0], $0xffff;
	v53 =	vor.u32 v10, v60;
	v57 =	vor.u32 v11, v55  }
0xbd: {  	v56 =	vor.u32 v9, v45;
	v50 =	vld.idx.msk [tilespmem:v59+s14+$0x0], $0xffff;
	v59 =	vor.u32 v12, v55;
	v58 =	vor.u32 v53, v57  }
0xbe: {  	v48 =	vld.idx.msk [tilespmem:v61+s14+$0x0], $0xffff;
	v61 =	vor.u32 v13, v55;
	v60 =	vor.u32 v53, v59  }
0xbf: {  	v55 =	vor.u32 v14, v55;
	v54 =	vld.idx.msk [tilespmem:v54+s14+$0x0], $0xffff;
	v62 =	vor.u32 v53, v61  }
0xc0: {  	v52 =	vld.idx.msk [tilespmem:v52+s14+$0x0], $0xffff;
	v53 =	vor.u32 v53, v55  }
0xc1: {  	v49 =	vld.idx.msk [tilespmem:v63+s14+$0x0], $0xffff  }
0xc2: {  	v63 =	vor.u32 v16, v45;
	v56 =	vld.idx.msk [tilespmem:v56+s14+$0x0], $0xffff;
	[tilespmem:v58+s21+$0x0] =	vst.idx.msk $0xffff, v46  }
0xc3: {  	v46 =	vor.u32 v17, v45;
	v58 =	vor.u32 v5, v51;
	[tilespmem:v60+s21+$0x0] =	vst.idx.msk $0xffff, v47  }
0xc4: {  	v47 =	vor.u32 v18, v45;
	v58 =	vand.u32 $0x398, v58;
	[tilespmem:v62+s21+$0x0] =	vst.idx.msk $0xffff, v50  }
0xc5: {  	v50 =	vor.u32 v19, v45;
	[tilespmem:v53+s21+$0x0] =	vst.idx.msk $0xffff, v48;
	v48 =	vor.u32 v58, v57  }
0xc6: {  	v60 =	vor.u32 v58, v59  }
0xc7: {  	v62 =	vor.u32 v58, v61;
	v53 =	vld.idx.msk [tilespmem:v63+s14+$0x0], $0xffff  }
0xc8: {  	v58 =	vor.u32 v58, v55;
	v46 =	vld.idx.msk [tilespmem:v46+s14+$0x0], $0xffff  }
0xc9: {  	v47 =	vld.idx.msk [tilespmem:v47+s14+$0x0], $0xffff  }
0xca: {  	v63 =	vor.u32 v21, v45;
	v50 =	vld.idx.msk [tilespmem:v50+s14+$0x0], $0xffff;
	[tilespmem:v48+s21+$0x0] =	vst.idx.msk $0xffff, v49  }
0xcb: {  	v48 =	vor.u32 v22, v45;
	v49 =	vor.u32 v15, v51;
	[tilespmem:v60+s21+$0x0] =	vst.idx.msk $0xffff, v52  }
0xcc: {  	v52 =	vor.u32 v23, v45;
	v49 =	vand.u32 $0x3A8, v49;
	[tilespmem:v62+s21+$0x0] =	vst.idx.msk $0xffff, v54  }
0xcd: {  	v54 =	vor.u32 v24, v45;
	[tilespmem:v58+s21+$0x0] =	vst.idx.msk $0xffff, v56;
	v56 =	vor.u32 v49, v57  }
0xce: {  	v60 =	vor.u32 v49, v59  }
0xcf: {  	v62 =	vor.u32 v49, v61;
	v58 =	vld.idx.msk [tilespmem:v63+s14+$0x0], $0xffff  }
0xd0: {  	v49 =	vor.u32 v49, v55;
	v48 =	vld.idx.msk [tilespmem:v48+s14+$0x0], $0xffff  }
0xd1: {  	v52 =	vld.idx.msk [tilespmem:v52+s14+$0x0], $0xffff  }
0xd2: {  	v63 =	vor.u32 v26, v45;
	v54 =	vld.idx.msk [tilespmem:v54+s14+$0x0], $0xffff;
	[tilespmem:v56+s21+$0x0] =	vst.idx.msk $0xffff, v53  }
0xd3: {  	v53 =	vor.u32 v27, v45;
	v56 =	vor.u32 v20, v51;
	[tilespmem:v60+s21+$0x0] =	vst.idx.msk $0xffff, v46  }
0xd4: {  	v46 =	vor.u32 v28, v45;
	v56 =	vand.u32 $0x3B8, v56;
	[tilespmem:v62+s21+$0x0] =	vst.idx.msk $0xffff, v47  }
0xd5: {  	v47 =	vor.u32 v29, v45;
	[tilespmem:v49+s21+$0x0] =	vst.idx.msk $0xffff, v50;
	v49 =	vor.u32 v56, v57  }
0xd6: {  	v60 =	vor.u32 v56, v59  }
0xd7: {  	v62 =	vor.u32 v56, v61;
	v50 =	vld.idx.msk [tilespmem:v63+s14+$0x0], $0xffff  }
0xd8: {  	v56 =	vor.u32 v56, v55;
	v53 =	vld.idx.msk [tilespmem:v53+s14+$0x0], $0xffff  }
0xd9: {  	v46 =	vld.idx.msk [tilespmem:v46+s14+$0x0], $0xffff  }
0xda: {  	v63 =	vor.u32 v31, v45;
	v47 =	vld.idx.msk [tilespmem:v47+s14+$0x0], $0xffff;
	[tilespmem:v49+s21+$0x0] =	vst.idx.msk $0xffff, v58  }
0xdb: {  	v49 =	vor.u32 v32, v45;
	v58 =	vor.u32 v25, v51;
	[tilespmem:v60+s21+$0x0] =	vst.idx.msk $0xffff, v48  }
0xdc: {  	v48 =	vor.u32 v33, v45;
	v58 =	vand.u32 $0x3C8, v58;
	[tilespmem:v62+s21+$0x0] =	vst.idx.msk $0xffff, v52  }
0xdd: {  	v52 =	vor.u32 v34, v45;
	[tilespmem:v56+s21+$0x0] =	vst.idx.msk $0xffff, v54;
	v54 =	vor.u32 v58, v57  }
0xde: {  	v60 =	vor.u32 v58, v59  }
0xdf: {  	v62 =	vor.u32 v58, v61;
	v56 =	vld.idx.msk [tilespmem:v63+s14+$0x0], $0xffff  }
0xe0: {  	v58 =	vor.u32 v58, v55;
	v49 =	vld.idx.msk [tilespmem:v49+s14+$0x0], $0xffff  }
0xe1: {  	v48 =	vld.idx.msk [tilespmem:v48+s14+$0x0], $0xffff  }
0xe2: {  	v63 =	vor.u32 v36, v45;
	v52 =	vld.idx.msk [tilespmem:v52+s14+$0x0], $0xffff;
	[tilespmem:v54+s21+$0x0] =	vst.idx.msk $0xffff, v50  }
0xe3: {  	v50 =	vor.u32 v37, v45;
	v54 =	vor.u32 v30, v51;
	[tilespmem:v60+s21+$0x0] =	vst.idx.msk $0xffff, v53  }
0xe4: {  	v53 =	vor.u32 v38, v45;
	v54 =	vand.u32 $0x3D8, v54;
	[tilespmem:v62+s21+$0x0] =	vst.idx.msk $0xffff, v46  }
0xe5: {  	v46 =	vor.u32 v39, v45;
	[tilespmem:v58+s21+$0x0] =	vst.idx.msk $0xffff, v47;
	v47 =	vor.u32 v54, v57  }
0xe6: {  	v60 =	vor.u32 v54, v59  }
0xe7: {  	v62 =	vor.u32 v54, v61;
	v58 =	vld.idx.msk [tilespmem:v63+s14+$0x0], $0xffff  }
0xe8: {  	v54 =	vor.u32 v54, v55;
	v50 =	vld.idx.msk [tilespmem:v50+s14+$0x0], $0xffff  }
0xe9: {  	v53 =	vld.idx.msk [tilespmem:v53+s14+$0x0], $0xffff  }
0xea: {  	v63 =	vor.u32 v41, v45;
	v46 =	vld.idx.msk [tilespmem:v46+s14+$0x0], $0xffff;
	[tilespmem:v47+s21+$0x0] =	vst.idx.msk $0xffff, v56  }
0xeb: {  	v47 =	vor.u32 v42, v45;
	v56 =	vor.u32 v35, v51;
	[tilespmem:v60+s21+$0x0] =	vst.idx.msk $0xffff, v49  }
0xec: {  	v49 =	vor.u32 v43, v45;
	[tilespmem:v62+s21+$0x0] =	vst.idx.msk $0xffff, v48;
	v48 =	vand.u32 $0x3E8, v56  }
0xed: {  	v45 =	vor.u32 v44, v45;
	[tilespmem:v54+s21+$0x0] =	vst.idx.msk $0xffff, v52;
	v52 =	vor.u32 v48, v57  }
0xee: {  	v56 =	vor.u32 v48, v59  }
0xef: {  	v51 =	vor.u32 v40, v51;
	v60 =	vor.u32 v48, v61;
	v54 =	vld.idx.msk [tilespmem:v63+s14+$0x0], $0xffff  }
0xf0: {  	v51 =	vand.u32 $0x3F8, v51;
	v48 =	vor.u32 v48, v55;
	v47 =	vld.idx.msk [tilespmem:v47+s14+$0x0], $0xffff  }
0xf1: {  	v57 =	vor.u32 v51, v57;
	v49 =	vld.idx.msk [tilespmem:v49+s14+$0x0], $0xffff  }
0xf2: {  	s13 =	sadd.s32 $0x3, s5;
	v62 =	vld.idx.msk [tilespmem:v45+s14+$0x0], $0xffff;
	[tilespmem:v52+s21+$0x0] =	vst.idx.msk $0xffff, v58;
	v52 =	vor.u32 v51, v59  }
0xf3: {  	v61 =	vor.u32 v51, v61;
	v63 =	vadd.s32 s13, v0;
	[tilespmem:v56+s21+$0x0] =	vst.idx.msk $0xffff, v50  }
0xf4: {  	v45 =	vand.u32 $0xF, v63;
	v51 =	vor.u32 v51, v55;
	[tilespmem:v60+s21+$0x0] =	vst.idx.msk $0xffff, v53  }
0xf5: {  	v58 =	vor.u32 v1, v45;
	[tilespmem:v48+s21+$0x0] =	vst.idx.msk $0xffff, v46  }
0xf6: {  	v59 =	vor.u32 v2, v45;
	[tilespmem:v57+s21+$0x0] =	vst.idx.msk $0xffff, v54  }
0xf7: {  	v60 =	vor.u32 v3, v45;
	[tilespmem:v52+s21+$0x0] =	vst.idx.msk $0xffff, v47  }
0xf8: {  	[tilespmem:v61+s21+$0x0] =	vst.idx.msk $0xffff, v49;
	v61 =	vor.u32 v4, v45  }
0xf9: {  	[tilespmem:v51+s21+$0x0] =	vst.idx.msk $0xffff, v62;
	v62 =	vor.u32 v6, v45;
	v51 =	vshll.u32 v63, $0x7  }
0xfa: {  	v56 =	vor.u32 v9, v45;
	v46 =	vld.idx.msk [tilespmem:v58+s14+$0x0], $0xffff;
	v63 =	vand.u32 $0x380, v51;
	v55 =	vand.u32 $0x400, v51  }
0xfb: {  	v54 =	vor.u32 v8, v45;
	v48 =	vld.idx.msk [tilespmem:v59+s14+$0x0], $0xffff;
	v53 =	vor.u32 v10, v63;
	v57 =	vor.u32 v11, v55  }
0xfc: {  	v52 =	vor.u32 v7, v45;
	v47 =	vld.idx.msk [tilespmem:v60+s14+$0x0], $0xffff;
	v59 =	vor.u32 v12, v55;
	v58 =	vor.u32 v53, v57  }
0xfd: {  	v60 =	vor.u32 v53, v59;
	v49 =	vld.idx.msk [tilespmem:v61+s14+$0x0], $0xffff;
	v61 =	vor.u32 v13, v55  }
0xfe: {  	v55 =	vor.u32 v14, v55;
	v50 =	vld.idx.msk [tilespmem:v62+s14+$0x0], $0xffff;
	v62 =	vor.u32 v53, v61  }
0xff: {  	v56 =	vld.idx.msk [tilespmem:v56+s14+$0x0], $0xffff;
	v53 =	vor.u32 v53, v55  }
0x100: {  	v54 =	vld.idx.msk [tilespmem:v54+s14+$0x0], $0xffff  }
0x101: {  	v63 =	vor.u32 v16, v45;
	v52 =	vld.idx.msk [tilespmem:v52+s14+$0x0], $0xffff;
	[tilespmem:v58+s21+$0x0] =	vst.idx.msk $0xffff, v46  }
0x102: {  	v46 =	vor.u32 v17, v45;
	v58 =	vor.u32 v5, v51;
	[tilespmem:v60+s21+$0x0] =	vst.idx.msk $0xffff, v48  }
0x103: {  	v48 =	vor.u32 v18, v45;
	v58 =	vand.u32 $0x398, v58;
	[tilespmem:v62+s21+$0x0] =	vst.idx.msk $0xffff, v47  }
0x104: {  	v47 =	vor.u32 v19, v45;
	[tilespmem:v53+s21+$0x0] =	vst.idx.msk $0xffff, v49;
	v49 =	vor.u32 v58, v57  }
0x105: {  	v60 =	vor.u32 v58, v59  }
0x106: {  	v62 =	vor.u32 v58, v61;
	v53 =	vld.idx.msk [tilespmem:v63+s14+$0x0], $0xffff  }
0x107: {  	v58 =	vor.u32 v58, v55;
	v46 =	vld.idx.msk [tilespmem:v46+s14+$0x0], $0xffff  }
0x108: {  	v48 =	vld.idx.msk [tilespmem:v48+s14+$0x0], $0xffff  }
0x109: {  	v63 =	vor.u32 v21, v45;
	v47 =	vld.idx.msk [tilespmem:v47+s14+$0x0], $0xffff;
	[tilespmem:v49+s21+$0x0] =	vst.idx.msk $0xffff, v50  }
0x10a: {  	v49 =	vor.u32 v22, v45;
	v50 =	vor.u32 v15, v51;
	[tilespmem:v60+s21+$0x0] =	vst.idx.msk $0xffff, v52  }
0x10b: {  	v52 =	vor.u32 v23, v45;
	v50 =	vand.u32 $0x3A8, v50;
	[tilespmem:v62+s21+$0x0] =	vst.idx.msk $0xffff, v54  }
0x10c: {  	v54 =	vor.u32 v24, v45;
	[tilespmem:v58+s21+$0x0] =	vst.idx.msk $0xffff, v56;
	v56 =	vor.u32 v50, v57  }
0x10d: {  	v60 =	vor.u32 v50, v59  }
0x10e: {  	v62 =	vor.u32 v50, v61;
	v58 =	vld.idx.msk [tilespmem:v63+s14+$0x0], $0xffff  }
0x10f: {  	v50 =	vor.u32 v50, v55;
	v49 =	vld.idx.msk [tilespmem:v49+s14+$0x0], $0xffff  }
0x110: {  	v52 =	vld.idx.msk [tilespmem:v52+s14+$0x0], $0xffff  }
0x111: {  	v63 =	vor.u32 v26, v45;
	v54 =	vld.idx.msk [tilespmem:v54+s14+$0x0], $0xffff;
	[tilespmem:v56+s21+$0x0] =	vst.idx.msk $0xffff, v53  }
0x112: {  	v53 =	vor.u32 v27, v45;
	v56 =	vor.u32 v20, v51;
	[tilespmem:v60+s21+$0x0] =	vst.idx.msk $0xffff, v46  }
0x113: {  	v46 =	vor.u32 v28, v45;
	v56 =	vand.u32 $0x3B8, v56;
	[tilespmem:v62+s21+$0x0] =	vst.idx.msk $0xffff, v48  }
0x114: {  	v48 =	vor.u32 v29, v45;
	[tilespmem:v50+s21+$0x0] =	vst.idx.msk $0xffff, v47;
	v47 =	vor.u32 v56, v57  }
0x115: {  	v60 =	vor.u32 v56, v59  }
0x116: {  	v62 =	vor.u32 v56, v61;
	v50 =	vld.idx.msk [tilespmem:v63+s14+$0x0], $0xffff  }
0x117: {  	v56 =	vor.u32 v56, v55;
	v53 =	vld.idx.msk [tilespmem:v53+s14+$0x0], $0xffff  }
0x118: {  	v46 =	vld.idx.msk [tilespmem:v46+s14+$0x0], $0xffff  }
0x119: {  	v63 =	vor.u32 v31, v45;
	v48 =	vld.idx.msk [tilespmem:v48+s14+$0x0], $0xffff;
	[tilespmem:v47+s21+$0x0] =	vst.idx.msk $0xffff, v58  }
0x11a: {  	v47 =	vor.u32 v32, v45;
	v58 =	vor.u32 v25, v51;
	[tilespmem:v60+s21+$0x0] =	vst.idx.msk $0xffff, v49  }
0x11b: {  	v49 =	vor.u32 v33, v45;
	v58 =	vand.u32 $0x3C8, v58;
	[tilespmem:v62+s21+$0x0] =	vst.idx.msk $0xffff, v52  }
0x11c: {  	v52 =	vor.u32 v34, v45;
	[tilespmem:v56+s21+$0x0] =	vst.idx.msk $0xffff, v54;
	v54 =	vor.u32 v58, v57  }
0x11d: {  	v60 =	vor.u32 v58, v59  }
0x11e: {  	v62 =	vor.u32 v58, v61;
	v56 =	vld.idx.msk [tilespmem:v63+s14+$0x0], $0xffff  }
0x11f: {  	v58 =	vor.u32 v58, v55;
	v47 =	vld.idx.msk [tilespmem:v47+s14+$0x0], $0xffff  }
0x120: {  	v49 =	vld.idx.msk [tilespmem:v49+s14+$0x0], $0xffff  }
0x121: {  	v63 =	vor.u32 v36, v45;
	v52 =	vld.idx.msk [tilespmem:v52+s14+$0x0], $0xffff;
	[tilespmem:v54+s21+$0x0] =	vst.idx.msk $0xffff, v50  }
0x122: {  	v50 =	vor.u32 v37, v45;
	v54 =	vor.u32 v30, v51;
	[tilespmem:v60+s21+$0x0] =	vst.idx.msk $0xffff, v53  }
0x123: {  	v53 =	vor.u32 v38, v45;
	v54 =	vand.u32 $0x3D8, v54;
	[tilespmem:v62+s21+$0x0] =	vst.idx.msk $0xffff, v46  }
0x124: {  	v46 =	vor.u32 v39, v45;
	[tilespmem:v58+s21+$0x0] =	vst.idx.msk $0xffff, v48;
	v48 =	vor.u32 v54, v57  }
0x125: {  	v60 =	vor.u32 v54, v59  }
0x126: {  	v58 =	vld.idx.msk [tilespmem:v63+s14+$0x0], $0xffff  }
0x127: {  	v62 =	vor.u32 v54, v61;
	v50 =	vld.idx.msk [tilespmem:v50+s14+$0x0], $0xffff  }
0x128: {  	v54 =	vor.u32 v54, v55;
	v53 =	vld.idx.msk [tilespmem:v53+s14+$0x0], $0xffff  }
0x129: {  	v63 =	vor.u32 v41, v45;
	v46 =	vld.idx.msk [tilespmem:v46+s14+$0x0], $0xffff;
	[tilespmem:v48+s21+$0x0] =	vst.idx.msk $0xffff, v56  }
0x12a: {  	v48 =	vor.u32 v42, v45;
	[tilespmem:v60+s21+$0x0] =	vst.idx.msk $0xffff, v47;
	v60 =	vor.u32 v35, v51  }
0x12b: {  	v56 =	vor.u32 v43, v45;
	v47 =	vand.u32 $0x3E8, v60  }
0x12c: {  	v45 =	vor.u32 v44, v45;
	[tilespmem:v62+s21+$0x0] =	vst.idx.msk $0xffff, v49;
	v49 =	vor.u32 v47, v57  }
0x12d: {  	[tilespmem:v54+s21+$0x0] =	vst.idx.msk $0xffff, v52;
	v54 =	vor.u32 v47, v59  }
0x12e: {  	v51 =	vor.u32 v40, v51;
	v60 =	vor.u32 v47, v61;
	v52 =	vld.idx.msk [tilespmem:v63+s14+$0x0], $0xffff  }
0x12f: {  	v51 =	vand.u32 $0x3F8, v51;
	v47 =	vor.u32 v47, v55;
	v48 =	vld.idx.msk [tilespmem:v48+s14+$0x0], $0xffff  }
0x130: {  	v57 =	vor.u32 v51, v57;
	v56 =	vld.idx.msk [tilespmem:v56+s14+$0x0], $0xffff  }
0x131: {  	v62 =	vor.u32 v51, v59;
	v45 =	vld.idx.msk [tilespmem:v45+s14+$0x0], $0xffff;
	[tilespmem:v49+s21+$0x0] =	vst.idx.msk $0xffff, v58  }
0x132: {  	v63 =	vor.u32 v51, v61;
	[tilespmem:v54+s21+$0x0] =	vst.idx.msk $0xffff, v50  }
0x133: {  	p1 =	slt.u32 s5, $0xC;
	v51 =	vor.u32 v51, v55;
	[tilespmem:v60+s21+$0x0] =	vst.idx.msk $0xffff, v53  }
.Ltmp2:
0x134: {  	[tilespmem:v47+s21+$0x0] =	vst.idx.msk $0xffff, v46;
	(pc) =	sbr.rel @p1 .LBB2_3-.Ltmp2, $4  }
0x135: {  	[tilespmem:v57+s21+$0x0] =	vst.idx.msk $0xffff, v52  }
0x136: {  	[tilespmem:v62+s21+$0x0] =	vst.idx.msk $0xffff, v48  }
0x137: {  	[tilespmem:v63+s21+$0x0] =	vst.idx.msk $0xffff, v56  }
0x138: {  	s5 =	sadd.s32 $0x4, s5;
	[tilespmem:v51+s21+$0x0] =	vst.idx.msk $0xffff, v45  }
0x139: {  	p1 =	sne.s32 s18, $0x31  }
.Ltmp3:
0x13a: {  	_ = 	snop;
	(pc) =	sbr.rel @p1 .LBB2_6-.Ltmp3, $4  }
0x13b: {  	s5 =	sshll.u32 s18, $0x11  }
0x13c: {  	s5 =	sor.u32 s6, s5  }
0x13d: {  	s10 =	sadd.s32 s2, s5  }
0x13e: {  	[hbm4b:s10+s22] =	stream.strided.scatter [tilespmem:s21], [sflag:$0x5], $0x2000, s23, s22, $0x38;
	[tilespmem:$0x16400] =	vst v63  }
.Ltmp4:
0x13f: {  	(pc) =	sbr.rel .LBB2_7-.Ltmp4, $4  }
0x140: {  	_ = 	snop  }
0x141: {  	_ =	swait.ge [sflag:s24], $0x2000  }
0x142: {  	[sflag:s24] =	ssyncset.done $0x0  }
0x143: {  	[sflag:s24] =	ssyncadd.s32 $0xFFFFE000  }
.LBB2_6:
0x144: {  	s10 =	sshrl.u32 s3, $0x2  }
.Ltmp5:
0x145: {  	s10 =	sadd.s32 $0x200, s10;
	(pc) =	sbr.rel @p0 .LBB2_8-.Ltmp5, $4  }
0x146: {  	[tilespmem:s14], [sflag:$0x1] =	stream.indirect.gather [hbm4b:s4+s11], $0x40, s10, s11, $0xb8;
	[tilespmem:$0x16400] =	vst v63  }
0x147: {  	_ =	swait.ge [sflag:s24], $0x2000  }
0x148: {  	[sflag:s24] =	ssyncset.done $0x0  }
0x149: {  	[sflag:s24] =	ssyncadd.s32 $0xFFFFE000  }
.LBB2_7:
0x14a: {  	_ =	swait.ge [sflag:s25], $0x2000  }
0x14b: {  	[sflag:s25] =	ssyncset.done $0x0  }
0x14c: {  	[sflag:s25] =	ssyncadd.s32 $0xFFFFE000  }
.LBB2_8:
0x14d: {  	s10 =	simm.s32 $0x0  }
.LBB2_9:
0x14e: {  	v45 =	vadd.s32 s10, v0  }
0x14f: {  	v46 =	vand.u32 $0xF, v45  }
0x150: {  	v47 =	vor.u32 v1, v46  }
0x151: {  	v48 =	vor.u32 v2, v46  }
0x152: {  	v49 =	vor.u32 v3, v46  }
0x153: {  	v50 =	vor.u32 v4, v46  }
0x154: {  	v45 =	vshll.u32 v45, $0x7;
	v51 =	vor.u32 v6, v46  }
0x155: {  	v52 =	vor.u32 v7, v46;
	v53 =	vand.u32 $0x380, v45;
	v55 =	vand.u32 $0x400, v45;
	v47 =	vld.idx.msk [tilespmem:v47+s15+$0x0], $0xffff  }
0x156: {  	v54 =	vor.u32 v8, v46;
	v53 =	vor.u32 v10, v53;
	v57 =	vor.u32 v11, v55;
	v48 =	vld.idx.msk [tilespmem:v48+s15+$0x0], $0xffff  }
0x157: {  	v56 =	vor.u32 v9, v46;
	v59 =	vor.u32 v12, v55;
	v58 =	vor.u32 v53, v57;
	v49 =	vld.idx.msk [tilespmem:v49+s15+$0x0], $0xffff  }
0x158: {  	v61 =	vor.u32 v13, v55;
	v60 =	vor.u32 v53, v59;
	v50 =	vld.idx.msk [tilespmem:v50+s15+$0x0], $0xffff  }
0x159: {  	v55 =	vor.u32 v14, v55;
	v62 =	vor.u32 v53, v61;
	v51 =	vld.idx.msk [tilespmem:v51+s15+$0x0], $0xffff  }
0x15a: {  	v53 =	vor.u32 v53, v55;
	v52 =	vld.idx.msk [tilespmem:v52+s15+$0x0], $0xffff  }
0x15b: {  	v54 =	vld.idx.msk [tilespmem:v54+s15+$0x0], $0xffff  }
0x15c: {  	v63 =	vor.u32 v16, v46;
	v56 =	vld.idx.msk [tilespmem:v56+s15+$0x0], $0xffff;
	[tilespmem:v58+s26+$0x0] =	vst.idx.msk $0xffff, v47  }
0x15d: {  	v47 =	vor.u32 v17, v46;
	v58 =	vor.u32 v5, v45;
	[tilespmem:v60+s26+$0x0] =	vst.idx.msk $0xffff, v48  }
0x15e: {  	v48 =	vor.u32 v18, v46;
	v58 =	vand.u32 $0x398, v58;
	[tilespmem:v62+s26+$0x0] =	vst.idx.msk $0xffff, v49  }
0x15f: {  	v49 =	vor.u32 v19, v46;
	[tilespmem:v53+s26+$0x0] =	vst.idx.msk $0xffff, v50;
	v50 =	vor.u32 v58, v57  }
0x160: {  	v60 =	vor.u32 v58, v59  }
0x161: {  	v62 =	vor.u32 v58, v61;
	v53 =	vld.idx.msk [tilespmem:v63+s15+$0x0], $0xffff  }
0x162: {  	v58 =	vor.u32 v58, v55;
	v47 =	vld.idx.msk [tilespmem:v47+s15+$0x0], $0xffff  }
0x163: {  	v48 =	vld.idx.msk [tilespmem:v48+s15+$0x0], $0xffff  }
0x164: {  	v63 =	vor.u32 v21, v46;
	v49 =	vld.idx.msk [tilespmem:v49+s15+$0x0], $0xffff;
	[tilespmem:v50+s26+$0x0] =	vst.idx.msk $0xffff, v51  }
0x165: {  	v50 =	vor.u32 v22, v46;
	v51 =	vor.u32 v15, v45;
	[tilespmem:v60+s26+$0x0] =	vst.idx.msk $0xffff, v52  }
0x166: {  	v52 =	vor.u32 v23, v46;
	v51 =	vand.u32 $0x3A8, v51;
	[tilespmem:v62+s26+$0x0] =	vst.idx.msk $0xffff, v54  }
0x167: {  	v54 =	vor.u32 v24, v46;
	[tilespmem:v58+s26+$0x0] =	vst.idx.msk $0xffff, v56;
	v56 =	vor.u32 v51, v57  }
0x168: {  	v60 =	vor.u32 v51, v59  }
0x169: {  	v62 =	vor.u32 v51, v61;
	v58 =	vld.idx.msk [tilespmem:v63+s15+$0x0], $0xffff  }
0x16a: {  	v51 =	vor.u32 v51, v55;
	v50 =	vld.idx.msk [tilespmem:v50+s15+$0x0], $0xffff  }
0x16b: {  	v52 =	vld.idx.msk [tilespmem:v52+s15+$0x0], $0xffff  }
0x16c: {  	v63 =	vor.u32 v26, v46;
	v54 =	vld.idx.msk [tilespmem:v54+s15+$0x0], $0xffff;
	[tilespmem:v56+s26+$0x0] =	vst.idx.msk $0xffff, v53  }
0x16d: {  	v53 =	vor.u32 v27, v46;
	v56 =	vor.u32 v20, v45;
	[tilespmem:v60+s26+$0x0] =	vst.idx.msk $0xffff, v47  }
0x16e: {  	v47 =	vor.u32 v28, v46;
	v56 =	vand.u32 $0x3B8, v56;
	[tilespmem:v62+s26+$0x0] =	vst.idx.msk $0xffff, v48  }
0x16f: {  	v48 =	vor.u32 v29, v46;
	[tilespmem:v51+s26+$0x0] =	vst.idx.msk $0xffff, v49;
	v49 =	vor.u32 v56, v57  }
0x170: {  	v60 =	vor.u32 v56, v59  }
0x171: {  	v62 =	vor.u32 v56, v61;
	v51 =	vld.idx.msk [tilespmem:v63+s15+$0x0], $0xffff  }
0x172: {  	v56 =	vor.u32 v56, v55;
	v53 =	vld.idx.msk [tilespmem:v53+s15+$0x0], $0xffff  }
0x173: {  	v47 =	vld.idx.msk [tilespmem:v47+s15+$0x0], $0xffff  }
0x174: {  	v63 =	vor.u32 v31, v46;
	v48 =	vld.idx.msk [tilespmem:v48+s15+$0x0], $0xffff;
	[tilespmem:v49+s26+$0x0] =	vst.idx.msk $0xffff, v58  }
0x175: {  	v49 =	vor.u32 v32, v46;
	v58 =	vor.u32 v25, v45;
	[tilespmem:v60+s26+$0x0] =	vst.idx.msk $0xffff, v50  }
0x176: {  	v50 =	vor.u32 v33, v46;
	v58 =	vand.u32 $0x3C8, v58;
	[tilespmem:v62+s26+$0x0] =	vst.idx.msk $0xffff, v52  }
0x177: {  	v52 =	vor.u32 v34, v46;
	[tilespmem:v56+s26+$0x0] =	vst.idx.msk $0xffff, v54;
	v54 =	vor.u32 v58, v57  }
0x178: {  	v60 =	vor.u32 v58, v59  }
0x179: {  	v62 =	vor.u32 v58, v61;
	v56 =	vld.idx.msk [tilespmem:v63+s15+$0x0], $0xffff  }
0x17a: {  	v58 =	vor.u32 v58, v55;
	v49 =	vld.idx.msk [tilespmem:v49+s15+$0x0], $0xffff  }
0x17b: {  	v50 =	vld.idx.msk [tilespmem:v50+s15+$0x0], $0xffff  }
0x17c: {  	v63 =	vor.u32 v36, v46;
	v52 =	vld.idx.msk [tilespmem:v52+s15+$0x0], $0xffff;
	[tilespmem:v54+s26+$0x0] =	vst.idx.msk $0xffff, v51  }
0x17d: {  	v51 =	vor.u32 v37, v46;
	v54 =	vor.u32 v30, v45;
	[tilespmem:v60+s26+$0x0] =	vst.idx.msk $0xffff, v53  }
0x17e: {  	v53 =	vor.u32 v38, v46;
	v54 =	vand.u32 $0x3D8, v54;
	[tilespmem:v62+s26+$0x0] =	vst.idx.msk $0xffff, v47  }
0x17f: {  	v47 =	vor.u32 v39, v46;
	[tilespmem:v58+s26+$0x0] =	vst.idx.msk $0xffff, v48;
	v48 =	vor.u32 v54, v57  }
0x180: {  	v60 =	vor.u32 v54, v59  }
0x181: {  	v62 =	vor.u32 v54, v61;
	v58 =	vld.idx.msk [tilespmem:v63+s15+$0x0], $0xffff  }
0x182: {  	v54 =	vor.u32 v54, v55;
	v51 =	vld.idx.msk [tilespmem:v51+s15+$0x0], $0xffff  }
0x183: {  	v53 =	vld.idx.msk [tilespmem:v53+s15+$0x0], $0xffff  }
0x184: {  	v63 =	vor.u32 v41, v46;
	v47 =	vld.idx.msk [tilespmem:v47+s15+$0x0], $0xffff;
	[tilespmem:v48+s26+$0x0] =	vst.idx.msk $0xffff, v56  }
0x185: {  	v48 =	vor.u32 v42, v46;
	v56 =	vor.u32 v35, v45;
	[tilespmem:v60+s26+$0x0] =	vst.idx.msk $0xffff, v49  }
0x186: {  	v49 =	vor.u32 v43, v46;
	[tilespmem:v62+s26+$0x0] =	vst.idx.msk $0xffff, v50;
	v50 =	vand.u32 $0x3E8, v56  }
0x187: {  	v46 =	vor.u32 v44, v46;
	[tilespmem:v54+s26+$0x0] =	vst.idx.msk $0xffff, v52;
	v52 =	vor.u32 v50, v57  }
0x188: {  	v56 =	vor.u32 v50, v59  }
0x189: {  	v45 =	vor.u32 v40, v45;
	v60 =	vor.u32 v50, v61;
	v54 =	vld.idx.msk [tilespmem:v63+s15+$0x0], $0xffff  }
0x18a: {  	v45 =	vand.u32 $0x3F8, v45;
	v50 =	vor.u32 v50, v55;
	v48 =	vld.idx.msk [tilespmem:v48+s15+$0x0], $0xffff  }
0x18b: {  	v57 =	vor.u32 v45, v57;
	v49 =	vld.idx.msk [tilespmem:v49+s15+$0x0], $0xffff  }
0x18c: {  	s13 =	sadd.s32 $0x1, s10;
	v46 =	vld.idx.msk [tilespmem:v46+s15+$0x0], $0xffff;
	[tilespmem:v52+s26+$0x0] =	vst.idx.msk $0xffff, v58;
	v52 =	vor.u32 v45, v59  }
0x18d: {  	v62 =	vadd.s32 s13, v0;
	v61 =	vor.u32 v45, v61;
	[tilespmem:v56+s26+$0x0] =	vst.idx.msk $0xffff, v51  }
0x18e: {  	v63 =	vor.u32 v45, v55;
	v45 =	vand.u32 $0xF, v62;
	[tilespmem:v60+s26+$0x0] =	vst.idx.msk $0xffff, v53  }
0x18f: {  	v55 =	vor.u32 v1, v45;
	[tilespmem:v50+s26+$0x0] =	vst.idx.msk $0xffff, v47  }
0x190: {  	v58 =	vor.u32 v2, v45;
	[tilespmem:v57+s26+$0x0] =	vst.idx.msk $0xffff, v54  }
0x191: {  	v59 =	vor.u32 v3, v45;
	[tilespmem:v52+s26+$0x0] =	vst.idx.msk $0xffff, v48  }
0x192: {  	v60 =	vor.u32 v4, v45;
	[tilespmem:v61+s26+$0x0] =	vst.idx.msk $0xffff, v49  }
0x193: {  	v61 =	vor.u32 v6, v45;
	[tilespmem:v63+s26+$0x0] =	vst.idx.msk $0xffff, v46  }
0x194: {  	v51 =	vshll.u32 v62, $0x7;
	v47 =	vld.idx.msk [tilespmem:v55+s15+$0x0], $0xffff  }
0x195: {  	v56 =	vor.u32 v9, v45;
	v62 =	vand.u32 $0x380, v51;
	v50 =	vld.idx.msk [tilespmem:v58+s15+$0x0], $0xffff;
	v55 =	vand.u32 $0x400, v51  }
0x196: {  	v53 =	vor.u32 v10, v62;
	v54 =	vor.u32 v8, v45;
	v48 =	vld.idx.msk [tilespmem:v59+s15+$0x0], $0xffff;
	v57 =	vor.u32 v11, v55  }
0x197: {  	v52 =	vor.u32 v7, v45;
	v49 =	vld.idx.msk [tilespmem:v60+s15+$0x0], $0xffff;
	v59 =	vor.u32 v12, v55;
	v58 =	vor.u32 v53, v57  }
0x198: {  	v60 =	vor.u32 v53, v59;
	v46 =	vld.idx.msk [tilespmem:v61+s15+$0x0], $0xffff;
	v61 =	vor.u32 v13, v55  }
0x199: {  	v55 =	vor.u32 v14, v55;
	v62 =	vor.u32 v53, v61  }
0x19a: {  	v56 =	vld.idx.msk [tilespmem:v56+s15+$0x0], $0xffff;
	v53 =	vor.u32 v53, v55  }
0x19b: {  	v54 =	vld.idx.msk [tilespmem:v54+s15+$0x0], $0xffff  }
0x19c: {  	v63 =	vor.u32 v16, v45;
	v52 =	vld.idx.msk [tilespmem:v52+s15+$0x0], $0xffff;
	[tilespmem:v58+s26+$0x0] =	vst.idx.msk $0xffff, v47  }
0x19d: {  	v47 =	vor.u32 v17, v45;
	v58 =	vor.u32 v5, v51;
	[tilespmem:v60+s26+$0x0] =	vst.idx.msk $0xffff, v50  }
0x19e: {  	v50 =	vor.u32 v18, v45;
	v58 =	vand.u32 $0x398, v58;
	[tilespmem:v62+s26+$0x0] =	vst.idx.msk $0xffff, v48  }
0x19f: {  	v48 =	vor.u32 v19, v45;
	[tilespmem:v53+s26+$0x0] =	vst.idx.msk $0xffff, v49;
	v49 =	vor.u32 v58, v57  }
0x1a0: {  	v60 =	vor.u32 v58, v59  }
0x1a1: {  	v62 =	vor.u32 v58, v61;
	v53 =	vld.idx.msk [tilespmem:v63+s15+$0x0], $0xffff  }
0x1a2: {  	v58 =	vor.u32 v58, v55;
	v47 =	vld.idx.msk [tilespmem:v47+s15+$0x0], $0xffff  }
0x1a3: {  	v50 =	vld.idx.msk [tilespmem:v50+s15+$0x0], $0xffff  }
0x1a4: {  	v63 =	vor.u32 v21, v45;
	v48 =	vld.idx.msk [tilespmem:v48+s15+$0x0], $0xffff;
	[tilespmem:v49+s26+$0x0] =	vst.idx.msk $0xffff, v46  }
0x1a5: {  	v46 =	vor.u32 v22, v45;
	v49 =	vor.u32 v15, v51;
	[tilespmem:v60+s26+$0x0] =	vst.idx.msk $0xffff, v52  }
0x1a6: {  	v52 =	vor.u32 v23, v45;
	v49 =	vand.u32 $0x3A8, v49;
	[tilespmem:v62+s26+$0x0] =	vst.idx.msk $0xffff, v54  }
0x1a7: {  	v54 =	vor.u32 v24, v45;
	[tilespmem:v58+s26+$0x0] =	vst.idx.msk $0xffff, v56;
	v56 =	vor.u32 v49, v57  }
0x1a8: {  	v60 =	vor.u32 v49, v59  }
0x1a9: {  	v62 =	vor.u32 v49, v61;
	v58 =	vld.idx.msk [tilespmem:v63+s15+$0x0], $0xffff  }
0x1aa: {  	v49 =	vor.u32 v49, v55;
	v46 =	vld.idx.msk [tilespmem:v46+s15+$0x0], $0xffff  }
0x1ab: {  	v52 =	vld.idx.msk [tilespmem:v52+s15+$0x0], $0xffff  }
0x1ac: {  	v63 =	vor.u32 v26, v45;
	v54 =	vld.idx.msk [tilespmem:v54+s15+$0x0], $0xffff;
	[tilespmem:v56+s26+$0x0] =	vst.idx.msk $0xffff, v53  }
0x1ad: {  	v53 =	vor.u32 v27, v45;
	v56 =	vor.u32 v20, v51;
	[tilespmem:v60+s26+$0x0] =	vst.idx.msk $0xffff, v47  }
0x1ae: {  	v47 =	vor.u32 v28, v45;
	v56 =	vand.u32 $0x3B8, v56;
	[tilespmem:v62+s26+$0x0] =	vst.idx.msk $0xffff, v50  }
0x1af: {  	v50 =	vor.u32 v29, v45;
	[tilespmem:v49+s26+$0x0] =	vst.idx.msk $0xffff, v48;
	v48 =	vor.u32 v56, v57  }
0x1b0: {  	v60 =	vor.u32 v56, v59  }
0x1b1: {  	v62 =	vor.u32 v56, v61;
	v49 =	vld.idx.msk [tilespmem:v63+s15+$0x0], $0xffff  }
0x1b2: {  	v56 =	vor.u32 v56, v55;
	v53 =	vld.idx.msk [tilespmem:v53+s15+$0x0], $0xffff  }
0x1b3: {  	v47 =	vld.idx.msk [tilespmem:v47+s15+$0x0], $0xffff  }
0x1b4: {  	v63 =	vor.u32 v31, v45;
	v50 =	vld.idx.msk [tilespmem:v50+s15+$0x0], $0xffff;
	[tilespmem:v48+s26+$0x0] =	vst.idx.msk $0xffff, v58  }
0x1b5: {  	v48 =	vor.u32 v32, v45;
	v58 =	vor.u32 v25, v51;
	[tilespmem:v60+s26+$0x0] =	vst.idx.msk $0xffff, v46  }
0x1b6: {  	v46 =	vor.u32 v33, v45;
	v58 =	vand.u32 $0x3C8, v58;
	[tilespmem:v62+s26+$0x0] =	vst.idx.msk $0xffff, v52  }
0x1b7: {  	v52 =	vor.u32 v34, v45;
	[tilespmem:v56+s26+$0x0] =	vst.idx.msk $0xffff, v54;
	v54 =	vor.u32 v58, v57  }
0x1b8: {  	v60 =	vor.u32 v58, v59  }
0x1b9: {  	v62 =	vor.u32 v58, v61;
	v56 =	vld.idx.msk [tilespmem:v63+s15+$0x0], $0xffff  }
0x1ba: {  	v58 =	vor.u32 v58, v55;
	v48 =	vld.idx.msk [tilespmem:v48+s15+$0x0], $0xffff  }
0x1bb: {  	v46 =	vld.idx.msk [tilespmem:v46+s15+$0x0], $0xffff  }
0x1bc: {  	v63 =	vor.u32 v36, v45;
	v52 =	vld.idx.msk [tilespmem:v52+s15+$0x0], $0xffff;
	[tilespmem:v54+s26+$0x0] =	vst.idx.msk $0xffff, v49  }
0x1bd: {  	v49 =	vor.u32 v37, v45;
	v54 =	vor.u32 v30, v51;
	[tilespmem:v60+s26+$0x0] =	vst.idx.msk $0xffff, v53  }
0x1be: {  	v53 =	vor.u32 v38, v45;
	v54 =	vand.u32 $0x3D8, v54;
	[tilespmem:v62+s26+$0x0] =	vst.idx.msk $0xffff, v47  }
0x1bf: {  	v47 =	vor.u32 v39, v45;
	[tilespmem:v58+s26+$0x0] =	vst.idx.msk $0xffff, v50;
	v50 =	vor.u32 v54, v57  }
0x1c0: {  	v60 =	vor.u32 v54, v59  }
0x1c1: {  	v62 =	vor.u32 v54, v61;
	v58 =	vld.idx.msk [tilespmem:v63+s15+$0x0], $0xffff  }
0x1c2: {  	v54 =	vor.u32 v54, v55;
	v49 =	vld.idx.msk [tilespmem:v49+s15+$0x0], $0xffff  }
0x1c3: {  	v53 =	vld.idx.msk [tilespmem:v53+s15+$0x0], $0xffff  }
0x1c4: {  	v63 =	vor.u32 v41, v45;
	v47 =	vld.idx.msk [tilespmem:v47+s15+$0x0], $0xffff;
	[tilespmem:v50+s26+$0x0] =	vst.idx.msk $0xffff, v56  }
0x1c5: {  	v50 =	vor.u32 v42, v45;
	v56 =	vor.u32 v35, v51;
	[tilespmem:v60+s26+$0x0] =	vst.idx.msk $0xffff, v48  }
0x1c6: {  	v48 =	vor.u32 v43, v45;
	[tilespmem:v62+s26+$0x0] =	vst.idx.msk $0xffff, v46;
	v46 =	vand.u32 $0x3E8, v56  }
0x1c7: {  	v45 =	vor.u32 v44, v45;
	[tilespmem:v54+s26+$0x0] =	vst.idx.msk $0xffff, v52;
	v52 =	vor.u32 v46, v57  }
0x1c8: {  	v56 =	vor.u32 v46, v59  }
0x1c9: {  	v51 =	vor.u32 v40, v51;
	v60 =	vor.u32 v46, v61;
	v54 =	vld.idx.msk [tilespmem:v63+s15+$0x0], $0xffff  }
0x1ca: {  	v51 =	vand.u32 $0x3F8, v51;
	v46 =	vor.u32 v46, v55;
	v50 =	vld.idx.msk [tilespmem:v50+s15+$0x0], $0xffff  }
0x1cb: {  	v57 =	vor.u32 v51, v57;
	v48 =	vld.idx.msk [tilespmem:v48+s15+$0x0], $0xffff  }
0x1cc: {  	s13 =	sadd.s32 $0x2, s10;
	v62 =	vld.idx.msk [tilespmem:v45+s15+$0x0], $0xffff;
	[tilespmem:v52+s26+$0x0] =	vst.idx.msk $0xffff, v58;
	v52 =	vor.u32 v51, v59  }
0x1cd: {  	v63 =	vor.u32 v51, v61;
	[tilespmem:v56+s26+$0x0] =	vst.idx.msk $0xffff, v49;
	v56 =	vadd.s32 s13, v0  }
0x1ce: {  	v51 =	vor.u32 v51, v55;
	[tilespmem:v60+s26+$0x0] =	vst.idx.msk $0xffff, v53;
	v45 =	vand.u32 $0xF, v56  }
0x1cf: {  	[tilespmem:v46+s26+$0x0] =	vst.idx.msk $0xffff, v47;
	v55 =	vor.u32 v1, v45  }
0x1d0: {  	v58 =	vor.u32 v2, v45;
	[tilespmem:v57+s26+$0x0] =	vst.idx.msk $0xffff, v54  }
0x1d1: {  	v59 =	vor.u32 v3, v45;
	[tilespmem:v52+s26+$0x0] =	vst.idx.msk $0xffff, v50  }
0x1d2: {  	v61 =	vor.u32 v4, v45;
	[tilespmem:v63+s26+$0x0] =	vst.idx.msk $0xffff, v48  }
0x1d3: {  	v54 =	vor.u32 v8, v45;
	[tilespmem:v51+s26+$0x0] =	vst.idx.msk $0xffff, v62;
	v51 =	vshll.u32 v56, $0x7  }
0x1d4: {  	v52 =	vor.u32 v7, v45;
	v46 =	vld.idx.msk [tilespmem:v55+s15+$0x0], $0xffff;
	v60 =	vand.u32 $0x380, v51;
	v55 =	vand.u32 $0x400, v51  }
0x1d5: {  	v63 =	vor.u32 v6, v45;
	v47 =	vld.idx.msk [tilespmem:v58+s15+$0x0], $0xffff;
	v53 =	vor.u32 v10, v60;
	v57 =	vor.u32 v11, v55  }
0x1d6: {  	v56 =	vor.u32 v9, v45;
	v50 =	vld.idx.msk [tilespmem:v59+s15+$0x0], $0xffff;
	v59 =	vor.u32 v12, v55;
	v58 =	vor.u32 v53, v57  }
0x1d7: {  	v48 =	vld.idx.msk [tilespmem:v61+s15+$0x0], $0xffff;
	v61 =	vor.u32 v13, v55;
	v60 =	vor.u32 v53, v59  }
0x1d8: {  	v55 =	vor.u32 v14, v55;
	v54 =	vld.idx.msk [tilespmem:v54+s15+$0x0], $0xffff;
	v62 =	vor.u32 v53, v61  }
0x1d9: {  	v52 =	vld.idx.msk [tilespmem:v52+s15+$0x0], $0xffff;
	v53 =	vor.u32 v53, v55  }
0x1da: {  	v49 =	vld.idx.msk [tilespmem:v63+s15+$0x0], $0xffff  }
0x1db: {  	v63 =	vor.u32 v16, v45;
	v56 =	vld.idx.msk [tilespmem:v56+s15+$0x0], $0xffff;
	[tilespmem:v58+s26+$0x0] =	vst.idx.msk $0xffff, v46  }
0x1dc: {  	v46 =	vor.u32 v17, v45;
	v58 =	vor.u32 v5, v51;
	[tilespmem:v60+s26+$0x0] =	vst.idx.msk $0xffff, v47  }
0x1dd: {  	v47 =	vor.u32 v18, v45;
	v58 =	vand.u32 $0x398, v58;
	[tilespmem:v62+s26+$0x0] =	vst.idx.msk $0xffff, v50  }
0x1de: {  	v50 =	vor.u32 v19, v45;
	[tilespmem:v53+s26+$0x0] =	vst.idx.msk $0xffff, v48;
	v48 =	vor.u32 v58, v57  }
0x1df: {  	v60 =	vor.u32 v58, v59  }
0x1e0: {  	v62 =	vor.u32 v58, v61;
	v53 =	vld.idx.msk [tilespmem:v63+s15+$0x0], $0xffff  }
0x1e1: {  	v58 =	vor.u32 v58, v55;
	v46 =	vld.idx.msk [tilespmem:v46+s15+$0x0], $0xffff  }
0x1e2: {  	v47 =	vld.idx.msk [tilespmem:v47+s15+$0x0], $0xffff  }
0x1e3: {  	v63 =	vor.u32 v21, v45;
	v50 =	vld.idx.msk [tilespmem:v50+s15+$0x0], $0xffff;
	[tilespmem:v48+s26+$0x0] =	vst.idx.msk $0xffff, v49  }
0x1e4: {  	v48 =	vor.u32 v22, v45;
	v49 =	vor.u32 v15, v51;
	[tilespmem:v60+s26+$0x0] =	vst.idx.msk $0xffff, v52  }
0x1e5: {  	v52 =	vor.u32 v23, v45;
	v49 =	vand.u32 $0x3A8, v49;
	[tilespmem:v62+s26+$0x0] =	vst.idx.msk $0xffff, v54  }
0x1e6: {  	v54 =	vor.u32 v24, v45;
	[tilespmem:v58+s26+$0x0] =	vst.idx.msk $0xffff, v56;
	v56 =	vor.u32 v49, v57  }
0x1e7: {  	v60 =	vor.u32 v49, v59  }
0x1e8: {  	v62 =	vor.u32 v49, v61;
	v58 =	vld.idx.msk [tilespmem:v63+s15+$0x0], $0xffff  }
0x1e9: {  	v49 =	vor.u32 v49, v55;
	v48 =	vld.idx.msk [tilespmem:v48+s15+$0x0], $0xffff  }
0x1ea: {  	v52 =	vld.idx.msk [tilespmem:v52+s15+$0x0], $0xffff  }
0x1eb: {  	v63 =	vor.u32 v26, v45;
	v54 =	vld.idx.msk [tilespmem:v54+s15+$0x0], $0xffff;
	[tilespmem:v56+s26+$0x0] =	vst.idx.msk $0xffff, v53  }
0x1ec: {  	v53 =	vor.u32 v27, v45;
	v56 =	vor.u32 v20, v51;
	[tilespmem:v60+s26+$0x0] =	vst.idx.msk $0xffff, v46  }
0x1ed: {  	v46 =	vor.u32 v28, v45;
	v56 =	vand.u32 $0x3B8, v56;
	[tilespmem:v62+s26+$0x0] =	vst.idx.msk $0xffff, v47  }
0x1ee: {  	v47 =	vor.u32 v29, v45;
	[tilespmem:v49+s26+$0x0] =	vst.idx.msk $0xffff, v50;
	v49 =	vor.u32 v56, v57  }
0x1ef: {  	v60 =	vor.u32 v56, v59  }
0x1f0: {  	v62 =	vor.u32 v56, v61;
	v50 =	vld.idx.msk [tilespmem:v63+s15+$0x0], $0xffff  }
0x1f1: {  	v56 =	vor.u32 v56, v55;
	v53 =	vld.idx.msk [tilespmem:v53+s15+$0x0], $0xffff  }
0x1f2: {  	v46 =	vld.idx.msk [tilespmem:v46+s15+$0x0], $0xffff  }
0x1f3: {  	v63 =	vor.u32 v31, v45;
	v47 =	vld.idx.msk [tilespmem:v47+s15+$0x0], $0xffff;
	[tilespmem:v49+s26+$0x0] =	vst.idx.msk $0xffff, v58  }
0x1f4: {  	v49 =	vor.u32 v32, v45;
	v58 =	vor.u32 v25, v51;
	[tilespmem:v60+s26+$0x0] =	vst.idx.msk $0xffff, v48  }
0x1f5: {  	v48 =	vor.u32 v33, v45;
	v58 =	vand.u32 $0x3C8, v58;
	[tilespmem:v62+s26+$0x0] =	vst.idx.msk $0xffff, v52  }
0x1f6: {  	v52 =	vor.u32 v34, v45;
	[tilespmem:v56+s26+$0x0] =	vst.idx.msk $0xffff, v54;
	v54 =	vor.u32 v58, v57  }
0x1f7: {  	v60 =	vor.u32 v58, v59  }
0x1f8: {  	v62 =	vor.u32 v58, v61;
	v56 =	vld.idx.msk [tilespmem:v63+s15+$0x0], $0xffff  }
0x1f9: {  	v58 =	vor.u32 v58, v55;
	v49 =	vld.idx.msk [tilespmem:v49+s15+$0x0], $0xffff  }
0x1fa: {  	v48 =	vld.idx.msk [tilespmem:v48+s15+$0x0], $0xffff  }
0x1fb: {  	v63 =	vor.u32 v36, v45;
	v52 =	vld.idx.msk [tilespmem:v52+s15+$0x0], $0xffff;
	[tilespmem:v54+s26+$0x0] =	vst.idx.msk $0xffff, v50  }
0x1fc: {  	v50 =	vor.u32 v37, v45;
	v54 =	vor.u32 v30, v51;
	[tilespmem:v60+s26+$0x0] =	vst.idx.msk $0xffff, v53  }
0x1fd: {  	v53 =	vor.u32 v38, v45;
	v54 =	vand.u32 $0x3D8, v54;
	[tilespmem:v62+s26+$0x0] =	vst.idx.msk $0xffff, v46  }
0x1fe: {  	v46 =	vor.u32 v39, v45;
	[tilespmem:v58+s26+$0x0] =	vst.idx.msk $0xffff, v47;
	v47 =	vor.u32 v54, v57  }
0x1ff: {  	v60 =	vor.u32 v54, v59  }
0x200: {  	v62 =	vor.u32 v54, v61;
	v58 =	vld.idx.msk [tilespmem:v63+s15+$0x0], $0xffff  }
0x201: {  	v54 =	vor.u32 v54, v55;
	v50 =	vld.idx.msk [tilespmem:v50+s15+$0x0], $0xffff  }
0x202: {  	v53 =	vld.idx.msk [tilespmem:v53+s15+$0x0], $0xffff  }
0x203: {  	v63 =	vor.u32 v41, v45;
	v46 =	vld.idx.msk [tilespmem:v46+s15+$0x0], $0xffff;
	[tilespmem:v47+s26+$0x0] =	vst.idx.msk $0xffff, v56  }
0x204: {  	v47 =	vor.u32 v42, v45;
	v56 =	vor.u32 v35, v51;
	[tilespmem:v60+s26+$0x0] =	vst.idx.msk $0xffff, v49  }
0x205: {  	v49 =	vor.u32 v43, v45;
	[tilespmem:v62+s26+$0x0] =	vst.idx.msk $0xffff, v48;
	v48 =	vand.u32 $0x3E8, v56  }
0x206: {  	v45 =	vor.u32 v44, v45;
	[tilespmem:v54+s26+$0x0] =	vst.idx.msk $0xffff, v52;
	v52 =	vor.u32 v48, v57  }
0x207: {  	v56 =	vor.u32 v48, v59  }
0x208: {  	v51 =	vor.u32 v40, v51;
	v60 =	vor.u32 v48, v61;
	v54 =	vld.idx.msk [tilespmem:v63+s15+$0x0], $0xffff  }
0x209: {  	v51 =	vand.u32 $0x3F8, v51;
	v48 =	vor.u32 v48, v55;
	v47 =	vld.idx.msk [tilespmem:v47+s15+$0x0], $0xffff  }
0x20a: {  	v57 =	vor.u32 v51, v57;
	v49 =	vld.idx.msk [tilespmem:v49+s15+$0x0], $0xffff  }
0x20b: {  	s13 =	sadd.s32 $0x3, s10;
	v62 =	vld.idx.msk [tilespmem:v45+s15+$0x0], $0xffff;
	[tilespmem:v52+s26+$0x0] =	vst.idx.msk $0xffff, v58;
	v52 =	vor.u32 v51, v59  }
0x20c: {  	v61 =	vor.u32 v51, v61;
	v63 =	vadd.s32 s13, v0;
	[tilespmem:v56+s26+$0x0] =	vst.idx.msk $0xffff, v50  }
0x20d: {  	v45 =	vand.u32 $0xF, v63;
	v51 =	vor.u32 v51, v55;
	[tilespmem:v60+s26+$0x0] =	vst.idx.msk $0xffff, v53  }
0x20e: {  	v58 =	vor.u32 v1, v45;
	[tilespmem:v48+s26+$0x0] =	vst.idx.msk $0xffff, v46  }
0x20f: {  	v59 =	vor.u32 v2, v45;
	[tilespmem:v57+s26+$0x0] =	vst.idx.msk $0xffff, v54  }
0x210: {  	v60 =	vor.u32 v3, v45;
	[tilespmem:v52+s26+$0x0] =	vst.idx.msk $0xffff, v47  }
0x211: {  	[tilespmem:v61+s26+$0x0] =	vst.idx.msk $0xffff, v49;
	v61 =	vor.u32 v4, v45  }
0x212: {  	[tilespmem:v51+s26+$0x0] =	vst.idx.msk $0xffff, v62;
	v62 =	vor.u32 v6, v45;
	v51 =	vshll.u32 v63, $0x7  }
0x213: {  	v56 =	vor.u32 v9, v45;
	v46 =	vld.idx.msk [tilespmem:v58+s15+$0x0], $0xffff;
	v63 =	vand.u32 $0x380, v51;
	v55 =	vand.u32 $0x400, v51  }
0x214: {  	v54 =	vor.u32 v8, v45;
	v48 =	vld.idx.msk [tilespmem:v59+s15+$0x0], $0xffff;
	v53 =	vor.u32 v10, v63;
	v57 =	vor.u32 v11, v55  }
0x215: {  	v52 =	vor.u32 v7, v45;
	v47 =	vld.idx.msk [tilespmem:v60+s15+$0x0], $0xffff;
	v59 =	vor.u32 v12, v55;
	v58 =	vor.u32 v53, v57  }
0x216: {  	v60 =	vor.u32 v53, v59;
	v49 =	vld.idx.msk [tilespmem:v61+s15+$0x0], $0xffff;
	v61 =	vor.u32 v13, v55  }
0x217: {  	v55 =	vor.u32 v14, v55;
	v50 =	vld.idx.msk [tilespmem:v62+s15+$0x0], $0xffff;
	v62 =	vor.u32 v53, v61  }
0x218: {  	v56 =	vld.idx.msk [tilespmem:v56+s15+$0x0], $0xffff;
	v53 =	vor.u32 v53, v55  }
0x219: {  	v54 =	vld.idx.msk [tilespmem:v54+s15+$0x0], $0xffff  }
0x21a: {  	v63 =	vor.u32 v16, v45;
	v52 =	vld.idx.msk [tilespmem:v52+s15+$0x0], $0xffff;
	[tilespmem:v58+s26+$0x0] =	vst.idx.msk $0xffff, v46  }
0x21b: {  	v46 =	vor.u32 v17, v45;
	v58 =	vor.u32 v5, v51;
	[tilespmem:v60+s26+$0x0] =	vst.idx.msk $0xffff, v48  }
0x21c: {  	v48 =	vor.u32 v18, v45;
	v58 =	vand.u32 $0x398, v58;
	[tilespmem:v62+s26+$0x0] =	vst.idx.msk $0xffff, v47  }
0x21d: {  	v47 =	vor.u32 v19, v45;
	[tilespmem:v53+s26+$0x0] =	vst.idx.msk $0xffff, v49;
	v49 =	vor.u32 v58, v57  }
0x21e: {  	v60 =	vor.u32 v58, v59  }
0x21f: {  	v62 =	vor.u32 v58, v61;
	v53 =	vld.idx.msk [tilespmem:v63+s15+$0x0], $0xffff  }
0x220: {  	v58 =	vor.u32 v58, v55;
	v46 =	vld.idx.msk [tilespmem:v46+s15+$0x0], $0xffff  }
0x221: {  	v48 =	vld.idx.msk [tilespmem:v48+s15+$0x0], $0xffff  }
0x222: {  	v63 =	vor.u32 v21, v45;
	v47 =	vld.idx.msk [tilespmem:v47+s15+$0x0], $0xffff;
	[tilespmem:v49+s26+$0x0] =	vst.idx.msk $0xffff, v50  }
0x223: {  	v49 =	vor.u32 v22, v45;
	v50 =	vor.u32 v15, v51;
	[tilespmem:v60+s26+$0x0] =	vst.idx.msk $0xffff, v52  }
0x224: {  	v52 =	vor.u32 v23, v45;
	v50 =	vand.u32 $0x3A8, v50;
	[tilespmem:v62+s26+$0x0] =	vst.idx.msk $0xffff, v54  }
0x225: {  	v54 =	vor.u32 v24, v45;
	[tilespmem:v58+s26+$0x0] =	vst.idx.msk $0xffff, v56;
	v56 =	vor.u32 v50, v57  }
0x226: {  	v60 =	vor.u32 v50, v59  }
0x227: {  	v62 =	vor.u32 v50, v61;
	v58 =	vld.idx.msk [tilespmem:v63+s15+$0x0], $0xffff  }
0x228: {  	v50 =	vor.u32 v50, v55;
	v49 =	vld.idx.msk [tilespmem:v49+s15+$0x0], $0xffff  }
0x229: {  	v52 =	vld.idx.msk [tilespmem:v52+s15+$0x0], $0xffff  }
0x22a: {  	v63 =	vor.u32 v26, v45;
	v54 =	vld.idx.msk [tilespmem:v54+s15+$0x0], $0xffff;
	[tilespmem:v56+s26+$0x0] =	vst.idx.msk $0xffff, v53  }
0x22b: {  	v53 =	vor.u32 v27, v45;
	v56 =	vor.u32 v20, v51;
	[tilespmem:v60+s26+$0x0] =	vst.idx.msk $0xffff, v46  }
0x22c: {  	v46 =	vor.u32 v28, v45;
	v56 =	vand.u32 $0x3B8, v56;
	[tilespmem:v62+s26+$0x0] =	vst.idx.msk $0xffff, v48  }
0x22d: {  	v48 =	vor.u32 v29, v45;
	[tilespmem:v50+s26+$0x0] =	vst.idx.msk $0xffff, v47;
	v47 =	vor.u32 v56, v57  }
0x22e: {  	v60 =	vor.u32 v56, v59  }
0x22f: {  	v62 =	vor.u32 v56, v61;
	v50 =	vld.idx.msk [tilespmem:v63+s15+$0x0], $0xffff  }
0x230: {  	v56 =	vor.u32 v56, v55;
	v53 =	vld.idx.msk [tilespmem:v53+s15+$0x0], $0xffff  }
0x231: {  	v46 =	vld.idx.msk [tilespmem:v46+s15+$0x0], $0xffff  }
0x232: {  	v63 =	vor.u32 v31, v45;
	v48 =	vld.idx.msk [tilespmem:v48+s15+$0x0], $0xffff;
	[tilespmem:v47+s26+$0x0] =	vst.idx.msk $0xffff, v58  }
0x233: {  	v47 =	vor.u32 v32, v45;
	v58 =	vor.u32 v25, v51;
	[tilespmem:v60+s26+$0x0] =	vst.idx.msk $0xffff, v49  }
0x234: {  	v49 =	vor.u32 v33, v45;
	v58 =	vand.u32 $0x3C8, v58;
	[tilespmem:v62+s26+$0x0] =	vst.idx.msk $0xffff, v52  }
0x235: {  	v52 =	vor.u32 v34, v45;
	[tilespmem:v56+s26+$0x0] =	vst.idx.msk $0xffff, v54;
	v54 =	vor.u32 v58, v57  }
0x236: {  	v60 =	vor.u32 v58, v59  }
0x237: {  	v62 =	vor.u32 v58, v61;
	v56 =	vld.idx.msk [tilespmem:v63+s15+$0x0], $0xffff  }
0x238: {  	v58 =	vor.u32 v58, v55;
	v47 =	vld.idx.msk [tilespmem:v47+s15+$0x0], $0xffff  }
0x239: {  	v49 =	vld.idx.msk [tilespmem:v49+s15+$0x0], $0xffff  }
0x23a: {  	v63 =	vor.u32 v36, v45;
	v52 =	vld.idx.msk [tilespmem:v52+s15+$0x0], $0xffff;
	[tilespmem:v54+s26+$0x0] =	vst.idx.msk $0xffff, v50  }
0x23b: {  	v50 =	vor.u32 v37, v45;
	v54 =	vor.u32 v30, v51;
	[tilespmem:v60+s26+$0x0] =	vst.idx.msk $0xffff, v53  }
0x23c: {  	v53 =	vor.u32 v38, v45;
	v54 =	vand.u32 $0x3D8, v54;
	[tilespmem:v62+s26+$0x0] =	vst.idx.msk $0xffff, v46  }
0x23d: {  	v46 =	vor.u32 v39, v45;
	[tilespmem:v58+s26+$0x0] =	vst.idx.msk $0xffff, v48;
	v48 =	vor.u32 v54, v57  }
0x23e: {  	v60 =	vor.u32 v54, v59  }
0x23f: {  	v58 =	vld.idx.msk [tilespmem:v63+s15+$0x0], $0xffff  }
0x240: {  	v62 =	vor.u32 v54, v61;
	v50 =	vld.idx.msk [tilespmem:v50+s15+$0x0], $0xffff  }
0x241: {  	v54 =	vor.u32 v54, v55;
	v53 =	vld.idx.msk [tilespmem:v53+s15+$0x0], $0xffff  }
0x242: {  	v63 =	vor.u32 v41, v45;
	v46 =	vld.idx.msk [tilespmem:v46+s15+$0x0], $0xffff;
	[tilespmem:v48+s26+$0x0] =	vst.idx.msk $0xffff, v56  }
0x243: {  	v48 =	vor.u32 v42, v45;
	[tilespmem:v60+s26+$0x0] =	vst.idx.msk $0xffff, v47;
	v60 =	vor.u32 v35, v51  }
0x244: {  	v56 =	vor.u32 v43, v45;
	v47 =	vand.u32 $0x3E8, v60  }
0x245: {  	v45 =	vor.u32 v44, v45;
	[tilespmem:v62+s26+$0x0] =	vst.idx.msk $0xffff, v49;
	v49 =	vor.u32 v47, v57  }
0x246: {  	[tilespmem:v54+s26+$0x0] =	vst.idx.msk $0xffff, v52;
	v54 =	vor.u32 v47, v59  }
0x247: {  	v51 =	vor.u32 v40, v51;
	v60 =	vor.u32 v47, v61;
	v52 =	vld.idx.msk [tilespmem:v63+s15+$0x0], $0xffff  }
0x248: {  	v51 =	vand.u32 $0x3F8, v51;
	v47 =	vor.u32 v47, v55;
	v48 =	vld.idx.msk [tilespmem:v48+s15+$0x0], $0xffff  }
0x249: {  	v57 =	vor.u32 v51, v57;
	v56 =	vld.idx.msk [tilespmem:v56+s15+$0x0], $0xffff  }
0x24a: {  	v62 =	vor.u32 v51, v59;
	v45 =	vld.idx.msk [tilespmem:v45+s15+$0x0], $0xffff;
	[tilespmem:v49+s26+$0x0] =	vst.idx.msk $0xffff, v58  }
0x24b: {  	v63 =	vor.u32 v51, v61;
	[tilespmem:v54+s26+$0x0] =	vst.idx.msk $0xffff, v50  }
0x24c: {  	p2 =	slt.u32 s10, $0xC;
	v51 =	vor.u32 v51, v55;
	[tilespmem:v60+s26+$0x0] =	vst.idx.msk $0xffff, v53  }
.Ltmp6:
0x24d: {  	[tilespmem:v47+s26+$0x0] =	vst.idx.msk $0xffff, v46;
	(pc) =	sbr.rel @p2 .LBB2_9-.Ltmp6, $4  }
0x24e: {  	[tilespmem:v57+s26+$0x0] =	vst.idx.msk $0xffff, v52  }
0x24f: {  	[tilespmem:v62+s26+$0x0] =	vst.idx.msk $0xffff, v48  }
0x250: {  	[tilespmem:v63+s26+$0x0] =	vst.idx.msk $0xffff, v56  }
0x251: {  	s10 =	sadd.s32 $0x4, s10;
	[tilespmem:v51+s26+$0x0] =	vst.idx.msk $0xffff, v45  }
.Ltmp7:
0x252: {  	(pc) =	sbr.rel @p1 .LBB2_12-.Ltmp7, $3  }
0x253: {  	_ =	sdelay $0x1  }
0x254: {  	s10 =	sadd.s32 s5, s7  }
0x255: {  	[hbm4b:s10+s22] =	stream.strided.scatter [tilespmem:s26], [sflag:$0x6], $0x2000, s23, s22, $0x38;
	[tilespmem:$0x16400] =	vst v63  }
.Ltmp8:
0x256: {  	(pc) =	sbr.rel .LBB2_13-.Ltmp8, $4  }
0x257: {  	_ = 	snop  }
0x258: {  	_ =	swait.ge [sflag:s28], $0x2000  }
0x259: {  	[sflag:s28] =	ssyncset.done $0x0  }
0x25a: {  	[sflag:s28] =	ssyncadd.s32 $0xFFFFE000  }
.LBB2_12:
0x25b: {  	s10 =	sshrl.u32 s3, $0x2  }
.Ltmp9:
0x25c: {  	s10 =	sadd.s32 $0x280, s10;
	(pc) =	sbr.rel @p0 .LBB2_14-.Ltmp9, $4  }
0x25d: {  	[tilespmem:s15], [sflag:$0x2] =	stream.indirect.gather [hbm4b:s4+s11], $0x40, s10, s11, $0xb8;
	[tilespmem:$0x16400] =	vst v63  }
0x25e: {  	_ =	swait.ge [sflag:s28], $0x2000  }
0x25f: {  	[sflag:s28] =	ssyncset.done $0x0  }
0x260: {  	[sflag:s28] =	ssyncadd.s32 $0xFFFFE000  }
.LBB2_13:
0x261: {  	_ =	swait.ge [sflag:s29], $0x2000  }
0x262: {  	[sflag:s29] =	ssyncset.done $0x0  }
0x263: {  	[sflag:s29] =	ssyncadd.s32 $0xFFFFE000  }
.LBB2_14:
0x264: {  	s10 =	simm.s32 $0x0  }
.LBB2_15:
0x265: {  	v45 =	vadd.s32 s10, v0  }
0x266: {  	v46 =	vand.u32 $0xF, v45  }
0x267: {  	v47 =	vor.u32 v1, v46  }
0x268: {  	v48 =	vor.u32 v2, v46  }
0x269: {  	v49 =	vor.u32 v3, v46  }
0x26a: {  	v50 =	vor.u32 v4, v46  }
0x26b: {  	v45 =	vshll.u32 v45, $0x7;
	v51 =	vor.u32 v6, v46  }
0x26c: {  	v52 =	vor.u32 v7, v46;
	v53 =	vand.u32 $0x380, v45;
	v55 =	vand.u32 $0x400, v45;
	v47 =	vld.idx.msk [tilespmem:v47+s17+$0x0], $0xffff  }
0x26d: {  	v54 =	vor.u32 v8, v46;
	v53 =	vor.u32 v10, v53;
	v57 =	vor.u32 v11, v55;
	v48 =	vld.idx.msk [tilespmem:v48+s17+$0x0], $0xffff  }
0x26e: {  	v56 =	vor.u32 v9, v46;
	v59 =	vor.u32 v12, v55;
	v58 =	vor.u32 v53, v57;
	v49 =	vld.idx.msk [tilespmem:v49+s17+$0x0], $0xffff  }
0x26f: {  	v61 =	vor.u32 v13, v55;
	v60 =	vor.u32 v53, v59;
	v50 =	vld.idx.msk [tilespmem:v50+s17+$0x0], $0xffff  }
0x270: {  	v55 =	vor.u32 v14, v55;
	v62 =	vor.u32 v53, v61;
	v51 =	vld.idx.msk [tilespmem:v51+s17+$0x0], $0xffff  }
0x271: {  	v53 =	vor.u32 v53, v55;
	v52 =	vld.idx.msk [tilespmem:v52+s17+$0x0], $0xffff  }
0x272: {  	v54 =	vld.idx.msk [tilespmem:v54+s17+$0x0], $0xffff  }
0x273: {  	v63 =	vor.u32 v16, v46;
	v56 =	vld.idx.msk [tilespmem:v56+s17+$0x0], $0xffff;
	[tilespmem:v58+s30+$0x0] =	vst.idx.msk $0xffff, v47  }
0x274: {  	v47 =	vor.u32 v17, v46;
	v58 =	vor.u32 v5, v45;
	[tilespmem:v60+s30+$0x0] =	vst.idx.msk $0xffff, v48  }
0x275: {  	v48 =	vor.u32 v18, v46;
	v58 =	vand.u32 $0x398, v58;
	[tilespmem:v62+s30+$0x0] =	vst.idx.msk $0xffff, v49  }
0x276: {  	v49 =	vor.u32 v19, v46;
	[tilespmem:v53+s30+$0x0] =	vst.idx.msk $0xffff, v50;
	v50 =	vor.u32 v58, v57  }
0x277: {  	v60 =	vor.u32 v58, v59  }
0x278: {  	v62 =	vor.u32 v58, v61;
	v53 =	vld.idx.msk [tilespmem:v63+s17+$0x0], $0xffff  }
0x279: {  	v58 =	vor.u32 v58, v55;
	v47 =	vld.idx.msk [tilespmem:v47+s17+$0x0], $0xffff  }
0x27a: {  	v48 =	vld.idx.msk [tilespmem:v48+s17+$0x0], $0xffff  }
0x27b: {  	v63 =	vor.u32 v21, v46;
	v49 =	vld.idx.msk [tilespmem:v49+s17+$0x0], $0xffff;
	[tilespmem:v50+s30+$0x0] =	vst.idx.msk $0xffff, v51  }
0x27c: {  	v50 =	vor.u32 v22, v46;
	v51 =	vor.u32 v15, v45;
	[tilespmem:v60+s30+$0x0] =	vst.idx.msk $0xffff, v52  }
0x27d: {  	v52 =	vor.u32 v23, v46;
	v51 =	vand.u32 $0x3A8, v51;
	[tilespmem:v62+s30+$0x0] =	vst.idx.msk $0xffff, v54  }
0x27e: {  	v54 =	vor.u32 v24, v46;
	[tilespmem:v58+s30+$0x0] =	vst.idx.msk $0xffff, v56;
	v56 =	vor.u32 v51, v57  }
0x27f: {  	v60 =	vor.u32 v51, v59  }
0x280: {  	v62 =	vor.u32 v51, v61;
	v58 =	vld.idx.msk [tilespmem:v63+s17+$0x0], $0xffff  }
0x281: {  	v51 =	vor.u32 v51, v55;
	v50 =	vld.idx.msk [tilespmem:v50+s17+$0x0], $0xffff  }
0x282: {  	v52 =	vld.idx.msk [tilespmem:v52+s17+$0x0], $0xffff  }
0x283: {  	v63 =	vor.u32 v26, v46;
	v54 =	vld.idx.msk [tilespmem:v54+s17+$0x0], $0xffff;
	[tilespmem:v56+s30+$0x0] =	vst.idx.msk $0xffff, v53  }
0x284: {  	v53 =	vor.u32 v27, v46;
	v56 =	vor.u32 v20, v45;
	[tilespmem:v60+s30+$0x0] =	vst.idx.msk $0xffff, v47  }
0x285: {  	v47 =	vor.u32 v28, v46;
	v56 =	vand.u32 $0x3B8, v56;
	[tilespmem:v62+s30+$0x0] =	vst.idx.msk $0xffff, v48  }
0x286: {  	v48 =	vor.u32 v29, v46;
	[tilespmem:v51+s30+$0x0] =	vst.idx.msk $0xffff, v49;
	v49 =	vor.u32 v56, v57  }
0x287: {  	v60 =	vor.u32 v56, v59  }
0x288: {  	v62 =	vor.u32 v56, v61;
	v51 =	vld.idx.msk [tilespmem:v63+s17+$0x0], $0xffff  }
0x289: {  	v56 =	vor.u32 v56, v55;
	v53 =	vld.idx.msk [tilespmem:v53+s17+$0x0], $0xffff  }
0x28a: {  	v47 =	vld.idx.msk [tilespmem:v47+s17+$0x0], $0xffff  }
0x28b: {  	v63 =	vor.u32 v31, v46;
	v48 =	vld.idx.msk [tilespmem:v48+s17+$0x0], $0xffff;
	[tilespmem:v49+s30+$0x0] =	vst.idx.msk $0xffff, v58  }
0x28c: {  	v49 =	vor.u32 v32, v46;
	v58 =	vor.u32 v25, v45;
	[tilespmem:v60+s30+$0x0] =	vst.idx.msk $0xffff, v50  }
0x28d: {  	v50 =	vor.u32 v33, v46;
	v58 =	vand.u32 $0x3C8, v58;
	[tilespmem:v62+s30+$0x0] =	vst.idx.msk $0xffff, v52  }
0x28e: {  	v52 =	vor.u32 v34, v46;
	[tilespmem:v56+s30+$0x0] =	vst.idx.msk $0xffff, v54;
	v54 =	vor.u32 v58, v57  }
0x28f: {  	v60 =	vor.u32 v58, v59  }
0x290: {  	v62 =	vor.u32 v58, v61;
	v56 =	vld.idx.msk [tilespmem:v63+s17+$0x0], $0xffff  }
0x291: {  	v58 =	vor.u32 v58, v55;
	v49 =	vld.idx.msk [tilespmem:v49+s17+$0x0], $0xffff  }
0x292: {  	v50 =	vld.idx.msk [tilespmem:v50+s17+$0x0], $0xffff  }
0x293: {  	v63 =	vor.u32 v36, v46;
	v52 =	vld.idx.msk [tilespmem:v52+s17+$0x0], $0xffff;
	[tilespmem:v54+s30+$0x0] =	vst.idx.msk $0xffff, v51  }
0x294: {  	v51 =	vor.u32 v37, v46;
	v54 =	vor.u32 v30, v45;
	[tilespmem:v60+s30+$0x0] =	vst.idx.msk $0xffff, v53  }
0x295: {  	v53 =	vor.u32 v38, v46;
	v54 =	vand.u32 $0x3D8, v54;
	[tilespmem:v62+s30+$0x0] =	vst.idx.msk $0xffff, v47  }
0x296: {  	v47 =	vor.u32 v39, v46;
	[tilespmem:v58+s30+$0x0] =	vst.idx.msk $0xffff, v48;
	v48 =	vor.u32 v54, v57  }
0x297: {  	v60 =	vor.u32 v54, v59  }
0x298: {  	v62 =	vor.u32 v54, v61;
	v58 =	vld.idx.msk [tilespmem:v63+s17+$0x0], $0xffff  }
0x299: {  	v54 =	vor.u32 v54, v55;
	v51 =	vld.idx.msk [tilespmem:v51+s17+$0x0], $0xffff  }
0x29a: {  	v53 =	vld.idx.msk [tilespmem:v53+s17+$0x0], $0xffff  }
0x29b: {  	v63 =	vor.u32 v41, v46;
	v47 =	vld.idx.msk [tilespmem:v47+s17+$0x0], $0xffff;
	[tilespmem:v48+s30+$0x0] =	vst.idx.msk $0xffff, v56  }
0x29c: {  	v48 =	vor.u32 v42, v46;
	v56 =	vor.u32 v35, v45;
	[tilespmem:v60+s30+$0x0] =	vst.idx.msk $0xffff, v49  }
0x29d: {  	v49 =	vor.u32 v43, v46;
	[tilespmem:v62+s30+$0x0] =	vst.idx.msk $0xffff, v50;
	v50 =	vand.u32 $0x3E8, v56  }
0x29e: {  	v46 =	vor.u32 v44, v46;
	[tilespmem:v54+s30+$0x0] =	vst.idx.msk $0xffff, v52;
	v52 =	vor.u32 v50, v57  }
0x29f: {  	v56 =	vor.u32 v50, v59  }
0x2a0: {  	v45 =	vor.u32 v40, v45;
	v60 =	vor.u32 v50, v61;
	v54 =	vld.idx.msk [tilespmem:v63+s17+$0x0], $0xffff  }
0x2a1: {  	v45 =	vand.u32 $0x3F8, v45;
	v50 =	vor.u32 v50, v55;
	v48 =	vld.idx.msk [tilespmem:v48+s17+$0x0], $0xffff  }
0x2a2: {  	v57 =	vor.u32 v45, v57;
	v49 =	vld.idx.msk [tilespmem:v49+s17+$0x0], $0xffff  }
0x2a3: {  	s13 =	sadd.s32 $0x1, s10;
	v46 =	vld.idx.msk [tilespmem:v46+s17+$0x0], $0xffff;
	[tilespmem:v52+s30+$0x0] =	vst.idx.msk $0xffff, v58;
	v52 =	vor.u32 v45, v59  }
0x2a4: {  	v62 =	vadd.s32 s13, v0;
	v61 =	vor.u32 v45, v61;
	[tilespmem:v56+s30+$0x0] =	vst.idx.msk $0xffff, v51  }
0x2a5: {  	v63 =	vor.u32 v45, v55;
	v45 =	vand.u32 $0xF, v62;
	[tilespmem:v60+s30+$0x0] =	vst.idx.msk $0xffff, v53  }
0x2a6: {  	v55 =	vor.u32 v1, v45;
	[tilespmem:v50+s30+$0x0] =	vst.idx.msk $0xffff, v47  }
0x2a7: {  	v58 =	vor.u32 v2, v45;
	[tilespmem:v57+s30+$0x0] =	vst.idx.msk $0xffff, v54  }
0x2a8: {  	v59 =	vor.u32 v3, v45;
	[tilespmem:v52+s30+$0x0] =	vst.idx.msk $0xffff, v48  }
0x2a9: {  	v60 =	vor.u32 v4, v45;
	[tilespmem:v61+s30+$0x0] =	vst.idx.msk $0xffff, v49  }
0x2aa: {  	v61 =	vor.u32 v6, v45;
	[tilespmem:v63+s30+$0x0] =	vst.idx.msk $0xffff, v46  }
0x2ab: {  	v51 =	vshll.u32 v62, $0x7;
	v47 =	vld.idx.msk [tilespmem:v55+s17+$0x0], $0xffff  }
0x2ac: {  	v56 =	vor.u32 v9, v45;
	v62 =	vand.u32 $0x380, v51;
	v50 =	vld.idx.msk [tilespmem:v58+s17+$0x0], $0xffff;
	v55 =	vand.u32 $0x400, v51  }
0x2ad: {  	v53 =	vor.u32 v10, v62;
	v54 =	vor.u32 v8, v45;
	v48 =	vld.idx.msk [tilespmem:v59+s17+$0x0], $0xffff;
	v57 =	vor.u32 v11, v55  }
0x2ae: {  	v52 =	vor.u32 v7, v45;
	v49 =	vld.idx.msk [tilespmem:v60+s17+$0x0], $0xffff;
	v59 =	vor.u32 v12, v55;
	v58 =	vor.u32 v53, v57  }
0x2af: {  	v60 =	vor.u32 v53, v59;
	v46 =	vld.idx.msk [tilespmem:v61+s17+$0x0], $0xffff;
	v61 =	vor.u32 v13, v55  }
0x2b0: {  	v55 =	vor.u32 v14, v55;
	v62 =	vor.u32 v53, v61  }
0x2b1: {  	v56 =	vld.idx.msk [tilespmem:v56+s17+$0x0], $0xffff;
	v53 =	vor.u32 v53, v55  }
0x2b2: {  	v54 =	vld.idx.msk [tilespmem:v54+s17+$0x0], $0xffff  }
0x2b3: {  	v63 =	vor.u32 v16, v45;
	v52 =	vld.idx.msk [tilespmem:v52+s17+$0x0], $0xffff;
	[tilespmem:v58+s30+$0x0] =	vst.idx.msk $0xffff, v47  }
0x2b4: {  	v47 =	vor.u32 v17, v45;
	v58 =	vor.u32 v5, v51;
	[tilespmem:v60+s30+$0x0] =	vst.idx.msk $0xffff, v50  }
0x2b5: {  	v50 =	vor.u32 v18, v45;
	v58 =	vand.u32 $0x398, v58;
	[tilespmem:v62+s30+$0x0] =	vst.idx.msk $0xffff, v48  }
0x2b6: {  	v48 =	vor.u32 v19, v45;
	[tilespmem:v53+s30+$0x0] =	vst.idx.msk $0xffff, v49;
	v49 =	vor.u32 v58, v57  }
0x2b7: {  	v60 =	vor.u32 v58, v59  }
0x2b8: {  	v62 =	vor.u32 v58, v61;
	v53 =	vld.idx.msk [tilespmem:v63+s17+$0x0], $0xffff  }
0x2b9: {  	v58 =	vor.u32 v58, v55;
	v47 =	vld.idx.msk [tilespmem:v47+s17+$0x0], $0xffff  }
0x2ba: {  	v50 =	vld.idx.msk [tilespmem:v50+s17+$0x0], $0xffff  }
0x2bb: {  	v63 =	vor.u32 v21, v45;
	v48 =	vld.idx.msk [tilespmem:v48+s17+$0x0], $0xffff;
	[tilespmem:v49+s30+$0x0] =	vst.idx.msk $0xffff, v46  }
0x2bc: {  	v46 =	vor.u32 v22, v45;
	v49 =	vor.u32 v15, v51;
	[tilespmem:v60+s30+$0x0] =	vst.idx.msk $0xffff, v52  }
0x2bd: {  	v52 =	vor.u32 v23, v45;
	v49 =	vand.u32 $0x3A8, v49;
	[tilespmem:v62+s30+$0x0] =	vst.idx.msk $0xffff, v54  }
0x2be: {  	v54 =	vor.u32 v24, v45;
	[tilespmem:v58+s30+$0x0] =	vst.idx.msk $0xffff, v56;
	v56 =	vor.u32 v49, v57  }
0x2bf: {  	v60 =	vor.u32 v49, v59  }
0x2c0: {  	v62 =	vor.u32 v49, v61;
	v58 =	vld.idx.msk [tilespmem:v63+s17+$0x0], $0xffff  }
0x2c1: {  	v49 =	vor.u32 v49, v55;
	v46 =	vld.idx.msk [tilespmem:v46+s17+$0x0], $0xffff  }
0x2c2: {  	v52 =	vld.idx.msk [tilespmem:v52+s17+$0x0], $0xffff  }
0x2c3: {  	v63 =	vor.u32 v26, v45;
	v54 =	vld.idx.msk [tilespmem:v54+s17+$0x0], $0xffff;
	[tilespmem:v56+s30+$0x0] =	vst.idx.msk $0xffff, v53  }
0x2c4: {  	v53 =	vor.u32 v27, v45;
	v56 =	vor.u32 v20, v51;
	[tilespmem:v60+s30+$0x0] =	vst.idx.msk $0xffff, v47  }
0x2c5: {  	v47 =	vor.u32 v28, v45;
	v56 =	vand.u32 $0x3B8, v56;
	[tilespmem:v62+s30+$0x0] =	vst.idx.msk $0xffff, v50  }
0x2c6: {  	v50 =	vor.u32 v29, v45;
	[tilespmem:v49+s30+$0x0] =	vst.idx.msk $0xffff, v48;
	v48 =	vor.u32 v56, v57  }
0x2c7: {  	v60 =	vor.u32 v56, v59  }
0x2c8: {  	v62 =	vor.u32 v56, v61;
	v49 =	vld.idx.msk [tilespmem:v63+s17+$0x0], $0xffff  }
0x2c9: {  	v56 =	vor.u32 v56, v55;
	v53 =	vld.idx.msk [tilespmem:v53+s17+$0x0], $0xffff  }
0x2ca: {  	v47 =	vld.idx.msk [tilespmem:v47+s17+$0x0], $0xffff  }
0x2cb: {  	v63 =	vor.u32 v31, v45;
	v50 =	vld.idx.msk [tilespmem:v50+s17+$0x0], $0xffff;
	[tilespmem:v48+s30+$0x0] =	vst.idx.msk $0xffff, v58  }
0x2cc: {  	v48 =	vor.u32 v32, v45;
	v58 =	vor.u32 v25, v51;
	[tilespmem:v60+s30+$0x0] =	vst.idx.msk $0xffff, v46  }
0x2cd: {  	v46 =	vor.u32 v33, v45;
	v58 =	vand.u32 $0x3C8, v58;
	[tilespmem:v62+s30+$0x0] =	vst.idx.msk $0xffff, v52  }
0x2ce: {  	v52 =	vor.u32 v34, v45;
	[tilespmem:v56+s30+$0x0] =	vst.idx.msk $0xffff, v54;
	v54 =	vor.u32 v58, v57  }
0x2cf: {  	v60 =	vor.u32 v58, v59  }
0x2d0: {  	v62 =	vor.u32 v58, v61;
	v56 =	vld.idx.msk [tilespmem:v63+s17+$0x0], $0xffff  }
0x2d1: {  	v58 =	vor.u32 v58, v55;
	v48 =	vld.idx.msk [tilespmem:v48+s17+$0x0], $0xffff  }
0x2d2: {  	v46 =	vld.idx.msk [tilespmem:v46+s17+$0x0], $0xffff  }
0x2d3: {  	v63 =	vor.u32 v36, v45;
	v52 =	vld.idx.msk [tilespmem:v52+s17+$0x0], $0xffff;
	[tilespmem:v54+s30+$0x0] =	vst.idx.msk $0xffff, v49  }
0x2d4: {  	v49 =	vor.u32 v37, v45;
	v54 =	vor.u32 v30, v51;
	[tilespmem:v60+s30+$0x0] =	vst.idx.msk $0xffff, v53  }
0x2d5: {  	v53 =	vor.u32 v38, v45;
	v54 =	vand.u32 $0x3D8, v54;
	[tilespmem:v62+s30+$0x0] =	vst.idx.msk $0xffff, v47  }
0x2d6: {  	v47 =	vor.u32 v39, v45;
	[tilespmem:v58+s30+$0x0] =	vst.idx.msk $0xffff, v50;
	v50 =	vor.u32 v54, v57  }
0x2d7: {  	v60 =	vor.u32 v54, v59  }
0x2d8: {  	v62 =	vor.u32 v54, v61;
	v58 =	vld.idx.msk [tilespmem:v63+s17+$0x0], $0xffff  }
0x2d9: {  	v54 =	vor.u32 v54, v55;
	v49 =	vld.idx.msk [tilespmem:v49+s17+$0x0], $0xffff  }
0x2da: {  	v53 =	vld.idx.msk [tilespmem:v53+s17+$0x0], $0xffff  }
0x2db: {  	v63 =	vor.u32 v41, v45;
	v47 =	vld.idx.msk [tilespmem:v47+s17+$0x0], $0xffff;
	[tilespmem:v50+s30+$0x0] =	vst.idx.msk $0xffff, v56  }
0x2dc: {  	v50 =	vor.u32 v42, v45;
	v56 =	vor.u32 v35, v51;
	[tilespmem:v60+s30+$0x0] =	vst.idx.msk $0xffff, v48  }
0x2dd: {  	v48 =	vor.u32 v43, v45;
	[tilespmem:v62+s30+$0x0] =	vst.idx.msk $0xffff, v46;
	v46 =	vand.u32 $0x3E8, v56  }
0x2de: {  	v45 =	vor.u32 v44, v45;
	[tilespmem:v54+s30+$0x0] =	vst.idx.msk $0xffff, v52;
	v52 =	vor.u32 v46, v57  }
0x2df: {  	v56 =	vor.u32 v46, v59  }
0x2e0: {  	v51 =	vor.u32 v40, v51;
	v60 =	vor.u32 v46, v61;
	v54 =	vld.idx.msk [tilespmem:v63+s17+$0x0], $0xffff  }
0x2e1: {  	v51 =	vand.u32 $0x3F8, v51;
	v46 =	vor.u32 v46, v55;
	v50 =	vld.idx.msk [tilespmem:v50+s17+$0x0], $0xffff  }
0x2e2: {  	v57 =	vor.u32 v51, v57;
	v48 =	vld.idx.msk [tilespmem:v48+s17+$0x0], $0xffff  }
0x2e3: {  	s13 =	sadd.s32 $0x2, s10;
	v62 =	vld.idx.msk [tilespmem:v45+s17+$0x0], $0xffff;
	[tilespmem:v52+s30+$0x0] =	vst.idx.msk $0xffff, v58;
	v52 =	vor.u32 v51, v59  }
0x2e4: {  	v63 =	vor.u32 v51, v61;
	[tilespmem:v56+s30+$0x0] =	vst.idx.msk $0xffff, v49;
	v56 =	vadd.s32 s13, v0  }
0x2e5: {  	v51 =	vor.u32 v51, v55;
	[tilespmem:v60+s30+$0x0] =	vst.idx.msk $0xffff, v53;
	v45 =	vand.u32 $0xF, v56  }
0x2e6: {  	[tilespmem:v46+s30+$0x0] =	vst.idx.msk $0xffff, v47;
	v55 =	vor.u32 v1, v45  }
0x2e7: {  	v58 =	vor.u32 v2, v45;
	[tilespmem:v57+s30+$0x0] =	vst.idx.msk $0xffff, v54  }
0x2e8: {  	v59 =	vor.u32 v3, v45;
	[tilespmem:v52+s30+$0x0] =	vst.idx.msk $0xffff, v50  }
0x2e9: {  	v61 =	vor.u32 v4, v45;
	[tilespmem:v63+s30+$0x0] =	vst.idx.msk $0xffff, v48  }
0x2ea: {  	v54 =	vor.u32 v8, v45;
	[tilespmem:v51+s30+$0x0] =	vst.idx.msk $0xffff, v62;
	v51 =	vshll.u32 v56, $0x7  }
0x2eb: {  	v52 =	vor.u32 v7, v45;
	v46 =	vld.idx.msk [tilespmem:v55+s17+$0x0], $0xffff;
	v60 =	vand.u32 $0x380, v51;
	v55 =	vand.u32 $0x400, v51  }
0x2ec: {  	v63 =	vor.u32 v6, v45;
	v47 =	vld.idx.msk [tilespmem:v58+s17+$0x0], $0xffff;
	v53 =	vor.u32 v10, v60;
	v57 =	vor.u32 v11, v55  }
0x2ed: {  	v56 =	vor.u32 v9, v45;
	v50 =	vld.idx.msk [tilespmem:v59+s17+$0x0], $0xffff;
	v59 =	vor.u32 v12, v55;
	v58 =	vor.u32 v53, v57  }
0x2ee: {  	v48 =	vld.idx.msk [tilespmem:v61+s17+$0x0], $0xffff;
	v61 =	vor.u32 v13, v55;
	v60 =	vor.u32 v53, v59  }
0x2ef: {  	v55 =	vor.u32 v14, v55;
	v54 =	vld.idx.msk [tilespmem:v54+s17+$0x0], $0xffff;
	v62 =	vor.u32 v53, v61  }
0x2f0: {  	v52 =	vld.idx.msk [tilespmem:v52+s17+$0x0], $0xffff;
	v53 =	vor.u32 v53, v55  }
0x2f1: {  	v49 =	vld.idx.msk [tilespmem:v63+s17+$0x0], $0xffff  }
0x2f2: {  	v63 =	vor.u32 v16, v45;
	v56 =	vld.idx.msk [tilespmem:v56+s17+$0x0], $0xffff;
	[tilespmem:v58+s30+$0x0] =	vst.idx.msk $0xffff, v46  }
0x2f3: {  	v46 =	vor.u32 v17, v45;
	v58 =	vor.u32 v5, v51;
	[tilespmem:v60+s30+$0x0] =	vst.idx.msk $0xffff, v47  }
0x2f4: {  	v47 =	vor.u32 v18, v45;
	v58 =	vand.u32 $0x398, v58;
	[tilespmem:v62+s30+$0x0] =	vst.idx.msk $0xffff, v50  }
0x2f5: {  	v50 =	vor.u32 v19, v45;
	[tilespmem:v53+s30+$0x0] =	vst.idx.msk $0xffff, v48;
	v48 =	vor.u32 v58, v57  }
0x2f6: {  	v60 =	vor.u32 v58, v59  }
0x2f7: {  	v62 =	vor.u32 v58, v61;
	v53 =	vld.idx.msk [tilespmem:v63+s17+$0x0], $0xffff  }
0x2f8: {  	v58 =	vor.u32 v58, v55;
	v46 =	vld.idx.msk [tilespmem:v46+s17+$0x0], $0xffff  }
0x2f9: {  	v47 =	vld.idx.msk [tilespmem:v47+s17+$0x0], $0xffff  }
0x2fa: {  	v63 =	vor.u32 v21, v45;
	v50 =	vld.idx.msk [tilespmem:v50+s17+$0x0], $0xffff;
	[tilespmem:v48+s30+$0x0] =	vst.idx.msk $0xffff, v49  }
0x2fb: {  	v48 =	vor.u32 v22, v45;
	v49 =	vor.u32 v15, v51;
	[tilespmem:v60+s30+$0x0] =	vst.idx.msk $0xffff, v52  }
0x2fc: {  	v52 =	vor.u32 v23, v45;
	v49 =	vand.u32 $0x3A8, v49;
	[tilespmem:v62+s30+$0x0] =	vst.idx.msk $0xffff, v54  }
0x2fd: {  	v54 =	vor.u32 v24, v45;
	[tilespmem:v58+s30+$0x0] =	vst.idx.msk $0xffff, v56;
	v56 =	vor.u32 v49, v57  }
0x2fe: {  	v60 =	vor.u32 v49, v59  }
0x2ff: {  	v62 =	vor.u32 v49, v61;
	v58 =	vld.idx.msk [tilespmem:v63+s17+$0x0], $0xffff  }
0x300: {  	v49 =	vor.u32 v49, v55;
	v48 =	vld.idx.msk [tilespmem:v48+s17+$0x0], $0xffff  }
0x301: {  	v52 =	vld.idx.msk [tilespmem:v52+s17+$0x0], $0xffff  }
0x302: {  	v63 =	vor.u32 v26, v45;
	v54 =	vld.idx.msk [tilespmem:v54+s17+$0x0], $0xffff;
	[tilespmem:v56+s30+$0x0] =	vst.idx.msk $0xffff, v53  }
0x303: {  	v53 =	vor.u32 v27, v45;
	v56 =	vor.u32 v20, v51;
	[tilespmem:v60+s30+$0x0] =	vst.idx.msk $0xffff, v46  }
0x304: {  	v46 =	vor.u32 v28, v45;
	v56 =	vand.u32 $0x3B8, v56;
	[tilespmem:v62+s30+$0x0] =	vst.idx.msk $0xffff, v47  }
0x305: {  	v47 =	vor.u32 v29, v45;
	[tilespmem:v49+s30+$0x0] =	vst.idx.msk $0xffff, v50;
	v49 =	vor.u32 v56, v57  }
0x306: {  	v60 =	vor.u32 v56, v59  }
0x307: {  	v62 =	vor.u32 v56, v61;
	v50 =	vld.idx.msk [tilespmem:v63+s17+$0x0], $0xffff  }
0x308: {  	v56 =	vor.u32 v56, v55;
	v53 =	vld.idx.msk [tilespmem:v53+s17+$0x0], $0xffff  }
0x309: {  	v46 =	vld.idx.msk [tilespmem:v46+s17+$0x0], $0xffff  }
0x30a: {  	v63 =	vor.u32 v31, v45;
	v47 =	vld.idx.msk [tilespmem:v47+s17+$0x0], $0xffff;
	[tilespmem:v49+s30+$0x0] =	vst.idx.msk $0xffff, v58  }
0x30b: {  	v49 =	vor.u32 v32, v45;
	v58 =	vor.u32 v25, v51;
	[tilespmem:v60+s30+$0x0] =	vst.idx.msk $0xffff, v48  }
0x30c: {  	v48 =	vor.u32 v33, v45;
	v58 =	vand.u32 $0x3C8, v58;
	[tilespmem:v62+s30+$0x0] =	vst.idx.msk $0xffff, v52  }
0x30d: {  	v52 =	vor.u32 v34, v45;
	[tilespmem:v56+s30+$0x0] =	vst.idx.msk $0xffff, v54;
	v54 =	vor.u32 v58, v57  }
0x30e: {  	v60 =	vor.u32 v58, v59  }
0x30f: {  	v62 =	vor.u32 v58, v61;
	v56 =	vld.idx.msk [tilespmem:v63+s17+$0x0], $0xffff  }
0x310: {  	v58 =	vor.u32 v58, v55;
	v49 =	vld.idx.msk [tilespmem:v49+s17+$0x0], $0xffff  }
0x311: {  	v48 =	vld.idx.msk [tilespmem:v48+s17+$0x0], $0xffff  }
0x312: {  	v63 =	vor.u32 v36, v45;
	v52 =	vld.idx.msk [tilespmem:v52+s17+$0x0], $0xffff;
	[tilespmem:v54+s30+$0x0] =	vst.idx.msk $0xffff, v50  }
0x313: {  	v50 =	vor.u32 v37, v45;
	v54 =	vor.u32 v30, v51;
	[tilespmem:v60+s30+$0x0] =	vst.idx.msk $0xffff, v53  }
0x314: {  	v53 =	vor.u32 v38, v45;
	v54 =	vand.u32 $0x3D8, v54;
	[tilespmem:v62+s30+$0x0] =	vst.idx.msk $0xffff, v46  }
0x315: {  	v46 =	vor.u32 v39, v45;
	[tilespmem:v58+s30+$0x0] =	vst.idx.msk $0xffff, v47;
	v47 =	vor.u32 v54, v57  }
0x316: {  	v60 =	vor.u32 v54, v59  }
0x317: {  	v62 =	vor.u32 v54, v61;
	v58 =	vld.idx.msk [tilespmem:v63+s17+$0x0], $0xffff  }
0x318: {  	v54 =	vor.u32 v54, v55;
	v50 =	vld.idx.msk [tilespmem:v50+s17+$0x0], $0xffff  }
0x319: {  	v53 =	vld.idx.msk [tilespmem:v53+s17+$0x0], $0xffff  }
0x31a: {  	v63 =	vor.u32 v41, v45;
	v46 =	vld.idx.msk [tilespmem:v46+s17+$0x0], $0xffff;
	[tilespmem:v47+s30+$0x0] =	vst.idx.msk $0xffff, v56  }
0x31b: {  	v47 =	vor.u32 v42, v45;
	v56 =	vor.u32 v35, v51;
	[tilespmem:v60+s30+$0x0] =	vst.idx.msk $0xffff, v49  }
0x31c: {  	v49 =	vor.u32 v43, v45;
	[tilespmem:v62+s30+$0x0] =	vst.idx.msk $0xffff, v48;
	v48 =	vand.u32 $0x3E8, v56  }
0x31d: {  	v45 =	vor.u32 v44, v45;
	[tilespmem:v54+s30+$0x0] =	vst.idx.msk $0xffff, v52;
	v52 =	vor.u32 v48, v57  }
0x31e: {  	v56 =	vor.u32 v48, v59  }
0x31f: {  	v51 =	vor.u32 v40, v51;
	v60 =	vor.u32 v48, v61;
	v54 =	vld.idx.msk [tilespmem:v63+s17+$0x0], $0xffff  }
0x320: {  	v51 =	vand.u32 $0x3F8, v51;
	v48 =	vor.u32 v48, v55;
	v47 =	vld.idx.msk [tilespmem:v47+s17+$0x0], $0xffff  }
0x321: {  	v57 =	vor.u32 v51, v57;
	v49 =	vld.idx.msk [tilespmem:v49+s17+$0x0], $0xffff  }
0x322: {  	s13 =	sadd.s32 $0x3, s10;
	v62 =	vld.idx.msk [tilespmem:v45+s17+$0x0], $0xffff;
	[tilespmem:v52+s30+$0x0] =	vst.idx.msk $0xffff, v58;
	v52 =	vor.u32 v51, v59  }
0x323: {  	v61 =	vor.u32 v51, v61;
	v63 =	vadd.s32 s13, v0;
	[tilespmem:v56+s30+$0x0] =	vst.idx.msk $0xffff, v50  }
0x324: {  	v45 =	vand.u32 $0xF, v63;
	v51 =	vor.u32 v51, v55;
	[tilespmem:v60+s30+$0x0] =	vst.idx.msk $0xffff, v53  }
0x325: {  	v58 =	vor.u32 v1, v45;
	[tilespmem:v48+s30+$0x0] =	vst.idx.msk $0xffff, v46  }
0x326: {  	v59 =	vor.u32 v2, v45;
	[tilespmem:v57+s30+$0x0] =	vst.idx.msk $0xffff, v54  }
0x327: {  	v60 =	vor.u32 v3, v45;
	[tilespmem:v52+s30+$0x0] =	vst.idx.msk $0xffff, v47  }
0x328: {  	[tilespmem:v61+s30+$0x0] =	vst.idx.msk $0xffff, v49;
	v61 =	vor.u32 v4, v45  }
0x329: {  	[tilespmem:v51+s30+$0x0] =	vst.idx.msk $0xffff, v62;
	v62 =	vor.u32 v6, v45;
	v51 =	vshll.u32 v63, $0x7  }
0x32a: {  	v56 =	vor.u32 v9, v45;
	v46 =	vld.idx.msk [tilespmem:v58+s17+$0x0], $0xffff;
	v63 =	vand.u32 $0x380, v51;
	v55 =	vand.u32 $0x400, v51  }
0x32b: {  	v54 =	vor.u32 v8, v45;
	v48 =	vld.idx.msk [tilespmem:v59+s17+$0x0], $0xffff;
	v53 =	vor.u32 v10, v63;
	v57 =	vor.u32 v11, v55  }
0x32c: {  	v52 =	vor.u32 v7, v45;
	v47 =	vld.idx.msk [tilespmem:v60+s17+$0x0], $0xffff;
	v59 =	vor.u32 v12, v55;
	v58 =	vor.u32 v53, v57  }
0x32d: {  	v60 =	vor.u32 v53, v59;
	v49 =	vld.idx.msk [tilespmem:v61+s17+$0x0], $0xffff;
	v61 =	vor.u32 v13, v55  }
0x32e: {  	v55 =	vor.u32 v14, v55;
	v50 =	vld.idx.msk [tilespmem:v62+s17+$0x0], $0xffff;
	v62 =	vor.u32 v53, v61  }
0x32f: {  	v56 =	vld.idx.msk [tilespmem:v56+s17+$0x0], $0xffff;
	v53 =	vor.u32 v53, v55  }
0x330: {  	v54 =	vld.idx.msk [tilespmem:v54+s17+$0x0], $0xffff  }
0x331: {  	v63 =	vor.u32 v16, v45;
	v52 =	vld.idx.msk [tilespmem:v52+s17+$0x0], $0xffff;
	[tilespmem:v58+s30+$0x0] =	vst.idx.msk $0xffff, v46  }
0x332: {  	v46 =	vor.u32 v17, v45;
	v58 =	vor.u32 v5, v51;
	[tilespmem:v60+s30+$0x0] =	vst.idx.msk $0xffff, v48  }
0x333: {  	v48 =	vor.u32 v18, v45;
	v58 =	vand.u32 $0x398, v58;
	[tilespmem:v62+s30+$0x0] =	vst.idx.msk $0xffff, v47  }
0x334: {  	v47 =	vor.u32 v19, v45;
	[tilespmem:v53+s30+$0x0] =	vst.idx.msk $0xffff, v49;
	v49 =	vor.u32 v58, v57  }
0x335: {  	v60 =	vor.u32 v58, v59  }
0x336: {  	v62 =	vor.u32 v58, v61;
	v53 =	vld.idx.msk [tilespmem:v63+s17+$0x0], $0xffff  }
0x337: {  	v58 =	vor.u32 v58, v55;
	v46 =	vld.idx.msk [tilespmem:v46+s17+$0x0], $0xffff  }
0x338: {  	v48 =	vld.idx.msk [tilespmem:v48+s17+$0x0], $0xffff  }
0x339: {  	v63 =	vor.u32 v21, v45;
	v47 =	vld.idx.msk [tilespmem:v47+s17+$0x0], $0xffff;
	[tilespmem:v49+s30+$0x0] =	vst.idx.msk $0xffff, v50  }
0x33a: {  	v49 =	vor.u32 v22, v45;
	v50 =	vor.u32 v15, v51;
	[tilespmem:v60+s30+$0x0] =	vst.idx.msk $0xffff, v52  }
0x33b: {  	v52 =	vor.u32 v23, v45;
	v50 =	vand.u32 $0x3A8, v50;
	[tilespmem:v62+s30+$0x0] =	vst.idx.msk $0xffff, v54  }
0x33c: {  	v54 =	vor.u32 v24, v45;
	[tilespmem:v58+s30+$0x0] =	vst.idx.msk $0xffff, v56;
	v56 =	vor.u32 v50, v57  }
0x33d: {  	v60 =	vor.u32 v50, v59  }
0x33e: {  	v62 =	vor.u32 v50, v61;
	v58 =	vld.idx.msk [tilespmem:v63+s17+$0x0], $0xffff  }
0x33f: {  	v50 =	vor.u32 v50, v55;
	v49 =	vld.idx.msk [tilespmem:v49+s17+$0x0], $0xffff  }
0x340: {  	v52 =	vld.idx.msk [tilespmem:v52+s17+$0x0], $0xffff  }
0x341: {  	v63 =	vor.u32 v26, v45;
	v54 =	vld.idx.msk [tilespmem:v54+s17+$0x0], $0xffff;
	[tilespmem:v56+s30+$0x0] =	vst.idx.msk $0xffff, v53  }
0x342: {  	v53 =	vor.u32 v27, v45;
	v56 =	vor.u32 v20, v51;
	[tilespmem:v60+s30+$0x0] =	vst.idx.msk $0xffff, v46  }
0x343: {  	v46 =	vor.u32 v28, v45;
	v56 =	vand.u32 $0x3B8, v56;
	[tilespmem:v62+s30+$0x0] =	vst.idx.msk $0xffff, v48  }
0x344: {  	v48 =	vor.u32 v29, v45;
	[tilespmem:v50+s30+$0x0] =	vst.idx.msk $0xffff, v47;
	v47 =	vor.u32 v56, v57  }
0x345: {  	v60 =	vor.u32 v56, v59  }
0x346: {  	v62 =	vor.u32 v56, v61;
	v50 =	vld.idx.msk [tilespmem:v63+s17+$0x0], $0xffff  }
0x347: {  	v56 =	vor.u32 v56, v55;
	v53 =	vld.idx.msk [tilespmem:v53+s17+$0x0], $0xffff  }
0x348: {  	v46 =	vld.idx.msk [tilespmem:v46+s17+$0x0], $0xffff  }
0x349: {  	v63 =	vor.u32 v31, v45;
	v48 =	vld.idx.msk [tilespmem:v48+s17+$0x0], $0xffff;
	[tilespmem:v47+s30+$0x0] =	vst.idx.msk $0xffff, v58  }
0x34a: {  	v47 =	vor.u32 v32, v45;
	v58 =	vor.u32 v25, v51;
	[tilespmem:v60+s30+$0x0] =	vst.idx.msk $0xffff, v49  }
0x34b: {  	v49 =	vor.u32 v33, v45;
	v58 =	vand.u32 $0x3C8, v58;
	[tilespmem:v62+s30+$0x0] =	vst.idx.msk $0xffff, v52  }
0x34c: {  	v52 =	vor.u32 v34, v45;
	[tilespmem:v56+s30+$0x0] =	vst.idx.msk $0xffff, v54;
	v54 =	vor.u32 v58, v57  }
0x34d: {  	v60 =	vor.u32 v58, v59  }
0x34e: {  	v62 =	vor.u32 v58, v61;
	v56 =	vld.idx.msk [tilespmem:v63+s17+$0x0], $0xffff  }
0x34f: {  	v58 =	vor.u32 v58, v55;
	v47 =	vld.idx.msk [tilespmem:v47+s17+$0x0], $0xffff  }
0x350: {  	v49 =	vld.idx.msk [tilespmem:v49+s17+$0x0], $0xffff  }
0x351: {  	v63 =	vor.u32 v36, v45;
	v52 =	vld.idx.msk [tilespmem:v52+s17+$0x0], $0xffff;
	[tilespmem:v54+s30+$0x0] =	vst.idx.msk $0xffff, v50  }
0x352: {  	v50 =	vor.u32 v37, v45;
	v54 =	vor.u32 v30, v51;
	[tilespmem:v60+s30+$0x0] =	vst.idx.msk $0xffff, v53  }
0x353: {  	v53 =	vor.u32 v38, v45;
	v54 =	vand.u32 $0x3D8, v54;
	[tilespmem:v62+s30+$0x0] =	vst.idx.msk $0xffff, v46  }
0x354: {  	v46 =	vor.u32 v39, v45;
	[tilespmem:v58+s30+$0x0] =	vst.idx.msk $0xffff, v48;
	v48 =	vor.u32 v54, v57  }
0x355: {  	v60 =	vor.u32 v54, v59  }
0x356: {  	v58 =	vld.idx.msk [tilespmem:v63+s17+$0x0], $0xffff  }
0x357: {  	v62 =	vor.u32 v54, v61;
	v50 =	vld.idx.msk [tilespmem:v50+s17+$0x0], $0xffff  }
0x358: {  	v54 =	vor.u32 v54, v55;
	v53 =	vld.idx.msk [tilespmem:v53+s17+$0x0], $0xffff  }
0x359: {  	v63 =	vor.u32 v41, v45;
	v46 =	vld.idx.msk [tilespmem:v46+s17+$0x0], $0xffff;
	[tilespmem:v48+s30+$0x0] =	vst.idx.msk $0xffff, v56  }
0x35a: {  	v48 =	vor.u32 v42, v45;
	[tilespmem:v60+s30+$0x0] =	vst.idx.msk $0xffff, v47;
	v60 =	vor.u32 v35, v51  }
0x35b: {  	v56 =	vor.u32 v43, v45;
	v47 =	vand.u32 $0x3E8, v60  }
0x35c: {  	v45 =	vor.u32 v44, v45;
	[tilespmem:v62+s30+$0x0] =	vst.idx.msk $0xffff, v49;
	v49 =	vor.u32 v47, v57  }
0x35d: {  	[tilespmem:v54+s30+$0x0] =	vst.idx.msk $0xffff, v52;
	v54 =	vor.u32 v47, v59  }
0x35e: {  	v51 =	vor.u32 v40, v51;
	v60 =	vor.u32 v47, v61;
	v52 =	vld.idx.msk [tilespmem:v63+s17+$0x0], $0xffff  }
0x35f: {  	v51 =	vand.u32 $0x3F8, v51;
	v47 =	vor.u32 v47, v55;
	v48 =	vld.idx.msk [tilespmem:v48+s17+$0x0], $0xffff  }
0x360: {  	v57 =	vor.u32 v51, v57;
	v56 =	vld.idx.msk [tilespmem:v56+s17+$0x0], $0xffff  }
0x361: {  	v62 =	vor.u32 v51, v59;
	v45 =	vld.idx.msk [tilespmem:v45+s17+$0x0], $0xffff;
	[tilespmem:v49+s30+$0x0] =	vst.idx.msk $0xffff, v58  }
0x362: {  	v63 =	vor.u32 v51, v61;
	[tilespmem:v54+s30+$0x0] =	vst.idx.msk $0xffff, v50  }
0x363: {  	p2 =	slt.u32 s10, $0xC;
	v51 =	vor.u32 v51, v55;
	[tilespmem:v60+s30+$0x0] =	vst.idx.msk $0xffff, v53  }
.Ltmp10:
0x364: {  	[tilespmem:v47+s30+$0x0] =	vst.idx.msk $0xffff, v46;
	(pc) =	sbr.rel @p2 .LBB2_15-.Ltmp10, $4  }
0x365: {  	[tilespmem:v57+s30+$0x0] =	vst.idx.msk $0xffff, v52  }
0x366: {  	[tilespmem:v62+s30+$0x0] =	vst.idx.msk $0xffff, v48  }
0x367: {  	[tilespmem:v63+s30+$0x0] =	vst.idx.msk $0xffff, v56  }
0x368: {  	s10 =	sadd.s32 $0x4, s10;
	[tilespmem:v51+s30+$0x0] =	vst.idx.msk $0xffff, v45  }
.Ltmp11:
0x369: {  	(pc) =	sbr.rel @p1 .LBB2_18-.Ltmp11, $3  }
0x36a: {  	_ =	sdelay $0x1  }
0x36b: {  	s10 =	sadd.s32 s5, s8  }
0x36c: {  	[hbm4b:s10+s22] =	stream.strided.scatter [tilespmem:s30], [sflag:$0x7], $0x2000, s23, s22, $0x38;
	[tilespmem:$0x16400] =	vst v63  }
.Ltmp12:
0x36d: {  	(pc) =	sbr.rel .LBB2_19-.Ltmp12, $4  }
0x36e: {  	_ = 	snop  }
0x36f: {  	_ =	swait.ge [sflag:s31], $0x2000  }
0x370: {  	[sflag:s31] =	ssyncset.done $0x0  }
0x371: {  	[sflag:s31] =	ssyncadd.s32 $0xFFFFE000  }
.LBB2_18:
0x372: {  	s10 =	sshrl.u32 s3, $0x2  }
.Ltmp13:
0x373: {  	s10 =	sadd.s32 $0x300, s10;
	(pc) =	sbr.rel @p0 .LBB2_20-.Ltmp13, $4  }
0x374: {  	[tilespmem:s17], [sflag:$0x3] =	stream.indirect.gather [hbm4b:s4+s11], $0x40, s10, s11, $0xb8;
	[tilespmem:$0x16400] =	vst v63  }
0x375: {  	_ =	swait.ge [sflag:s31], $0x2000  }
0x376: {  	[sflag:s31] =	ssyncset.done $0x0  }
0x377: {  	[sflag:s31] =	ssyncadd.s32 $0xFFFFE000  }
.LBB2_19:
0x378: {  	_ =	swait.ge [sflag:s0], $0x2000  }
0x379: {  	[sflag:s0] =	ssyncset.done $0x0  }
0x37a: {  	[sflag:s0] =	ssyncadd.s32 $0xFFFFE000  }
.LBB2_20:
0x37b: {  	s10 =	simm.s32 $0x0  }
.LBB2_21:
0x37c: {  	v45 =	vadd.s32 s10, v0  }
0x37d: {  	v46 =	vand.u32 $0xF, v45  }
0x37e: {  	v47 =	vor.u32 v1, v46  }
0x37f: {  	v48 =	vor.u32 v2, v46  }
0x380: {  	v49 =	vor.u32 v3, v46  }
0x381: {  	v50 =	vor.u32 v4, v46  }
0x382: {  	v45 =	vshll.u32 v45, $0x7;
	v51 =	vor.u32 v6, v46  }
0x383: {  	v52 =	vor.u32 v7, v46;
	v53 =	vand.u32 $0x380, v45;
	v55 =	vand.u32 $0x400, v45;
	v47 =	vld.idx.msk [tilespmem:v47+s19+$0x0], $0xffff  }
0x384: {  	v54 =	vor.u32 v8, v46;
	v53 =	vor.u32 v10, v53;
	v57 =	vor.u32 v11, v55;
	v48 =	vld.idx.msk [tilespmem:v48+s19+$0x0], $0xffff  }
0x385: {  	v56 =	vor.u32 v9, v46;
	v59 =	vor.u32 v12, v55;
	v58 =	vor.u32 v53, v57;
	v49 =	vld.idx.msk [tilespmem:v49+s19+$0x0], $0xffff  }
0x386: {  	v61 =	vor.u32 v13, v55;
	v60 =	vor.u32 v53, v59;
	v50 =	vld.idx.msk [tilespmem:v50+s19+$0x0], $0xffff  }
0x387: {  	v55 =	vor.u32 v14, v55;
	v62 =	vor.u32 v53, v61;
	v51 =	vld.idx.msk [tilespmem:v51+s19+$0x0], $0xffff  }
0x388: {  	v53 =	vor.u32 v53, v55;
	v52 =	vld.idx.msk [tilespmem:v52+s19+$0x0], $0xffff  }
0x389: {  	v54 =	vld.idx.msk [tilespmem:v54+s19+$0x0], $0xffff  }
0x38a: {  	v63 =	vor.u32 v16, v46;
	v56 =	vld.idx.msk [tilespmem:v56+s19+$0x0], $0xffff;
	[tilespmem:v58+s1+$0x0] =	vst.idx.msk $0xffff, v47  }
0x38b: {  	v47 =	vor.u32 v17, v46;
	v58 =	vor.u32 v5, v45;
	[tilespmem:v60+s1+$0x0] =	vst.idx.msk $0xffff, v48  }
0x38c: {  	v48 =	vor.u32 v18, v46;
	v58 =	vand.u32 $0x398, v58;
	[tilespmem:v62+s1+$0x0] =	vst.idx.msk $0xffff, v49  }
0x38d: {  	v49 =	vor.u32 v19, v46;
	[tilespmem:v53+s1+$0x0] =	vst.idx.msk $0xffff, v50;
	v50 =	vor.u32 v58, v57  }
0x38e: {  	v60 =	vor.u32 v58, v59  }
0x38f: {  	v62 =	vor.u32 v58, v61;
	v53 =	vld.idx.msk [tilespmem:v63+s19+$0x0], $0xffff  }
0x390: {  	v58 =	vor.u32 v58, v55;
	v47 =	vld.idx.msk [tilespmem:v47+s19+$0x0], $0xffff  }
0x391: {  	v48 =	vld.idx.msk [tilespmem:v48+s19+$0x0], $0xffff  }
0x392: {  	v63 =	vor.u32 v21, v46;
	v49 =	vld.idx.msk [tilespmem:v49+s19+$0x0], $0xffff;
	[tilespmem:v50+s1+$0x0] =	vst.idx.msk $0xffff, v51  }
0x393: {  	v50 =	vor.u32 v22, v46;
	v51 =	vor.u32 v15, v45;
	[tilespmem:v60+s1+$0x0] =	vst.idx.msk $0xffff, v52  }
0x394: {  	v52 =	vor.u32 v23, v46;
	v51 =	vand.u32 $0x3A8, v51;
	[tilespmem:v62+s1+$0x0] =	vst.idx.msk $0xffff, v54  }
0x395: {  	v54 =	vor.u32 v24, v46;
	[tilespmem:v58+s1+$0x0] =	vst.idx.msk $0xffff, v56;
	v56 =	vor.u32 v51, v57  }
0x396: {  	v60 =	vor.u32 v51, v59  }
0x397: {  	v62 =	vor.u32 v51, v61;
	v58 =	vld.idx.msk [tilespmem:v63+s19+$0x0], $0xffff  }
0x398: {  	v51 =	vor.u32 v51, v55;
	v50 =	vld.idx.msk [tilespmem:v50+s19+$0x0], $0xffff  }
0x399: {  	v52 =	vld.idx.msk [tilespmem:v52+s19+$0x0], $0xffff  }
0x39a: {  	v63 =	vor.u32 v26, v46;
	v54 =	vld.idx.msk [tilespmem:v54+s19+$0x0], $0xffff;
	[tilespmem:v56+s1+$0x0] =	vst.idx.msk $0xffff, v53  }
0x39b: {  	v53 =	vor.u32 v27, v46;
	v56 =	vor.u32 v20, v45;
	[tilespmem:v60+s1+$0x0] =	vst.idx.msk $0xffff, v47  }
0x39c: {  	v47 =	vor.u32 v28, v46;
	v56 =	vand.u32 $0x3B8, v56;
	[tilespmem:v62+s1+$0x0] =	vst.idx.msk $0xffff, v48  }
0x39d: {  	v48 =	vor.u32 v29, v46;
	[tilespmem:v51+s1+$0x0] =	vst.idx.msk $0xffff, v49;
	v49 =	vor.u32 v56, v57  }
0x39e: {  	v60 =	vor.u32 v56, v59  }
0x39f: {  	v62 =	vor.u32 v56, v61;
	v51 =	vld.idx.msk [tilespmem:v63+s19+$0x0], $0xffff  }
0x3a0: {  	v56 =	vor.u32 v56, v55;
	v53 =	vld.idx.msk [tilespmem:v53+s19+$0x0], $0xffff  }
0x3a1: {  	v47 =	vld.idx.msk [tilespmem:v47+s19+$0x0], $0xffff  }
0x3a2: {  	v63 =	vor.u32 v31, v46;
	v48 =	vld.idx.msk [tilespmem:v48+s19+$0x0], $0xffff;
	[tilespmem:v49+s1+$0x0] =	vst.idx.msk $0xffff, v58  }
0x3a3: {  	v49 =	vor.u32 v32, v46;
	v58 =	vor.u32 v25, v45;
	[tilespmem:v60+s1+$0x0] =	vst.idx.msk $0xffff, v50  }
0x3a4: {  	v50 =	vor.u32 v33, v46;
	v58 =	vand.u32 $0x3C8, v58;
	[tilespmem:v62+s1+$0x0] =	vst.idx.msk $0xffff, v52  }
0x3a5: {  	v52 =	vor.u32 v34, v46;
	[tilespmem:v56+s1+$0x0] =	vst.idx.msk $0xffff, v54;
	v54 =	vor.u32 v58, v57  }
0x3a6: {  	v60 =	vor.u32 v58, v59  }
0x3a7: {  	v62 =	vor.u32 v58, v61;
	v56 =	vld.idx.msk [tilespmem:v63+s19+$0x0], $0xffff  }
0x3a8: {  	v58 =	vor.u32 v58, v55;
	v49 =	vld.idx.msk [tilespmem:v49+s19+$0x0], $0xffff  }
0x3a9: {  	v50 =	vld.idx.msk [tilespmem:v50+s19+$0x0], $0xffff  }
0x3aa: {  	v63 =	vor.u32 v36, v46;
	v52 =	vld.idx.msk [tilespmem:v52+s19+$0x0], $0xffff;
	[tilespmem:v54+s1+$0x0] =	vst.idx.msk $0xffff, v51  }
0x3ab: {  	v51 =	vor.u32 v37, v46;
	v54 =	vor.u32 v30, v45;
	[tilespmem:v60+s1+$0x0] =	vst.idx.msk $0xffff, v53  }
0x3ac: {  	v53 =	vor.u32 v38, v46;
	v54 =	vand.u32 $0x3D8, v54;
	[tilespmem:v62+s1+$0x0] =	vst.idx.msk $0xffff, v47  }
0x3ad: {  	v47 =	vor.u32 v39, v46;
	[tilespmem:v58+s1+$0x0] =	vst.idx.msk $0xffff, v48;
	v48 =	vor.u32 v54, v57  }
0x3ae: {  	v60 =	vor.u32 v54, v59  }
0x3af: {  	v62 =	vor.u32 v54, v61;
	v58 =	vld.idx.msk [tilespmem:v63+s19+$0x0], $0xffff  }
0x3b0: {  	v54 =	vor.u32 v54, v55;
	v51 =	vld.idx.msk [tilespmem:v51+s19+$0x0], $0xffff  }
0x3b1: {  	v53 =	vld.idx.msk [tilespmem:v53+s19+$0x0], $0xffff  }
0x3b2: {  	v63 =	vor.u32 v41, v46;
	v47 =	vld.idx.msk [tilespmem:v47+s19+$0x0], $0xffff;
	[tilespmem:v48+s1+$0x0] =	vst.idx.msk $0xffff, v56  }
0x3b3: {  	v48 =	vor.u32 v42, v46;
	v56 =	vor.u32 v35, v45;
	[tilespmem:v60+s1+$0x0] =	vst.idx.msk $0xffff, v49  }
0x3b4: {  	v49 =	vor.u32 v43, v46;
	[tilespmem:v62+s1+$0x0] =	vst.idx.msk $0xffff, v50;
	v50 =	vand.u32 $0x3E8, v56  }
0x3b5: {  	v46 =	vor.u32 v44, v46;
	[tilespmem:v54+s1+$0x0] =	vst.idx.msk $0xffff, v52;
	v52 =	vor.u32 v50, v57  }
0x3b6: {  	v56 =	vor.u32 v50, v59  }
0x3b7: {  	v45 =	vor.u32 v40, v45;
	v60 =	vor.u32 v50, v61;
	v54 =	vld.idx.msk [tilespmem:v63+s19+$0x0], $0xffff  }
0x3b8: {  	v45 =	vand.u32 $0x3F8, v45;
	v50 =	vor.u32 v50, v55;
	v48 =	vld.idx.msk [tilespmem:v48+s19+$0x0], $0xffff  }
0x3b9: {  	v57 =	vor.u32 v45, v57;
	v49 =	vld.idx.msk [tilespmem:v49+s19+$0x0], $0xffff  }
0x3ba: {  	s13 =	sadd.s32 $0x1, s10;
	v46 =	vld.idx.msk [tilespmem:v46+s19+$0x0], $0xffff;
	[tilespmem:v52+s1+$0x0] =	vst.idx.msk $0xffff, v58;
	v52 =	vor.u32 v45, v59  }
0x3bb: {  	v62 =	vadd.s32 s13, v0;
	v61 =	vor.u32 v45, v61;
	[tilespmem:v56+s1+$0x0] =	vst.idx.msk $0xffff, v51  }
0x3bc: {  	v63 =	vor.u32 v45, v55;
	v45 =	vand.u32 $0xF, v62;
	[tilespmem:v60+s1+$0x0] =	vst.idx.msk $0xffff, v53  }
0x3bd: {  	v55 =	vor.u32 v1, v45;
	[tilespmem:v50+s1+$0x0] =	vst.idx.msk $0xffff, v47  }
0x3be: {  	v58 =	vor.u32 v2, v45;
	[tilespmem:v57+s1+$0x0] =	vst.idx.msk $0xffff, v54  }
0x3bf: {  	v59 =	vor.u32 v3, v45;
	[tilespmem:v52+s1+$0x0] =	vst.idx.msk $0xffff, v48  }
0x3c0: {  	v60 =	vor.u32 v4, v45;
	[tilespmem:v61+s1+$0x0] =	vst.idx.msk $0xffff, v49  }
0x3c1: {  	v61 =	vor.u32 v6, v45;
	[tilespmem:v63+s1+$0x0] =	vst.idx.msk $0xffff, v46  }
0x3c2: {  	v51 =	vshll.u32 v62, $0x7;
	v47 =	vld.idx.msk [tilespmem:v55+s19+$0x0], $0xffff  }
0x3c3: {  	v56 =	vor.u32 v9, v45;
	v62 =	vand.u32 $0x380, v51;
	v50 =	vld.idx.msk [tilespmem:v58+s19+$0x0], $0xffff;
	v55 =	vand.u32 $0x400, v51  }
0x3c4: {  	v53 =	vor.u32 v10, v62;
	v54 =	vor.u32 v8, v45;
	v48 =	vld.idx.msk [tilespmem:v59+s19+$0x0], $0xffff;
	v57 =	vor.u32 v11, v55  }
0x3c5: {  	v52 =	vor.u32 v7, v45;
	v49 =	vld.idx.msk [tilespmem:v60+s19+$0x0], $0xffff;
	v59 =	vor.u32 v12, v55;
	v58 =	vor.u32 v53, v57  }
0x3c6: {  	v60 =	vor.u32 v53, v59;
	v46 =	vld.idx.msk [tilespmem:v61+s19+$0x0], $0xffff;
	v61 =	vor.u32 v13, v55  }
0x3c7: {  	v55 =	vor.u32 v14, v55;
	v62 =	vor.u32 v53, v61  }
0x3c8: {  	v56 =	vld.idx.msk [tilespmem:v56+s19+$0x0], $0xffff;
	v53 =	vor.u32 v53, v55  }
0x3c9: {  	v54 =	vld.idx.msk [tilespmem:v54+s19+$0x0], $0xffff  }
0x3ca: {  	v63 =	vor.u32 v16, v45;
	v52 =	vld.idx.msk [tilespmem:v52+s19+$0x0], $0xffff;
	[tilespmem:v58+s1+$0x0] =	vst.idx.msk $0xffff, v47  }
0x3cb: {  	v47 =	vor.u32 v17, v45;
	v58 =	vor.u32 v5, v51;
	[tilespmem:v60+s1+$0x0] =	vst.idx.msk $0xffff, v50  }
0x3cc: {  	v50 =	vor.u32 v18, v45;
	v58 =	vand.u32 $0x398, v58;
	[tilespmem:v62+s1+$0x0] =	vst.idx.msk $0xffff, v48  }
0x3cd: {  	v48 =	vor.u32 v19, v45;
	[tilespmem:v53+s1+$0x0] =	vst.idx.msk $0xffff, v49;
	v49 =	vor.u32 v58, v57  }
0x3ce: {  	v60 =	vor.u32 v58, v59  }
0x3cf: {  	v62 =	vor.u32 v58, v61;
	v53 =	vld.idx.msk [tilespmem:v63+s19+$0x0], $0xffff  }
0x3d0: {  	v58 =	vor.u32 v58, v55;
	v47 =	vld.idx.msk [tilespmem:v47+s19+$0x0], $0xffff  }
0x3d1: {  	v50 =	vld.idx.msk [tilespmem:v50+s19+$0x0], $0xffff  }
0x3d2: {  	v63 =	vor.u32 v21, v45;
	v48 =	vld.idx.msk [tilespmem:v48+s19+$0x0], $0xffff;
	[tilespmem:v49+s1+$0x0] =	vst.idx.msk $0xffff, v46  }
0x3d3: {  	v46 =	vor.u32 v22, v45;
	v49 =	vor.u32 v15, v51;
	[tilespmem:v60+s1+$0x0] =	vst.idx.msk $0xffff, v52  }
0x3d4: {  	v52 =	vor.u32 v23, v45;
	v49 =	vand.u32 $0x3A8, v49;
	[tilespmem:v62+s1+$0x0] =	vst.idx.msk $0xffff, v54  }
0x3d5: {  	v54 =	vor.u32 v24, v45;
	[tilespmem:v58+s1+$0x0] =	vst.idx.msk $0xffff, v56;
	v56 =	vor.u32 v49, v57  }
0x3d6: {  	v60 =	vor.u32 v49, v59  }
0x3d7: {  	v62 =	vor.u32 v49, v61;
	v58 =	vld.idx.msk [tilespmem:v63+s19+$0x0], $0xffff  }
0x3d8: {  	v49 =	vor.u32 v49, v55;
	v46 =	vld.idx.msk [tilespmem:v46+s19+$0x0], $0xffff  }
0x3d9: {  	v52 =	vld.idx.msk [tilespmem:v52+s19+$0x0], $0xffff  }
0x3da: {  	v63 =	vor.u32 v26, v45;
	v54 =	vld.idx.msk [tilespmem:v54+s19+$0x0], $0xffff;
	[tilespmem:v56+s1+$0x0] =	vst.idx.msk $0xffff, v53  }
0x3db: {  	v53 =	vor.u32 v27, v45;
	v56 =	vor.u32 v20, v51;
	[tilespmem:v60+s1+$0x0] =	vst.idx.msk $0xffff, v47  }
0x3dc: {  	v47 =	vor.u32 v28, v45;
	v56 =	vand.u32 $0x3B8, v56;
	[tilespmem:v62+s1+$0x0] =	vst.idx.msk $0xffff, v50  }
0x3dd: {  	v50 =	vor.u32 v29, v45;
	[tilespmem:v49+s1+$0x0] =	vst.idx.msk $0xffff, v48;
	v48 =	vor.u32 v56, v57  }
0x3de: {  	v60 =	vor.u32 v56, v59  }
0x3df: {  	v62 =	vor.u32 v56, v61;
	v49 =	vld.idx.msk [tilespmem:v63+s19+$0x0], $0xffff  }
0x3e0: {  	v56 =	vor.u32 v56, v55;
	v53 =	vld.idx.msk [tilespmem:v53+s19+$0x0], $0xffff  }
0x3e1: {  	v47 =	vld.idx.msk [tilespmem:v47+s19+$0x0], $0xffff  }
0x3e2: {  	v63 =	vor.u32 v31, v45;
	v50 =	vld.idx.msk [tilespmem:v50+s19+$0x0], $0xffff;
	[tilespmem:v48+s1+$0x0] =	vst.idx.msk $0xffff, v58  }
0x3e3: {  	v48 =	vor.u32 v32, v45;
	v58 =	vor.u32 v25, v51;
	[tilespmem:v60+s1+$0x0] =	vst.idx.msk $0xffff, v46  }
0x3e4: {  	v46 =	vor.u32 v33, v45;
	v58 =	vand.u32 $0x3C8, v58;
	[tilespmem:v62+s1+$0x0] =	vst.idx.msk $0xffff, v52  }
0x3e5: {  	v52 =	vor.u32 v34, v45;
	[tilespmem:v56+s1+$0x0] =	vst.idx.msk $0xffff, v54;
	v54 =	vor.u32 v58, v57  }
0x3e6: {  	v60 =	vor.u32 v58, v59  }
0x3e7: {  	v62 =	vor.u32 v58, v61;
	v56 =	vld.idx.msk [tilespmem:v63+s19+$0x0], $0xffff  }
0x3e8: {  	v58 =	vor.u32 v58, v55;
	v48 =	vld.idx.msk [tilespmem:v48+s19+$0x0], $0xffff  }
0x3e9: {  	v46 =	vld.idx.msk [tilespmem:v46+s19+$0x0], $0xffff  }
0x3ea: {  	v63 =	vor.u32 v36, v45;
	v52 =	vld.idx.msk [tilespmem:v52+s19+$0x0], $0xffff;
	[tilespmem:v54+s1+$0x0] =	vst.idx.msk $0xffff, v49  }
0x3eb: {  	v49 =	vor.u32 v37, v45;
	v54 =	vor.u32 v30, v51;
	[tilespmem:v60+s1+$0x0] =	vst.idx.msk $0xffff, v53  }
0x3ec: {  	v53 =	vor.u32 v38, v45;
	v54 =	vand.u32 $0x3D8, v54;
	[tilespmem:v62+s1+$0x0] =	vst.idx.msk $0xffff, v47  }
0x3ed: {  	v47 =	vor.u32 v39, v45;
	[tilespmem:v58+s1+$0x0] =	vst.idx.msk $0xffff, v50;
	v50 =	vor.u32 v54, v57  }
0x3ee: {  	v60 =	vor.u32 v54, v59  }
0x3ef: {  	v62 =	vor.u32 v54, v61;
	v58 =	vld.idx.msk [tilespmem:v63+s19+$0x0], $0xffff  }
0x3f0: {  	v54 =	vor.u32 v54, v55;
	v49 =	vld.idx.msk [tilespmem:v49+s19+$0x0], $0xffff  }
0x3f1: {  	v53 =	vld.idx.msk [tilespmem:v53+s19+$0x0], $0xffff  }
0x3f2: {  	v63 =	vor.u32 v41, v45;
	v47 =	vld.idx.msk [tilespmem:v47+s19+$0x0], $0xffff;
	[tilespmem:v50+s1+$0x0] =	vst.idx.msk $0xffff, v56  }
0x3f3: {  	v50 =	vor.u32 v42, v45;
	v56 =	vor.u32 v35, v51;
	[tilespmem:v60+s1+$0x0] =	vst.idx.msk $0xffff, v48  }
0x3f4: {  	v48 =	vor.u32 v43, v45;
	[tilespmem:v62+s1+$0x0] =	vst.idx.msk $0xffff, v46;
	v46 =	vand.u32 $0x3E8, v56  }
0x3f5: {  	v45 =	vor.u32 v44, v45;
	[tilespmem:v54+s1+$0x0] =	vst.idx.msk $0xffff, v52;
	v52 =	vor.u32 v46, v57  }
0x3f6: {  	v56 =	vor.u32 v46, v59  }
0x3f7: {  	v51 =	vor.u32 v40, v51;
	v60 =	vor.u32 v46, v61;
	v54 =	vld.idx.msk [tilespmem:v63+s19+$0x0], $0xffff  }
0x3f8: {  	v51 =	vand.u32 $0x3F8, v51;
	v46 =	vor.u32 v46, v55;
	v50 =	vld.idx.msk [tilespmem:v50+s19+$0x0], $0xffff  }
0x3f9: {  	v57 =	vor.u32 v51, v57;
	v48 =	vld.idx.msk [tilespmem:v48+s19+$0x0], $0xffff  }
0x3fa: {  	s13 =	sadd.s32 $0x2, s10;
	v62 =	vld.idx.msk [tilespmem:v45+s19+$0x0], $0xffff;
	[tilespmem:v52+s1+$0x0] =	vst.idx.msk $0xffff, v58;
	v52 =	vor.u32 v51, v59  }
0x3fb: {  	v63 =	vor.u32 v51, v61;
	[tilespmem:v56+s1+$0x0] =	vst.idx.msk $0xffff, v49;
	v56 =	vadd.s32 s13, v0  }
0x3fc: {  	v51 =	vor.u32 v51, v55;
	[tilespmem:v60+s1+$0x0] =	vst.idx.msk $0xffff, v53;
	v45 =	vand.u32 $0xF, v56  }
0x3fd: {  	[tilespmem:v46+s1+$0x0] =	vst.idx.msk $0xffff, v47;
	v55 =	vor.u32 v1, v45  }
0x3fe: {  	v58 =	vor.u32 v2, v45;
	[tilespmem:v57+s1+$0x0] =	vst.idx.msk $0xffff, v54  }
0x3ff: {  	v59 =	vor.u32 v3, v45;
	[tilespmem:v52+s1+$0x0] =	vst.idx.msk $0xffff, v50  }
0x400: {  	v61 =	vor.u32 v4, v45;
	[tilespmem:v63+s1+$0x0] =	vst.idx.msk $0xffff, v48  }
0x401: {  	v54 =	vor.u32 v8, v45;
	[tilespmem:v51+s1+$0x0] =	vst.idx.msk $0xffff, v62;
	v51 =	vshll.u32 v56, $0x7  }
0x402: {  	v52 =	vor.u32 v7, v45;
	v46 =	vld.idx.msk [tilespmem:v55+s19+$0x0], $0xffff;
	v60 =	vand.u32 $0x380, v51;
	v55 =	vand.u32 $0x400, v51  }
0x403: {  	v63 =	vor.u32 v6, v45;
	v47 =	vld.idx.msk [tilespmem:v58+s19+$0x0], $0xffff;
	v53 =	vor.u32 v10, v60;
	v57 =	vor.u32 v11, v55  }
0x404: {  	v56 =	vor.u32 v9, v45;
	v50 =	vld.idx.msk [tilespmem:v59+s19+$0x0], $0xffff;
	v59 =	vor.u32 v12, v55;
	v58 =	vor.u32 v53, v57  }
0x405: {  	v48 =	vld.idx.msk [tilespmem:v61+s19+$0x0], $0xffff;
	v61 =	vor.u32 v13, v55;
	v60 =	vor.u32 v53, v59  }
0x406: {  	v55 =	vor.u32 v14, v55;
	v54 =	vld.idx.msk [tilespmem:v54+s19+$0x0], $0xffff;
	v62 =	vor.u32 v53, v61  }
0x407: {  	v52 =	vld.idx.msk [tilespmem:v52+s19+$0x0], $0xffff;
	v53 =	vor.u32 v53, v55  }
0x408: {  	v49 =	vld.idx.msk [tilespmem:v63+s19+$0x0], $0xffff  }
0x409: {  	v63 =	vor.u32 v16, v45;
	v56 =	vld.idx.msk [tilespmem:v56+s19+$0x0], $0xffff;
	[tilespmem:v58+s1+$0x0] =	vst.idx.msk $0xffff, v46  }
0x40a: {  	v46 =	vor.u32 v17, v45;
	v58 =	vor.u32 v5, v51;
	[tilespmem:v60+s1+$0x0] =	vst.idx.msk $0xffff, v47  }
0x40b: {  	v47 =	vor.u32 v18, v45;
	v58 =	vand.u32 $0x398, v58;
	[tilespmem:v62+s1+$0x0] =	vst.idx.msk $0xffff, v50  }
0x40c: {  	v50 =	vor.u32 v19, v45;
	[tilespmem:v53+s1+$0x0] =	vst.idx.msk $0xffff, v48;
	v48 =	vor.u32 v58, v57  }
0x40d: {  	v60 =	vor.u32 v58, v59  }
0x40e: {  	v62 =	vor.u32 v58, v61;
	v53 =	vld.idx.msk [tilespmem:v63+s19+$0x0], $0xffff  }
0x40f: {  	v58 =	vor.u32 v58, v55;
	v46 =	vld.idx.msk [tilespmem:v46+s19+$0x0], $0xffff  }
0x410: {  	v47 =	vld.idx.msk [tilespmem:v47+s19+$0x0], $0xffff  }
0x411: {  	v63 =	vor.u32 v21, v45;
	v50 =	vld.idx.msk [tilespmem:v50+s19+$0x0], $0xffff;
	[tilespmem:v48+s1+$0x0] =	vst.idx.msk $0xffff, v49  }
0x412: {  	v48 =	vor.u32 v22, v45;
	v49 =	vor.u32 v15, v51;
	[tilespmem:v60+s1+$0x0] =	vst.idx.msk $0xffff, v52  }
0x413: {  	v52 =	vor.u32 v23, v45;
	v49 =	vand.u32 $0x3A8, v49;
	[tilespmem:v62+s1+$0x0] =	vst.idx.msk $0xffff, v54  }
0x414: {  	v54 =	vor.u32 v24, v45;
	[tilespmem:v58+s1+$0x0] =	vst.idx.msk $0xffff, v56;
	v56 =	vor.u32 v49, v57  }
0x415: {  	v60 =	vor.u32 v49, v59  }
0x416: {  	v62 =	vor.u32 v49, v61;
	v58 =	vld.idx.msk [tilespmem:v63+s19+$0x0], $0xffff  }
0x417: {  	v49 =	vor.u32 v49, v55;
	v48 =	vld.idx.msk [tilespmem:v48+s19+$0x0], $0xffff  }
0x418: {  	v52 =	vld.idx.msk [tilespmem:v52+s19+$0x0], $0xffff  }
0x419: {  	v63 =	vor.u32 v26, v45;
	v54 =	vld.idx.msk [tilespmem:v54+s19+$0x0], $0xffff;
	[tilespmem:v56+s1+$0x0] =	vst.idx.msk $0xffff, v53  }
0x41a: {  	v53 =	vor.u32 v27, v45;
	v56 =	vor.u32 v20, v51;
	[tilespmem:v60+s1+$0x0] =	vst.idx.msk $0xffff, v46  }
0x41b: {  	v46 =	vor.u32 v28, v45;
	v56 =	vand.u32 $0x3B8, v56;
	[tilespmem:v62+s1+$0x0] =	vst.idx.msk $0xffff, v47  }
0x41c: {  	v47 =	vor.u32 v29, v45;
	[tilespmem:v49+s1+$0x0] =	vst.idx.msk $0xffff, v50;
	v49 =	vor.u32 v56, v57  }
0x41d: {  	v60 =	vor.u32 v56, v59  }
0x41e: {  	v62 =	vor.u32 v56, v61;
	v50 =	vld.idx.msk [tilespmem:v63+s19+$0x0], $0xffff  }
0x41f: {  	v56 =	vor.u32 v56, v55;
	v53 =	vld.idx.msk [tilespmem:v53+s19+$0x0], $0xffff  }
0x420: {  	v46 =	vld.idx.msk [tilespmem:v46+s19+$0x0], $0xffff  }
0x421: {  	v63 =	vor.u32 v31, v45;
	v47 =	vld.idx.msk [tilespmem:v47+s19+$0x0], $0xffff;
	[tilespmem:v49+s1+$0x0] =	vst.idx.msk $0xffff, v58  }
0x422: {  	v49 =	vor.u32 v32, v45;
	v58 =	vor.u32 v25, v51;
	[tilespmem:v60+s1+$0x0] =	vst.idx.msk $0xffff, v48  }
0x423: {  	v48 =	vor.u32 v33, v45;
	v58 =	vand.u32 $0x3C8, v58;
	[tilespmem:v62+s1+$0x0] =	vst.idx.msk $0xffff, v52  }
0x424: {  	v52 =	vor.u32 v34, v45;
	[tilespmem:v56+s1+$0x0] =	vst.idx.msk $0xffff, v54;
	v54 =	vor.u32 v58, v57  }
0x425: {  	v60 =	vor.u32 v58, v59  }
0x426: {  	v62 =	vor.u32 v58, v61;
	v56 =	vld.idx.msk [tilespmem:v63+s19+$0x0], $0xffff  }
0x427: {  	v58 =	vor.u32 v58, v55;
	v49 =	vld.idx.msk [tilespmem:v49+s19+$0x0], $0xffff  }
0x428: {  	v48 =	vld.idx.msk [tilespmem:v48+s19+$0x0], $0xffff  }
0x429: {  	v63 =	vor.u32 v36, v45;
	v52 =	vld.idx.msk [tilespmem:v52+s19+$0x0], $0xffff;
	[tilespmem:v54+s1+$0x0] =	vst.idx.msk $0xffff, v50  }
0x42a: {  	v50 =	vor.u32 v37, v45;
	v54 =	vor.u32 v30, v51;
	[tilespmem:v60+s1+$0x0] =	vst.idx.msk $0xffff, v53  }
0x42b: {  	v53 =	vor.u32 v38, v45;
	v54 =	vand.u32 $0x3D8, v54;
	[tilespmem:v62+s1+$0x0] =	vst.idx.msk $0xffff, v46  }
0x42c: {  	v46 =	vor.u32 v39, v45;
	[tilespmem:v58+s1+$0x0] =	vst.idx.msk $0xffff, v47;
	v47 =	vor.u32 v54, v57  }
0x42d: {  	v60 =	vor.u32 v54, v59  }
0x42e: {  	v62 =	vor.u32 v54, v61;
	v58 =	vld.idx.msk [tilespmem:v63+s19+$0x0], $0xffff  }
0x42f: {  	v54 =	vor.u32 v54, v55;
	v50 =	vld.idx.msk [tilespmem:v50+s19+$0x0], $0xffff  }
0x430: {  	v53 =	vld.idx.msk [tilespmem:v53+s19+$0x0], $0xffff  }
0x431: {  	v63 =	vor.u32 v41, v45;
	v46 =	vld.idx.msk [tilespmem:v46+s19+$0x0], $0xffff;
	[tilespmem:v47+s1+$0x0] =	vst.idx.msk $0xffff, v56  }
0x432: {  	v47 =	vor.u32 v42, v45;
	v56 =	vor.u32 v35, v51;
	[tilespmem:v60+s1+$0x0] =	vst.idx.msk $0xffff, v49  }
0x433: {  	v49 =	vor.u32 v43, v45;
	[tilespmem:v62+s1+$0x0] =	vst.idx.msk $0xffff, v48;
	v48 =	vand.u32 $0x3E8, v56  }
0x434: {  	v45 =	vor.u32 v44, v45;
	[tilespmem:v54+s1+$0x0] =	vst.idx.msk $0xffff, v52;
	v52 =	vor.u32 v48, v57  }
0x435: {  	v56 =	vor.u32 v48, v59  }
0x436: {  	v51 =	vor.u32 v40, v51;
	v60 =	vor.u32 v48, v61;
	v54 =	vld.idx.msk [tilespmem:v63+s19+$0x0], $0xffff  }
0x437: {  	v51 =	vand.u32 $0x3F8, v51;
	v48 =	vor.u32 v48, v55;
	v47 =	vld.idx.msk [tilespmem:v47+s19+$0x0], $0xffff  }
0x438: {  	v57 =	vor.u32 v51, v57;
	v49 =	vld.idx.msk [tilespmem:v49+s19+$0x0], $0xffff  }
0x439: {  	s13 =	sadd.s32 $0x3, s10;
	v62 =	vld.idx.msk [tilespmem:v45+s19+$0x0], $0xffff;
	[tilespmem:v52+s1+$0x0] =	vst.idx.msk $0xffff, v58;
	v52 =	vor.u32 v51, v59  }
0x43a: {  	v61 =	vor.u32 v51, v61;
	v63 =	vadd.s32 s13, v0;
	[tilespmem:v56+s1+$0x0] =	vst.idx.msk $0xffff, v50  }
0x43b: {  	v45 =	vand.u32 $0xF, v63;
	v51 =	vor.u32 v51, v55;
	[tilespmem:v60+s1+$0x0] =	vst.idx.msk $0xffff, v53  }
0x43c: {  	v58 =	vor.u32 v1, v45;
	[tilespmem:v48+s1+$0x0] =	vst.idx.msk $0xffff, v46  }
0x43d: {  	v59 =	vor.u32 v2, v45;
	[tilespmem:v57+s1+$0x0] =	vst.idx.msk $0xffff, v54  }
0x43e: {  	v60 =	vor.u32 v3, v45;
	[tilespmem:v52+s1+$0x0] =	vst.idx.msk $0xffff, v47  }
0x43f: {  	[tilespmem:v61+s1+$0x0] =	vst.idx.msk $0xffff, v49;
	v61 =	vor.u32 v4, v45  }
0x440: {  	[tilespmem:v51+s1+$0x0] =	vst.idx.msk $0xffff, v62;
	v62 =	vor.u32 v6, v45;
	v51 =	vshll.u32 v63, $0x7  }
0x441: {  	v56 =	vor.u32 v9, v45;
	v46 =	vld.idx.msk [tilespmem:v58+s19+$0x0], $0xffff;
	v63 =	vand.u32 $0x380, v51;
	v55 =	vand.u32 $0x400, v51  }
0x442: {  	v54 =	vor.u32 v8, v45;
	v48 =	vld.idx.msk [tilespmem:v59+s19+$0x0], $0xffff;
	v53 =	vor.u32 v10, v63;
	v57 =	vor.u32 v11, v55  }
0x443: {  	v52 =	vor.u32 v7, v45;
	v47 =	vld.idx.msk [tilespmem:v60+s19+$0x0], $0xffff;
	v59 =	vor.u32 v12, v55;
	v58 =	vor.u32 v53, v57  }
0x444: {  	v60 =	vor.u32 v53, v59;
	v49 =	vld.idx.msk [tilespmem:v61+s19+$0x0], $0xffff;
	v61 =	vor.u32 v13, v55  }
0x445: {  	v55 =	vor.u32 v14, v55;
	v50 =	vld.idx.msk [tilespmem:v62+s19+$0x0], $0xffff;
	v62 =	vor.u32 v53, v61  }
0x446: {  	v56 =	vld.idx.msk [tilespmem:v56+s19+$0x0], $0xffff;
	v53 =	vor.u32 v53, v55  }
0x447: {  	v54 =	vld.idx.msk [tilespmem:v54+s19+$0x0], $0xffff  }
0x448: {  	v63 =	vor.u32 v16, v45;
	v52 =	vld.idx.msk [tilespmem:v52+s19+$0x0], $0xffff;
	[tilespmem:v58+s1+$0x0] =	vst.idx.msk $0xffff, v46  }
0x449: {  	v46 =	vor.u32 v17, v45;
	v58 =	vor.u32 v5, v51;
	[tilespmem:v60+s1+$0x0] =	vst.idx.msk $0xffff, v48  }
0x44a: {  	v48 =	vor.u32 v18, v45;
	v58 =	vand.u32 $0x398, v58;
	[tilespmem:v62+s1+$0x0] =	vst.idx.msk $0xffff, v47  }
0x44b: {  	v47 =	vor.u32 v19, v45;
	[tilespmem:v53+s1+$0x0] =	vst.idx.msk $0xffff, v49;
	v49 =	vor.u32 v58, v57  }
0x44c: {  	v60 =	vor.u32 v58, v59  }
0x44d: {  	v62 =	vor.u32 v58, v61;
	v53 =	vld.idx.msk [tilespmem:v63+s19+$0x0], $0xffff  }
0x44e: {  	v58 =	vor.u32 v58, v55;
	v46 =	vld.idx.msk [tilespmem:v46+s19+$0x0], $0xffff  }
0x44f: {  	v48 =	vld.idx.msk [tilespmem:v48+s19+$0x0], $0xffff  }
0x450: {  	v63 =	vor.u32 v21, v45;
	v47 =	vld.idx.msk [tilespmem:v47+s19+$0x0], $0xffff;
	[tilespmem:v49+s1+$0x0] =	vst.idx.msk $0xffff, v50  }
0x451: {  	v49 =	vor.u32 v22, v45;
	v50 =	vor.u32 v15, v51;
	[tilespmem:v60+s1+$0x0] =	vst.idx.msk $0xffff, v52  }
0x452: {  	v52 =	vor.u32 v23, v45;
	v50 =	vand.u32 $0x3A8, v50;
	[tilespmem:v62+s1+$0x0] =	vst.idx.msk $0xffff, v54  }
0x453: {  	v54 =	vor.u32 v24, v45;
	[tilespmem:v58+s1+$0x0] =	vst.idx.msk $0xffff, v56;
	v56 =	vor.u32 v50, v57  }
0x454: {  	v60 =	vor.u32 v50, v59  }
0x455: {  	v62 =	vor.u32 v50, v61;
	v58 =	vld.idx.msk [tilespmem:v63+s19+$0x0], $0xffff  }
0x456: {  	v50 =	vor.u32 v50, v55;
	v49 =	vld.idx.msk [tilespmem:v49+s19+$0x0], $0xffff  }
0x457: {  	v52 =	vld.idx.msk [tilespmem:v52+s19+$0x0], $0xffff  }
0x458: {  	v63 =	vor.u32 v26, v45;
	v54 =	vld.idx.msk [tilespmem:v54+s19+$0x0], $0xffff;
	[tilespmem:v56+s1+$0x0] =	vst.idx.msk $0xffff, v53  }
0x459: {  	v53 =	vor.u32 v27, v45;
	v56 =	vor.u32 v20, v51;
	[tilespmem:v60+s1+$0x0] =	vst.idx.msk $0xffff, v46  }
0x45a: {  	v46 =	vor.u32 v28, v45;
	v56 =	vand.u32 $0x3B8, v56;
	[tilespmem:v62+s1+$0x0] =	vst.idx.msk $0xffff, v48  }
0x45b: {  	v48 =	vor.u32 v29, v45;
	[tilespmem:v50+s1+$0x0] =	vst.idx.msk $0xffff, v47;
	v47 =	vor.u32 v56, v57  }
0x45c: {  	v60 =	vor.u32 v56, v59  }
0x45d: {  	v62 =	vor.u32 v56, v61;
	v50 =	vld.idx.msk [tilespmem:v63+s19+$0x0], $0xffff  }
0x45e: {  	v56 =	vor.u32 v56, v55;
	v53 =	vld.idx.msk [tilespmem:v53+s19+$0x0], $0xffff  }
0x45f: {  	v46 =	vld.idx.msk [tilespmem:v46+s19+$0x0], $0xffff  }
0x460: {  	v63 =	vor.u32 v31, v45;
	v48 =	vld.idx.msk [tilespmem:v48+s19+$0x0], $0xffff;
	[tilespmem:v47+s1+$0x0] =	vst.idx.msk $0xffff, v58  }
0x461: {  	v47 =	vor.u32 v32, v45;
	v58 =	vor.u32 v25, v51;
	[tilespmem:v60+s1+$0x0] =	vst.idx.msk $0xffff, v49  }
0x462: {  	v49 =	vor.u32 v33, v45;
	v58 =	vand.u32 $0x3C8, v58;
	[tilespmem:v62+s1+$0x0] =	vst.idx.msk $0xffff, v52  }
0x463: {  	v52 =	vor.u32 v34, v45;
	[tilespmem:v56+s1+$0x0] =	vst.idx.msk $0xffff, v54;
	v54 =	vor.u32 v58, v57  }
0x464: {  	v60 =	vor.u32 v58, v59  }
0x465: {  	v62 =	vor.u32 v58, v61;
	v56 =	vld.idx.msk [tilespmem:v63+s19+$0x0], $0xffff  }
0x466: {  	v58 =	vor.u32 v58, v55;
	v47 =	vld.idx.msk [tilespmem:v47+s19+$0x0], $0xffff  }
0x467: {  	v49 =	vld.idx.msk [tilespmem:v49+s19+$0x0], $0xffff  }
0x468: {  	v63 =	vor.u32 v36, v45;
	v52 =	vld.idx.msk [tilespmem:v52+s19+$0x0], $0xffff;
	[tilespmem:v54+s1+$0x0] =	vst.idx.msk $0xffff, v50  }
0x469: {  	v50 =	vor.u32 v37, v45;
	v54 =	vor.u32 v30, v51;
	[tilespmem:v60+s1+$0x0] =	vst.idx.msk $0xffff, v53  }
0x46a: {  	v53 =	vor.u32 v38, v45;
	v54 =	vand.u32 $0x3D8, v54;
	[tilespmem:v62+s1+$0x0] =	vst.idx.msk $0xffff, v46  }
0x46b: {  	v46 =	vor.u32 v39, v45;
	[tilespmem:v58+s1+$0x0] =	vst.idx.msk $0xffff, v48;
	v48 =	vor.u32 v54, v57  }
0x46c: {  	v60 =	vor.u32 v54, v59  }
0x46d: {  	v58 =	vld.idx.msk [tilespmem:v63+s19+$0x0], $0xffff  }
0x46e: {  	v62 =	vor.u32 v54, v61;
	v50 =	vld.idx.msk [tilespmem:v50+s19+$0x0], $0xffff  }
0x46f: {  	v54 =	vor.u32 v54, v55;
	v53 =	vld.idx.msk [tilespmem:v53+s19+$0x0], $0xffff  }
0x470: {  	v63 =	vor.u32 v41, v45;
	v46 =	vld.idx.msk [tilespmem:v46+s19+$0x0], $0xffff;
	[tilespmem:v48+s1+$0x0] =	vst.idx.msk $0xffff, v56  }
0x471: {  	v48 =	vor.u32 v42, v45;
	[tilespmem:v60+s1+$0x0] =	vst.idx.msk $0xffff, v47;
	v60 =	vor.u32 v35, v51  }
0x472: {  	v56 =	vor.u32 v43, v45;
	v47 =	vand.u32 $0x3E8, v60  }
0x473: {  	v45 =	vor.u32 v44, v45;
	[tilespmem:v62+s1+$0x0] =	vst.idx.msk $0xffff, v49;
	v49 =	vor.u32 v47, v57  }
0x474: {  	[tilespmem:v54+s1+$0x0] =	vst.idx.msk $0xffff, v52;
	v54 =	vor.u32 v47, v59  }
0x475: {  	v51 =	vor.u32 v40, v51;
	v60 =	vor.u32 v47, v61;
	v52 =	vld.idx.msk [tilespmem:v63+s19+$0x0], $0xffff  }
0x476: {  	v51 =	vand.u32 $0x3F8, v51;
	v47 =	vor.u32 v47, v55;
	v48 =	vld.idx.msk [tilespmem:v48+s19+$0x0], $0xffff  }
0x477: {  	v57 =	vor.u32 v51, v57;
	v56 =	vld.idx.msk [tilespmem:v56+s19+$0x0], $0xffff  }
0x478: {  	v62 =	vor.u32 v51, v59;
	v45 =	vld.idx.msk [tilespmem:v45+s19+$0x0], $0xffff;
	[tilespmem:v49+s1+$0x0] =	vst.idx.msk $0xffff, v58  }
0x479: {  	v63 =	vor.u32 v51, v61;
	[tilespmem:v54+s1+$0x0] =	vst.idx.msk $0xffff, v50  }
0x47a: {  	p0 =	slt.u32 s10, $0xC;
	v51 =	vor.u32 v51, v55;
	[tilespmem:v60+s1+$0x0] =	vst.idx.msk $0xffff, v53  }
.Ltmp14:
0x47b: {  	[tilespmem:v47+s1+$0x0] =	vst.idx.msk $0xffff, v46;
	(pc) =	sbr.rel @p0 .LBB2_21-.Ltmp14, $4  }
0x47c: {  	[tilespmem:v57+s1+$0x0] =	vst.idx.msk $0xffff, v52  }
0x47d: {  	[tilespmem:v62+s1+$0x0] =	vst.idx.msk $0xffff, v48  }
0x47e: {  	[tilespmem:v63+s1+$0x0] =	vst.idx.msk $0xffff, v56  }
0x47f: {  	s10 =	sadd.s32 $0x4, s10;
	[tilespmem:v51+s1+$0x0] =	vst.idx.msk $0xffff, v45  }
0x480: {  	p0 =	seq.s32 s18, $0x31  }
.Ltmp15:
0x481: {  	_ = 	snop;
	(pc) =	sbr.rel @p0 .LBB2_24-.Ltmp15, $3  }
0x482: {  	_ =	sdelay $0x1  }
0x483: {  	s5 =	sadd.s32 s5, s9  }
0x484: {  	[hbm4b:s5+s22] =	stream.strided.scatter [tilespmem:s1], [sflag:$0x8], $0x2000, s23, s22, $0x38;
	[tilespmem:$0x16400] =	vst v63  }
.Ltmp16:
0x485: {  	(pc) =	sbr.rel .LBB2_2-.Ltmp16, $4  }
0x486: {  	_ = 	snop  }
0x487: {  	s3 =	sshrl.u32 s3, $0x2  }
0x488: {  	s18 =	sadd.s32 $0x1, s18;
	s3 =	sadd.s32 $0x380, s3  }
0x489: {  	[tilespmem:s19], [sflag:$0x4] =	stream.indirect.gather [hbm4b:s4+s11], $0x40, s3, s11, $0xb8;
	[tilespmem:$0x16400] =	vst v63  }
.LBB2_25:
0x48a: {  	_ =	sfence.sel $0x180000  }
0x48b: {  	[bflag:$0x0] =	sbarrier.arrive $0xFFFF  }
0x48c: {  	_ =	strace $0x90000047  }
0x48d: {  	s0 =	stileid.u32;
	[bflag:$0x2] =	sbarrier.arrive $0xFFFF  }
0x48e: {  	p0 =	sne.s32 s0, $0x0;
	s0 =	rddreg [dreg:$0x2]  }
0x48f: {  	s0 =	sadd.s32 @!p0 $0x100000, s0  }
0x490: {  	[sflag:s0] =	ssyncadd.tile.s32 @!p0 $0x1;
	_ =	shalt  }
.Lfunc_end2:
_tile_overlayer_lowered:
.L_overlay_start_2:
0x491: {  	(tag) =	ssettag $0x2  }
0x492: {  	s0 =	rddreg [dreg:$0x0];
	s2 =	stileid.u32  }
0x493: {  	s1 =	rddreg [dreg:$0x1];
	p0 =	sne.s32 s2, $0x0  }
0x494: {  	s3 =	rddreg [dreg:$0x2];
	[bflag:$0x3] =	sbarrier.arrive $0xFFFF;
	s2 =	simm.s32 @!p0 $0x1C09  }
0x495: {  	[timem:s3], [sflag:s2] =	dma.local @!p0 [hbm:s0], s1  }
0x496: {  	s0 =	simm.s32 @!p0 $0x9  }
0x497: {  	_ =	swait.ge @!p0 [sflag:s0], s1  }
0x498: {  	s1 =	ssub.s32 @!p0 $0x0, s1;
	[sflag:s0] =	ssyncset.done @!p0 $0x0  }
0x499: {  	[sflag:s0] =	ssyncadd.s32 @!p0 s1  }
0x49a: {  	[bflag:$0x3] =	sbarrier.arrive $0xFFFF  }
0x49b: {  	_ =	shalt  }

</sc_bundles>
